<compile_context>
chip_gen: v7x
topology: tpu7x:2x2x1
jax: 0.10.2.dev20260603
libtpu: 0.0.44.dev20260713+nightly
codegen_flags: <defaults>
</compile_context>

<pallas_src>
import functools

import jax
import jax.numpy as jnp
import numpy as np
from jax import lax
from jax.experimental import pallas as pl
from jax.experimental.pallas import tpu as pltpu
from jax.experimental.pallas import tpu_sc as plsc

N_NODES = 10000
N_EDGES = 320000
D_FEAT = 128
N_CHANNELS = 128

NC = 2
NS = 16
L = 16

CH = N_CHANNELS // NC
EDGE_CHUNK = 80
CHUNK_ROWS = N_EDGES // EDGE_CHUNK
TILE_CHUNKS = CHUNK_ROWS // NS
NBUF = 5
N_STAGES = 1
STAGE = TILE_CHUNKS // N_STAGES
ROWS_PER_TILE = N_NODES // NS
SLAB = 125
N_SLABS = ROWS_PER_TILE // SLAB

SELU_SCALE = 1.0507009873554805
SELU_ALPHA = 1.6732632423543772

_PACK_PERM = np.empty((N_CHANNELS,), np.int64)
for _base in range(0, N_CHANNELS, 2 * L):
    for _i in range(L):
        _PACK_PERM[_base + 2 * _i] = _base + _i
        _PACK_PERM[_base + 2 * _i + 1] = _base + L + _i


def _matmul_body(f_ref, w_ref, b_ref, o_ref):
    o_ref[...] = (
        jnp.dot(f_ref[...], w_ref[...], preferred_element_type=jnp.float32)
        + b_ref[...]
    ).astype(jnp.bfloat16)


def _transform(features, weight, bias):
    blk = 1000
    grid = (N_NODES // blk,)
    return pl.pallas_call(
        _matmul_body,
        grid=grid,
        in_specs=[
            pl.BlockSpec((blk, D_FEAT), lambda i: (i, 0)),
            pl.BlockSpec((D_FEAT, N_CHANNELS), lambda i: (0, 0)),
            pl.BlockSpec((1, N_CHANNELS), lambda i: (0, 0)),
        ],
        out_specs=pl.BlockSpec((blk, N_CHANNELS), lambda i: (i, 0)),
        out_shape=jax.ShapeDtypeStruct((N_NODES, N_CHANNELS), jnp.bfloat16),
    )(features, weight, bias.reshape(1, N_CHANNELS))


def _sc_body(table_hbm, src_hbm, dst_hbm, ew_hbm, skip_hbm, out_hbm,
             src_v, dst_v, ew_v, rows_g, rows_s, buf_v, bufz_v, skip_v,
             acc_sh, sems, ssems):
    c = lax.axis_index("c")
    s = lax.axis_index("s")
    zeros_bf = jnp.zeros((2 * L,), jnp.bfloat16)

    @plsc.parallel_loop(0, SLAB)
    def _zrow(r):
        for t in range(CH // (2 * L)):
            bufz_v[r, pl.ds(t * 2 * L, 2 * L)] = zeros_bf
    for q in range(N_SLABS):
        pltpu.sync_copy(bufz_v, acc_sh.at[pl.ds(s * ROWS_PER_TILE + q * SLAB, SLAB)])

    plsc.subcore_barrier()

    def _scale(j, r):
        jfull = jnp.full((L,), j, jnp.int32)

        @plsc.parallel_loop(0, EDGE_CHUNK, unroll=4)
        def _edge(k):
            w = plsc.load_gather(ew_v, [jfull, jnp.full((L,), k, jnp.int32)])
            wbf = plsc.pack(w, w, format=plsc.PackFormat.INTERLEAVED)
            for t in range(CH // (2 * L)):
                sl = pl.ds(t * 2 * L, 2 * L)
                rows_s[r][k, sl] = rows_g[r][k, sl] * wbf

    DEPTH = NBUF - 1
    n_blk = STAGE // NBUF
    for h in range(N_STAGES):
        base = s * TILE_CHUNKS + h * STAGE
        pltpu.sync_copy(src_hbm.at[pl.ds(base, STAGE)], src_v)
        pltpu.sync_copy(dst_hbm.at[pl.ds(base, STAGE)], dst_v)
        pltpu.sync_copy(ew_hbm.at[pl.ds(base, STAGE)], ew_v)

        @plsc.parallel_loop(0, STAGE)
        def _fix(r):
            for t in range(EDGE_CHUNK // L):
                sl = pl.ds(t * L, L)
                src_v[r, sl] = src_v[r, sl] * 2 + c

        for j in range(DEPTH):
            pltpu.async_copy(table_hbm.at[src_v.at[j]], rows_g[j], sems[j])

        def _block(i, _):
            for b in range(NBUF):
                j = i * NBUF + b
                pltpu.make_async_copy(
                    table_hbm.at[src_v.at[j]], rows_g[b], sems[b]).wait()

                @pl.when(i > 0)
                def _():
                    pltpu.make_async_copy(
                        rows_s[b], acc_sh.at[dst_v.at[j]], ssems[b]).wait()

                _scale(j, b)
                pltpu.async_copy(
                    rows_s[b], acc_sh.at[dst_v.at[j]], ssems[b], add=True)
                jn = j + DEPTH
                bn = (b + DEPTH) % NBUF
                if b == 0:
                    pltpu.async_copy(
                        table_hbm.at[src_v.at[jn]], rows_g[bn], sems[bn])
                else:
                    @pl.when(i < n_blk - 1)
                    def _():
                        pltpu.async_copy(
                            table_hbm.at[src_v.at[jn]], rows_g[bn], sems[bn])
            return _
        lax.fori_loop(0, n_blk, _block, None)

        for b in range(NBUF):
            pltpu.make_async_copy(
                rows_s[b], acc_sh.at[dst_v.at[0]], ssems[b]).wait()

    plsc.subcore_barrier()

    pltpu.sync_copy(skip_hbm.at[pl.ds(c * CH, CH)], skip_v)
    for q in range(N_SLABS):
        row0 = s * ROWS_PER_TILE + q * SLAB
        pltpu.sync_copy(acc_sh.at[pl.ds(row0, SLAB)], bufz_v)

        @plsc.parallel_loop(0, SLAB)
        def _selu_row(r):
            for t in range(CH // (2 * L)):
                ab = bufz_v[r, pl.ds(t * 2 * L, 2 * L)]
                a, b = plsc.unpack(ab, format=plsc.PackFormat.INTERLEAVED)
                for u, half in ((0, a), (1, b)):
                    sl = pl.ds(t * 2 * L + u * L, L)
                    x = half + skip_v[sl]
                    y = SELU_SCALE * jnp.where(
                        x > 0.0, x, SELU_ALPHA * (jnp.exp(x) - 1.0))
                    buf_v[r, sl] = y

        pltpu.sync_copy(buf_v, out_hbm.at[pl.ds(row0, SLAB), pl.ds(c * CH, CH)])


@functools.partial(
    pl.kernel,
    mesh=plsc.VectorSubcoreMesh(core_axis_name="c", subcore_axis_name="s"),
    out_type=jax.ShapeDtypeStruct((N_NODES, N_CHANNELS), jnp.float32),
    compiler_params=pltpu.CompilerParams(
        use_tc_tiling_on_sc=False, needs_layout_passes=False),
    scratch_types=[
        pltpu.VMEM((STAGE, EDGE_CHUNK), jnp.int32),
        pltpu.VMEM((STAGE, EDGE_CHUNK), jnp.int32),
        pltpu.VMEM((STAGE, EDGE_CHUNK), jnp.float32),
        *[pltpu.VMEM((EDGE_CHUNK, CH), jnp.bfloat16) for _ in range(2 * NBUF)],
        pltpu.VMEM((SLAB, CH), jnp.float32),
        pltpu.VMEM((SLAB, CH), jnp.bfloat16),
        pltpu.VMEM((CH,), jnp.float32),
        pltpu.VMEM_SHARED((N_NODES, CH), jnp.bfloat16),
        *[pltpu.SemaphoreType.DMA for _ in range(2 * NBUF)],
    ],
)
def _sc_aggregate(table_hbm, src_hbm, dst_hbm, ew_hbm, skip_hbm, out_hbm,
                  src_v, dst_v, ew_v, g0, g1, g2, g3, g4, r0, r1, r2, r3, r4,
                  buf_v, bufz_v, skip_v, acc_sh, s0, s1, s2, s3, s4,
                  t0, t1, t2, t3, t4):
    _sc_body(table_hbm, src_hbm, dst_hbm, ew_hbm, skip_hbm, out_hbm,
             src_v, dst_v, ew_v, [g0, g1, g2, g3, g4], [r0, r1, r2, r3, r4],
             buf_v, bufz_v, skip_v, acc_sh,
             [s0, s1, s2, s3, s4], [t0, t1, t2, t3, t4])


def kernel(features, edge_index, edge_weight, kernel, bias, skip_weight):
    perm = jnp.asarray(_PACK_PERM)
    out = _transform(features, kernel[:, perm], bias[perm])
    table = out.reshape(2 * N_NODES, CH)
    src = edge_index[0].astype(jnp.int32).reshape(CHUNK_ROWS, EDGE_CHUNK)
    dst = edge_index[1].astype(jnp.int32).reshape(CHUNK_ROWS, EDGE_CHUNK)
    ew = edge_weight.reshape(CHUNK_ROWS, EDGE_CHUNK)
    return _sc_aggregate(table, src, dst, ew, skip_weight)

# --- scband reference (transcript-rebuilt; emitter-appended) ---
"""Pipeline reference for scband-gcn-original-64501818851896 (READ-ONLY COPY).

The authoritative reference and input builder live on the scoring server;
editing this copy changes nothing except your own understanding.
"""

import jax, jax.numpy as jnp
import numpy as np

N_NODES = 10000
N_EDGES = 320000
D_FEAT = 128
N_CHANNELS = 128


def setup_inputs(seed: int = 0) -> dict:
    key = jax.random.key(seed)
    k1, k2, k3, k4, k5 = jax.random.split(key, 5)
    features = jax.random.normal(k1, (N_NODES, D_FEAT), dtype=jnp.float32)
    edge_index = jax.random.randint(k2, (2, N_EDGES), 0, N_NODES, dtype=jnp.int64)
    edge_weight = jax.random.uniform(k3, (N_EDGES,), dtype=jnp.float32)
    # learned params (glorot-uniform kernel, zero bias, glorot skip_weight)
    limit = np.sqrt(6.0 / (D_FEAT + N_CHANNELS))
    kernel = jax.random.uniform(k4, (D_FEAT, N_CHANNELS), minval=-limit, maxval=limit, dtype=jnp.float32)
    bias = jnp.zeros((N_CHANNELS,), dtype=jnp.float32)
    limit2 = np.sqrt(6.0 / (N_CHANNELS + 1))
    skip_weight = jax.random.uniform(k5, (N_CHANNELS,), minval=-limit2, maxval=limit2, dtype=jnp.float32)
    return {"features": features, "edge_index": edge_index, "edge_weight": edge_weight,
            "kernel": kernel, "bias": bias, "skip_weight": skip_weight}


def reference(features, edge_index, edge_weight, kernel, bias, skip_weight):
    # output = features @ kernel + bias
    out = jnp.matmul(features, kernel) + bias
    # sparse_dense_matmul(norm_adjacency, out): gather rows by src, scale by edge value, scatter-add to dst
    src = edge_index[0]
    dst = edge_index[1]
    msgs = jnp.take(out, src, axis=0) * edge_weight[:, None]
    agg = jax.ops.segment_sum(msgs, dst, num_segments=features.shape[0])
    # skip connection: additive broadcast of skip_weight vector (faithful to original code)
    agg = agg + skip_weight
    return jax.nn.selu(agg)

if __name__ == "__main__":
    import jax
    _d = setup_inputs()
    print(jax.jit(kernel)(*tuple(_d.values())))

</pallas_src>

<mosaic_0001>
#map = affine_map<(d0, d1) -> (0, 0)>
#map1 = affine_map<(d0, d1) -> (0)>
module attributes {stable_mosaic.version = 14 : i64} {
  func.func @_sc_aggregate(%arg0: i32, %arg1: i32, %arg2: memref<20000x64xbf16, #tpu.memory_space<hbm>>, %arg3: memref<4000x80xi32, #tpu.memory_space<hbm>>, %arg4: memref<4000x80xi32, #tpu.memory_space<hbm>>, %arg5: memref<4000x80xf32, #tpu.memory_space<hbm>>, %arg6: memref<128xf32, #tpu.memory_space<hbm>>, %arg7: memref<10000x128xf32, #tpu.memory_space<hbm>>, %arg8: memref<250x80xi32, #tpu.memory_space<vmem>>, %arg9: memref<250x80xi32, #tpu.memory_space<vmem>>, %arg10: memref<250x80xf32, #tpu.memory_space<vmem>>, %arg11: memref<80x64xbf16, #tpu.memory_space<vmem>>, %arg12: memref<80x64xbf16, #tpu.memory_space<vmem>>, %arg13: memref<80x64xbf16, #tpu.memory_space<vmem>>, %arg14: memref<80x64xbf16, #tpu.memory_space<vmem>>, %arg15: memref<80x64xbf16, #tpu.memory_space<vmem>>, %arg16: memref<80x64xbf16, #tpu.memory_space<vmem>>, %arg17: memref<80x64xbf16, #tpu.memory_space<vmem>>, %arg18: memref<80x64xbf16, #tpu.memory_space<vmem>>, %arg19: memref<80x64xbf16, #tpu.memory_space<vmem>>, %arg20: memref<80x64xbf16, #tpu.memory_space<vmem>>, %arg21: memref<125x64xf32, #tpu.memory_space<vmem>>, %arg22: memref<125x64xbf16, #tpu.memory_space<vmem>>, %arg23: memref<64xf32, #tpu.memory_space<vmem>>, %arg24: memref<10000x64xbf16, #tpu.memory_space<vmem_shared>>, %arg25: memref<!tpu.dma_semaphore, #tpu.memory_space<semaphore_mem>>, %arg26: memref<!tpu.dma_semaphore, #tpu.memory_space<semaphore_mem>>, %arg27: memref<!tpu.dma_semaphore, #tpu.memory_space<semaphore_mem>>, %arg28: memref<!tpu.dma_semaphore, #tpu.memory_space<semaphore_mem>>, %arg29: memref<!tpu.dma_semaphore, #tpu.memory_space<semaphore_mem>>, %arg30: memref<!tpu.dma_semaphore, #tpu.memory_space<semaphore_mem>>, %arg31: memref<!tpu.dma_semaphore, #tpu.memory_space<semaphore_mem>>, %arg32: memref<!tpu.dma_semaphore, #tpu.memory_space<semaphore_mem>>, %arg33: memref<!tpu.dma_semaphore, #tpu.memory_space<semaphore_mem>>, %arg34: memref<!tpu.dma_semaphore, #tpu.memory_space<semaphore_mem>>) attributes {dimension_semantics = [#tpu.dimension_semantics<core_parallel>, #tpu.dimension_semantics<subcore_parallel>], iteration_bounds = array<i64: 2, 16>, scalar_prefetch = 0 : i64, scratch_operands = 27 : i64, tpu.core_type = #tpu.core_type<sc_vector_subcore>, window_params = [{transform_indices = #map}, {transform_indices = #map}, {transform_indices = #map}, {transform_indices = #map}, {transform_indices = #map1}, {transform_indices = #map}]} {
    %broadcast_in_dim3A = arith.constant 0.000000e+00 : bf16
    %broadcast_in_dim3A_0 = vector.broadcast %broadcast_in_dim3A : bf16 to vector<32xbf16>
    %parallel_loop3A = arith.constant 0 : i32
    %parallel_loop3A_1 = arith.constant 125 : i32
    %parallel_loop3A_2 = arith.constant 1 : i32
    scf.for %parallel_loop3A_141 = %parallel_loop3A to %parallel_loop3A_1 step %parallel_loop3A_2  : i32 {
      %parallel_loop3A_142 = arith.index_cast %parallel_loop3A_141 : i32 to index
      %parallel_loop3A_143 = arith.constant 0 : index
      %parallel_loop3A_144 = tpu.vector_load %arg22[%parallel_loop3A_142, %parallel_loop3A_143] {strides = array<i32>} : memref<125x64xbf16, #tpu.memory_space<vmem>>, vector<32xbf16>,
      tpu.vector_store %arg22[%parallel_loop3A_142, %parallel_loop3A_143], %broadcast_in_dim3A_0 {strides = array<i32>} : memref<125x64xbf16, #tpu.memory_space<vmem>>, vector<32xbf16>,
      %parallel_loop3A_145 = arith.index_cast %parallel_loop3A_141 : i32 to index
      %parallel_loop3A_146 = arith.constant 32 : index
      %parallel_loop3A_147 = tpu.vector_load %arg22[%parallel_loop3A_145, %parallel_loop3A_146] {strides = array<i32>} : memref<125x64xbf16, #tpu.memory_space<vmem>>, vector<32xbf16>,
      tpu.vector_store %arg22[%parallel_loop3A_145, %parallel_loop3A_146], %broadcast_in_dim3A_0 {strides = array<i32>} : memref<125x64xbf16, #tpu.memory_space<vmem>>, vector<32xbf16>,
    } {sc.loop_unroll_factor = 1 : i64, sc.parallel_access}
    %mul3A = arith.constant 625 : i32
    %mul3A_3 = arith.muli %arg1, %mul3A : i32
    %add3A = arith.constant 0 : i32
    %add3A_4 = arith.addi %mul3A_3, %add3A : i32
    "tpu.region"() ({
      %run_scoped3A = tpu.sem_alloc : memref<!tpu.dma_semaphore, #tpu.memory_space<semaphore_mem>>
      %dma_start3A_141 = arith.constant 0 : i32
      %dma_start3A_142 = tpu.memref_slice %arg24[%add3A_4, %dma_start3A_141] : memref<10000x64xbf16, #tpu.memory_space<vmem_shared>> -> memref<125x64xbf16, #tpu.memory_space<vmem_shared>>
      %dma_start3A_143 = arith.constant 0 : i32
      %dma_start3A_144 = tpu.memref_slice %arg24[%add3A_4, %dma_start3A_143] : memref<10000x64xbf16, #tpu.memory_space<vmem_shared>> -> memref<125x64xbf16, #tpu.memory_space<vmem_shared>>
      tpu.enqueue_dma source(%arg22 : memref<125x64xbf16, #tpu.memory_space<vmem>>) target(%dma_start3A_144 : memref<125x64xbf16, #tpu.memory_space<vmem_shared>>) target_semaphore(%run_scoped3A : memref<!tpu.dma_semaphore, #tpu.memory_space<semaphore_mem>>)
      %dma_wait3A_145 = arith.constant 0 : i32
      %dma_wait3A_146 = tpu.memref_slice %arg24[%add3A_4, %dma_wait3A_145] : memref<10000x64xbf16, #tpu.memory_space<vmem_shared>> -> memref<125x64xbf16, #tpu.memory_space<vmem_shared>>
      %dma_wait3A_147 = arith.constant 0 : i32
      %dma_wait3A_148 = tpu.memref_slice %arg24[%add3A_4, %dma_wait3A_147] : memref<10000x64xbf16, #tpu.memory_space<vmem_shared>> -> memref<125x64xbf16, #tpu.memory_space<vmem_shared>>
      tpu.wait_dma2 semaphore(%run_scoped3A : memref<!tpu.dma_semaphore, #tpu.memory_space<semaphore_mem>>) src(%arg22 : memref<125x64xbf16, #tpu.memory_space<vmem>>) dst(%dma_wait3A_148 : memref<125x64xbf16, #tpu.memory_space<vmem_shared>>)
      tpu.yield
    }) : () -> ()
    %mul3A_5 = arith.constant 625 : i32
    %mul3A_6 = arith.muli %arg1, %mul3A_5 : i32
    %add3A_7 = arith.constant 125 : i32
    %add3A_8 = arith.addi %mul3A_6, %add3A_7 : i32
    "tpu.region"() ({
      %run_scoped3A = tpu.sem_alloc : memref<!tpu.dma_semaphore, #tpu.memory_space<semaphore_mem>>
      %dma_start3A_141 = arith.constant 0 : i32
      %dma_start3A_142 = tpu.memref_slice %arg24[%add3A_8, %dma_start3A_141] : memref<10000x64xbf16, #tpu.memory_space<vmem_shared>> -> memref<125x64xbf16, #tpu.memory_space<vmem_shared>>
      %dma_start3A_143 = arith.constant 0 : i32
      %dma_start3A_144 = tpu.memref_slice %arg24[%add3A_8, %dma_start3A_143] : memref<10000x64xbf16, #tpu.memory_space<vmem_shared>> -> memref<125x64xbf16, #tpu.memory_space<vmem_shared>>
      tpu.enqueue_dma source(%arg22 : memref<125x64xbf16, #tpu.memory_space<vmem>>) target(%dma_start3A_144 : memref<125x64xbf16, #tpu.memory_space<vmem_shared>>) target_semaphore(%run_scoped3A : memref<!tpu.dma_semaphore, #tpu.memory_space<semaphore_mem>>)
      %dma_wait3A_145 = arith.constant 0 : i32
      %dma_wait3A_146 = tpu.memref_slice %arg24[%add3A_8, %dma_wait3A_145] : memref<10000x64xbf16, #tpu.memory_space<vmem_shared>> -> memref<125x64xbf16, #tpu.memory_space<vmem_shared>>
      %dma_wait3A_147 = arith.constant 0 : i32
      %dma_wait3A_148 = tpu.memref_slice %arg24[%add3A_8, %dma_wait3A_147] : memref<10000x64xbf16, #tpu.memory_space<vmem_shared>> -> memref<125x64xbf16, #tpu.memory_space<vmem_shared>>
      tpu.wait_dma2 semaphore(%run_scoped3A : memref<!tpu.dma_semaphore, #tpu.memory_space<semaphore_mem>>) src(%arg22 : memref<125x64xbf16, #tpu.memory_space<vmem>>) dst(%dma_wait3A_148 : memref<125x64xbf16, #tpu.memory_space<vmem_shared>>)
      tpu.yield
    }) : () -> ()
    %mul3A_9 = arith.constant 625 : i32
    %mul3A_10 = arith.muli %arg1, %mul3A_9 : i32
    %add3A_11 = arith.constant 250 : i32
    %add3A_12 = arith.addi %mul3A_10, %add3A_11 : i32
    "tpu.region"() ({
      %run_scoped3A = tpu.sem_alloc : memref<!tpu.dma_semaphore, #tpu.memory_space<semaphore_mem>>
      %dma_start3A_141 = arith.constant 0 : i32
      %dma_start3A_142 = tpu.memref_slice %arg24[%add3A_12, %dma_start3A_141] : memref<10000x64xbf16, #tpu.memory_space<vmem_shared>> -> memref<125x64xbf16, #tpu.memory_space<vmem_shared>>
      %dma_start3A_143 = arith.constant 0 : i32
      %dma_start3A_144 = tpu.memref_slice %arg24[%add3A_12, %dma_start3A_143] : memref<10000x64xbf16, #tpu.memory_space<vmem_shared>> -> memref<125x64xbf16, #tpu.memory_space<vmem_shared>>
      tpu.enqueue_dma source(%arg22 : memref<125x64xbf16, #tpu.memory_space<vmem>>) target(%dma_start3A_144 : memref<125x64xbf16, #tpu.memory_space<vmem_shared>>) target_semaphore(%run_scoped3A : memref<!tpu.dma_semaphore, #tpu.memory_space<semaphore_mem>>)
      %dma_wait3A_145 = arith.constant 0 : i32
      %dma_wait3A_146 = tpu.memref_slice %arg24[%add3A_12, %dma_wait3A_145] : memref<10000x64xbf16, #tpu.memory_space<vmem_shared>> -> memref<125x64xbf16, #tpu.memory_space<vmem_shared>>
      %dma_wait3A_147 = arith.constant 0 : i32
      %dma_wait3A_148 = tpu.memref_slice %arg24[%add3A_12, %dma_wait3A_147] : memref<10000x64xbf16, #tpu.memory_space<vmem_shared>> -> memref<125x64xbf16, #tpu.memory_space<vmem_shared>>
      tpu.wait_dma2 semaphore(%run_scoped3A : memref<!tpu.dma_semaphore, #tpu.memory_space<semaphore_mem>>) src(%arg22 : memref<125x64xbf16, #tpu.memory_space<vmem>>) dst(%dma_wait3A_148 : memref<125x64xbf16, #tpu.memory_space<vmem_shared>>)
      tpu.yield
    }) : () -> ()
    %mul3A_13 = arith.constant 625 : i32
    %mul3A_14 = arith.muli %arg1, %mul3A_13 : i32
    %add3A_15 = arith.constant 375 : i32
    %add3A_16 = arith.addi %mul3A_14, %add3A_15 : i32
    "tpu.region"() ({
      %run_scoped3A = tpu.sem_alloc : memref<!tpu.dma_semaphore, #tpu.memory_space<semaphore_mem>>
      %dma_start3A_141 = arith.constant 0 : i32
      %dma_start3A_142 = tpu.memref_slice %arg24[%add3A_16, %dma_start3A_141] : memref<10000x64xbf16, #tpu.memory_space<vmem_shared>> -> memref<125x64xbf16, #tpu.memory_space<vmem_shared>>
      %dma_start3A_143 = arith.constant 0 : i32
      %dma_start3A_144 = tpu.memref_slice %arg24[%add3A_16, %dma_start3A_143] : memref<10000x64xbf16, #tpu.memory_space<vmem_shared>> -> memref<125x64xbf16, #tpu.memory_space<vmem_shared>>
      tpu.enqueue_dma source(%arg22 : memref<125x64xbf16, #tpu.memory_space<vmem>>) target(%dma_start3A_144 : memref<125x64xbf16, #tpu.memory_space<vmem_shared>>) target_semaphore(%run_scoped3A : memref<!tpu.dma_semaphore, #tpu.memory_space<semaphore_mem>>)
      %dma_wait3A_145 = arith.constant 0 : i32
      %dma_wait3A_146 = tpu.memref_slice %arg24[%add3A_16, %dma_wait3A_145] : memref<10000x64xbf16, #tpu.memory_space<vmem_shared>> -> memref<125x64xbf16, #tpu.memory_space<vmem_shared>>
      %dma_wait3A_147 = arith.constant 0 : i32
      %dma_wait3A_148 = tpu.memref_slice %arg24[%add3A_16, %dma_wait3A_147] : memref<10000x64xbf16, #tpu.memory_space<vmem_shared>> -> memref<125x64xbf16, #tpu.memory_space<vmem_shared>>
      tpu.wait_dma2 semaphore(%run_scoped3A : memref<!tpu.dma_semaphore, #tpu.memory_space<semaphore_mem>>) src(%arg22 : memref<125x64xbf16, #tpu.memory_space<vmem>>) dst(%dma_wait3A_148 : memref<125x64xbf16, #tpu.memory_space<vmem_shared>>)
      tpu.yield
    }) : () -> ()
    %mul3A_17 = arith.constant 625 : i32
    %mul3A_18 = arith.muli %arg1, %mul3A_17 : i32
    %add3A_19 = arith.constant 500 : i32
    %add3A_20 = arith.addi %mul3A_18, %add3A_19 : i32
    "tpu.region"() ({
      %run_scoped3A = tpu.sem_alloc : memref<!tpu.dma_semaphore, #tpu.memory_space<semaphore_mem>>
      %dma_start3A_141 = arith.constant 0 : i32
      %dma_start3A_142 = tpu.memref_slice %arg24[%add3A_20, %dma_start3A_141] : memref<10000x64xbf16, #tpu.memory_space<vmem_shared>> -> memref<125x64xbf16, #tpu.memory_space<vmem_shared>>
      %dma_start3A_143 = arith.constant 0 : i32
      %dma_start3A_144 = tpu.memref_slice %arg24[%add3A_20, %dma_start3A_143] : memref<10000x64xbf16, #tpu.memory_space<vmem_shared>> -> memref<125x64xbf16, #tpu.memory_space<vmem_shared>>
      tpu.enqueue_dma source(%arg22 : memref<125x64xbf16, #tpu.memory_space<vmem>>) target(%dma_start3A_144 : memref<125x64xbf16, #tpu.memory_space<vmem_shared>>) target_semaphore(%run_scoped3A : memref<!tpu.dma_semaphore, #tpu.memory_space<semaphore_mem>>)
      %dma_wait3A_145 = arith.constant 0 : i32
      %dma_wait3A_146 = tpu.memref_slice %arg24[%add3A_20, %dma_wait3A_145] : memref<10000x64xbf16, #tpu.memory_space<vmem_shared>> -> memref<125x64xbf16, #tpu.memory_space<vmem_shared>>
      %dma_wait3A_147 = arith.constant 0 : i32
      %dma_wait3A_148 = tpu.memref_slice %arg24[%add3A_20, %dma_wait3A_147] : memref<10000x64xbf16, #tpu.memory_space<vmem_shared>> -> memref<125x64xbf16, #tpu.memory_space<vmem_shared>>
      tpu.wait_dma2 semaphore(%run_scoped3A : memref<!tpu.dma_semaphore, #tpu.memory_space<semaphore_mem>>) src(%arg22 : memref<125x64xbf16, #tpu.memory_space<vmem>>) dst(%dma_wait3A_148 : memref<125x64xbf16, #tpu.memory_space<vmem_shared>>)
      tpu.yield
    }) : () -> ()
    %barrier3A = arith.constant 0 : index
    tpu.barrier barrier_id(%barrier3A)
    %mul3A_21 = arith.constant 250 : i32
    %mul3A_22 = arith.muli %arg1, %mul3A_21 : i32
    %add3A_23 = arith.constant 0 : i32
    %add3A_24 = arith.addi %mul3A_22, %add3A_23 : i32
    "tpu.region"() ({
      %run_scoped3A = tpu.sem_alloc : memref<!tpu.dma_semaphore, #tpu.memory_space<semaphore_mem>>
      %dma_start3A_141 = arith.constant 0 : i32
      %dma_start3A_142 = tpu.memref_slice %arg3[%add3A_24, %dma_start3A_141] : memref<4000x80xi32, #tpu.memory_space<hbm>> -> memref<250x80xi32, #tpu.memory_space<hbm>>
      %dma_start3A_143 = arith.constant 0 : i32
      %dma_start3A_144 = tpu.memref_slice %arg3[%add3A_24, %dma_start3A_143] : memref<4000x80xi32, #tpu.memory_space<hbm>> -> memref<250x80xi32, #tpu.memory_space<hbm>>
      tpu.enqueue_dma source(%dma_start3A_144 : memref<250x80xi32, #tpu.memory_space<hbm>>) target(%arg8 : memref<250x80xi32, #tpu.memory_space<vmem>>) target_semaphore(%run_scoped3A : memref<!tpu.dma_semaphore, #tpu.memory_space<semaphore_mem>>)
      %dma_wait3A_145 = arith.constant 0 : i32
      %dma_wait3A_146 = tpu.memref_slice %arg3[%add3A_24, %dma_wait3A_145] : memref<4000x80xi32, #tpu.memory_space<hbm>> -> memref<250x80xi32, #tpu.memory_space<hbm>>
      %dma_wait3A_147 = arith.constant 0 : i32
      %dma_wait3A_148 = tpu.memref_slice %arg3[%add3A_24, %dma_wait3A_147] : memref<4000x80xi32, #tpu.memory_space<hbm>> -> memref<250x80xi32, #tpu.memory_space<hbm>>
      tpu.wait_dma2 semaphore(%run_scoped3A : memref<!tpu.dma_semaphore, #tpu.memory_space<semaphore_mem>>) src(%dma_wait3A_148 : memref<250x80xi32, #tpu.memory_space<hbm>>) dst(%arg8 : memref<250x80xi32, #tpu.memory_space<vmem>>)
      tpu.yield
    }) : () -> ()
    "tpu.region"() ({
      %run_scoped3A = tpu.sem_alloc : memref<!tpu.dma_semaphore, #tpu.memory_space<semaphore_mem>>
      %dma_start3A_141 = arith.constant 0 : i32
      %dma_start3A_142 = tpu.memref_slice %arg4[%add3A_24, %dma_start3A_141] : memref<4000x80xi32, #tpu.memory_space<hbm>> -> memref<250x80xi32, #tpu.memory_space<hbm>>
      %dma_start3A_143 = arith.constant 0 : i32
      %dma_start3A_144 = tpu.memref_slice %arg4[%add3A_24, %dma_start3A_143] : memref<4000x80xi32, #tpu.memory_space<hbm>> -> memref<250x80xi32, #tpu.memory_space<hbm>>
      tpu.enqueue_dma source(%dma_start3A_144 : memref<250x80xi32, #tpu.memory_space<hbm>>) target(%arg9 : memref<250x80xi32, #tpu.memory_space<vmem>>) target_semaphore(%run_scoped3A : memref<!tpu.dma_semaphore, #tpu.memory_space<semaphore_mem>>)
      %dma_wait3A_145 = arith.constant 0 : i32
      %dma_wait3A_146 = tpu.memref_slice %arg4[%add3A_24, %dma_wait3A_145] : memref<4000x80xi32, #tpu.memory_space<hbm>> -> memref<250x80xi32, #tpu.memory_space<hbm>>
      %dma_wait3A_147 = arith.constant 0 : i32
      %dma_wait3A_148 = tpu.memref_slice %arg4[%add3A_24, %dma_wait3A_147] : memref<4000x80xi32, #tpu.memory_space<hbm>> -> memref<250x80xi32, #tpu.memory_space<hbm>>
      tpu.wait_dma2 semaphore(%run_scoped3A : memref<!tpu.dma_semaphore, #tpu.memory_space<semaphore_mem>>) src(%dma_wait3A_148 : memref<250x80xi32, #tpu.memory_space<hbm>>) dst(%arg9 : memref<250x80xi32, #tpu.memory_space<vmem>>)
      tpu.yield
    }) : () -> ()
    "tpu.region"() ({
      %run_scoped3A = tpu.sem_alloc : memref<!tpu.dma_semaphore, #tpu.memory_space<semaphore_mem>>
      %dma_start3A_141 = arith.constant 0 : i32
      %dma_start3A_142 = tpu.memref_slice %arg5[%add3A_24, %dma_start3A_141] : memref<4000x80xf32, #tpu.memory_space<hbm>> -> memref<250x80xf32, #tpu.memory_space<hbm>>
      %dma_start3A_143 = arith.constant 0 : i32
      %dma_start3A_144 = tpu.memref_slice %arg5[%add3A_24, %dma_start3A_143] : memref<4000x80xf32, #tpu.memory_space<hbm>> -> memref<250x80xf32, #tpu.memory_space<hbm>>
      tpu.enqueue_dma source(%dma_start3A_144 : memref<250x80xf32, #tpu.memory_space<hbm>>) target(%arg10 : memref<250x80xf32, #tpu.memory_space<vmem>>) target_semaphore(%run_scoped3A : memref<!tpu.dma_semaphore, #tpu.memory_space<semaphore_mem>>)
      %dma_wait3A_145 = arith.constant 0 : i32
      %dma_wait3A_146 = tpu.memref_slice %arg5[%add3A_24, %dma_wait3A_145] : memref<4000x80xf32, #tpu.memory_space<hbm>> -> memref<250x80xf32, #tpu.memory_space<hbm>>
      %dma_wait3A_147 = arith.constant 0 : i32
      %dma_wait3A_148 = tpu.memref_slice %arg5[%add3A_24, %dma_wait3A_147] : memref<4000x80xf32, #tpu.memory_space<hbm>> -> memref<250x80xf32, #tpu.memory_space<hbm>>
      tpu.wait_dma2 semaphore(%run_scoped3A : memref<!tpu.dma_semaphore, #tpu.memory_space<semaphore_mem>>) src(%dma_wait3A_148 : memref<250x80xf32, #tpu.memory_space<hbm>>) dst(%arg10 : memref<250x80xf32, #tpu.memory_space<vmem>>)
      tpu.yield
    }) : () -> ()
    %parallel_loop3A_25 = arith.constant 0 : i32
    %parallel_loop3A_26 = arith.constant 250 : i32
    %parallel_loop3A_27 = arith.constant 1 : i32
    scf.for %parallel_loop3A_141 = %parallel_loop3A_25 to %parallel_loop3A_26 step %parallel_loop3A_27  : i32 {
      %parallel_loop3A_142 = arith.index_cast %parallel_loop3A_141 : i32 to index
      %parallel_loop3A_143 = arith.constant 0 : index
      %parallel_loop3A_144 = tpu.vector_load %arg8[%parallel_loop3A_142, %parallel_loop3A_143] {strides = array<i32>} : memref<250x80xi32, #tpu.memory_space<vmem>>, vector<16xi32>,
      %parallel_loop3A_145 = arith.constant 2 : i32
      %parallel_loop3A_146 = vector.broadcast %parallel_loop3A_145 : i32 to vector<16xi32>
      %parallel_loop3A_147 = arith.muli %parallel_loop3A_144, %parallel_loop3A_146 : vector<16xi32>
      %parallel_loop3A_148 = vector.broadcast %arg0 : i32 to vector<16xi32>
      %parallel_loop3A_149 = arith.addi %parallel_loop3A_147, %parallel_loop3A_148 : vector<16xi32>
      %parallel_loop3A_150 = arith.index_cast %parallel_loop3A_141 : i32 to index
      %parallel_loop3A_151 = arith.constant 0 : index
      %parallel_loop3A_152 = tpu.vector_load %arg8[%parallel_loop3A_150, %parallel_loop3A_151] {strides = array<i32>} : memref<250x80xi32, #tpu.memory_space<vmem>>, vector<16xi32>,
      tpu.vector_store %arg8[%parallel_loop3A_150, %parallel_loop3A_151], %parallel_loop3A_149 {strides = array<i32>} : memref<250x80xi32, #tpu.memory_space<vmem>>, vector<16xi32>,
      %parallel_loop3A_153 = arith.index_cast %parallel_loop3A_141 : i32 to index
      %parallel_loop3A_154 = arith.constant 16 : index
      %parallel_loop3A_155 = tpu.vector_load %arg8[%parallel_loop3A_153, %parallel_loop3A_154] {strides = array<i32>} : memref<250x80xi32, #tpu.memory_space<vmem>>, vector<16xi32>,
      %parallel_loop3A_156 = arith.constant 2 : i32
      %parallel_loop3A_157 = vector.broadcast %parallel_loop3A_156 : i32 to vector<16xi32>
      %parallel_loop3A_158 = arith.muli %parallel_loop3A_155, %parallel_loop3A_157 : vector<16xi32>
      %parallel_loop3A_159 = vector.broadcast %arg0 : i32 to vector<16xi32>
      %parallel_loop3A_160 = arith.addi %parallel_loop3A_158, %parallel_loop3A_159 : vector<16xi32>
      %parallel_loop3A_161 = arith.index_cast %parallel_loop3A_141 : i32 to index
      %parallel_loop3A_162 = arith.constant 16 : index
      %parallel_loop3A_163 = tpu.vector_load %arg8[%parallel_loop3A_161, %parallel_loop3A_162] {strides = array<i32>} : memref<250x80xi32, #tpu.memory_space<vmem>>, vector<16xi32>,
      tpu.vector_store %arg8[%parallel_loop3A_161, %parallel_loop3A_162], %parallel_loop3A_160 {strides = array<i32>} : memref<250x80xi32, #tpu.memory_space<vmem>>, vector<16xi32>,
      %parallel_loop3A_164 = arith.index_cast %parallel_loop3A_141 : i32 to index
      %parallel_loop3A_165 = arith.constant 32 : index
      %parallel_loop3A_166 = tpu.vector_load %arg8[%parallel_loop3A_164, %parallel_loop3A_165] {strides = array<i32>} : memref<250x80xi32, #tpu.memory_space<vmem>>, vector<16xi32>,
      %parallel_loop3A_167 = arith.constant 2 : i32
      %parallel_loop3A_168 = vector.broadcast %parallel_loop3A_167 : i32 to vector<16xi32>
      %parallel_loop3A_169 = arith.muli %parallel_loop3A_166, %parallel_loop3A_168 : vector<16xi32>
      %parallel_loop3A_170 = vector.broadcast %arg0 : i32 to vector<16xi32>
      %parallel_loop3A_171 = arith.addi %parallel_loop3A_169, %parallel_loop3A_170 : vector<16xi32>
      %parallel_loop3A_172 = arith.index_cast %parallel_loop3A_141 : i32 to index
      %parallel_loop3A_173 = arith.constant 32 : index
      %parallel_loop3A_174 = tpu.vector_load %arg8[%parallel_loop3A_172, %parallel_loop3A_173] {strides = array<i32>} : memref<250x80xi32, #tpu.memory_space<vmem>>, vector<16xi32>,
      tpu.vector_store %arg8[%parallel_loop3A_172, %parallel_loop3A_173], %parallel_loop3A_171 {strides = array<i32>} : memref<250x80xi32, #tpu.memory_space<vmem>>, vector<16xi32>,
      %parallel_loop3A_175 = arith.index_cast %parallel_loop3A_141 : i32 to index
      %parallel_loop3A_176 = arith.constant 48 : index
      %parallel_loop3A_177 = tpu.vector_load %arg8[%parallel_loop3A_175, %parallel_loop3A_176] {strides = array<i32>} : memref<250x80xi32, #tpu.memory_space<vmem>>, vector<16xi32>,
      %parallel_loop3A_178 = arith.constant 2 : i32
      %parallel_loop3A_179 = vector.broadcast %parallel_loop3A_178 : i32 to vector<16xi32>
      %parallel_loop3A_180 = arith.muli %parallel_loop3A_177, %parallel_loop3A_179 : vector<16xi32>
      %parallel_loop3A_181 = vector.broadcast %arg0 : i32 to vector<16xi32>
      %parallel_loop3A_182 = arith.addi %parallel_loop3A_180, %parallel_loop3A_181 : vector<16xi32>
      %parallel_loop3A_183 = arith.index_cast %parallel_loop3A_141 : i32 to index
      %parallel_loop3A_184 = arith.constant 48 : index
      %parallel_loop3A_185 = tpu.vector_load %arg8[%parallel_loop3A_183, %parallel_loop3A_184] {strides = array<i32>} : memref<250x80xi32, #tpu.memory_space<vmem>>, vector<16xi32>,
      tpu.vector_store %arg8[%parallel_loop3A_183, %parallel_loop3A_184], %parallel_loop3A_182 {strides = array<i32>} : memref<250x80xi32, #tpu.memory_space<vmem>>, vector<16xi32>,
      %parallel_loop3A_186 = arith.index_cast %parallel_loop3A_141 : i32 to index
      %parallel_loop3A_187 = arith.constant 64 : index
      %parallel_loop3A_188 = tpu.vector_load %arg8[%parallel_loop3A_186, %parallel_loop3A_187] {strides = array<i32>} : memref<250x80xi32, #tpu.memory_space<vmem>>, vector<16xi32>,
      %parallel_loop3A_189 = arith.constant 2 : i32
      %parallel_loop3A_190 = vector.broadcast %parallel_loop3A_189 : i32 to vector<16xi32>
      %parallel_loop3A_191 = arith.muli %parallel_loop3A_188, %parallel_loop3A_190 : vector<16xi32>
      %parallel_loop3A_192 = vector.broadcast %arg0 : i32 to vector<16xi32>
      %parallel_loop3A_193 = arith.addi %parallel_loop3A_191, %parallel_loop3A_192 : vector<16xi32>
      %parallel_loop3A_194 = arith.index_cast %parallel_loop3A_141 : i32 to index
      %parallel_loop3A_195 = arith.constant 64 : index
      %parallel_loop3A_196 = tpu.vector_load %arg8[%parallel_loop3A_194, %parallel_loop3A_195] {strides = array<i32>} : memref<250x80xi32, #tpu.memory_space<vmem>>, vector<16xi32>,
      tpu.vector_store %arg8[%parallel_loop3A_194, %parallel_loop3A_195], %parallel_loop3A_193 {strides = array<i32>} : memref<250x80xi32, #tpu.memory_space<vmem>>, vector<16xi32>,
    } {sc.loop_unroll_factor = 1 : i64, sc.parallel_access}
    %dma_start3A = arith.constant 0 : i32
    %dma_start3A_28 = arith.constant 0 : i32
    %dma_start3A_29 = tpu.memref_slice %arg8[%dma_start3A, %dma_start3A_28] : memref<250x80xi32, #tpu.memory_space<vmem>> -> memref<1x80xi32, #tpu.memory_space<vmem>>
    %dma_start3A_30 = tpu.memref_squeeze %dma_start3A_29 : memref<1x80xi32, #tpu.memory_space<vmem>> -> memref<80xi32, #tpu.memory_space<vmem>>
    %dma_start3A_31 = arith.constant 0 : i32
    %dma_start3A_32 = arith.constant 0 : i32
    %dma_start3A_33 = tpu.memref_slice %arg2[%dma_start3A_31, %dma_start3A_32] : memref<20000x64xbf16, #tpu.memory_space<hbm>> -> memref<20000x64xbf16, #tpu.memory_space<hbm>>
    tpu.enqueue_indirect_dma source(%dma_start3A_33 : memref<20000x64xbf16, #tpu.memory_space<hbm>>) target(%arg11 : memref<80x64xbf16, #tpu.memory_space<vmem>>) offsets(%dma_start3A_30 : memref<80xi32, #tpu.memory_space<vmem>>) semaphore(%arg25 : memref<!tpu.dma_semaphore, #tpu.memory_space<semaphore_mem>>)
    %dma_start3A_34 = arith.constant 1 : i32
    %dma_start3A_35 = arith.constant 0 : i32
    %dma_start3A_36 = tpu.memref_slice %arg8[%dma_start3A_34, %dma_start3A_35] : memref<250x80xi32, #tpu.memory_space<vmem>> -> memref<1x80xi32, #tpu.memory_space<vmem>>
    %dma_start3A_37 = tpu.memref_squeeze %dma_start3A_36 : memref<1x80xi32, #tpu.memory_space<vmem>> -> memref<80xi32, #tpu.memory_space<vmem>>
    %dma_start3A_38 = arith.constant 0 : i32
    %dma_start3A_39 = arith.constant 0 : i32
    %dma_start3A_40 = tpu.memref_slice %arg2[%dma_start3A_38, %dma_start3A_39] : memref<20000x64xbf16, #tpu.memory_space<hbm>> -> memref<20000x64xbf16, #tpu.memory_space<hbm>>
    tpu.enqueue_indirect_dma source(%dma_start3A_40 : memref<20000x64xbf16, #tpu.memory_space<hbm>>) target(%arg12 : memref<80x64xbf16, #tpu.memory_space<vmem>>) offsets(%dma_start3A_37 : memref<80xi32, #tpu.memory_space<vmem>>) semaphore(%arg26 : memref<!tpu.dma_semaphore, #tpu.memory_space<semaphore_mem>>)
    %dma_start3A_41 = arith.constant 2 : i32
    %dma_start3A_42 = arith.constant 0 : i32
    %dma_start3A_43 = tpu.memref_slice %arg8[%dma_start3A_41, %dma_start3A_42] : memref<250x80xi32, #tpu.memory_space<vmem>> -> memref<1x80xi32, #tpu.memory_space<vmem>>
    %dma_start3A_44 = tpu.memref_squeeze %dma_start3A_43 : memref<1x80xi32, #tpu.memory_space<vmem>> -> memref<80xi32, #tpu.memory_space<vmem>>
    %dma_start3A_45 = arith.constant 0 : i32
    %dma_start3A_46 = arith.constant 0 : i32
    %dma_start3A_47 = tpu.memref_slice %arg2[%dma_start3A_45, %dma_start3A_46] : memref<20000x64xbf16, #tpu.memory_space<hbm>> -> memref<20000x64xbf16, #tpu.memory_space<hbm>>
    tpu.enqueue_indirect_dma source(%dma_start3A_47 : memref<20000x64xbf16, #tpu.memory_space<hbm>>) target(%arg13 : memref<80x64xbf16, #tpu.memory_space<vmem>>) offsets(%dma_start3A_44 : memref<80xi32, #tpu.memory_space<vmem>>) semaphore(%arg27 : memref<!tpu.dma_semaphore, #tpu.memory_space<semaphore_mem>>)
    %dma_start3A_48 = arith.constant 3 : i32
    %dma_start3A_49 = arith.constant 0 : i32
    %dma_start3A_50 = tpu.memref_slice %arg8[%dma_start3A_48, %dma_start3A_49] : memref<250x80xi32, #tpu.memory_space<vmem>> -> memref<1x80xi32, #tpu.memory_space<vmem>>
    %dma_start3A_51 = tpu.memref_squeeze %dma_start3A_50 : memref<1x80xi32, #tpu.memory_space<vmem>> -> memref<80xi32, #tpu.memory_space<vmem>>
    %dma_start3A_52 = arith.constant 0 : i32
    %dma_start3A_53 = arith.constant 0 : i32
    %dma_start3A_54 = tpu.memref_slice %arg2[%dma_start3A_52, %dma_start3A_53] : memref<20000x64xbf16, #tpu.memory_space<hbm>> -> memref<20000x64xbf16, #tpu.memory_space<hbm>>
    tpu.enqueue_indirect_dma source(%dma_start3A_54 : memref<20000x64xbf16, #tpu.memory_space<hbm>>) target(%arg14 : memref<80x64xbf16, #tpu.memory_space<vmem>>) offsets(%dma_start3A_51 : memref<80xi32, #tpu.memory_space<vmem>>) semaphore(%arg28 : memref<!tpu.dma_semaphore, #tpu.memory_space<semaphore_mem>>)
    %scan3A = arith.constant 0 : i32
    %scan3A_55 = arith.constant 50 : i32
    %scan3A_56 = arith.addi %scan3A, %scan3A_55 : i32
    %scan3A_57 = arith.constant 1 : i32
    scf.for %scan3A_141 = %scan3A to %scan3A_56 step %scan3A_57  : i32 {
      %mul3A_142 = arith.constant 5 : i32
      %mul3A_143 = arith.muli %scan3A_141, %mul3A_142 : i32
      %add3A_144 = arith.constant 0 : i32
      %add3A_145 = arith.addi %mul3A_143, %add3A_144 : i32
      %dma_wait3A_146 = arith.constant 0 : i32
      %dma_wait3A_147 = tpu.memref_slice %arg8[%add3A_145, %dma_wait3A_146] : memref<250x80xi32, #tpu.memory_space<vmem>> -> memref<1x80xi32, #tpu.memory_space<vmem>>
      %dma_wait3A_148 = tpu.memref_squeeze %dma_wait3A_147 : memref<1x80xi32, #tpu.memory_space<vmem>> -> memref<80xi32, #tpu.memory_space<vmem>>
      %dma_wait3A_149 = arith.constant 0 : i32
      %dma_wait3A_150 = arith.constant 0 : i32
      %dma_wait3A_151 = tpu.memref_slice %arg2[%dma_wait3A_149, %dma_wait3A_150] : memref<20000x64xbf16, #tpu.memory_space<hbm>> -> memref<20000x64xbf16, #tpu.memory_space<hbm>>
      tpu.wait_indirect_dma semaphore(%arg25 : memref<!tpu.dma_semaphore, #tpu.memory_space<semaphore_mem>>) src(%dma_wait3A_151 : memref<20000x64xbf16, #tpu.memory_space<hbm>>) dst(%arg11 : memref<80x64xbf16, #tpu.memory_space<vmem>>)
      %gt3A = arith.constant 0 : i32
      %gt3A_152 = arith.cmpi sgt, %scan3A_141, %gt3A : i32
      %convert_element_type3A = arith.extui %gt3A_152 : i1 to i32
      %cond3A = arith.constant 0 : i32
      %cond3A_153 = arith.cmpi ne, %convert_element_type3A, %cond3A : i32
      scf.if %cond3A_153 {
        %dma_wait3A_299 = arith.constant 0 : i32
        %dma_wait3A_300 = tpu.memref_slice %arg9[%add3A_145, %dma_wait3A_299] : memref<250x80xi32, #tpu.memory_space<vmem>> -> memref<1x80xi32, #tpu.memory_space<vmem>>
        %dma_wait3A_301 = tpu.memref_squeeze %dma_wait3A_300 : memref<1x80xi32, #tpu.memory_space<vmem>> -> memref<80xi32, #tpu.memory_space<vmem>>
        %dma_wait3A_302 = arith.constant 0 : i32
        %dma_wait3A_303 = arith.constant 0 : i32
        %dma_wait3A_304 = tpu.memref_slice %arg24[%dma_wait3A_302, %dma_wait3A_303] : memref<10000x64xbf16, #tpu.memory_space<vmem_shared>> -> memref<10000x64xbf16, #tpu.memory_space<vmem_shared>>
        tpu.wait_indirect_dma semaphore(%arg30 : memref<!tpu.dma_semaphore, #tpu.memory_space<semaphore_mem>>) src(%arg16 : memref<80x64xbf16, #tpu.memory_space<vmem>>) dst(%dma_wait3A_304 : memref<10000x64xbf16, #tpu.memory_space<vmem_shared>>)
      } else {
      }
      %broadcast_in_dim3A_154 = vector.broadcast %add3A_145 : i32 to vector<16xi32>
      %parallel_loop3A_155 = arith.constant 0 : i32
      %parallel_loop3A_156 = arith.constant 80 : i32
      %parallel_loop3A_157 = arith.constant 1 : i32
      scf.for %parallel_loop3A_299 = %parallel_loop3A_155 to %parallel_loop3A_156 step %parallel_loop3A_157  : i32 {
        %parallel_loop3A_300 = vector.broadcast %parallel_loop3A_299 : i32 to vector<16xi32>
        %parallel_loop3A_301 = tpu.vector_load_idx %arg10[%broadcast_in_dim3A_154, %parallel_loop3A_300] : memref<250x80xf32, #tpu.memory_space<vmem>>[vector<16xi32>, vector<16xi32>], vector<16xf32>,
        %parallel_loop3A_302 = tpu.pack_subelements %parallel_loop3A_301, %parallel_loop3A_301 {pack_format = #tpu.pack_format<interleaved>, positions = array<i32: 0, 1>} : vector<16xf32>, vector<16xf32> -> vector<32xbf16>
        %parallel_loop3A_303 = arith.index_cast %parallel_loop3A_299 : i32 to index
        %parallel_loop3A_304 = arith.constant 0 : index
        %parallel_loop3A_305 = tpu.vector_load %arg11[%parallel_loop3A_303, %parallel_loop3A_304] {strides = array<i32>} : memref<80x64xbf16, #tpu.memory_space<vmem>>, vector<32xbf16>,
        %parallel_loop3A_306 = arith.mulf %parallel_loop3A_305, %parallel_loop3A_302 : vector<32xbf16>
        %parallel_loop3A_307 = arith.index_cast %parallel_loop3A_299 : i32 to index
        %parallel_loop3A_308 = arith.constant 0 : index
        %parallel_loop3A_309 = tpu.vector_load %arg16[%parallel_loop3A_307, %parallel_loop3A_308] {strides = array<i32>} : memref<80x64xbf16, #tpu.memory_space<vmem>>, vector<32xbf16>,
        tpu.vector_store %arg16[%parallel_loop3A_307, %parallel_loop3A_308], %parallel_loop3A_306 {strides = array<i32>} : memref<80x64xbf16, #tpu.memory_space<vmem>>, vector<32xbf16>,
        %parallel_loop3A_310 = arith.index_cast %parallel_loop3A_299 : i32 to index
        %parallel_loop3A_311 = arith.constant 32 : index
        %parallel_loop3A_312 = tpu.vector_load %arg11[%parallel_loop3A_310, %parallel_loop3A_311] {strides = array<i32>} : memref<80x64xbf16, #tpu.memory_space<vmem>>, vector<32xbf16>,
        %parallel_loop3A_313 = arith.mulf %parallel_loop3A_312, %parallel_loop3A_302 : vector<32xbf16>
        %parallel_loop3A_314 = arith.index_cast %parallel_loop3A_299 : i32 to index
        %parallel_loop3A_315 = arith.constant 32 : index
        %parallel_loop3A_316 = tpu.vector_load %arg16[%parallel_loop3A_314, %parallel_loop3A_315] {strides = array<i32>} : memref<80x64xbf16, #tpu.memory_space<vmem>>, vector<32xbf16>,
        tpu.vector_store %arg16[%parallel_loop3A_314, %parallel_loop3A_315], %parallel_loop3A_313 {strides = array<i32>} : memref<80x64xbf16, #tpu.memory_space<vmem>>, vector<32xbf16>,
      } {sc.loop_unroll_factor = 4 : i64, sc.parallel_access}
      %dma_start3A_158 = arith.constant 0 : i32
      %dma_start3A_159 = tpu.memref_slice %arg9[%add3A_145, %dma_start3A_158] : memref<250x80xi32, #tpu.memory_space<vmem>> -> memref<1x80xi32, #tpu.memory_space<vmem>>
      %dma_start3A_160 = tpu.memref_squeeze %dma_start3A_159 : memref<1x80xi32, #tpu.memory_space<vmem>> -> memref<80xi32, #tpu.memory_space<vmem>>
      %dma_start3A_161 = arith.constant 0 : i32
      %dma_start3A_162 = arith.constant 0 : i32
      %dma_start3A_163 = tpu.memref_slice %arg24[%dma_start3A_161, %dma_start3A_162] : memref<10000x64xbf16, #tpu.memory_space<vmem_shared>> -> memref<10000x64xbf16, #tpu.memory_space<vmem_shared>>
      tpu.enqueue_indirect_dma source(%arg16 : memref<80x64xbf16, #tpu.memory_space<vmem>>) target(%dma_start3A_163 : memref<10000x64xbf16, #tpu.memory_space<vmem_shared>>) offsets(%dma_start3A_160 : memref<80xi32, #tpu.memory_space<vmem>>) semaphore(%arg30 : memref<!tpu.dma_semaphore, #tpu.memory_space<semaphore_mem>>) {add = true}
      %add3A_164 = arith.constant 4 : i32
      %add3A_165 = arith.addi %add3A_145, %add3A_164 : i32
      %dma_start3A_166 = arith.constant 0 : i32
      %dma_start3A_167 = tpu.memref_slice %arg8[%add3A_165, %dma_start3A_166] : memref<250x80xi32, #tpu.memory_space<vmem>> -> memref<1x80xi32, #tpu.memory_space<vmem>>
      %dma_start3A_168 = tpu.memref_squeeze %dma_start3A_167 : memref<1x80xi32, #tpu.memory_space<vmem>> -> memref<80xi32, #tpu.memory_space<vmem>>
      %dma_start3A_169 = arith.constant 0 : i32
      %dma_start3A_170 = arith.constant 0 : i32
      %dma_start3A_171 = tpu.memref_slice %arg2[%dma_start3A_169, %dma_start3A_170] : memref<20000x64xbf16, #tpu.memory_space<hbm>> -> memref<20000x64xbf16, #tpu.memory_space<hbm>>
      tpu.enqueue_indirect_dma source(%dma_start3A_171 : memref<20000x64xbf16, #tpu.memory_space<hbm>>) target(%arg15 : memref<80x64xbf16, #tpu.memory_space<vmem>>) offsets(%dma_start3A_168 : memref<80xi32, #tpu.memory_space<vmem>>) semaphore(%arg29 : memref<!tpu.dma_semaphore, #tpu.memory_space<semaphore_mem>>)
      %mul3A_172 = arith.constant 5 : i32
      %mul3A_173 = arith.muli %scan3A_141, %mul3A_172 : i32
      %add3A_174 = arith.constant 1 : i32
      %add3A_175 = arith.addi %mul3A_173, %add3A_174 : i32
      %dma_wait3A_176 = arith.constant 0 : i32
      %dma_wait3A_177 = tpu.memref_slice %arg8[%add3A_175, %dma_wait3A_176] : memref<250x80xi32, #tpu.memory_space<vmem>> -> memref<1x80xi32, #tpu.memory_space<vmem>>
      %dma_wait3A_178 = tpu.memref_squeeze %dma_wait3A_177 : memref<1x80xi32, #tpu.memory_space<vmem>> -> memref<80xi32, #tpu.memory_space<vmem>>
      %dma_wait3A_179 = arith.constant 0 : i32
      %dma_wait3A_180 = arith.constant 0 : i32
      %dma_wait3A_181 = tpu.memref_slice %arg2[%dma_wait3A_179, %dma_wait3A_180] : memref<20000x64xbf16, #tpu.memory_space<hbm>> -> memref<20000x64xbf16, #tpu.memory_space<hbm>>
      tpu.wait_indirect_dma semaphore(%arg26 : memref<!tpu.dma_semaphore, #tpu.memory_space<semaphore_mem>>) src(%dma_wait3A_181 : memref<20000x64xbf16, #tpu.memory_space<hbm>>) dst(%arg12 : memref<80x64xbf16, #tpu.memory_space<vmem>>)
      %gt3A_182 = arith.constant 0 : i32
      %gt3A_183 = arith.cmpi sgt, %scan3A_141, %gt3A_182 : i32
      %convert_element_type3A_184 = arith.extui %gt3A_183 : i1 to i32
      %cond3A_185 = arith.constant 0 : i32
      %cond3A_186 = arith.cmpi ne, %convert_element_type3A_184, %cond3A_185 : i32
      scf.if %cond3A_186 {
        %dma_wait3A_299 = arith.constant 0 : i32
        %dma_wait3A_300 = tpu.memref_slice %arg9[%add3A_175, %dma_wait3A_299] : memref<250x80xi32, #tpu.memory_space<vmem>> -> memref<1x80xi32, #tpu.memory_space<vmem>>
        %dma_wait3A_301 = tpu.memref_squeeze %dma_wait3A_300 : memref<1x80xi32, #tpu.memory_space<vmem>> -> memref<80xi32, #tpu.memory_space<vmem>>
        %dma_wait3A_302 = arith.constant 0 : i32
        %dma_wait3A_303 = arith.constant 0 : i32
        %dma_wait3A_304 = tpu.memref_slice %arg24[%dma_wait3A_302, %dma_wait3A_303] : memref<10000x64xbf16, #tpu.memory_space<vmem_shared>> -> memref<10000x64xbf16, #tpu.memory_space<vmem_shared>>
        tpu.wait_indirect_dma semaphore(%arg31 : memref<!tpu.dma_semaphore, #tpu.memory_space<semaphore_mem>>) src(%arg17 : memref<80x64xbf16, #tpu.memory_space<vmem>>) dst(%dma_wait3A_304 : memref<10000x64xbf16, #tpu.memory_space<vmem_shared>>)
      } else {
      }
      %broadcast_in_dim3A_187 = vector.broadcast %add3A_175 : i32 to vector<16xi32>
      %parallel_loop3A_188 = arith.constant 0 : i32
      %parallel_loop3A_189 = arith.constant 80 : i32
      %parallel_loop3A_190 = arith.constant 1 : i32
      scf.for %parallel_loop3A_299 = %parallel_loop3A_188 to %parallel_loop3A_189 step %parallel_loop3A_190  : i32 {
        %parallel_loop3A_300 = vector.broadcast %parallel_loop3A_299 : i32 to vector<16xi32>
        %parallel_loop3A_301 = tpu.vector_load_idx %arg10[%broadcast_in_dim3A_187, %parallel_loop3A_300] : memref<250x80xf32, #tpu.memory_space<vmem>>[vector<16xi32>, vector<16xi32>], vector<16xf32>,
        %parallel_loop3A_302 = tpu.pack_subelements %parallel_loop3A_301, %parallel_loop3A_301 {pack_format = #tpu.pack_format<interleaved>, positions = array<i32: 0, 1>} : vector<16xf32>, vector<16xf32> -> vector<32xbf16>
        %parallel_loop3A_303 = arith.index_cast %parallel_loop3A_299 : i32 to index
        %parallel_loop3A_304 = arith.constant 0 : index
        %parallel_loop3A_305 = tpu.vector_load %arg12[%parallel_loop3A_303, %parallel_loop3A_304] {strides = array<i32>} : memref<80x64xbf16, #tpu.memory_space<vmem>>, vector<32xbf16>,
        %parallel_loop3A_306 = arith.mulf %parallel_loop3A_305, %parallel_loop3A_302 : vector<32xbf16>
        %parallel_loop3A_307 = arith.index_cast %parallel_loop3A_299 : i32 to index
        %parallel_loop3A_308 = arith.constant 0 : index
        %parallel_loop3A_309 = tpu.vector_load %arg17[%parallel_loop3A_307, %parallel_loop3A_308] {strides = array<i32>} : memref<80x64xbf16, #tpu.memory_space<vmem>>, vector<32xbf16>,
        tpu.vector_store %arg17[%parallel_loop3A_307, %parallel_loop3A_308], %parallel_loop3A_306 {strides = array<i32>} : memref<80x64xbf16, #tpu.memory_space<vmem>>, vector<32xbf16>,
        %parallel_loop3A_310 = arith.index_cast %parallel_loop3A_299 : i32 to index
        %parallel_loop3A_311 = arith.constant 32 : index
        %parallel_loop3A_312 = tpu.vector_load %arg12[%parallel_loop3A_310, %parallel_loop3A_311] {strides = array<i32>} : memref<80x64xbf16, #tpu.memory_space<vmem>>, vector<32xbf16>,
        %parallel_loop3A_313 = arith.mulf %parallel_loop3A_312, %parallel_loop3A_302 : vector<32xbf16>
        %parallel_loop3A_314 = arith.index_cast %parallel_loop3A_299 : i32 to index
        %parallel_loop3A_315 = arith.constant 32 : index
        %parallel_loop3A_316 = tpu.vector_load %arg17[%parallel_loop3A_314, %parallel_loop3A_315] {strides = array<i32>} : memref<80x64xbf16, #tpu.memory_space<vmem>>, vector<32xbf16>,
        tpu.vector_store %arg17[%parallel_loop3A_314, %parallel_loop3A_315], %parallel_loop3A_313 {strides = array<i32>} : memref<80x64xbf16, #tpu.memory_space<vmem>>, vector<32xbf16>,
      } {sc.loop_unroll_factor = 4 : i64, sc.parallel_access}
      %dma_start3A_191 = arith.constant 0 : i32
      %dma_start3A_192 = tpu.memref_slice %arg9[%add3A_175, %dma_start3A_191] : memref<250x80xi32, #tpu.memory_space<vmem>> -> memref<1x80xi32, #tpu.memory_space<vmem>>
      %dma_start3A_193 = tpu.memref_squeeze %dma_start3A_192 : memref<1x80xi32, #tpu.memory_space<vmem>> -> memref<80xi32, #tpu.memory_space<vmem>>
      %dma_start3A_194 = arith.constant 0 : i32
      %dma_start3A_195 = arith.constant 0 : i32
      %dma_start3A_196 = tpu.memref_slice %arg24[%dma_start3A_194, %dma_start3A_195] : memref<10000x64xbf16, #tpu.memory_space<vmem_shared>> -> memref<10000x64xbf16, #tpu.memory_space<vmem_shared>>
      tpu.enqueue_indirect_dma source(%arg17 : memref<80x64xbf16, #tpu.memory_space<vmem>>) target(%dma_start3A_196 : memref<10000x64xbf16, #tpu.memory_space<vmem_shared>>) offsets(%dma_start3A_193 : memref<80xi32, #tpu.memory_space<vmem>>) semaphore(%arg31 : memref<!tpu.dma_semaphore, #tpu.memory_space<semaphore_mem>>) {add = true}
      %add3A_197 = arith.constant 4 : i32
      %add3A_198 = arith.addi %add3A_175, %add3A_197 : i32
      %lt3A = arith.constant 49 : i32
      %lt3A_199 = arith.cmpi slt, %scan3A_141, %lt3A : i32
      %convert_element_type3A_200 = arith.extui %lt3A_199 : i1 to i32
      %cond3A_201 = arith.constant 0 : i32
      %cond3A_202 = arith.cmpi ne, %convert_element_type3A_200, %cond3A_201 : i32
      scf.if %cond3A_202 {
        %dma_start3A_299 = arith.constant 0 : i32
        %dma_start3A_300 = tpu.memref_slice %arg8[%add3A_198, %dma_start3A_299] : memref<250x80xi32, #tpu.memory_space<vmem>> -> memref<1x80xi32, #tpu.memory_space<vmem>>
        %dma_start3A_301 = tpu.memref_squeeze %dma_start3A_300 : memref<1x80xi32, #tpu.memory_space<vmem>> -> memref<80xi32, #tpu.memory_space<vmem>>
        %dma_start3A_302 = arith.constant 0 : i32
        %dma_start3A_303 = arith.constant 0 : i32
        %dma_start3A_304 = tpu.memref_slice %arg2[%dma_start3A_302, %dma_start3A_303] : memref<20000x64xbf16, #tpu.memory_space<hbm>> -> memref<20000x64xbf16, #tpu.memory_space<hbm>>
        tpu.enqueue_indirect_dma source(%dma_start3A_304 : memref<20000x64xbf16, #tpu.memory_space<hbm>>) target(%arg11 : memref<80x64xbf16, #tpu.memory_space<vmem>>) offsets(%dma_start3A_301 : memref<80xi32, #tpu.memory_space<vmem>>) semaphore(%arg25 : memref<!tpu.dma_semaphore, #tpu.memory_space<semaphore_mem>>)
      } else {
      }
      %mul3A_203 = arith.constant 5 : i32
      %mul3A_204 = arith.muli %scan3A_141, %mul3A_203 : i32
      %add3A_205 = arith.constant 2 : i32
      %add3A_206 = arith.addi %mul3A_204, %add3A_205 : i32
      %dma_wait3A_207 = arith.constant 0 : i32
      %dma_wait3A_208 = tpu.memref_slice %arg8[%add3A_206, %dma_wait3A_207] : memref<250x80xi32, #tpu.memory_space<vmem>> -> memref<1x80xi32, #tpu.memory_space<vmem>>
      %dma_wait3A_209 = tpu.memref_squeeze %dma_wait3A_208 : memref<1x80xi32, #tpu.memory_space<vmem>> -> memref<80xi32, #tpu.memory_space<vmem>>
      %dma_wait3A_210 = arith.constant 0 : i32
      %dma_wait3A_211 = arith.constant 0 : i32
      %dma_wait3A_212 = tpu.memref_slice %arg2[%dma_wait3A_210, %dma_wait3A_211] : memref<20000x64xbf16, #tpu.memory_space<hbm>> -> memref<20000x64xbf16, #tpu.memory_space<hbm>>
      tpu.wait_indirect_dma semaphore(%arg27 : memref<!tpu.dma_semaphore, #tpu.memory_space<semaphore_mem>>) src(%dma_wait3A_212 : memref<20000x64xbf16, #tpu.memory_space<hbm>>) dst(%arg13 : memref<80x64xbf16, #tpu.memory_space<vmem>>)
      %gt3A_213 = arith.constant 0 : i32
      %gt3A_214 = arith.cmpi sgt, %scan3A_141, %gt3A_213 : i32
      %convert_element_type3A_215 = arith.extui %gt3A_214 : i1 to i32
      %cond3A_216 = arith.constant 0 : i32
      %cond3A_217 = arith.cmpi ne, %convert_element_type3A_215, %cond3A_216 : i32
      scf.if %cond3A_217 {
        %dma_wait3A_299 = arith.constant 0 : i32
        %dma_wait3A_300 = tpu.memref_slice %arg9[%add3A_206, %dma_wait3A_299] : memref<250x80xi32, #tpu.memory_space<vmem>> -> memref<1x80xi32, #tpu.memory_space<vmem>>
        %dma_wait3A_301 = tpu.memref_squeeze %dma_wait3A_300 : memref<1x80xi32, #tpu.memory_space<vmem>> -> memref<80xi32, #tpu.memory_space<vmem>>
        %dma_wait3A_302 = arith.constant 0 : i32
        %dma_wait3A_303 = arith.constant 0 : i32
        %dma_wait3A_304 = tpu.memref_slice %arg24[%dma_wait3A_302, %dma_wait3A_303] : memref<10000x64xbf16, #tpu.memory_space<vmem_shared>> -> memref<10000x64xbf16, #tpu.memory_space<vmem_shared>>
        tpu.wait_indirect_dma semaphore(%arg32 : memref<!tpu.dma_semaphore, #tpu.memory_space<semaphore_mem>>) src(%arg18 : memref<80x64xbf16, #tpu.memory_space<vmem>>) dst(%dma_wait3A_304 : memref<10000x64xbf16, #tpu.memory_space<vmem_shared>>)
      } else {
      }
      %broadcast_in_dim3A_218 = vector.broadcast %add3A_206 : i32 to vector<16xi32>
      %parallel_loop3A_219 = arith.constant 0 : i32
      %parallel_loop3A_220 = arith.constant 80 : i32
      %parallel_loop3A_221 = arith.constant 1 : i32
      scf.for %parallel_loop3A_299 = %parallel_loop3A_219 to %parallel_loop3A_220 step %parallel_loop3A_221  : i32 {
        %parallel_loop3A_300 = vector.broadcast %parallel_loop3A_299 : i32 to vector<16xi32>
        %parallel_loop3A_301 = tpu.vector_load_idx %arg10[%broadcast_in_dim3A_218, %parallel_loop3A_300] : memref<250x80xf32, #tpu.memory_space<vmem>>[vector<16xi32>, vector<16xi32>], vector<16xf32>,
        %parallel_loop3A_302 = tpu.pack_subelements %parallel_loop3A_301, %parallel_loop3A_301 {pack_format = #tpu.pack_format<interleaved>, positions = array<i32: 0, 1>} : vector<16xf32>, vector<16xf32> -> vector<32xbf16>
        %parallel_loop3A_303 = arith.index_cast %parallel_loop3A_299 : i32 to index
        %parallel_loop3A_304 = arith.constant 0 : index
        %parallel_loop3A_305 = tpu.vector_load %arg13[%parallel_loop3A_303, %parallel_loop3A_304] {strides = array<i32>} : memref<80x64xbf16, #tpu.memory_space<vmem>>, vector<32xbf16>,
        %parallel_loop3A_306 = arith.mulf %parallel_loop3A_305, %parallel_loop3A_302 : vector<32xbf16>
        %parallel_loop3A_307 = arith.index_cast %parallel_loop3A_299 : i32 to index
        %parallel_loop3A_308 = arith.constant 0 : index
        %parallel_loop3A_309 = tpu.vector_load %arg18[%parallel_loop3A_307, %parallel_loop3A_308] {strides = array<i32>} : memref<80x64xbf16, #tpu.memory_space<vmem>>, vector<32xbf16>,
        tpu.vector_store %arg18[%parallel_loop3A_307, %parallel_loop3A_308], %parallel_loop3A_306 {strides = array<i32>} : memref<80x64xbf16, #tpu.memory_space<vmem>>, vector<32xbf16>,
        %parallel_loop3A_310 = arith.index_cast %parallel_loop3A_299 : i32 to index
        %parallel_loop3A_311 = arith.constant 32 : index
        %parallel_loop3A_312 = tpu.vector_load %arg13[%parallel_loop3A_310, %parallel_loop3A_311] {strides = array<i32>} : memref<80x64xbf16, #tpu.memory_space<vmem>>, vector<32xbf16>,
        %parallel_loop3A_313 = arith.mulf %parallel_loop3A_312, %parallel_loop3A_302 : vector<32xbf16>
        %parallel_loop3A_314 = arith.index_cast %parallel_loop3A_299 : i32 to index
        %parallel_loop3A_315 = arith.constant 32 : index
        %parallel_loop3A_316 = tpu.vector_load %arg18[%parallel_loop3A_314, %parallel_loop3A_315] {strides = array<i32>} : memref<80x64xbf16, #tpu.memory_space<vmem>>, vector<32xbf16>,
        tpu.vector_store %arg18[%parallel_loop3A_314, %parallel_loop3A_315], %parallel_loop3A_313 {strides = array<i32>} : memref<80x64xbf16, #tpu.memory_space<vmem>>, vector<32xbf16>,
      } {sc.loop_unroll_factor = 4 : i64, sc.parallel_access}
      %dma_start3A_222 = arith.constant 0 : i32
      %dma_start3A_223 = tpu.memref_slice %arg9[%add3A_206, %dma_start3A_222] : memref<250x80xi32, #tpu.memory_space<vmem>> -> memref<1x80xi32, #tpu.memory_space<vmem>>
      %dma_start3A_224 = tpu.memref_squeeze %dma_start3A_223 : memref<1x80xi32, #tpu.memory_space<vmem>> -> memref<80xi32, #tpu.memory_space<vmem>>
      %dma_start3A_225 = arith.constant 0 : i32
      %dma_start3A_226 = arith.constant 0 : i32
      %dma_start3A_227 = tpu.memref_slice %arg24[%dma_start3A_225, %dma_start3A_226] : memref<10000x64xbf16, #tpu.memory_space<vmem_shared>> -> memref<10000x64xbf16, #tpu.memory_space<vmem_shared>>
      tpu.enqueue_indirect_dma source(%arg18 : memref<80x64xbf16, #tpu.memory_space<vmem>>) target(%dma_start3A_227 : memref<10000x64xbf16, #tpu.memory_space<vmem_shared>>) offsets(%dma_start3A_224 : memref<80xi32, #tpu.memory_space<vmem>>) semaphore(%arg32 : memref<!tpu.dma_semaphore, #tpu.memory_space<semaphore_mem>>) {add = true}
      %add3A_228 = arith.constant 4 : i32
      %add3A_229 = arith.addi %add3A_206, %add3A_228 : i32
      %lt3A_230 = arith.constant 49 : i32
      %lt3A_231 = arith.cmpi slt, %scan3A_141, %lt3A_230 : i32
      %convert_element_type3A_232 = arith.extui %lt3A_231 : i1 to i32
      %cond3A_233 = arith.constant 0 : i32
      %cond3A_234 = arith.cmpi ne, %convert_element_type3A_232, %cond3A_233 : i32
      scf.if %cond3A_234 {
        %dma_start3A_299 = arith.constant 0 : i32
        %dma_start3A_300 = tpu.memref_slice %arg8[%add3A_229, %dma_start3A_299] : memref<250x80xi32, #tpu.memory_space<vmem>> -> memref<1x80xi32, #tpu.memory_space<vmem>>
        %dma_start3A_301 = tpu.memref_squeeze %dma_start3A_300 : memref<1x80xi32, #tpu.memory_space<vmem>> -> memref<80xi32, #tpu.memory_space<vmem>>
        %dma_start3A_302 = arith.constant 0 : i32
        %dma_start3A_303 = arith.constant 0 : i32
        %dma_start3A_304 = tpu.memref_slice %arg2[%dma_start3A_302, %dma_start3A_303] : memref<20000x64xbf16, #tpu.memory_space<hbm>> -> memref<20000x64xbf16, #tpu.memory_space<hbm>>
        tpu.enqueue_indirect_dma source(%dma_start3A_304 : memref<20000x64xbf16, #tpu.memory_space<hbm>>) target(%arg12 : memref<80x64xbf16, #tpu.memory_space<vmem>>) offsets(%dma_start3A_301 : memref<80xi32, #tpu.memory_space<vmem>>) semaphore(%arg26 : memref<!tpu.dma_semaphore, #tpu.memory_space<semaphore_mem>>)
      } else {
      }
      %mul3A_235 = arith.constant 5 : i32
      %mul3A_236 = arith.muli %scan3A_141, %mul3A_235 : i32
      %add3A_237 = arith.constant 3 : i32
      %add3A_238 = arith.addi %mul3A_236, %add3A_237 : i32
      %dma_wait3A_239 = arith.constant 0 : i32
      %dma_wait3A_240 = tpu.memref_slice %arg8[%add3A_238, %dma_wait3A_239] : memref<250x80xi32, #tpu.memory_space<vmem>> -> memref<1x80xi32, #tpu.memory_space<vmem>>
      %dma_wait3A_241 = tpu.memref_squeeze %dma_wait3A_240 : memref<1x80xi32, #tpu.memory_space<vmem>> -> memref<80xi32, #tpu.memory_space<vmem>>
      %dma_wait3A_242 = arith.constant 0 : i32
      %dma_wait3A_243 = arith.constant 0 : i32
      %dma_wait3A_244 = tpu.memref_slice %arg2[%dma_wait3A_242, %dma_wait3A_243] : memref<20000x64xbf16, #tpu.memory_space<hbm>> -> memref<20000x64xbf16, #tpu.memory_space<hbm>>
      tpu.wait_indirect_dma semaphore(%arg28 : memref<!tpu.dma_semaphore, #tpu.memory_space<semaphore_mem>>) src(%dma_wait3A_244 : memref<20000x64xbf16, #tpu.memory_space<hbm>>) dst(%arg14 : memref<80x64xbf16, #tpu.memory_space<vmem>>)
      %gt3A_245 = arith.constant 0 : i32
      %gt3A_246 = arith.cmpi sgt, %scan3A_141, %gt3A_245 : i32
      %convert_element_type3A_247 = arith.extui %gt3A_246 : i1 to i32
      %cond3A_248 = arith.constant 0 : i32
      %cond3A_249 = arith.cmpi ne, %convert_element_type3A_247, %cond3A_248 : i32
      scf.if %cond3A_249 {
        %dma_wait3A_299 = arith.constant 0 : i32
        %dma_wait3A_300 = tpu.memref_slice %arg9[%add3A_238, %dma_wait3A_299] : memref<250x80xi32, #tpu.memory_space<vmem>> -> memref<1x80xi32, #tpu.memory_space<vmem>>
        %dma_wait3A_301 = tpu.memref_squeeze %dma_wait3A_300 : memref<1x80xi32, #tpu.memory_space<vmem>> -> memref<80xi32, #tpu.memory_space<vmem>>
        %dma_wait3A_302 = arith.constant 0 : i32
        %dma_wait3A_303 = arith.constant 0 : i32
        %dma_wait3A_304 = tpu.memref_slice %arg24[%dma_wait3A_302, %dma_wait3A_303] : memref<10000x64xbf16, #tpu.memory_space<vmem_shared>> -> memref<10000x64xbf16, #tpu.memory_space<vmem_shared>>
        tpu.wait_indirect_dma semaphore(%arg33 : memref<!tpu.dma_semaphore, #tpu.memory_space<semaphore_mem>>) src(%arg19 : memref<80x64xbf16, #tpu.memory_space<vmem>>) dst(%dma_wait3A_304 : memref<10000x64xbf16, #tpu.memory_space<vmem_shared>>)
      } else {
      }
      %broadcast_in_dim3A_250 = vector.broadcast %add3A_238 : i32 to vector<16xi32>
      %parallel_loop3A_251 = arith.constant 0 : i32
      %parallel_loop3A_252 = arith.constant 80 : i32
      %parallel_loop3A_253 = arith.constant 1 : i32
      scf.for %parallel_loop3A_299 = %parallel_loop3A_251 to %parallel_loop3A_252 step %parallel_loop3A_253  : i32 {
        %parallel_loop3A_300 = vector.broadcast %parallel_loop3A_299 : i32 to vector<16xi32>
        %parallel_loop3A_301 = tpu.vector_load_idx %arg10[%broadcast_in_dim3A_250, %parallel_loop3A_300] : memref<250x80xf32, #tpu.memory_space<vmem>>[vector<16xi32>, vector<16xi32>], vector<16xf32>,
        %parallel_loop3A_302 = tpu.pack_subelements %parallel_loop3A_301, %parallel_loop3A_301 {pack_format = #tpu.pack_format<interleaved>, positions = array<i32: 0, 1>} : vector<16xf32>, vector<16xf32> -> vector<32xbf16>
        %parallel_loop3A_303 = arith.index_cast %parallel_loop3A_299 : i32 to index
        %parallel_loop3A_304 = arith.constant 0 : index
        %parallel_loop3A_305 = tpu.vector_load %arg14[%parallel_loop3A_303, %parallel_loop3A_304] {strides = array<i32>} : memref<80x64xbf16, #tpu.memory_space<vmem>>, vector<32xbf16>,
        %parallel_loop3A_306 = arith.mulf %parallel_loop3A_305, %parallel_loop3A_302 : vector<32xbf16>
        %parallel_loop3A_307 = arith.index_cast %parallel_loop3A_299 : i32 to index
        %parallel_loop3A_308 = arith.constant 0 : index
        %parallel_loop3A_309 = tpu.vector_load %arg19[%parallel_loop3A_307, %parallel_loop3A_308] {strides = array<i32>} : memref<80x64xbf16, #tpu.memory_space<vmem>>, vector<32xbf16>,
        tpu.vector_store %arg19[%parallel_loop3A_307, %parallel_loop3A_308], %parallel_loop3A_306 {strides = array<i32>} : memref<80x64xbf16, #tpu.memory_space<vmem>>, vector<32xbf16>,
        %parallel_loop3A_310 = arith.index_cast %parallel_loop3A_299 : i32 to index
        %parallel_loop3A_311 = arith.constant 32 : index
        %parallel_loop3A_312 = tpu.vector_load %arg14[%parallel_loop3A_310, %parallel_loop3A_311] {strides = array<i32>} : memref<80x64xbf16, #tpu.memory_space<vmem>>, vector<32xbf16>,
        %parallel_loop3A_313 = arith.mulf %parallel_loop3A_312, %parallel_loop3A_302 : vector<32xbf16>
        %parallel_loop3A_314 = arith.index_cast %parallel_loop3A_299 : i32 to index
        %parallel_loop3A_315 = arith.constant 32 : index
        %parallel_loop3A_316 = tpu.vector_load %arg19[%parallel_loop3A_314, %parallel_loop3A_315] {strides = array<i32>} : memref<80x64xbf16, #tpu.memory_space<vmem>>, vector<32xbf16>,
        tpu.vector_store %arg19[%parallel_loop3A_314, %parallel_loop3A_315], %parallel_loop3A_313 {strides = array<i32>} : memref<80x64xbf16, #tpu.memory_space<vmem>>, vector<32xbf16>,
      } {sc.loop_unroll_factor = 4 : i64, sc.parallel_access}
      %dma_start3A_254 = arith.constant 0 : i32
      %dma_start3A_255 = tpu.memref_slice %arg9[%add3A_238, %dma_start3A_254] : memref<250x80xi32, #tpu.memory_space<vmem>> -> memref<1x80xi32, #tpu.memory_space<vmem>>
      %dma_start3A_256 = tpu.memref_squeeze %dma_start3A_255 : memref<1x80xi32, #tpu.memory_space<vmem>> -> memref<80xi32, #tpu.memory_space<vmem>>
      %dma_start3A_257 = arith.constant 0 : i32
      %dma_start3A_258 = arith.constant 0 : i32
      %dma_start3A_259 = tpu.memref_slice %arg24[%dma_start3A_257, %dma_start3A_258] : memref<10000x64xbf16, #tpu.memory_space<vmem_shared>> -> memref<10000x64xbf16, #tpu.memory_space<vmem_shared>>
      tpu.enqueue_indirect_dma source(%arg19 : memref<80x64xbf16, #tpu.memory_space<vmem>>) target(%dma_start3A_259 : memref<10000x64xbf16, #tpu.memory_space<vmem_shared>>) offsets(%dma_start3A_256 : memref<80xi32, #tpu.memory_space<vmem>>) semaphore(%arg33 : memref<!tpu.dma_semaphore, #tpu.memory_space<semaphore_mem>>) {add = true}
      %add3A_260 = arith.constant 4 : i32
      %add3A_261 = arith.addi %add3A_238, %add3A_260 : i32
      %lt3A_262 = arith.constant 49 : i32
      %lt3A_263 = arith.cmpi slt, %scan3A_141, %lt3A_262 : i32
      %convert_element_type3A_264 = arith.extui %lt3A_263 : i1 to i32
      %cond3A_265 = arith.constant 0 : i32
      %cond3A_266 = arith.cmpi ne, %convert_element_type3A_264, %cond3A_265 : i32
      scf.if %cond3A_266 {
        %dma_start3A_299 = arith.constant 0 : i32
        %dma_start3A_300 = tpu.memref_slice %arg8[%add3A_261, %dma_start3A_299] : memref<250x80xi32, #tpu.memory_space<vmem>> -> memref<1x80xi32, #tpu.memory_space<vmem>>
        %dma_start3A_301 = tpu.memref_squeeze %dma_start3A_300 : memref<1x80xi32, #tpu.memory_space<vmem>> -> memref<80xi32, #tpu.memory_space<vmem>>
        %dma_start3A_302 = arith.constant 0 : i32
        %dma_start3A_303 = arith.constant 0 : i32
        %dma_start3A_304 = tpu.memref_slice %arg2[%dma_start3A_302, %dma_start3A_303] : memref<20000x64xbf16, #tpu.memory_space<hbm>> -> memref<20000x64xbf16, #tpu.memory_space<hbm>>
        tpu.enqueue_indirect_dma source(%dma_start3A_304 : memref<20000x64xbf16, #tpu.memory_space<hbm>>) target(%arg13 : memref<80x64xbf16, #tpu.memory_space<vmem>>) offsets(%dma_start3A_301 : memref<80xi32, #tpu.memory_space<vmem>>) semaphore(%arg27 : memref<!tpu.dma_semaphore, #tpu.memory_space<semaphore_mem>>)
      } else {
      }
      %mul3A_267 = arith.constant 5 : i32
      %mul3A_268 = arith.muli %scan3A_141, %mul3A_267 : i32
      %add3A_269 = arith.constant 4 : i32
      %add3A_270 = arith.addi %mul3A_268, %add3A_269 : i32
      %dma_wait3A_271 = arith.constant 0 : i32
      %dma_wait3A_272 = tpu.memref_slice %arg8[%add3A_270, %dma_wait3A_271] : memref<250x80xi32, #tpu.memory_space<vmem>> -> memref<1x80xi32, #tpu.memory_space<vmem>>
      %dma_wait3A_273 = tpu.memref_squeeze %dma_wait3A_272 : memref<1x80xi32, #tpu.memory_space<vmem>> -> memref<80xi32, #tpu.memory_space<vmem>>
      %dma_wait3A_274 = arith.constant 0 : i32
      %dma_wait3A_275 = arith.constant 0 : i32
      %dma_wait3A_276 = tpu.memref_slice %arg2[%dma_wait3A_274, %dma_wait3A_275] : memref<20000x64xbf16, #tpu.memory_space<hbm>> -> memref<20000x64xbf16, #tpu.memory_space<hbm>>
      tpu.wait_indirect_dma semaphore(%arg29 : memref<!tpu.dma_semaphore, #tpu.memory_space<semaphore_mem>>) src(%dma_wait3A_276 : memref<20000x64xbf16, #tpu.memory_space<hbm>>) dst(%arg15 : memref<80x64xbf16, #tpu.memory_space<vmem>>)
      %gt3A_277 = arith.constant 0 : i32
      %gt3A_278 = arith.cmpi sgt, %scan3A_141, %gt3A_277 : i32
      %convert_element_type3A_279 = arith.extui %gt3A_278 : i1 to i32
      %cond3A_280 = arith.constant 0 : i32
      %cond3A_281 = arith.cmpi ne, %convert_element_type3A_279, %cond3A_280 : i32
      scf.if %cond3A_281 {
        %dma_wait3A_299 = arith.constant 0 : i32
        %dma_wait3A_300 = tpu.memref_slice %arg9[%add3A_270, %dma_wait3A_299] : memref<250x80xi32, #tpu.memory_space<vmem>> -> memref<1x80xi32, #tpu.memory_space<vmem>>
        %dma_wait3A_301 = tpu.memref_squeeze %dma_wait3A_300 : memref<1x80xi32, #tpu.memory_space<vmem>> -> memref<80xi32, #tpu.memory_space<vmem>>
        %dma_wait3A_302 = arith.constant 0 : i32
        %dma_wait3A_303 = arith.constant 0 : i32
        %dma_wait3A_304 = tpu.memref_slice %arg24[%dma_wait3A_302, %dma_wait3A_303] : memref<10000x64xbf16, #tpu.memory_space<vmem_shared>> -> memref<10000x64xbf16, #tpu.memory_space<vmem_shared>>
        tpu.wait_indirect_dma semaphore(%arg34 : memref<!tpu.dma_semaphore, #tpu.memory_space<semaphore_mem>>) src(%arg20 : memref<80x64xbf16, #tpu.memory_space<vmem>>) dst(%dma_wait3A_304 : memref<10000x64xbf16, #tpu.memory_space<vmem_shared>>)
      } else {
      }
      %broadcast_in_dim3A_282 = vector.broadcast %add3A_270 : i32 to vector<16xi32>
      %parallel_loop3A_283 = arith.constant 0 : i32
      %parallel_loop3A_284 = arith.constant 80 : i32
      %parallel_loop3A_285 = arith.constant 1 : i32
      scf.for %parallel_loop3A_299 = %parallel_loop3A_283 to %parallel_loop3A_284 step %parallel_loop3A_285  : i32 {
        %parallel_loop3A_300 = vector.broadcast %parallel_loop3A_299 : i32 to vector<16xi32>
        %parallel_loop3A_301 = tpu.vector_load_idx %arg10[%broadcast_in_dim3A_282, %parallel_loop3A_300] : memref<250x80xf32, #tpu.memory_space<vmem>>[vector<16xi32>, vector<16xi32>], vector<16xf32>,
        %parallel_loop3A_302 = tpu.pack_subelements %parallel_loop3A_301, %parallel_loop3A_301 {pack_format = #tpu.pack_format<interleaved>, positions = array<i32: 0, 1>} : vector<16xf32>, vector<16xf32> -> vector<32xbf16>
        %parallel_loop3A_303 = arith.index_cast %parallel_loop3A_299 : i32 to index
        %parallel_loop3A_304 = arith.constant 0 : index
        %parallel_loop3A_305 = tpu.vector_load %arg15[%parallel_loop3A_303, %parallel_loop3A_304] {strides = array<i32>} : memref<80x64xbf16, #tpu.memory_space<vmem>>, vector<32xbf16>,
        %parallel_loop3A_306 = arith.mulf %parallel_loop3A_305, %parallel_loop3A_302 : vector<32xbf16>
        %parallel_loop3A_307 = arith.index_cast %parallel_loop3A_299 : i32 to index
        %parallel_loop3A_308 = arith.constant 0 : index
        %parallel_loop3A_309 = tpu.vector_load %arg20[%parallel_loop3A_307, %parallel_loop3A_308] {strides = array<i32>} : memref<80x64xbf16, #tpu.memory_space<vmem>>, vector<32xbf16>,
        tpu.vector_store %arg20[%parallel_loop3A_307, %parallel_loop3A_308], %parallel_loop3A_306 {strides = array<i32>} : memref<80x64xbf16, #tpu.memory_space<vmem>>, vector<32xbf16>,
        %parallel_loop3A_310 = arith.index_cast %parallel_loop3A_299 : i32 to index
        %parallel_loop3A_311 = arith.constant 32 : index
        %parallel_loop3A_312 = tpu.vector_load %arg15[%parallel_loop3A_310, %parallel_loop3A_311] {strides = array<i32>} : memref<80x64xbf16, #tpu.memory_space<vmem>>, vector<32xbf16>,
        %parallel_loop3A_313 = arith.mulf %parallel_loop3A_312, %parallel_loop3A_302 : vector<32xbf16>
        %parallel_loop3A_314 = arith.index_cast %parallel_loop3A_299 : i32 to index
        %parallel_loop3A_315 = arith.constant 32 : index
        %parallel_loop3A_316 = tpu.vector_load %arg20[%parallel_loop3A_314, %parallel_loop3A_315] {strides = array<i32>} : memref<80x64xbf16, #tpu.memory_space<vmem>>, vector<32xbf16>,
        tpu.vector_store %arg20[%parallel_loop3A_314, %parallel_loop3A_315], %parallel_loop3A_313 {strides = array<i32>} : memref<80x64xbf16, #tpu.memory_space<vmem>>, vector<32xbf16>,
      } {sc.loop_unroll_factor = 4 : i64, sc.parallel_access}
      %dma_start3A_286 = arith.constant 0 : i32
      %dma_start3A_287 = tpu.memref_slice %arg9[%add3A_270, %dma_start3A_286] : memref<250x80xi32, #tpu.memory_space<vmem>> -> memref<1x80xi32, #tpu.memory_space<vmem>>
      %dma_start3A_288 = tpu.memref_squeeze %dma_start3A_287 : memref<1x80xi32, #tpu.memory_space<vmem>> -> memref<80xi32, #tpu.memory_space<vmem>>
      %dma_start3A_289 = arith.constant 0 : i32
      %dma_start3A_290 = arith.constant 0 : i32
      %dma_start3A_291 = tpu.memref_slice %arg24[%dma_start3A_289, %dma_start3A_290] : memref<10000x64xbf16, #tpu.memory_space<vmem_shared>> -> memref<10000x64xbf16, #tpu.memory_space<vmem_shared>>
      tpu.enqueue_indirect_dma source(%arg20 : memref<80x64xbf16, #tpu.memory_space<vmem>>) target(%dma_start3A_291 : memref<10000x64xbf16, #tpu.memory_space<vmem_shared>>) offsets(%dma_start3A_288 : memref<80xi32, #tpu.memory_space<vmem>>) semaphore(%arg34 : memref<!tpu.dma_semaphore, #tpu.memory_space<semaphore_mem>>) {add = true}
      %add3A_292 = arith.constant 4 : i32
      %add3A_293 = arith.addi %add3A_270, %add3A_292 : i32
      %lt3A_294 = arith.constant 49 : i32
      %lt3A_295 = arith.cmpi slt, %scan3A_141, %lt3A_294 : i32
      %convert_element_type3A_296 = arith.extui %lt3A_295 : i1 to i32
      %cond3A_297 = arith.constant 0 : i32
      %cond3A_298 = arith.cmpi ne, %convert_element_type3A_296, %cond3A_297 : i32
      scf.if %cond3A_298 {
        %dma_start3A_299 = arith.constant 0 : i32
        %dma_start3A_300 = tpu.memref_slice %arg8[%add3A_293, %dma_start3A_299] : memref<250x80xi32, #tpu.memory_space<vmem>> -> memref<1x80xi32, #tpu.memory_space<vmem>>
        %dma_start3A_301 = tpu.memref_squeeze %dma_start3A_300 : memref<1x80xi32, #tpu.memory_space<vmem>> -> memref<80xi32, #tpu.memory_space<vmem>>
        %dma_start3A_302 = arith.constant 0 : i32
        %dma_start3A_303 = arith.constant 0 : i32
        %dma_start3A_304 = tpu.memref_slice %arg2[%dma_start3A_302, %dma_start3A_303] : memref<20000x64xbf16, #tpu.memory_space<hbm>> -> memref<20000x64xbf16, #tpu.memory_space<hbm>>
        tpu.enqueue_indirect_dma source(%dma_start3A_304 : memref<20000x64xbf16, #tpu.memory_space<hbm>>) target(%arg14 : memref<80x64xbf16, #tpu.memory_space<vmem>>) offsets(%dma_start3A_301 : memref<80xi32, #tpu.memory_space<vmem>>) semaphore(%arg28 : memref<!tpu.dma_semaphore, #tpu.memory_space<semaphore_mem>>)
      } else {
      }
    }
    %scan3A_58 = arith.constant 50 : i32
    %dma_wait3A = arith.constant 0 : i32
    %dma_wait3A_59 = arith.constant 0 : i32
    %dma_wait3A_60 = tpu.memref_slice %arg9[%dma_wait3A, %dma_wait3A_59] : memref<250x80xi32, #tpu.memory_space<vmem>> -> memref<1x80xi32, #tpu.memory_space<vmem>>
    %dma_wait3A_61 = tpu.memref_squeeze %dma_wait3A_60 : memref<1x80xi32, #tpu.memory_space<vmem>> -> memref<80xi32, #tpu.memory_space<vmem>>
    %dma_wait3A_62 = arith.constant 0 : i32
    %dma_wait3A_63 = arith.constant 0 : i32
    %dma_wait3A_64 = tpu.memref_slice %arg24[%dma_wait3A_62, %dma_wait3A_63] : memref<10000x64xbf16, #tpu.memory_space<vmem_shared>> -> memref<10000x64xbf16, #tpu.memory_space<vmem_shared>>
    tpu.wait_indirect_dma semaphore(%arg30 : memref<!tpu.dma_semaphore, #tpu.memory_space<semaphore_mem>>) src(%arg16 : memref<80x64xbf16, #tpu.memory_space<vmem>>) dst(%dma_wait3A_64 : memref<10000x64xbf16, #tpu.memory_space<vmem_shared>>)
    %dma_wait3A_65 = arith.constant 0 : i32
    %dma_wait3A_66 = arith.constant 0 : i32
    %dma_wait3A_67 = tpu.memref_slice %arg9[%dma_wait3A_65, %dma_wait3A_66] : memref<250x80xi32, #tpu.memory_space<vmem>> -> memref<1x80xi32, #tpu.memory_space<vmem>>
    %dma_wait3A_68 = tpu.memref_squeeze %dma_wait3A_67 : memref<1x80xi32, #tpu.memory_space<vmem>> -> memref<80xi32, #tpu.memory_space<vmem>>
    %dma_wait3A_69 = arith.constant 0 : i32
    %dma_wait3A_70 = arith.constant 0 : i32
    %dma_wait3A_71 = tpu.memref_slice %arg24[%dma_wait3A_69, %dma_wait3A_70] : memref<10000x64xbf16, #tpu.memory_space<vmem_shared>> -> memref<10000x64xbf16, #tpu.memory_space<vmem_shared>>
    tpu.wait_indirect_dma semaphore(%arg31 : memref<!tpu.dma_semaphore, #tpu.memory_space<semaphore_mem>>) src(%arg17 : memref<80x64xbf16, #tpu.memory_space<vmem>>) dst(%dma_wait3A_71 : memref<10000x64xbf16, #tpu.memory_space<vmem_shared>>)
    %dma_wait3A_72 = arith.constant 0 : i32
    %dma_wait3A_73 = arith.constant 0 : i32
    %dma_wait3A_74 = tpu.memref_slice %arg9[%dma_wait3A_72, %dma_wait3A_73] : memref<250x80xi32, #tpu.memory_space<vmem>> -> memref<1x80xi32, #tpu.memory_space<vmem>>
    %dma_wait3A_75 = tpu.memref_squeeze %dma_wait3A_74 : memref<1x80xi32, #tpu.memory_space<vmem>> -> memref<80xi32, #tpu.memory_space<vmem>>
    %dma_wait3A_76 = arith.constant 0 : i32
    %dma_wait3A_77 = arith.constant 0 : i32
    %dma_wait3A_78 = tpu.memref_slice %arg24[%dma_wait3A_76, %dma_wait3A_77] : memref<10000x64xbf16, #tpu.memory_space<vmem_shared>> -> memref<10000x64xbf16, #tpu.memory_space<vmem_shared>>
    tpu.wait_indirect_dma semaphore(%arg32 : memref<!tpu.dma_semaphore, #tpu.memory_space<semaphore_mem>>) src(%arg18 : memref<80x64xbf16, #tpu.memory_space<vmem>>) dst(%dma_wait3A_78 : memref<10000x64xbf16, #tpu.memory_space<vmem_shared>>)
    %dma_wait3A_79 = arith.constant 0 : i32
    %dma_wait3A_80 = arith.constant 0 : i32
    %dma_wait3A_81 = tpu.memref_slice %arg9[%dma_wait3A_79, %dma_wait3A_80] : memref<250x80xi32, #tpu.memory_space<vmem>> -> memref<1x80xi32, #tpu.memory_space<vmem>>
    %dma_wait3A_82 = tpu.memref_squeeze %dma_wait3A_81 : memref<1x80xi32, #tpu.memory_space<vmem>> -> memref<80xi32, #tpu.memory_space<vmem>>
    %dma_wait3A_83 = arith.constant 0 : i32
    %dma_wait3A_84 = arith.constant 0 : i32
    %dma_wait3A_85 = tpu.memref_slice %arg24[%dma_wait3A_83, %dma_wait3A_84] : memref<10000x64xbf16, #tpu.memory_space<vmem_shared>> -> memref<10000x64xbf16, #tpu.memory_space<vmem_shared>>
    tpu.wait_indirect_dma semaphore(%arg33 : memref<!tpu.dma_semaphore, #tpu.memory_space<semaphore_mem>>) src(%arg19 : memref<80x64xbf16, #tpu.memory_space<vmem>>) dst(%dma_wait3A_85 : memref<10000x64xbf16, #tpu.memory_space<vmem_shared>>)
    %dma_wait3A_86 = arith.constant 0 : i32
    %dma_wait3A_87 = arith.constant 0 : i32
    %dma_wait3A_88 = tpu.memref_slice %arg9[%dma_wait3A_86, %dma_wait3A_87] : memref<250x80xi32, #tpu.memory_space<vmem>> -> memref<1x80xi32, #tpu.memory_space<vmem>>
    %dma_wait3A_89 = tpu.memref_squeeze %dma_wait3A_88 : memref<1x80xi32, #tpu.memory_space<vmem>> -> memref<80xi32, #tpu.memory_space<vmem>>
    %dma_wait3A_90 = arith.constant 0 : i32
    %dma_wait3A_91 = arith.constant 0 : i32
    %dma_wait3A_92 = tpu.memref_slice %arg24[%dma_wait3A_90, %dma_wait3A_91] : memref<10000x64xbf16, #tpu.memory_space<vmem_shared>> -> memref<10000x64xbf16, #tpu.memory_space<vmem_shared>>
    tpu.wait_indirect_dma semaphore(%arg34 : memref<!tpu.dma_semaphore, #tpu.memory_space<semaphore_mem>>) src(%arg20 : memref<80x64xbf16, #tpu.memory_space<vmem>>) dst(%dma_wait3A_92 : memref<10000x64xbf16, #tpu.memory_space<vmem_shared>>)
    %barrier3A_93 = arith.constant 0 : index
    tpu.barrier barrier_id(%barrier3A_93)
    %mul3A_94 = arith.constant 64 : i32
    %mul3A_95 = arith.muli %arg0, %mul3A_94 : i32
    "tpu.region"() ({
      %run_scoped3A = tpu.sem_alloc : memref<!tpu.dma_semaphore, #tpu.memory_space<semaphore_mem>>
      %dma_start3A_141 = tpu.memref_slice %arg6[%mul3A_95] : memref<128xf32, #tpu.memory_space<hbm>> -> memref<64xf32, #tpu.memory_space<hbm>>
      %dma_start3A_142 = tpu.memref_slice %arg6[%mul3A_95] : memref<128xf32, #tpu.memory_space<hbm>> -> memref<64xf32, #tpu.memory_space<hbm>>
      tpu.enqueue_dma source(%dma_start3A_142 : memref<64xf32, #tpu.memory_space<hbm>>) target(%arg23 : memref<64xf32, #tpu.memory_space<vmem>>) target_semaphore(%run_scoped3A : memref<!tpu.dma_semaphore, #tpu.memory_space<semaphore_mem>>)
      %dma_wait3A_143 = tpu.memref_slice %arg6[%mul3A_95] : memref<128xf32, #tpu.memory_space<hbm>> -> memref<64xf32, #tpu.memory_space<hbm>>
      %dma_wait3A_144 = tpu.memref_slice %arg6[%mul3A_95] : memref<128xf32, #tpu.memory_space<hbm>> -> memref<64xf32, #tpu.memory_space<hbm>>
      tpu.wait_dma2 semaphore(%run_scoped3A : memref<!tpu.dma_semaphore, #tpu.memory_space<semaphore_mem>>) src(%dma_wait3A_144 : memref<64xf32, #tpu.memory_space<hbm>>) dst(%arg23 : memref<64xf32, #tpu.memory_space<vmem>>)
      tpu.yield
    }) : () -> ()
    %mul3A_96 = arith.constant 625 : i32
    %mul3A_97 = arith.muli %arg1, %mul3A_96 : i32
    %add3A_98 = arith.constant 0 : i32
    %add3A_99 = arith.addi %mul3A_97, %add3A_98 : i32
    "tpu.region"() ({
      %run_scoped3A = tpu.sem_alloc : memref<!tpu.dma_semaphore, #tpu.memory_space<semaphore_mem>>
      %dma_start3A_141 = arith.constant 0 : i32
      %dma_start3A_142 = tpu.memref_slice %arg24[%add3A_99, %dma_start3A_141] : memref<10000x64xbf16, #tpu.memory_space<vmem_shared>> -> memref<125x64xbf16, #tpu.memory_space<vmem_shared>>
      %dma_start3A_143 = arith.constant 0 : i32
      %dma_start3A_144 = tpu.memref_slice %arg24[%add3A_99, %dma_start3A_143] : memref<10000x64xbf16, #tpu.memory_space<vmem_shared>> -> memref<125x64xbf16, #tpu.memory_space<vmem_shared>>
      tpu.enqueue_dma source(%dma_start3A_144 : memref<125x64xbf16, #tpu.memory_space<vmem_shared>>) target(%arg22 : memref<125x64xbf16, #tpu.memory_space<vmem>>) target_semaphore(%run_scoped3A : memref<!tpu.dma_semaphore, #tpu.memory_space<semaphore_mem>>)
      %dma_wait3A_145 = arith.constant 0 : i32
      %dma_wait3A_146 = tpu.memref_slice %arg24[%add3A_99, %dma_wait3A_145] : memref<10000x64xbf16, #tpu.memory_space<vmem_shared>> -> memref<125x64xbf16, #tpu.memory_space<vmem_shared>>
      %dma_wait3A_147 = arith.constant 0 : i32
      %dma_wait3A_148 = tpu.memref_slice %arg24[%add3A_99, %dma_wait3A_147] : memref<10000x64xbf16, #tpu.memory_space<vmem_shared>> -> memref<125x64xbf16, #tpu.memory_space<vmem_shared>>
      tpu.wait_dma2 semaphore(%run_scoped3A : memref<!tpu.dma_semaphore, #tpu.memory_space<semaphore_mem>>) src(%dma_wait3A_148 : memref<125x64xbf16, #tpu.memory_space<vmem_shared>>) dst(%arg22 : memref<125x64xbf16, #tpu.memory_space<vmem>>)
      tpu.yield
    }) : () -> ()
    %parallel_loop3A_100 = arith.constant 0 : i32
    %parallel_loop3A_101 = arith.constant 125 : i32
    %parallel_loop3A_102 = arith.constant 1 : i32
    scf.for %parallel_loop3A_141 = %parallel_loop3A_100 to %parallel_loop3A_101 step %parallel_loop3A_102  : i32 {
      %parallel_loop3A_142 = arith.index_cast %parallel_loop3A_141 : i32 to index
      %parallel_loop3A_143 = arith.constant 0 : index
      %parallel_loop3A_144 = tpu.vector_load %arg22[%parallel_loop3A_142, %parallel_loop3A_143] {strides = array<i32>} : memref<125x64xbf16, #tpu.memory_space<vmem>>, vector<32xbf16>,
      %parallel_loop3A_145 = tpu.unpack_subelements %parallel_loop3A_144, 0 {pack_format = #tpu.pack_format<interleaved>} : vector<32xbf16> -> vector<16xf32>
      %parallel_loop3A_146 = tpu.unpack_subelements %parallel_loop3A_144, 1 {pack_format = #tpu.pack_format<interleaved>} : vector<32xbf16> -> vector<16xf32>
      %parallel_loop3A_147 = arith.constant 0 : index
      %parallel_loop3A_148 = tpu.vector_load %arg23[%parallel_loop3A_147] {strides = array<i32>} : memref<64xf32, #tpu.memory_space<vmem>>, vector<16xf32>,
      %parallel_loop3A_149 = arith.addf %parallel_loop3A_145, %parallel_loop3A_148 : vector<16xf32>
      %parallel_loop3A_150 = arith.constant 0.000000e+00 : f32
      %parallel_loop3A_151 = vector.broadcast %parallel_loop3A_150 : f32 to vector<16xf32>
      %parallel_loop3A_152 = arith.cmpf ogt, %parallel_loop3A_149, %parallel_loop3A_151 : vector<16xf32>
      %parallel_loop3A_153 = math.exp %parallel_loop3A_149 : vector<16xf32>
      %parallel_loop3A_154 = arith.constant 1.000000e+00 : f32
      %parallel_loop3A_155 = vector.broadcast %parallel_loop3A_154 : f32 to vector<16xf32>
      %parallel_loop3A_156 = arith.subf %parallel_loop3A_153, %parallel_loop3A_155 : vector<16xf32>
      %parallel_loop3A_157 = arith.constant 1.67326319 : f32
      %parallel_loop3A_158 = vector.broadcast %parallel_loop3A_157 : f32 to vector<16xf32>
      %parallel_loop3A_159 = arith.mulf %parallel_loop3A_158, %parallel_loop3A_156 : vector<16xf32>
      %parallel_loop3A_160 = arith.select %parallel_loop3A_152, %parallel_loop3A_149, %parallel_loop3A_159 : vector<16xi1>, vector<16xf32>
      %parallel_loop3A_161 = arith.constant 1.05070102 : f32
      %parallel_loop3A_162 = vector.broadcast %parallel_loop3A_161 : f32 to vector<16xf32>
      %parallel_loop3A_163 = arith.mulf %parallel_loop3A_162, %parallel_loop3A_160 : vector<16xf32>
      %parallel_loop3A_164 = arith.index_cast %parallel_loop3A_141 : i32 to index
      %parallel_loop3A_165 = arith.constant 0 : index
      %parallel_loop3A_166 = tpu.vector_load %arg21[%parallel_loop3A_164, %parallel_loop3A_165] {strides = array<i32>} : memref<125x64xf32, #tpu.memory_space<vmem>>, vector<16xf32>,
      tpu.vector_store %arg21[%parallel_loop3A_164, %parallel_loop3A_165], %parallel_loop3A_163 {strides = array<i32>} : memref<125x64xf32, #tpu.memory_space<vmem>>, vector<16xf32>,
      %parallel_loop3A_167 = arith.constant 16 : index
      %parallel_loop3A_168 = tpu.vector_load %arg23[%parallel_loop3A_167] {strides = array<i32>} : memref<64xf32, #tpu.memory_space<vmem>>, vector<16xf32>,
      %parallel_loop3A_169 = arith.addf %parallel_loop3A_146, %parallel_loop3A_168 : vector<16xf32>
      %parallel_loop3A_170 = arith.constant 0.000000e+00 : f32
      %parallel_loop3A_171 = vector.broadcast %parallel_loop3A_170 : f32 to vector<16xf32>
      %parallel_loop3A_172 = arith.cmpf ogt, %parallel_loop3A_169, %parallel_loop3A_171 : vector<16xf32>
      %parallel_loop3A_173 = math.exp %parallel_loop3A_169 : vector<16xf32>
      %parallel_loop3A_174 = arith.constant 1.000000e+00 : f32
      %parallel_loop3A_175 = vector.broadcast %parallel_loop3A_174 : f32 to vector<16xf32>
      %parallel_loop3A_176 = arith.subf %parallel_loop3A_173, %parallel_loop3A_175 : vector<16xf32>
      %parallel_loop3A_177 = arith.constant 1.67326319 : f32
      %parallel_loop3A_178 = vector.broadcast %parallel_loop3A_177 : f32 to vector<16xf32>
      %parallel_loop3A_179 = arith.mulf %parallel_loop3A_178, %parallel_loop3A_176 : vector<16xf32>
      %parallel_loop3A_180 = arith.select %parallel_loop3A_172, %parallel_loop3A_169, %parallel_loop3A_179 : vector<16xi1>, vector<16xf32>
      %parallel_loop3A_181 = arith.constant 1.05070102 : f32
      %parallel_loop3A_182 = vector.broadcast %parallel_loop3A_181 : f32 to vector<16xf32>
      %parallel_loop3A_183 = arith.mulf %parallel_loop3A_182, %parallel_loop3A_180 : vector<16xf32>
      %parallel_loop3A_184 = arith.index_cast %parallel_loop3A_141 : i32 to index
      %parallel_loop3A_185 = arith.constant 16 : index
      %parallel_loop3A_186 = tpu.vector_load %arg21[%parallel_loop3A_184, %parallel_loop3A_185] {strides = array<i32>} : memref<125x64xf32, #tpu.memory_space<vmem>>, vector<16xf32>,
      tpu.vector_store %arg21[%parallel_loop3A_184, %parallel_loop3A_185], %parallel_loop3A_183 {strides = array<i32>} : memref<125x64xf32, #tpu.memory_space<vmem>>, vector<16xf32>,
      %parallel_loop3A_187 = arith.index_cast %parallel_loop3A_141 : i32 to index
      %parallel_loop3A_188 = arith.constant 32 : index
      %parallel_loop3A_189 = tpu.vector_load %arg22[%parallel_loop3A_187, %parallel_loop3A_188] {strides = array<i32>} : memref<125x64xbf16, #tpu.memory_space<vmem>>, vector<32xbf16>,
      %parallel_loop3A_190 = tpu.unpack_subelements %parallel_loop3A_189, 0 {pack_format = #tpu.pack_format<interleaved>} : vector<32xbf16> -> vector<16xf32>
      %parallel_loop3A_191 = tpu.unpack_subelements %parallel_loop3A_189, 1 {pack_format = #tpu.pack_format<interleaved>} : vector<32xbf16> -> vector<16xf32>
      %parallel_loop3A_192 = arith.constant 32 : index
      %parallel_loop3A_193 = tpu.vector_load %arg23[%parallel_loop3A_192] {strides = array<i32>} : memref<64xf32, #tpu.memory_space<vmem>>, vector<16xf32>,
      %parallel_loop3A_194 = arith.addf %parallel_loop3A_190, %parallel_loop3A_193 : vector<16xf32>
      %parallel_loop3A_195 = arith.constant 0.000000e+00 : f32
      %parallel_loop3A_196 = vector.broadcast %parallel_loop3A_195 : f32 to vector<16xf32>
      %parallel_loop3A_197 = arith.cmpf ogt, %parallel_loop3A_194, %parallel_loop3A_196 : vector<16xf32>
      %parallel_loop3A_198 = math.exp %parallel_loop3A_194 : vector<16xf32>
      %parallel_loop3A_199 = arith.constant 1.000000e+00 : f32
      %parallel_loop3A_200 = vector.broadcast %parallel_loop3A_199 : f32 to vector<16xf32>
      %parallel_loop3A_201 = arith.subf %parallel_loop3A_198, %parallel_loop3A_200 : vector<16xf32>
      %parallel_loop3A_202 = arith.constant 1.67326319 : f32
      %parallel_loop3A_203 = vector.broadcast %parallel_loop3A_202 : f32 to vector<16xf32>
      %parallel_loop3A_204 = arith.mulf %parallel_loop3A_203, %parallel_loop3A_201 : vector<16xf32>
      %parallel_loop3A_205 = arith.select %parallel_loop3A_197, %parallel_loop3A_194, %parallel_loop3A_204 : vector<16xi1>, vector<16xf32>
      %parallel_loop3A_206 = arith.constant 1.05070102 : f32
      %parallel_loop3A_207 = vector.broadcast %parallel_loop3A_206 : f32 to vector<16xf32>
      %parallel_loop3A_208 = arith.mulf %parallel_loop3A_207, %parallel_loop3A_205 : vector<16xf32>
      %parallel_loop3A_209 = arith.index_cast %parallel_loop3A_141 : i32 to index
      %parallel_loop3A_210 = arith.constant 32 : index
      %parallel_loop3A_211 = tpu.vector_load %arg21[%parallel_loop3A_209, %parallel_loop3A_210] {strides = array<i32>} : memref<125x64xf32, #tpu.memory_space<vmem>>, vector<16xf32>,
      tpu.vector_store %arg21[%parallel_loop3A_209, %parallel_loop3A_210], %parallel_loop3A_208 {strides = array<i32>} : memref<125x64xf32, #tpu.memory_space<vmem>>, vector<16xf32>,
      %parallel_loop3A_212 = arith.constant 48 : index
      %parallel_loop3A_213 = tpu.vector_load %arg23[%parallel_loop3A_212] {strides = array<i32>} : memref<64xf32, #tpu.memory_space<vmem>>, vector<16xf32>,
      %parallel_loop3A_214 = arith.addf %parallel_loop3A_191, %parallel_loop3A_213 : vector<16xf32>
      %parallel_loop3A_215 = arith.constant 0.000000e+00 : f32
      %parallel_loop3A_216 = vector.broadcast %parallel_loop3A_215 : f32 to vector<16xf32>
      %parallel_loop3A_217 = arith.cmpf ogt, %parallel_loop3A_214, %parallel_loop3A_216 : vector<16xf32>
      %parallel_loop3A_218 = math.exp %parallel_loop3A_214 : vector<16xf32>
      %parallel_loop3A_219 = arith.constant 1.000000e+00 : f32
      %parallel_loop3A_220 = vector.broadcast %parallel_loop3A_219 : f32 to vector<16xf32>
      %parallel_loop3A_221 = arith.subf %parallel_loop3A_218, %parallel_loop3A_220 : vector<16xf32>
      %parallel_loop3A_222 = arith.constant 1.67326319 : f32
      %parallel_loop3A_223 = vector.broadcast %parallel_loop3A_222 : f32 to vector<16xf32>
      %parallel_loop3A_224 = arith.mulf %parallel_loop3A_223, %parallel_loop3A_221 : vector<16xf32>
      %parallel_loop3A_225 = arith.select %parallel_loop3A_217, %parallel_loop3A_214, %parallel_loop3A_224 : vector<16xi1>, vector<16xf32>
      %parallel_loop3A_226 = arith.constant 1.05070102 : f32
      %parallel_loop3A_227 = vector.broadcast %parallel_loop3A_226 : f32 to vector<16xf32>
      %parallel_loop3A_228 = arith.mulf %parallel_loop3A_227, %parallel_loop3A_225 : vector<16xf32>
      %parallel_loop3A_229 = arith.index_cast %parallel_loop3A_141 : i32 to index
      %parallel_loop3A_230 = arith.constant 48 : index
      %parallel_loop3A_231 = tpu.vector_load %arg21[%parallel_loop3A_229, %parallel_loop3A_230] {strides = array<i32>} : memref<125x64xf32, #tpu.memory_space<vmem>>, vector<16xf32>,
      tpu.vector_store %arg21[%parallel_loop3A_229, %parallel_loop3A_230], %parallel_loop3A_228 {strides = array<i32>} : memref<125x64xf32, #tpu.memory_space<vmem>>, vector<16xf32>,
    } {sc.loop_unroll_factor = 1 : i64, sc.parallel_access}
    %mul3A_103 = arith.constant 64 : i32
    %mul3A_104 = arith.muli %arg0, %mul3A_103 : i32
    "tpu.region"() ({
      %run_scoped3A = tpu.sem_alloc : memref<!tpu.dma_semaphore, #tpu.memory_space<semaphore_mem>>
      %dma_start3A_141 = tpu.memref_slice %arg7[%add3A_99, %mul3A_104] : memref<10000x128xf32, #tpu.memory_space<hbm>> -> memref<125x64xf32, #tpu.memory_space<hbm>>
      %dma_start3A_142 = tpu.memref_slice %arg7[%add3A_99, %mul3A_104] : memref<10000x128xf32, #tpu.memory_space<hbm>> -> memref<125x64xf32, #tpu.memory_space<hbm>>
      tpu.enqueue_dma source(%arg21 : memref<125x64xf32, #tpu.memory_space<vmem>>) target(%dma_start3A_142 : memref<125x64xf32, #tpu.memory_space<hbm>>) target_semaphore(%run_scoped3A : memref<!tpu.dma_semaphore, #tpu.memory_space<semaphore_mem>>)
      %dma_wait3A_143 = tpu.memref_slice %arg7[%add3A_99, %mul3A_104] : memref<10000x128xf32, #tpu.memory_space<hbm>> -> memref<125x64xf32, #tpu.memory_space<hbm>>
      %dma_wait3A_144 = tpu.memref_slice %arg7[%add3A_99, %mul3A_104] : memref<10000x128xf32, #tpu.memory_space<hbm>> -> memref<125x64xf32, #tpu.memory_space<hbm>>
      tpu.wait_dma2 semaphore(%run_scoped3A : memref<!tpu.dma_semaphore, #tpu.memory_space<semaphore_mem>>) src(%arg21 : memref<125x64xf32, #tpu.memory_space<vmem>>) dst(%dma_wait3A_144 : memref<125x64xf32, #tpu.memory_space<hbm>>)
      tpu.yield
    }) : () -> ()
    %mul3A_105 = arith.constant 625 : i32
    %mul3A_106 = arith.muli %arg1, %mul3A_105 : i32
    %add3A_107 = arith.constant 125 : i32
    %add3A_108 = arith.addi %mul3A_106, %add3A_107 : i32
    "tpu.region"() ({
      %run_scoped3A = tpu.sem_alloc : memref<!tpu.dma_semaphore, #tpu.memory_space<semaphore_mem>>
      %dma_start3A_141 = arith.constant 0 : i32
      %dma_start3A_142 = tpu.memref_slice %arg24[%add3A_108, %dma_start3A_141] : memref<10000x64xbf16, #tpu.memory_space<vmem_shared>> -> memref<125x64xbf16, #tpu.memory_space<vmem_shared>>
      %dma_start3A_143 = arith.constant 0 : i32
      %dma_start3A_144 = tpu.memref_slice %arg24[%add3A_108, %dma_start3A_143] : memref<10000x64xbf16, #tpu.memory_space<vmem_shared>> -> memref<125x64xbf16, #tpu.memory_space<vmem_shared>>
      tpu.enqueue_dma source(%dma_start3A_144 : memref<125x64xbf16, #tpu.memory_space<vmem_shared>>) target(%arg22 : memref<125x64xbf16, #tpu.memory_space<vmem>>) target_semaphore(%run_scoped3A : memref<!tpu.dma_semaphore, #tpu.memory_space<semaphore_mem>>)
      %dma_wait3A_145 = arith.constant 0 : i32
      %dma_wait3A_146 = tpu.memref_slice %arg24[%add3A_108, %dma_wait3A_145] : memref<10000x64xbf16, #tpu.memory_space<vmem_shared>> -> memref<125x64xbf16, #tpu.memory_space<vmem_shared>>
      %dma_wait3A_147 = arith.constant 0 : i32
      %dma_wait3A_148 = tpu.memref_slice %arg24[%add3A_108, %dma_wait3A_147] : memref<10000x64xbf16, #tpu.memory_space<vmem_shared>> -> memref<125x64xbf16, #tpu.memory_space<vmem_shared>>
      tpu.wait_dma2 semaphore(%run_scoped3A : memref<!tpu.dma_semaphore, #tpu.memory_space<semaphore_mem>>) src(%dma_wait3A_148 : memref<125x64xbf16, #tpu.memory_space<vmem_shared>>) dst(%arg22 : memref<125x64xbf16, #tpu.memory_space<vmem>>)
      tpu.yield
    }) : () -> ()
    %parallel_loop3A_109 = arith.constant 0 : i32
    %parallel_loop3A_110 = arith.constant 125 : i32
    %parallel_loop3A_111 = arith.constant 1 : i32
    scf.for %parallel_loop3A_141 = %parallel_loop3A_109 to %parallel_loop3A_110 step %parallel_loop3A_111  : i32 {
      %parallel_loop3A_142 = arith.index_cast %parallel_loop3A_141 : i32 to index
      %parallel_loop3A_143 = arith.constant 0 : index
      %parallel_loop3A_144 = tpu.vector_load %arg22[%parallel_loop3A_142, %parallel_loop3A_143] {strides = array<i32>} : memref<125x64xbf16, #tpu.memory_space<vmem>>, vector<32xbf16>,
      %parallel_loop3A_145 = tpu.unpack_subelements %parallel_loop3A_144, 0 {pack_format = #tpu.pack_format<interleaved>} : vector<32xbf16> -> vector<16xf32>
      %parallel_loop3A_146 = tpu.unpack_subelements %parallel_loop3A_144, 1 {pack_format = #tpu.pack_format<interleaved>} : vector<32xbf16> -> vector<16xf32>
      %parallel_loop3A_147 = arith.constant 0 : index
      %parallel_loop3A_148 = tpu.vector_load %arg23[%parallel_loop3A_147] {strides = array<i32>} : memref<64xf32, #tpu.memory_space<vmem>>, vector<16xf32>,
      %parallel_loop3A_149 = arith.addf %parallel_loop3A_145, %parallel_loop3A_148 : vector<16xf32>
      %parallel_loop3A_150 = arith.constant 0.000000e+00 : f32
      %parallel_loop3A_151 = vector.broadcast %parallel_loop3A_150 : f32 to vector<16xf32>
      %parallel_loop3A_152 = arith.cmpf ogt, %parallel_loop3A_149, %parallel_loop3A_151 : vector<16xf32>
      %parallel_loop3A_153 = math.exp %parallel_loop3A_149 : vector<16xf32>
      %parallel_loop3A_154 = arith.constant 1.000000e+00 : f32
      %parallel_loop3A_155 = vector.broadcast %parallel_loop3A_154 : f32 to vector<16xf32>
      %parallel_loop3A_156 = arith.subf %parallel_loop3A_153, %parallel_loop3A_155 : vector<16xf32>
      %parallel_loop3A_157 = arith.constant 1.67326319 : f32
      %parallel_loop3A_158 = vector.broadcast %parallel_loop3A_157 : f32 to vector<16xf32>
      %parallel_loop3A_159 = arith.mulf %parallel_loop3A_158, %parallel_loop3A_156 : vector<16xf32>
      %parallel_loop3A_160 = arith.select %parallel_loop3A_152, %parallel_loop3A_149, %parallel_loop3A_159 : vector<16xi1>, vector<16xf32>
      %parallel_loop3A_161 = arith.constant 1.05070102 : f32
      %parallel_loop3A_162 = vector.broadcast %parallel_loop3A_161 : f32 to vector<16xf32>
      %parallel_loop3A_163 = arith.mulf %parallel_loop3A_162, %parallel_loop3A_160 : vector<16xf32>
      %parallel_loop3A_164 = arith.index_cast %parallel_loop3A_141 : i32 to index
      %parallel_loop3A_165 = arith.constant 0 : index
      %parallel_loop3A_166 = tpu.vector_load %arg21[%parallel_loop3A_164, %parallel_loop3A_165] {strides = array<i32>} : memref<125x64xf32, #tpu.memory_space<vmem>>, vector<16xf32>,
      tpu.vector_store %arg21[%parallel_loop3A_164, %parallel_loop3A_165], %parallel_loop3A_163 {strides = array<i32>} : memref<125x64xf32, #tpu.memory_space<vmem>>, vector<16xf32>,
      %parallel_loop3A_167 = arith.constant 16 : index
      %parallel_loop3A_168 = tpu.vector_load %arg23[%parallel_loop3A_167] {strides = array<i32>} : memref<64xf32, #tpu.memory_space<vmem>>, vector<16xf32>,
      %parallel_loop3A_169 = arith.addf %parallel_loop3A_146, %parallel_loop3A_168 : vector<16xf32>
      %parallel_loop3A_170 = arith.constant 0.000000e+00 : f32
      %parallel_loop3A_171 = vector.broadcast %parallel_loop3A_170 : f32 to vector<16xf32>
      %parallel_loop3A_172 = arith.cmpf ogt, %parallel_loop3A_169, %parallel_loop3A_171 : vector<16xf32>
      %parallel_loop3A_173 = math.exp %parallel_loop3A_169 : vector<16xf32>
      %parallel_loop3A_174 = arith.constant 1.000000e+00 : f32
      %parallel_loop3A_175 = vector.broadcast %parallel_loop3A_174 : f32 to vector<16xf32>
      %parallel_loop3A_176 = arith.subf %parallel_loop3A_173, %parallel_loop3A_175 : vector<16xf32>
      %parallel_loop3A_177 = arith.constant 1.67326319 : f32
      %parallel_loop3A_178 = vector.broadcast %parallel_loop3A_177 : f32 to vector<16xf32>
      %parallel_loop3A_179 = arith.mulf %parallel_loop3A_178, %parallel_loop3A_176 : vector<16xf32>
      %parallel_loop3A_180 = arith.select %parallel_loop3A_172, %parallel_loop3A_169, %parallel_loop3A_179 : vector<16xi1>, vector<16xf32>
      %parallel_loop3A_181 = arith.constant 1.05070102 : f32
      %parallel_loop3A_182 = vector.broadcast %parallel_loop3A_181 : f32 to vector<16xf32>
      %parallel_loop3A_183 = arith.mulf %parallel_loop3A_182, %parallel_loop3A_180 : vector<16xf32>
      %parallel_loop3A_184 = arith.index_cast %parallel_loop3A_141 : i32 to index
      %parallel_loop3A_185 = arith.constant 16 : index
      %parallel_loop3A_186 = tpu.vector_load %arg21[%parallel_loop3A_184, %parallel_loop3A_185] {strides = array<i32>} : memref<125x64xf32, #tpu.memory_space<vmem>>, vector<16xf32>,
      tpu.vector_store %arg21[%parallel_loop3A_184, %parallel_loop3A_185], %parallel_loop3A_183 {strides = array<i32>} : memref<125x64xf32, #tpu.memory_space<vmem>>, vector<16xf32>,
      %parallel_loop3A_187 = arith.index_cast %parallel_loop3A_141 : i32 to index
      %parallel_loop3A_188 = arith.constant 32 : index
      %parallel_loop3A_189 = tpu.vector_load %arg22[%parallel_loop3A_187, %parallel_loop3A_188] {strides = array<i32>} : memref<125x64xbf16, #tpu.memory_space<vmem>>, vector<32xbf16>,
      %parallel_loop3A_190 = tpu.unpack_subelements %parallel_loop3A_189, 0 {pack_format = #tpu.pack_format<interleaved>} : vector<32xbf16> -> vector<16xf32>
      %parallel_loop3A_191 = tpu.unpack_subelements %parallel_loop3A_189, 1 {pack_format = #tpu.pack_format<interleaved>} : vector<32xbf16> -> vector<16xf32>
      %parallel_loop3A_192 = arith.constant 32 : index
      %parallel_loop3A_193 = tpu.vector_load %arg23[%parallel_loop3A_192] {strides = array<i32>} : memref<64xf32, #tpu.memory_space<vmem>>, vector<16xf32>,
      %parallel_loop3A_194 = arith.addf %parallel_loop3A_190, %parallel_loop3A_193 : vector<16xf32>
      %parallel_loop3A_195 = arith.constant 0.000000e+00 : f32
      %parallel_loop3A_196 = vector.broadcast %parallel_loop3A_195 : f32 to vector<16xf32>
      %parallel_loop3A_197 = arith.cmpf ogt, %parallel_loop3A_194, %parallel_loop3A_196 : vector<16xf32>
      %parallel_loop3A_198 = math.exp %parallel_loop3A_194 : vector<16xf32>
      %parallel_loop3A_199 = arith.constant 1.000000e+00 : f32
      %parallel_loop3A_200 = vector.broadcast %parallel_loop3A_199 : f32 to vector<16xf32>
      %parallel_loop3A_201 = arith.subf %parallel_loop3A_198, %parallel_loop3A_200 : vector<16xf32>
      %parallel_loop3A_202 = arith.constant 1.67326319 : f32
      %parallel_loop3A_203 = vector.broadcast %parallel_loop3A_202 : f32 to vector<16xf32>
      %parallel_loop3A_204 = arith.mulf %parallel_loop3A_203, %parallel_loop3A_201 : vector<16xf32>
      %parallel_loop3A_205 = arith.select %parallel_loop3A_197, %parallel_loop3A_194, %parallel_loop3A_204 : vector<16xi1>, vector<16xf32>
      %parallel_loop3A_206 = arith.constant 1.05070102 : f32
      %parallel_loop3A_207 = vector.broadcast %parallel_loop3A_206 : f32 to vector<16xf32>
      %parallel_loop3A_208 = arith.mulf %parallel_loop3A_207, %parallel_loop3A_205 : vector<16xf32>
      %parallel_loop3A_209 = arith.index_cast %parallel_loop3A_141 : i32 to index
      %parallel_loop3A_210 = arith.constant 32 : index
      %parallel_loop3A_211 = tpu.vector_load %arg21[%parallel_loop3A_209, %parallel_loop3A_210] {strides = array<i32>} : memref<125x64xf32, #tpu.memory_space<vmem>>, vector<16xf32>,
      tpu.vector_store %arg21[%parallel_loop3A_209, %parallel_loop3A_210], %parallel_loop3A_208 {strides = array<i32>} : memref<125x64xf32, #tpu.memory_space<vmem>>, vector<16xf32>,
      %parallel_loop3A_212 = arith.constant 48 : index
      %parallel_loop3A_213 = tpu.vector_load %arg23[%parallel_loop3A_212] {strides = array<i32>} : memref<64xf32, #tpu.memory_space<vmem>>, vector<16xf32>,
      %parallel_loop3A_214 = arith.addf %parallel_loop3A_191, %parallel_loop3A_213 : vector<16xf32>
      %parallel_loop3A_215 = arith.constant 0.000000e+00 : f32
      %parallel_loop3A_216 = vector.broadcast %parallel_loop3A_215 : f32 to vector<16xf32>
      %parallel_loop3A_217 = arith.cmpf ogt, %parallel_loop3A_214, %parallel_loop3A_216 : vector<16xf32>
      %parallel_loop3A_218 = math.exp %parallel_loop3A_214 : vector<16xf32>
      %parallel_loop3A_219 = arith.constant 1.000000e+00 : f32
      %parallel_loop3A_220 = vector.broadcast %parallel_loop3A_219 : f32 to vector<16xf32>
      %parallel_loop3A_221 = arith.subf %parallel_loop3A_218, %parallel_loop3A_220 : vector<16xf32>
      %parallel_loop3A_222 = arith.constant 1.67326319 : f32
      %parallel_loop3A_223 = vector.broadcast %parallel_loop3A_222 : f32 to vector<16xf32>
      %parallel_loop3A_224 = arith.mulf %parallel_loop3A_223, %parallel_loop3A_221 : vector<16xf32>
      %parallel_loop3A_225 = arith.select %parallel_loop3A_217, %parallel_loop3A_214, %parallel_loop3A_224 : vector<16xi1>, vector<16xf32>
      %parallel_loop3A_226 = arith.constant 1.05070102 : f32
      %parallel_loop3A_227 = vector.broadcast %parallel_loop3A_226 : f32 to vector<16xf32>
      %parallel_loop3A_228 = arith.mulf %parallel_loop3A_227, %parallel_loop3A_225 : vector<16xf32>
      %parallel_loop3A_229 = arith.index_cast %parallel_loop3A_141 : i32 to index
      %parallel_loop3A_230 = arith.constant 48 : index
      %parallel_loop3A_231 = tpu.vector_load %arg21[%parallel_loop3A_229, %parallel_loop3A_230] {strides = array<i32>} : memref<125x64xf32, #tpu.memory_space<vmem>>, vector<16xf32>,
      tpu.vector_store %arg21[%parallel_loop3A_229, %parallel_loop3A_230], %parallel_loop3A_228 {strides = array<i32>} : memref<125x64xf32, #tpu.memory_space<vmem>>, vector<16xf32>,
    } {sc.loop_unroll_factor = 1 : i64, sc.parallel_access}
    %mul3A_112 = arith.constant 64 : i32
    %mul3A_113 = arith.muli %arg0, %mul3A_112 : i32
    "tpu.region"() ({
      %run_scoped3A = tpu.sem_alloc : memref<!tpu.dma_semaphore, #tpu.memory_space<semaphore_mem>>
      %dma_start3A_141 = tpu.memref_slice %arg7[%add3A_108, %mul3A_113] : memref<10000x128xf32, #tpu.memory_space<hbm>> -> memref<125x64xf32, #tpu.memory_space<hbm>>
      %dma_start3A_142 = tpu.memref_slice %arg7[%add3A_108, %mul3A_113] : memref<10000x128xf32, #tpu.memory_space<hbm>> -> memref<125x64xf32, #tpu.memory_space<hbm>>
      tpu.enqueue_dma source(%arg21 : memref<125x64xf32, #tpu.memory_space<vmem>>) target(%dma_start3A_142 : memref<125x64xf32, #tpu.memory_space<hbm>>) target_semaphore(%run_scoped3A : memref<!tpu.dma_semaphore, #tpu.memory_space<semaphore_mem>>)
      %dma_wait3A_143 = tpu.memref_slice %arg7[%add3A_108, %mul3A_113] : memref<10000x128xf32, #tpu.memory_space<hbm>> -> memref<125x64xf32, #tpu.memory_space<hbm>>
      %dma_wait3A_144 = tpu.memref_slice %arg7[%add3A_108, %mul3A_113] : memref<10000x128xf32, #tpu.memory_space<hbm>> -> memref<125x64xf32, #tpu.memory_space<hbm>>
      tpu.wait_dma2 semaphore(%run_scoped3A : memref<!tpu.dma_semaphore, #tpu.memory_space<semaphore_mem>>) src(%arg21 : memref<125x64xf32, #tpu.memory_space<vmem>>) dst(%dma_wait3A_144 : memref<125x64xf32, #tpu.memory_space<hbm>>)
      tpu.yield
    }) : () -> ()
    %mul3A_114 = arith.constant 625 : i32
    %mul3A_115 = arith.muli %arg1, %mul3A_114 : i32
    %add3A_116 = arith.constant 250 : i32
    %add3A_117 = arith.addi %mul3A_115, %add3A_116 : i32
    "tpu.region"() ({
      %run_scoped3A = tpu.sem_alloc : memref<!tpu.dma_semaphore, #tpu.memory_space<semaphore_mem>>
      %dma_start3A_141 = arith.constant 0 : i32
      %dma_start3A_142 = tpu.memref_slice %arg24[%add3A_117, %dma_start3A_141] : memref<10000x64xbf16, #tpu.memory_space<vmem_shared>> -> memref<125x64xbf16, #tpu.memory_space<vmem_shared>>
      %dma_start3A_143 = arith.constant 0 : i32
      %dma_start3A_144 = tpu.memref_slice %arg24[%add3A_117, %dma_start3A_143] : memref<10000x64xbf16, #tpu.memory_space<vmem_shared>> -> memref<125x64xbf16, #tpu.memory_space<vmem_shared>>
      tpu.enqueue_dma source(%dma_start3A_144 : memref<125x64xbf16, #tpu.memory_space<vmem_shared>>) target(%arg22 : memref<125x64xbf16, #tpu.memory_space<vmem>>) target_semaphore(%run_scoped3A : memref<!tpu.dma_semaphore, #tpu.memory_space<semaphore_mem>>)
      %dma_wait3A_145 = arith.constant 0 : i32
      %dma_wait3A_146 = tpu.memref_slice %arg24[%add3A_117, %dma_wait3A_145] : memref<10000x64xbf16, #tpu.memory_space<vmem_shared>> -> memref<125x64xbf16, #tpu.memory_space<vmem_shared>>
      %dma_wait3A_147 = arith.constant 0 : i32
      %dma_wait3A_148 = tpu.memref_slice %arg24[%add3A_117, %dma_wait3A_147] : memref<10000x64xbf16, #tpu.memory_space<vmem_shared>> -> memref<125x64xbf16, #tpu.memory_space<vmem_shared>>
      tpu.wait_dma2 semaphore(%run_scoped3A : memref<!tpu.dma_semaphore, #tpu.memory_space<semaphore_mem>>) src(%dma_wait3A_148 : memref<125x64xbf16, #tpu.memory_space<vmem_shared>>) dst(%arg22 : memref<125x64xbf16, #tpu.memory_space<vmem>>)
      tpu.yield
    }) : () -> ()
    %parallel_loop3A_118 = arith.constant 0 : i32
    %parallel_loop3A_119 = arith.constant 125 : i32
    %parallel_loop3A_120 = arith.constant 1 : i32
    scf.for %parallel_loop3A_141 = %parallel_loop3A_118 to %parallel_loop3A_119 step %parallel_loop3A_120  : i32 {
      %parallel_loop3A_142 = arith.index_cast %parallel_loop3A_141 : i32 to index
      %parallel_loop3A_143 = arith.constant 0 : index
      %parallel_loop3A_144 = tpu.vector_load %arg22[%parallel_loop3A_142, %parallel_loop3A_143] {strides = array<i32>} : memref<125x64xbf16, #tpu.memory_space<vmem>>, vector<32xbf16>,
      %parallel_loop3A_145 = tpu.unpack_subelements %parallel_loop3A_144, 0 {pack_format = #tpu.pack_format<interleaved>} : vector<32xbf16> -> vector<16xf32>
      %parallel_loop3A_146 = tpu.unpack_subelements %parallel_loop3A_144, 1 {pack_format = #tpu.pack_format<interleaved>} : vector<32xbf16> -> vector<16xf32>
      %parallel_loop3A_147 = arith.constant 0 : index
      %parallel_loop3A_148 = tpu.vector_load %arg23[%parallel_loop3A_147] {strides = array<i32>} : memref<64xf32, #tpu.memory_space<vmem>>, vector<16xf32>,
      %parallel_loop3A_149 = arith.addf %parallel_loop3A_145, %parallel_loop3A_148 : vector<16xf32>
      %parallel_loop3A_150 = arith.constant 0.000000e+00 : f32
      %parallel_loop3A_151 = vector.broadcast %parallel_loop3A_150 : f32 to vector<16xf32>
      %parallel_loop3A_152 = arith.cmpf ogt, %parallel_loop3A_149, %parallel_loop3A_151 : vector<16xf32>
      %parallel_loop3A_153 = math.exp %parallel_loop3A_149 : vector<16xf32>
      %parallel_loop3A_154 = arith.constant 1.000000e+00 : f32
      %parallel_loop3A_155 = vector.broadcast %parallel_loop3A_154 : f32 to vector<16xf32>
      %parallel_loop3A_156 = arith.subf %parallel_loop3A_153, %parallel_loop3A_155 : vector<16xf32>
      %parallel_loop3A_157 = arith.constant 1.67326319 : f32
      %parallel_loop3A_158 = vector.broadcast %parallel_loop3A_157 : f32 to vector<16xf32>
      %parallel_loop3A_159 = arith.mulf %parallel_loop3A_158, %parallel_loop3A_156 : vector<16xf32>
      %parallel_loop3A_160 = arith.select %parallel_loop3A_152, %parallel_loop3A_149, %parallel_loop3A_159 : vector<16xi1>, vector<16xf32>
      %parallel_loop3A_161 = arith.constant 1.05070102 : f32
      %parallel_loop3A_162 = vector.broadcast %parallel_loop3A_161 : f32 to vector<16xf32>
      %parallel_loop3A_163 = arith.mulf %parallel_loop3A_162, %parallel_loop3A_160 : vector<16xf32>
      %parallel_loop3A_164 = arith.index_cast %parallel_loop3A_141 : i32 to index
      %parallel_loop3A_165 = arith.constant 0 : index
      %parallel_loop3A_166 = tpu.vector_load %arg21[%parallel_loop3A_164, %parallel_loop3A_165] {strides = array<i32>} : memref<125x64xf32, #tpu.memory_space<vmem>>, vector<16xf32>,
      tpu.vector_store %arg21[%parallel_loop3A_164, %parallel_loop3A_165], %parallel_loop3A_163 {strides = array<i32>} : memref<125x64xf32, #tpu.memory_space<vmem>>, vector<16xf32>,
      %parallel_loop3A_167 = arith.constant 16 : index
      %parallel_loop3A_168 = tpu.vector_load %arg23[%parallel_loop3A_167] {strides = array<i32>} : memref<64xf32, #tpu.memory_space<vmem>>, vector<16xf32>,
      %parallel_loop3A_169 = arith.addf %parallel_loop3A_146, %parallel_loop3A_168 : vector<16xf32>
      %parallel_loop3A_170 = arith.constant 0.000000e+00 : f32
      %parallel_loop3A_171 = vector.broadcast %parallel_loop3A_170 : f32 to vector<16xf32>
      %parallel_loop3A_172 = arith.cmpf ogt, %parallel_loop3A_169, %parallel_loop3A_171 : vector<16xf32>
      %parallel_loop3A_173 = math.exp %parallel_loop3A_169 : vector<16xf32>
      %parallel_loop3A_174 = arith.constant 1.000000e+00 : f32
      %parallel_loop3A_175 = vector.broadcast %parallel_loop3A_174 : f32 to vector<16xf32>
      %parallel_loop3A_176 = arith.subf %parallel_loop3A_173, %parallel_loop3A_175 : vector<16xf32>
      %parallel_loop3A_177 = arith.constant 1.67326319 : f32
      %parallel_loop3A_178 = vector.broadcast %parallel_loop3A_177 : f32 to vector<16xf32>
      %parallel_loop3A_179 = arith.mulf %parallel_loop3A_178, %parallel_loop3A_176 : vector<16xf32>
      %parallel_loop3A_180 = arith.select %parallel_loop3A_172, %parallel_loop3A_169, %parallel_loop3A_179 : vector<16xi1>, vector<16xf32>
      %parallel_loop3A_181 = arith.constant 1.05070102 : f32
      %parallel_loop3A_182 = vector.broadcast %parallel_loop3A_181 : f32 to vector<16xf32>
      %parallel_loop3A_183 = arith.mulf %parallel_loop3A_182, %parallel_loop3A_180 : vector<16xf32>
      %parallel_loop3A_184 = arith.index_cast %parallel_loop3A_141 : i32 to index
      %parallel_loop3A_185 = arith.constant 16 : index
      %parallel_loop3A_186 = tpu.vector_load %arg21[%parallel_loop3A_184, %parallel_loop3A_185] {strides = array<i32>} : memref<125x64xf32, #tpu.memory_space<vmem>>, vector<16xf32>,
      tpu.vector_store %arg21[%parallel_loop3A_184, %parallel_loop3A_185], %parallel_loop3A_183 {strides = array<i32>} : memref<125x64xf32, #tpu.memory_space<vmem>>, vector<16xf32>,
      %parallel_loop3A_187 = arith.index_cast %parallel_loop3A_141 : i32 to index
      %parallel_loop3A_188 = arith.constant 32 : index
      %parallel_loop3A_189 = tpu.vector_load %arg22[%parallel_loop3A_187, %parallel_loop3A_188] {strides = array<i32>} : memref<125x64xbf16, #tpu.memory_space<vmem>>, vector<32xbf16>,
      %parallel_loop3A_190 = tpu.unpack_subelements %parallel_loop3A_189, 0 {pack_format = #tpu.pack_format<interleaved>} : vector<32xbf16> -> vector<16xf32>
      %parallel_loop3A_191 = tpu.unpack_subelements %parallel_loop3A_189, 1 {pack_format = #tpu.pack_format<interleaved>} : vector<32xbf16> -> vector<16xf32>
      %parallel_loop3A_192 = arith.constant 32 : index
      %parallel_loop3A_193 = tpu.vector_load %arg23[%parallel_loop3A_192] {strides = array<i32>} : memref<64xf32, #tpu.memory_space<vmem>>, vector<16xf32>,
      %parallel_loop3A_194 = arith.addf %parallel_loop3A_190, %parallel_loop3A_193 : vector<16xf32>
      %parallel_loop3A_195 = arith.constant 0.000000e+00 : f32
      %parallel_loop3A_196 = vector.broadcast %parallel_loop3A_195 : f32 to vector<16xf32>
      %parallel_loop3A_197 = arith.cmpf ogt, %parallel_loop3A_194, %parallel_loop3A_196 : vector<16xf32>
      %parallel_loop3A_198 = math.exp %parallel_loop3A_194 : vector<16xf32>
      %parallel_loop3A_199 = arith.constant 1.000000e+00 : f32
      %parallel_loop3A_200 = vector.broadcast %parallel_loop3A_199 : f32 to vector<16xf32>
      %parallel_loop3A_201 = arith.subf %parallel_loop3A_198, %parallel_loop3A_200 : vector<16xf32>
      %parallel_loop3A_202 = arith.constant 1.67326319 : f32
      %parallel_loop3A_203 = vector.broadcast %parallel_loop3A_202 : f32 to vector<16xf32>
      %parallel_loop3A_204 = arith.mulf %parallel_loop3A_203, %parallel_loop3A_201 : vector<16xf32>
      %parallel_loop3A_205 = arith.select %parallel_loop3A_197, %parallel_loop3A_194, %parallel_loop3A_204 : vector<16xi1>, vector<16xf32>
      %parallel_loop3A_206 = arith.constant 1.05070102 : f32
      %parallel_loop3A_207 = vector.broadcast %parallel_loop3A_206 : f32 to vector<16xf32>
      %parallel_loop3A_208 = arith.mulf %parallel_loop3A_207, %parallel_loop3A_205 : vector<16xf32>
      %parallel_loop3A_209 = arith.index_cast %parallel_loop3A_141 : i32 to index
      %parallel_loop3A_210 = arith.constant 32 : index
      %parallel_loop3A_211 = tpu.vector_load %arg21[%parallel_loop3A_209, %parallel_loop3A_210] {strides = array<i32>} : memref<125x64xf32, #tpu.memory_space<vmem>>, vector<16xf32>,
      tpu.vector_store %arg21[%parallel_loop3A_209, %parallel_loop3A_210], %parallel_loop3A_208 {strides = array<i32>} : memref<125x64xf32, #tpu.memory_space<vmem>>, vector<16xf32>,
      %parallel_loop3A_212 = arith.constant 48 : index
      %parallel_loop3A_213 = tpu.vector_load %arg23[%parallel_loop3A_212] {strides = array<i32>} : memref<64xf32, #tpu.memory_space<vmem>>, vector<16xf32>,
      %parallel_loop3A_214 = arith.addf %parallel_loop3A_191, %parallel_loop3A_213 : vector<16xf32>
      %parallel_loop3A_215 = arith.constant 0.000000e+00 : f32
      %parallel_loop3A_216 = vector.broadcast %parallel_loop3A_215 : f32 to vector<16xf32>
      %parallel_loop3A_217 = arith.cmpf ogt, %parallel_loop3A_214, %parallel_loop3A_216 : vector<16xf32>
      %parallel_loop3A_218 = math.exp %parallel_loop3A_214 : vector<16xf32>
      %parallel_loop3A_219 = arith.constant 1.000000e+00 : f32
      %parallel_loop3A_220 = vector.broadcast %parallel_loop3A_219 : f32 to vector<16xf32>
      %parallel_loop3A_221 = arith.subf %parallel_loop3A_218, %parallel_loop3A_220 : vector<16xf32>
      %parallel_loop3A_222 = arith.constant 1.67326319 : f32
      %parallel_loop3A_223 = vector.broadcast %parallel_loop3A_222 : f32 to vector<16xf32>
      %parallel_loop3A_224 = arith.mulf %parallel_loop3A_223, %parallel_loop3A_221 : vector<16xf32>
      %parallel_loop3A_225 = arith.select %parallel_loop3A_217, %parallel_loop3A_214, %parallel_loop3A_224 : vector<16xi1>, vector<16xf32>
      %parallel_loop3A_226 = arith.constant 1.05070102 : f32
      %parallel_loop3A_227 = vector.broadcast %parallel_loop3A_226 : f32 to vector<16xf32>
      %parallel_loop3A_228 = arith.mulf %parallel_loop3A_227, %parallel_loop3A_225 : vector<16xf32>
      %parallel_loop3A_229 = arith.index_cast %parallel_loop3A_141 : i32 to index
      %parallel_loop3A_230 = arith.constant 48 : index
      %parallel_loop3A_231 = tpu.vector_load %arg21[%parallel_loop3A_229, %parallel_loop3A_230] {strides = array<i32>} : memref<125x64xf32, #tpu.memory_space<vmem>>, vector<16xf32>,
      tpu.vector_store %arg21[%parallel_loop3A_229, %parallel_loop3A_230], %parallel_loop3A_228 {strides = array<i32>} : memref<125x64xf32, #tpu.memory_space<vmem>>, vector<16xf32>,
    } {sc.loop_unroll_factor = 1 : i64, sc.parallel_access}
    %mul3A_121 = arith.constant 64 : i32
    %mul3A_122 = arith.muli %arg0, %mul3A_121 : i32
    "tpu.region"() ({
      %run_scoped3A = tpu.sem_alloc : memref<!tpu.dma_semaphore, #tpu.memory_space<semaphore_mem>>
      %dma_start3A_141 = tpu.memref_slice %arg7[%add3A_117, %mul3A_122] : memref<10000x128xf32, #tpu.memory_space<hbm>> -> memref<125x64xf32, #tpu.memory_space<hbm>>
      %dma_start3A_142 = tpu.memref_slice %arg7[%add3A_117, %mul3A_122] : memref<10000x128xf32, #tpu.memory_space<hbm>> -> memref<125x64xf32, #tpu.memory_space<hbm>>
      tpu.enqueue_dma source(%arg21 : memref<125x64xf32, #tpu.memory_space<vmem>>) target(%dma_start3A_142 : memref<125x64xf32, #tpu.memory_space<hbm>>) target_semaphore(%run_scoped3A : memref<!tpu.dma_semaphore, #tpu.memory_space<semaphore_mem>>)
      %dma_wait3A_143 = tpu.memref_slice %arg7[%add3A_117, %mul3A_122] : memref<10000x128xf32, #tpu.memory_space<hbm>> -> memref<125x64xf32, #tpu.memory_space<hbm>>
      %dma_wait3A_144 = tpu.memref_slice %arg7[%add3A_117, %mul3A_122] : memref<10000x128xf32, #tpu.memory_space<hbm>> -> memref<125x64xf32, #tpu.memory_space<hbm>>
      tpu.wait_dma2 semaphore(%run_scoped3A : memref<!tpu.dma_semaphore, #tpu.memory_space<semaphore_mem>>) src(%arg21 : memref<125x64xf32, #tpu.memory_space<vmem>>) dst(%dma_wait3A_144 : memref<125x64xf32, #tpu.memory_space<hbm>>)
      tpu.yield
    }) : () -> ()
    %mul3A_123 = arith.constant 625 : i32
    %mul3A_124 = arith.muli %arg1, %mul3A_123 : i32
    %add3A_125 = arith.constant 375 : i32
    %add3A_126 = arith.addi %mul3A_124, %add3A_125 : i32
    "tpu.region"() ({
      %run_scoped3A = tpu.sem_alloc : memref<!tpu.dma_semaphore, #tpu.memory_space<semaphore_mem>>
      %dma_start3A_141 = arith.constant 0 : i32
      %dma_start3A_142 = tpu.memref_slice %arg24[%add3A_126, %dma_start3A_141] : memref<10000x64xbf16, #tpu.memory_space<vmem_shared>> -> memref<125x64xbf16, #tpu.memory_space<vmem_shared>>
      %dma_start3A_143 = arith.constant 0 : i32
      %dma_start3A_144 = tpu.memref_slice %arg24[%add3A_126, %dma_start3A_143] : memref<10000x64xbf16, #tpu.memory_space<vmem_shared>> -> memref<125x64xbf16, #tpu.memory_space<vmem_shared>>
      tpu.enqueue_dma source(%dma_start3A_144 : memref<125x64xbf16, #tpu.memory_space<vmem_shared>>) target(%arg22 : memref<125x64xbf16, #tpu.memory_space<vmem>>) target_semaphore(%run_scoped3A : memref<!tpu.dma_semaphore, #tpu.memory_space<semaphore_mem>>)
      %dma_wait3A_145 = arith.constant 0 : i32
      %dma_wait3A_146 = tpu.memref_slice %arg24[%add3A_126, %dma_wait3A_145] : memref<10000x64xbf16, #tpu.memory_space<vmem_shared>> -> memref<125x64xbf16, #tpu.memory_space<vmem_shared>>
      %dma_wait3A_147 = arith.constant 0 : i32
      %dma_wait3A_148 = tpu.memref_slice %arg24[%add3A_126, %dma_wait3A_147] : memref<10000x64xbf16, #tpu.memory_space<vmem_shared>> -> memref<125x64xbf16, #tpu.memory_space<vmem_shared>>
      tpu.wait_dma2 semaphore(%run_scoped3A : memref<!tpu.dma_semaphore, #tpu.memory_space<semaphore_mem>>) src(%dma_wait3A_148 : memref<125x64xbf16, #tpu.memory_space<vmem_shared>>) dst(%arg22 : memref<125x64xbf16, #tpu.memory_space<vmem>>)
      tpu.yield
    }) : () -> ()
    %parallel_loop3A_127 = arith.constant 0 : i32
    %parallel_loop3A_128 = arith.constant 125 : i32
    %parallel_loop3A_129 = arith.constant 1 : i32
    scf.for %parallel_loop3A_141 = %parallel_loop3A_127 to %parallel_loop3A_128 step %parallel_loop3A_129  : i32 {
      %parallel_loop3A_142 = arith.index_cast %parallel_loop3A_141 : i32 to index
      %parallel_loop3A_143 = arith.constant 0 : index
      %parallel_loop3A_144 = tpu.vector_load %arg22[%parallel_loop3A_142, %parallel_loop3A_143] {strides = array<i32>} : memref<125x64xbf16, #tpu.memory_space<vmem>>, vector<32xbf16>,
      %parallel_loop3A_145 = tpu.unpack_subelements %parallel_loop3A_144, 0 {pack_format = #tpu.pack_format<interleaved>} : vector<32xbf16> -> vector<16xf32>
      %parallel_loop3A_146 = tpu.unpack_subelements %parallel_loop3A_144, 1 {pack_format = #tpu.pack_format<interleaved>} : vector<32xbf16> -> vector<16xf32>
      %parallel_loop3A_147 = arith.constant 0 : index
      %parallel_loop3A_148 = tpu.vector_load %arg23[%parallel_loop3A_147] {strides = array<i32>} : memref<64xf32, #tpu.memory_space<vmem>>, vector<16xf32>,
      %parallel_loop3A_149 = arith.addf %parallel_loop3A_145, %parallel_loop3A_148 : vector<16xf32>
      %parallel_loop3A_150 = arith.constant 0.000000e+00 : f32
      %parallel_loop3A_151 = vector.broadcast %parallel_loop3A_150 : f32 to vector<16xf32>
      %parallel_loop3A_152 = arith.cmpf ogt, %parallel_loop3A_149, %parallel_loop3A_151 : vector<16xf32>
      %parallel_loop3A_153 = math.exp %parallel_loop3A_149 : vector<16xf32>
      %parallel_loop3A_154 = arith.constant 1.000000e+00 : f32
      %parallel_loop3A_155 = vector.broadcast %parallel_loop3A_154 : f32 to vector<16xf32>
      %parallel_loop3A_156 = arith.subf %parallel_loop3A_153, %parallel_loop3A_155 : vector<16xf32>
      %parallel_loop3A_157 = arith.constant 1.67326319 : f32
      %parallel_loop3A_158 = vector.broadcast %parallel_loop3A_157 : f32 to vector<16xf32>
      %parallel_loop3A_159 = arith.mulf %parallel_loop3A_158, %parallel_loop3A_156 : vector<16xf32>
      %parallel_loop3A_160 = arith.select %parallel_loop3A_152, %parallel_loop3A_149, %parallel_loop3A_159 : vector<16xi1>, vector<16xf32>
      %parallel_loop3A_161 = arith.constant 1.05070102 : f32
      %parallel_loop3A_162 = vector.broadcast %parallel_loop3A_161 : f32 to vector<16xf32>
      %parallel_loop3A_163 = arith.mulf %parallel_loop3A_162, %parallel_loop3A_160 : vector<16xf32>
      %parallel_loop3A_164 = arith.index_cast %parallel_loop3A_141 : i32 to index
      %parallel_loop3A_165 = arith.constant 0 : index
      %parallel_loop3A_166 = tpu.vector_load %arg21[%parallel_loop3A_164, %parallel_loop3A_165] {strides = array<i32>} : memref<125x64xf32, #tpu.memory_space<vmem>>, vector<16xf32>,
      tpu.vector_store %arg21[%parallel_loop3A_164, %parallel_loop3A_165], %parallel_loop3A_163 {strides = array<i32>} : memref<125x64xf32, #tpu.memory_space<vmem>>, vector<16xf32>,
      %parallel_loop3A_167 = arith.constant 16 : index
      %parallel_loop3A_168 = tpu.vector_load %arg23[%parallel_loop3A_167] {strides = array<i32>} : memref<64xf32, #tpu.memory_space<vmem>>, vector<16xf32>,
      %parallel_loop3A_169 = arith.addf %parallel_loop3A_146, %parallel_loop3A_168 : vector<16xf32>
      %parallel_loop3A_170 = arith.constant 0.000000e+00 : f32
      %parallel_loop3A_171 = vector.broadcast %parallel_loop3A_170 : f32 to vector<16xf32>
      %parallel_loop3A_172 = arith.cmpf ogt, %parallel_loop3A_169, %parallel_loop3A_171 : vector<16xf32>
      %parallel_loop3A_173 = math.exp %parallel_loop3A_169 : vector<16xf32>
      %parallel_loop3A_174 = arith.constant 1.000000e+00 : f32
      %parallel_loop3A_175 = vector.broadcast %parallel_loop3A_174 : f32 to vector<16xf32>
      %parallel_loop3A_176 = arith.subf %parallel_loop3A_173, %parallel_loop3A_175 : vector<16xf32>
      %parallel_loop3A_177 = arith.constant 1.67326319 : f32
      %parallel_loop3A_178 = vector.broadcast %parallel_loop3A_177 : f32 to vector<16xf32>
      %parallel_loop3A_179 = arith.mulf %parallel_loop3A_178, %parallel_loop3A_176 : vector<16xf32>
      %parallel_loop3A_180 = arith.select %parallel_loop3A_172, %parallel_loop3A_169, %parallel_loop3A_179 : vector<16xi1>, vector<16xf32>
      %parallel_loop3A_181 = arith.constant 1.05070102 : f32
      %parallel_loop3A_182 = vector.broadcast %parallel_loop3A_181 : f32 to vector<16xf32>
      %parallel_loop3A_183 = arith.mulf %parallel_loop3A_182, %parallel_loop3A_180 : vector<16xf32>
      %parallel_loop3A_184 = arith.index_cast %parallel_loop3A_141 : i32 to index
      %parallel_loop3A_185 = arith.constant 16 : index
      %parallel_loop3A_186 = tpu.vector_load %arg21[%parallel_loop3A_184, %parallel_loop3A_185] {strides = array<i32>} : memref<125x64xf32, #tpu.memory_space<vmem>>, vector<16xf32>,
      tpu.vector_store %arg21[%parallel_loop3A_184, %parallel_loop3A_185], %parallel_loop3A_183 {strides = array<i32>} : memref<125x64xf32, #tpu.memory_space<vmem>>, vector<16xf32>,
      %parallel_loop3A_187 = arith.index_cast %parallel_loop3A_141 : i32 to index
      %parallel_loop3A_188 = arith.constant 32 : index
      %parallel_loop3A_189 = tpu.vector_load %arg22[%parallel_loop3A_187, %parallel_loop3A_188] {strides = array<i32>} : memref<125x64xbf16, #tpu.memory_space<vmem>>, vector<32xbf16>,
      %parallel_loop3A_190 = tpu.unpack_subelements %parallel_loop3A_189, 0 {pack_format = #tpu.pack_format<interleaved>} : vector<32xbf16> -> vector<16xf32>
      %parallel_loop3A_191 = tpu.unpack_subelements %parallel_loop3A_189, 1 {pack_format = #tpu.pack_format<interleaved>} : vector<32xbf16> -> vector<16xf32>
      %parallel_loop3A_192 = arith.constant 32 : index
      %parallel_loop3A_193 = tpu.vector_load %arg23[%parallel_loop3A_192] {strides = array<i32>} : memref<64xf32, #tpu.memory_space<vmem>>, vector<16xf32>,
      %parallel_loop3A_194 = arith.addf %parallel_loop3A_190, %parallel_loop3A_193 : vector<16xf32>
      %parallel_loop3A_195 = arith.constant 0.000000e+00 : f32
      %parallel_loop3A_196 = vector.broadcast %parallel_loop3A_195 : f32 to vector<16xf32>
      %parallel_loop3A_197 = arith.cmpf ogt, %parallel_loop3A_194, %parallel_loop3A_196 : vector<16xf32>
      %parallel_loop3A_198 = math.exp %parallel_loop3A_194 : vector<16xf32>
      %parallel_loop3A_199 = arith.constant 1.000000e+00 : f32
      %parallel_loop3A_200 = vector.broadcast %parallel_loop3A_199 : f32 to vector<16xf32>
      %parallel_loop3A_201 = arith.subf %parallel_loop3A_198, %parallel_loop3A_200 : vector<16xf32>
      %parallel_loop3A_202 = arith.constant 1.67326319 : f32
      %parallel_loop3A_203 = vector.broadcast %parallel_loop3A_202 : f32 to vector<16xf32>
      %parallel_loop3A_204 = arith.mulf %parallel_loop3A_203, %parallel_loop3A_201 : vector<16xf32>
      %parallel_loop3A_205 = arith.select %parallel_loop3A_197, %parallel_loop3A_194, %parallel_loop3A_204 : vector<16xi1>, vector<16xf32>
      %parallel_loop3A_206 = arith.constant 1.05070102 : f32
      %parallel_loop3A_207 = vector.broadcast %parallel_loop3A_206 : f32 to vector<16xf32>
      %parallel_loop3A_208 = arith.mulf %parallel_loop3A_207, %parallel_loop3A_205 : vector<16xf32>
      %parallel_loop3A_209 = arith.index_cast %parallel_loop3A_141 : i32 to index
      %parallel_loop3A_210 = arith.constant 32 : index
      %parallel_loop3A_211 = tpu.vector_load %arg21[%parallel_loop3A_209, %parallel_loop3A_210] {strides = array<i32>} : memref<125x64xf32, #tpu.memory_space<vmem>>, vector<16xf32>,
      tpu.vector_store %arg21[%parallel_loop3A_209, %parallel_loop3A_210], %parallel_loop3A_208 {strides = array<i32>} : memref<125x64xf32, #tpu.memory_space<vmem>>, vector<16xf32>,
      %parallel_loop3A_212 = arith.constant 48 : index
      %parallel_loop3A_213 = tpu.vector_load %arg23[%parallel_loop3A_212] {strides = array<i32>} : memref<64xf32, #tpu.memory_space<vmem>>, vector<16xf32>,
      %parallel_loop3A_214 = arith.addf %parallel_loop3A_191, %parallel_loop3A_213 : vector<16xf32>
      %parallel_loop3A_215 = arith.constant 0.000000e+00 : f32
      %parallel_loop3A_216 = vector.broadcast %parallel_loop3A_215 : f32 to vector<16xf32>
      %parallel_loop3A_217 = arith.cmpf ogt, %parallel_loop3A_214, %parallel_loop3A_216 : vector<16xf32>
      %parallel_loop3A_218 = math.exp %parallel_loop3A_214 : vector<16xf32>
      %parallel_loop3A_219 = arith.constant 1.000000e+00 : f32
      %parallel_loop3A_220 = vector.broadcast %parallel_loop3A_219 : f32 to vector<16xf32>
      %parallel_loop3A_221 = arith.subf %parallel_loop3A_218, %parallel_loop3A_220 : vector<16xf32>
      %parallel_loop3A_222 = arith.constant 1.67326319 : f32
      %parallel_loop3A_223 = vector.broadcast %parallel_loop3A_222 : f32 to vector<16xf32>
      %parallel_loop3A_224 = arith.mulf %parallel_loop3A_223, %parallel_loop3A_221 : vector<16xf32>
      %parallel_loop3A_225 = arith.select %parallel_loop3A_217, %parallel_loop3A_214, %parallel_loop3A_224 : vector<16xi1>, vector<16xf32>
      %parallel_loop3A_226 = arith.constant 1.05070102 : f32
      %parallel_loop3A_227 = vector.broadcast %parallel_loop3A_226 : f32 to vector<16xf32>
      %parallel_loop3A_228 = arith.mulf %parallel_loop3A_227, %parallel_loop3A_225 : vector<16xf32>
      %parallel_loop3A_229 = arith.index_cast %parallel_loop3A_141 : i32 to index
      %parallel_loop3A_230 = arith.constant 48 : index
      %parallel_loop3A_231 = tpu.vector_load %arg21[%parallel_loop3A_229, %parallel_loop3A_230] {strides = array<i32>} : memref<125x64xf32, #tpu.memory_space<vmem>>, vector<16xf32>,
      tpu.vector_store %arg21[%parallel_loop3A_229, %parallel_loop3A_230], %parallel_loop3A_228 {strides = array<i32>} : memref<125x64xf32, #tpu.memory_space<vmem>>, vector<16xf32>,
    } {sc.loop_unroll_factor = 1 : i64, sc.parallel_access}
    %mul3A_130 = arith.constant 64 : i32
    %mul3A_131 = arith.muli %arg0, %mul3A_130 : i32
    "tpu.region"() ({
      %run_scoped3A = tpu.sem_alloc : memref<!tpu.dma_semaphore, #tpu.memory_space<semaphore_mem>>
      %dma_start3A_141 = tpu.memref_slice %arg7[%add3A_126, %mul3A_131] : memref<10000x128xf32, #tpu.memory_space<hbm>> -> memref<125x64xf32, #tpu.memory_space<hbm>>
      %dma_start3A_142 = tpu.memref_slice %arg7[%add3A_126, %mul3A_131] : memref<10000x128xf32, #tpu.memory_space<hbm>> -> memref<125x64xf32, #tpu.memory_space<hbm>>
      tpu.enqueue_dma source(%arg21 : memref<125x64xf32, #tpu.memory_space<vmem>>) target(%dma_start3A_142 : memref<125x64xf32, #tpu.memory_space<hbm>>) target_semaphore(%run_scoped3A : memref<!tpu.dma_semaphore, #tpu.memory_space<semaphore_mem>>)
      %dma_wait3A_143 = tpu.memref_slice %arg7[%add3A_126, %mul3A_131] : memref<10000x128xf32, #tpu.memory_space<hbm>> -> memref<125x64xf32, #tpu.memory_space<hbm>>
      %dma_wait3A_144 = tpu.memref_slice %arg7[%add3A_126, %mul3A_131] : memref<10000x128xf32, #tpu.memory_space<hbm>> -> memref<125x64xf32, #tpu.memory_space<hbm>>
      tpu.wait_dma2 semaphore(%run_scoped3A : memref<!tpu.dma_semaphore, #tpu.memory_space<semaphore_mem>>) src(%arg21 : memref<125x64xf32, #tpu.memory_space<vmem>>) dst(%dma_wait3A_144 : memref<125x64xf32, #tpu.memory_space<hbm>>)
      tpu.yield
    }) : () -> ()
    %mul3A_132 = arith.constant 625 : i32
    %mul3A_133 = arith.muli %arg1, %mul3A_132 : i32
    %add3A_134 = arith.constant 500 : i32
    %add3A_135 = arith.addi %mul3A_133, %add3A_134 : i32
    "tpu.region"() ({
      %run_scoped3A = tpu.sem_alloc : memref<!tpu.dma_semaphore, #tpu.memory_space<semaphore_mem>>
      %dma_start3A_141 = arith.constant 0 : i32
      %dma_start3A_142 = tpu.memref_slice %arg24[%add3A_135, %dma_start3A_141] : memref<10000x64xbf16, #tpu.memory_space<vmem_shared>> -> memref<125x64xbf16, #tpu.memory_space<vmem_shared>>
      %dma_start3A_143 = arith.constant 0 : i32
      %dma_start3A_144 = tpu.memref_slice %arg24[%add3A_135, %dma_start3A_143] : memref<10000x64xbf16, #tpu.memory_space<vmem_shared>> -> memref<125x64xbf16, #tpu.memory_space<vmem_shared>>
      tpu.enqueue_dma source(%dma_start3A_144 : memref<125x64xbf16, #tpu.memory_space<vmem_shared>>) target(%arg22 : memref<125x64xbf16, #tpu.memory_space<vmem>>) target_semaphore(%run_scoped3A : memref<!tpu.dma_semaphore, #tpu.memory_space<semaphore_mem>>)
      %dma_wait3A_145 = arith.constant 0 : i32
      %dma_wait3A_146 = tpu.memref_slice %arg24[%add3A_135, %dma_wait3A_145] : memref<10000x64xbf16, #tpu.memory_space<vmem_shared>> -> memref<125x64xbf16, #tpu.memory_space<vmem_shared>>
      %dma_wait3A_147 = arith.constant 0 : i32
      %dma_wait3A_148 = tpu.memref_slice %arg24[%add3A_135, %dma_wait3A_147] : memref<10000x64xbf16, #tpu.memory_space<vmem_shared>> -> memref<125x64xbf16, #tpu.memory_space<vmem_shared>>
      tpu.wait_dma2 semaphore(%run_scoped3A : memref<!tpu.dma_semaphore, #tpu.memory_space<semaphore_mem>>) src(%dma_wait3A_148 : memref<125x64xbf16, #tpu.memory_space<vmem_shared>>) dst(%arg22 : memref<125x64xbf16, #tpu.memory_space<vmem>>)
      tpu.yield
    }) : () -> ()
    %parallel_loop3A_136 = arith.constant 0 : i32
    %parallel_loop3A_137 = arith.constant 125 : i32
    %parallel_loop3A_138 = arith.constant 1 : i32
    scf.for %parallel_loop3A_141 = %parallel_loop3A_136 to %parallel_loop3A_137 step %parallel_loop3A_138  : i32 {
      %parallel_loop3A_142 = arith.index_cast %parallel_loop3A_141 : i32 to index
      %parallel_loop3A_143 = arith.constant 0 : index
      %parallel_loop3A_144 = tpu.vector_load %arg22[%parallel_loop3A_142, %parallel_loop3A_143] {strides = array<i32>} : memref<125x64xbf16, #tpu.memory_space<vmem>>, vector<32xbf16>,
      %parallel_loop3A_145 = tpu.unpack_subelements %parallel_loop3A_144, 0 {pack_format = #tpu.pack_format<interleaved>} : vector<32xbf16> -> vector<16xf32>
      %parallel_loop3A_146 = tpu.unpack_subelements %parallel_loop3A_144, 1 {pack_format = #tpu.pack_format<interleaved>} : vector<32xbf16> -> vector<16xf32>
      %parallel_loop3A_147 = arith.constant 0 : index
      %parallel_loop3A_148 = tpu.vector_load %arg23[%parallel_loop3A_147] {strides = array<i32>} : memref<64xf32, #tpu.memory_space<vmem>>, vector<16xf32>,
      %parallel_loop3A_149 = arith.addf %parallel_loop3A_145, %parallel_loop3A_148 : vector<16xf32>
      %parallel_loop3A_150 = arith.constant 0.000000e+00 : f32
      %parallel_loop3A_151 = vector.broadcast %parallel_loop3A_150 : f32 to vector<16xf32>
      %parallel_loop3A_152 = arith.cmpf ogt, %parallel_loop3A_149, %parallel_loop3A_151 : vector<16xf32>
      %parallel_loop3A_153 = math.exp %parallel_loop3A_149 : vector<16xf32>
      %parallel_loop3A_154 = arith.constant 1.000000e+00 : f32
      %parallel_loop3A_155 = vector.broadcast %parallel_loop3A_154 : f32 to vector<16xf32>
      %parallel_loop3A_156 = arith.subf %parallel_loop3A_153, %parallel_loop3A_155 : vector<16xf32>
      %parallel_loop3A_157 = arith.constant 1.67326319 : f32
      %parallel_loop3A_158 = vector.broadcast %parallel_loop3A_157 : f32 to vector<16xf32>
      %parallel_loop3A_159 = arith.mulf %parallel_loop3A_158, %parallel_loop3A_156 : vector<16xf32>
      %parallel_loop3A_160 = arith.select %parallel_loop3A_152, %parallel_loop3A_149, %parallel_loop3A_159 : vector<16xi1>, vector<16xf32>
      %parallel_loop3A_161 = arith.constant 1.05070102 : f32
      %parallel_loop3A_162 = vector.broadcast %parallel_loop3A_161 : f32 to vector<16xf32>
      %parallel_loop3A_163 = arith.mulf %parallel_loop3A_162, %parallel_loop3A_160 : vector<16xf32>
      %parallel_loop3A_164 = arith.index_cast %parallel_loop3A_141 : i32 to index
      %parallel_loop3A_165 = arith.constant 0 : index
      %parallel_loop3A_166 = tpu.vector_load %arg21[%parallel_loop3A_164, %parallel_loop3A_165] {strides = array<i32>} : memref<125x64xf32, #tpu.memory_space<vmem>>, vector<16xf32>,
      tpu.vector_store %arg21[%parallel_loop3A_164, %parallel_loop3A_165], %parallel_loop3A_163 {strides = array<i32>} : memref<125x64xf32, #tpu.memory_space<vmem>>, vector<16xf32>,
      %parallel_loop3A_167 = arith.constant 16 : index
      %parallel_loop3A_168 = tpu.vector_load %arg23[%parallel_loop3A_167] {strides = array<i32>} : memref<64xf32, #tpu.memory_space<vmem>>, vector<16xf32>,
      %parallel_loop3A_169 = arith.addf %parallel_loop3A_146, %parallel_loop3A_168 : vector<16xf32>
      %parallel_loop3A_170 = arith.constant 0.000000e+00 : f32
      %parallel_loop3A_171 = vector.broadcast %parallel_loop3A_170 : f32 to vector<16xf32>
      %parallel_loop3A_172 = arith.cmpf ogt, %parallel_loop3A_169, %parallel_loop3A_171 : vector<16xf32>
      %parallel_loop3A_173 = math.exp %parallel_loop3A_169 : vector<16xf32>
      %parallel_loop3A_174 = arith.constant 1.000000e+00 : f32
      %parallel_loop3A_175 = vector.broadcast %parallel_loop3A_174 : f32 to vector<16xf32>
      %parallel_loop3A_176 = arith.subf %parallel_loop3A_173, %parallel_loop3A_175 : vector<16xf32>
      %parallel_loop3A_177 = arith.constant 1.67326319 : f32
      %parallel_loop3A_178 = vector.broadcast %parallel_loop3A_177 : f32 to vector<16xf32>
      %parallel_loop3A_179 = arith.mulf %parallel_loop3A_178, %parallel_loop3A_176 : vector<16xf32>
      %parallel_loop3A_180 = arith.select %parallel_loop3A_172, %parallel_loop3A_169, %parallel_loop3A_179 : vector<16xi1>, vector<16xf32>
      %parallel_loop3A_181 = arith.constant 1.05070102 : f32
      %parallel_loop3A_182 = vector.broadcast %parallel_loop3A_181 : f32 to vector<16xf32>
      %parallel_loop3A_183 = arith.mulf %parallel_loop3A_182, %parallel_loop3A_180 : vector<16xf32>
      %parallel_loop3A_184 = arith.index_cast %parallel_loop3A_141 : i32 to index
      %parallel_loop3A_185 = arith.constant 16 : index
      %parallel_loop3A_186 = tpu.vector_load %arg21[%parallel_loop3A_184, %parallel_loop3A_185] {strides = array<i32>} : memref<125x64xf32, #tpu.memory_space<vmem>>, vector<16xf32>,
      tpu.vector_store %arg21[%parallel_loop3A_184, %parallel_loop3A_185], %parallel_loop3A_183 {strides = array<i32>} : memref<125x64xf32, #tpu.memory_space<vmem>>, vector<16xf32>,
      %parallel_loop3A_187 = arith.index_cast %parallel_loop3A_141 : i32 to index
      %parallel_loop3A_188 = arith.constant 32 : index
      %parallel_loop3A_189 = tpu.vector_load %arg22[%parallel_loop3A_187, %parallel_loop3A_188] {strides = array<i32>} : memref<125x64xbf16, #tpu.memory_space<vmem>>, vector<32xbf16>,
      %parallel_loop3A_190 = tpu.unpack_subelements %parallel_loop3A_189, 0 {pack_format = #tpu.pack_format<interleaved>} : vector<32xbf16> -> vector<16xf32>
      %parallel_loop3A_191 = tpu.unpack_subelements %parallel_loop3A_189, 1 {pack_format = #tpu.pack_format<interleaved>} : vector<32xbf16> -> vector<16xf32>
      %parallel_loop3A_192 = arith.constant 32 : index
      %parallel_loop3A_193 = tpu.vector_load %arg23[%parallel_loop3A_192] {strides = array<i32>} : memref<64xf32, #tpu.memory_space<vmem>>, vector<16xf32>,
      %parallel_loop3A_194 = arith.addf %parallel_loop3A_190, %parallel_loop3A_193 : vector<16xf32>
      %parallel_loop3A_195 = arith.constant 0.000000e+00 : f32
      %parallel_loop3A_196 = vector.broadcast %parallel_loop3A_195 : f32 to vector<16xf32>
      %parallel_loop3A_197 = arith.cmpf ogt, %parallel_loop3A_194, %parallel_loop3A_196 : vector<16xf32>
      %parallel_loop3A_198 = math.exp %parallel_loop3A_194 : vector<16xf32>
      %parallel_loop3A_199 = arith.constant 1.000000e+00 : f32
      %parallel_loop3A_200 = vector.broadcast %parallel_loop3A_199 : f32 to vector<16xf32>
      %parallel_loop3A_201 = arith.subf %parallel_loop3A_198, %parallel_loop3A_200 : vector<16xf32>
      %parallel_loop3A_202 = arith.constant 1.67326319 : f32
      %parallel_loop3A_203 = vector.broadcast %parallel_loop3A_202 : f32 to vector<16xf32>
      %parallel_loop3A_204 = arith.mulf %parallel_loop3A_203, %parallel_loop3A_201 : vector<16xf32>
      %parallel_loop3A_205 = arith.select %parallel_loop3A_197, %parallel_loop3A_194, %parallel_loop3A_204 : vector<16xi1>, vector<16xf32>
      %parallel_loop3A_206 = arith.constant 1.05070102 : f32
      %parallel_loop3A_207 = vector.broadcast %parallel_loop3A_206 : f32 to vector<16xf32>
      %parallel_loop3A_208 = arith.mulf %parallel_loop3A_207, %parallel_loop3A_205 : vector<16xf32>
      %parallel_loop3A_209 = arith.index_cast %parallel_loop3A_141 : i32 to index
      %parallel_loop3A_210 = arith.constant 32 : index
      %parallel_loop3A_211 = tpu.vector_load %arg21[%parallel_loop3A_209, %parallel_loop3A_210] {strides = array<i32>} : memref<125x64xf32, #tpu.memory_space<vmem>>, vector<16xf32>,
      tpu.vector_store %arg21[%parallel_loop3A_209, %parallel_loop3A_210], %parallel_loop3A_208 {strides = array<i32>} : memref<125x64xf32, #tpu.memory_space<vmem>>, vector<16xf32>,
      %parallel_loop3A_212 = arith.constant 48 : index
      %parallel_loop3A_213 = tpu.vector_load %arg23[%parallel_loop3A_212] {strides = array<i32>} : memref<64xf32, #tpu.memory_space<vmem>>, vector<16xf32>,
      %parallel_loop3A_214 = arith.addf %parallel_loop3A_191, %parallel_loop3A_213 : vector<16xf32>
      %parallel_loop3A_215 = arith.constant 0.000000e+00 : f32
      %parallel_loop3A_216 = vector.broadcast %parallel_loop3A_215 : f32 to vector<16xf32>
      %parallel_loop3A_217 = arith.cmpf ogt, %parallel_loop3A_214, %parallel_loop3A_216 : vector<16xf32>
      %parallel_loop3A_218 = math.exp %parallel_loop3A_214 : vector<16xf32>
      %parallel_loop3A_219 = arith.constant 1.000000e+00 : f32
      %parallel_loop3A_220 = vector.broadcast %parallel_loop3A_219 : f32 to vector<16xf32>
      %parallel_loop3A_221 = arith.subf %parallel_loop3A_218, %parallel_loop3A_220 : vector<16xf32>
      %parallel_loop3A_222 = arith.constant 1.67326319 : f32
      %parallel_loop3A_223 = vector.broadcast %parallel_loop3A_222 : f32 to vector<16xf32>
      %parallel_loop3A_224 = arith.mulf %parallel_loop3A_223, %parallel_loop3A_221 : vector<16xf32>
      %parallel_loop3A_225 = arith.select %parallel_loop3A_217, %parallel_loop3A_214, %parallel_loop3A_224 : vector<16xi1>, vector<16xf32>
      %parallel_loop3A_226 = arith.constant 1.05070102 : f32
      %parallel_loop3A_227 = vector.broadcast %parallel_loop3A_226 : f32 to vector<16xf32>
      %parallel_loop3A_228 = arith.mulf %parallel_loop3A_227, %parallel_loop3A_225 : vector<16xf32>
      %parallel_loop3A_229 = arith.index_cast %parallel_loop3A_141 : i32 to index
      %parallel_loop3A_230 = arith.constant 48 : index
      %parallel_loop3A_231 = tpu.vector_load %arg21[%parallel_loop3A_229, %parallel_loop3A_230] {strides = array<i32>} : memref<125x64xf32, #tpu.memory_space<vmem>>, vector<16xf32>,
      tpu.vector_store %arg21[%parallel_loop3A_229, %parallel_loop3A_230], %parallel_loop3A_228 {strides = array<i32>} : memref<125x64xf32, #tpu.memory_space<vmem>>, vector<16xf32>,
    } {sc.loop_unroll_factor = 1 : i64, sc.parallel_access}
    %mul3A_139 = arith.constant 64 : i32
    %mul3A_140 = arith.muli %arg0, %mul3A_139 : i32
    "tpu.region"() ({
      %run_scoped3A = tpu.sem_alloc : memref<!tpu.dma_semaphore, #tpu.memory_space<semaphore_mem>>
      %dma_start3A_141 = tpu.memref_slice %arg7[%add3A_135, %mul3A_140] : memref<10000x128xf32, #tpu.memory_space<hbm>> -> memref<125x64xf32, #tpu.memory_space<hbm>>
      %dma_start3A_142 = tpu.memref_slice %arg7[%add3A_135, %mul3A_140] : memref<10000x128xf32, #tpu.memory_space<hbm>> -> memref<125x64xf32, #tpu.memory_space<hbm>>
      tpu.enqueue_dma source(%arg21 : memref<125x64xf32, #tpu.memory_space<vmem>>) target(%dma_start3A_142 : memref<125x64xf32, #tpu.memory_space<hbm>>) target_semaphore(%run_scoped3A : memref<!tpu.dma_semaphore, #tpu.memory_space<semaphore_mem>>)
      %dma_wait3A_143 = tpu.memref_slice %arg7[%add3A_135, %mul3A_140] : memref<10000x128xf32, #tpu.memory_space<hbm>> -> memref<125x64xf32, #tpu.memory_space<hbm>>
      %dma_wait3A_144 = tpu.memref_slice %arg7[%add3A_135, %mul3A_140] : memref<10000x128xf32, #tpu.memory_space<hbm>> -> memref<125x64xf32, #tpu.memory_space<hbm>>
      tpu.wait_dma2 semaphore(%run_scoped3A : memref<!tpu.dma_semaphore, #tpu.memory_space<semaphore_mem>>) src(%arg21 : memref<125x64xf32, #tpu.memory_space<vmem>>) dst(%dma_wait3A_144 : memref<125x64xf32, #tpu.memory_space<hbm>>)
      tpu.yield
    }) : () -> ()
    return
  }
}

module attributes {stable_mosaic.version = 14 : i64} {
  func.func @_matmul_body(%arg0: i32, %arg1: memref<1000x128xf32, #tpu.memory_space<vmem>>, %arg2: memref<128x128xf32, #tpu.memory_space<vmem>>, %arg3: memref<1x128xf32, #tpu.memory_space<vmem>>, %arg4: memref<1000x128xbf16, #tpu.memory_space<vmem>>) attributes {dimension_semantics = [#tpu.dimension_semantics<arbitrary>], iteration_bounds = array<i64: 10>, scalar_prefetch = 0 : i64, scratch_operands = 0 : i64, tpu.core_type = #tpu.core_type<tc>, window_params = [{transform_indices = @transform_0, window_bounds = array<i64: 1000, 128>}, {pipeline_mode = #tpu.pipeline_mode<synchronous>, transform_indices = @transform_1, window_bounds = array<i64: 128, 128>}, {pipeline_mode = #tpu.pipeline_mode<synchronous>, transform_indices = @transform_2, window_bounds = array<i64: 1, 128>}, {transform_indices = @transform_3, window_bounds = array<i64: 1000, 128>}]} {
    %get3A = arith.constant 0 : index
    %get3A_0 = arith.constant 0 : index
    %get3A_1 = vector.load %arg1[%get3A, %get3A_0] : memref<1000x128xf32, #tpu.memory_space<vmem>>, vector<1000x128xf32>
    %get3A_2 = arith.constant 0 : index
    %get3A_3 = arith.constant 0 : index
    %get3A_4 = vector.load %arg2[%get3A_2, %get3A_3] : memref<128x128xf32, #tpu.memory_space<vmem>>, vector<128x128xf32>
    %dot_general3A = arith.constant dense<0.000000e+00> : vector<1000x128xf32>
    %dot_general3A_5 = tpu.matmul %get3A_1, %get3A_4, %dot_general3A {dimension_numbers = #tpu.dot_dimension_numbers<[1], [0], [0], [1], [0, 0, 1, 1], [], []>, transpose_lhs_hint = false} : vector<1000x128xf32>, vector<128x128xf32>, vector<1000x128xf32> -> vector<1000x128xf32>
    %get3A_6 = arith.constant 0 : index
    %get3A_7 = arith.constant 0 : index
    %get3A_8 = vector.load %arg3[%get3A_6, %get3A_7] : memref<1x128xf32, #tpu.memory_space<vmem>>, vector<1x128xf32>
    %add3A = vector.broadcast %get3A_8 : vector<1x128xf32> to vector<1000x128xf32>
    %add3A_9 = arith.addf %dot_general3A_5, %add3A : vector<1000x128xf32>
    %convert_element_type3A = arith.truncf %add3A_9 : vector<1000x128xf32> to vector<1000x128xbf16>
    %swap3A = arith.constant 0 : index
    %swap3A_10 = arith.constant 0 : index
    %swap3A_11 = vector.load %arg4[%swap3A, %swap3A_10] : memref<1000x128xbf16, #tpu.memory_space<vmem>>, vector<1000x128xbf16>
    tpu.vector_store %arg4[%swap3A, %swap3A_10], %convert_element_type3A {strides = array<i32>} : memref<1000x128xbf16, #tpu.memory_space<vmem>>, vector<1000x128xbf16>,
    return
  }
  func.func @transform_0(%arg0: i32) -> (i32, i32) {
    %c0_i32 = arith.constant 0 : i32
    %c0_i32_0 = arith.constant 0 : i32
    return %arg0, %c0_i32 : i32, i32
  }
  func.func @transform_1(%arg0: i32) -> (i32, i32) {
    %c0_i32 = arith.constant 0 : i32
    %c0_i32_0 = arith.constant 0 : i32
    %c0_i32_1 = arith.constant 0 : i32
    return %c0_i32, %c0_i32_0 : i32, i32
  }
  func.func @transform_2(%arg0: i32) -> (i32, i32) {
    %c0_i32 = arith.constant 0 : i32
    %c0_i32_0 = arith.constant 0 : i32
    %c0_i32_1 = arith.constant 0 : i32
    return %c0_i32, %c0_i32_0 : i32, i32
  }
  func.func @transform_3(%arg0: i32) -> (i32, i32) {
    %c0_i32 = arith.constant 0 : i32
    %c0_i32_0 = arith.constant 0 : i32
    return %arg0, %c0_i32 : i32, i32
  }
}

</mosaic_0001>

<sc_bundles>
// kernel: kernel.5.cloned.1.call-start
scs
__scs_entry_jumppad:
0x0: {  	(pc) =	sbr.rel $0x88, $3  }
0x1: {  	(tag) =	ssettag $0x0;
	lr =	simm.s32 $0x1  }
0x2: {  	[smem:$0x3F9B] =	sst lr;
	_ =	strace $0xD0000000  }
0x3: {  	_ = 	snop  }
0x4: {  	_ = 	snop  }
0x5: {  	_ = 	snop  }
0x6: {  	_ = 	snop  }
0x7: {  	_ = 	snop  }
__scs_overlays_trampoline_lowered:
0x8: {  	[smem:$0x3FAA] =	sst s0  }
0x9: {  	[smem:$0x3FAB] =	sst s1  }
0xa: {  	[smem:$0x3FAC] =	sst s2  }
0xb: {  	[smem:$0x3FAD] =	sst s3  }
0xc: {  	[smem:$0x3FAE] =	sst s4  }
0xd: {  	[smem:$0x3FAF] =	sst s5  }
0xe: {  	[smem:$0x3FB0] =	sst s6  }
0xf: {  	[smem:$0x3FB1] =	sst s7  }
0x10: {  	[smem:$0x3FB2] =	sst s8  }
0x11: {  	[smem:$0x3FB3] =	sst s9;
	s0 =	simm.s32 @!p0 $0x0  }
0x12: {  	s1 =	sld [smem:$0x3F99];
	s0 =	simm.s32 @p0 $0x1  }
0x13: {  	[smem:$0x3FB4] =	sst s0;
	s0 =	simm.s32 @!p1 $0x0  }
0x14: {  	s2 =	sld [smem:$0x3F98];
	s0 =	simm.s32 @p1 $0x1  }
0x15: {  	[smem:$0x3FB5] =	sst s0;
	s0 =	simm.s32 @!p2 $0x0  }
0x16: {  	s3 =	sld [smem:$0x3FDB];
	s0 =	simm.s32 @p2 $0x1  }
0x17: {  	s4 =	simm.s32 $0x1BF5;
	[smem:$0x3FB7] =	sst s0  }
0x18: {  	s0 =	sld [smem:$0x3F9A];
	_ =	swait.ge [sflag:s4], $0x0  }
0x19: {  	s7 =	sld [smem:$0x3F9B]  }
0x1a: {  	s8 =	sadd.s32 $0xFFFFE003, lr  }
0x1b: {  	s9 =	sadd.s32 $0xFFFFFEF7, lr;
	s5 =	simm.s32 $0xFFFFFFFF;
	p2 =	slt.u32 s8, $0xFFFFF086  }
0x1c: {  	p1 =	slt.u32 s9, $0xF7A;
	s5 =	simm.s32 @!p2 $0x0  }
0x1d: {  	s5 =	simm.s32 @p1 $0x1;
	p0 =	seq.s32 s7, s2  }
0x1e: {  	s7 =	smul.u32 @!p0 $0xF7A, s2;
	p2 =	seq.s32 @!p0 s5, $0x0  }
0x1f: {  	s9 =	smul.u32 $0xF7A, s1;
	s8 =	simm.s32 @!p0 $0x1BF5;
	p2 =	por !p2, p0  }
0x20: {  	[sflag:s8] =	ssyncset.s32 @!p0 $0xFFFFF086;
	s6 =	sadd.s32 @!p0 s3, s7;
	s7 =	simm.s32 @!p0 $0x108  }
0x21: {  	s3 =	sadd.s32 s3, s9;
	s6 =	sadd.s32 @!p0 $0x88, s6;
	s7 =	simm.s32 @p2 $0x1082  }
0x22: {  	[simem:s7], [sflag:s8] =	dma.local @!p0 [hbm:s6], $0xF7A  }
0x23: {  	s9 =	sor.u32 $0xD0000000, s2;
	s6 =	simm.s32 $0x108;
	_ =	swait.ge @!p0 [sflag:s8], $0x0  }
0x24: {  	s3 =	sadd.s32 $0x88, s3;
	s6 =	simm.s32 @!p1 $0x1082;
	[sflag:s4] =	ssyncset.s32 $0xFFFFF086  }
0x25: {  	[simem:s6], [sflag:s4] =	dma.local [hbm:s3], $0xF7A  }
0x26: {  	[smem:$0x3F9B] =	sst s1;
	(tag) =	ssettag s2;
	_ =	strace s9  }
0x27: {  	s1 =	sld [smem:$0x3FAB]  }
0x28: {  	s2 =	sld [smem:$0x3FAC]  }
0x29: {  	s4 =	sld [smem:$0x3FAE]  }
0x2a: {  	p0 =	seq.s32 s5, $0x0;
	s5 =	sld [smem:$0x3FAF]  }
0x2b: {  	s6 =	sld [smem:$0x3FB0]  }
0x2c: {  	s7 =	sld [smem:$0x3FB1]  }
0x2d: {  	s3 =	simm.s32 $0x108;
	s8 =	sld [smem:$0x3FB2]  }
0x2e: {  	s3 =	simm.s32 @!p0 $0x1082;
	s9 =	sld [smem:$0x3FB3]  }
0x2f: {  	lr =	sadd.s32 s0, s3;
	s0 =	sld [smem:$0x3FAA]  }
0x30: {  	s3 =	sld [smem:$0x3FAD]  }
0x31: {  	[smem:$0x3FB6] =	sst s10  }
0x32: {  	s10 =	sld [smem:$0x3FB4];
	_ =	sdelay $0x3  }
0x33: {  	p0 =	seq.s32 s10, $0x1;
	s10 =	sld [smem:$0x3FB6];
	_ =	sdelay $0x3  }
0x34: {  	[smem:$0x3FB6] =	sst s10  }
0x35: {  	s10 =	sld [smem:$0x3FB5];
	_ =	sdelay $0x3  }
0x36: {  	p1 =	seq.s32 s10, $0x1;
	s10 =	sld [smem:$0x3FB6];
	_ =	sdelay $0x3  }
0x37: {  	[smem:$0x3FB6] =	sst s10  }
0x38: {  	s10 =	sld [smem:$0x3FB7]  }
0x39: {  	_ = 	snop;
	(pc) =	sbr.ind lr, $3  }
0x3a: {  	_ = 	snop  }
0x3b: {  	_ = 	snop  }
0x3c: {  	p2 =	seq.s32 s10, $0x1;
	s10 =	sld [smem:$0x3FB6]  }
0x3d: {  	_ =	shalt  }
0x3e: {  	_ =	shalt  }
0x3f: {  	_ =	shalt  }
0x40: {  	_ =	shalt  }
0x41: {  	_ =	shalt  }
0x42: {  	_ =	shalt  }
0x43: {  	_ =	shalt  }
0x44: {  	_ =	shalt  }
0x45: {  	_ =	shalt  }
0x46: {  	_ =	shalt  }
0x47: {  	_ =	shalt  }
0x48: {  	_ =	shalt  }
0x49: {  	_ =	shalt  }
0x4a: {  	_ =	shalt  }
0x4b: {  	_ =	shalt  }
0x4c: {  	_ =	shalt  }
0x4d: {  	_ =	shalt  }
0x4e: {  	_ =	shalt  }
0x4f: {  	_ =	shalt  }
0x50: {  	_ =	shalt  }
0x51: {  	_ =	shalt  }
0x52: {  	_ =	shalt  }
0x53: {  	_ =	shalt  }
0x54: {  	_ =	shalt  }
0x55: {  	_ =	shalt  }
0x56: {  	_ =	shalt  }
0x57: {  	_ =	shalt  }
0x58: {  	_ =	shalt  }
0x59: {  	_ =	shalt  }
0x5a: {  	_ =	shalt  }
0x5b: {  	_ =	shalt  }
0x5c: {  	_ =	shalt  }
0x5d: {  	_ =	shalt  }
0x5e: {  	_ =	shalt  }
0x5f: {  	_ =	shalt  }
0x60: {  	_ =	shalt  }
0x61: {  	_ =	shalt  }
0x62: {  	_ =	shalt  }
0x63: {  	_ =	shalt  }
0x64: {  	_ =	shalt  }
0x65: {  	_ =	shalt  }
0x66: {  	_ =	shalt  }
0x67: {  	_ =	shalt  }
0x68: {  	_ =	shalt  }
0x69: {  	_ =	shalt  }
0x6a: {  	_ =	shalt  }
0x6b: {  	_ =	shalt  }
0x6c: {  	_ =	shalt  }
0x6d: {  	_ =	shalt  }
0x6e: {  	_ =	shalt  }
0x6f: {  	_ =	shalt  }
0x70: {  	_ =	shalt  }
0x71: {  	_ =	shalt  }
0x72: {  	_ =	shalt  }
0x73: {  	_ =	shalt  }
0x74: {  	_ =	shalt  }
0x75: {  	_ =	shalt  }
0x76: {  	_ =	shalt  }
0x77: {  	_ =	shalt  }
0x78: {  	_ =	shalt  }
0x79: {  	_ =	shalt  }
0x7a: {  	_ =	shalt  }
0x7b: {  	_ =	shalt  }
0x7c: {  	_ =	shalt  }
0x7d: {  	_ =	shalt  }
0x7e: {  	_ =	shalt  }
0x7f: {  	_ =	shalt  }
0x80: {  	_ =	shalt  }
0x81: {  	_ =	shalt  }
0x82: {  	_ =	shalt  }
0x83: {  	_ =	shalt  }
0x84: {  	_ =	shalt  }
0x85: {  	_ =	shalt  }
0x86: {  	_ =	shalt  }
0x87: {  	_ =	shalt  }
.Lfunc_end0:
.L_simem_size_0:
called_computation_lowered:
.L_overlay_start_0:
0x88: {  	s2 =	sld [smem:$0x3FD9]  }
0x89: {  	s3 =	sld [smem:$0x3FFE];
	_ =	sdelay $0x1  }
0x8a: {  	s1 =	srdreg.scid  }
0x8b: {  	s0 =	sand.u32 $0x1, s1  }
0x8c: {  	s17 =	sshll.u32 s0, $0xA;
	s2 =	sadd.s32 s3, s2  }
0x8d: {  	s2 =	sadd.s32 s2, s17  }
0x8e: {  	[smem:$0x3FC2] =	sst s2  }
0x8f: {  	_ = 	snop  }
0x90: {  	s2 =	sld [smem:$0x3FC7]  }
0x91: {  	s18 =	sld [smem:$0x3FC4]  }
0x92: {  	s4 =	sld [smem:$0x3FD0];
	(tm) =	ssettm $0x1  }
0x93: {  	s5 =	sld [smem:$0x3FFB];
	_ =	sdelay $0x3  }
0x94: {  	_ =	strace s5  }
0x95: {  	s5 =	sld [smem:$0x3FFC];
	_ =	sdelay $0x3  }
0x96: {  	_ =	strace s5  }
0x97: {  	s5 =	sld [smem:$0x3FFD];
	_ =	sdelay $0x3  }
0x98: {  	_ =	strace s5  }
0x99: {  	_ =	strace $0x8FFFFFFF  }
0x9a: {  	s19 =	sld [smem:$0x3FDB];
	_ =	sdelay $0x1  }
0x9b: {  	s6 =	simm.s32 $_scs_section_size  }
0x9c: {  	s7 =	simm.s32 $_size__tile_overlayer_lowered;
	s8 =	simm.s32 $_tile_overlayer_lowered  }
0x9d: {  	s22 =	simm.s32 $0x1BFF;
	s21 =	sshll.u32 s8, $0x1;
	s5 =	sadd.s32 s6, s19  }
0x9e: {  	s9 =	simm.s32 $0x0;
	s20 =	sshll.u32 s7, $0x1;
	s7 =	sadd.s32 s21, s5  }
0x9f: {  	[timem:s9], [sflag:s22] =	dma.local [hbm:s7], s20  }
0xa0: {  	_ =	swait.ge [sflag:s22], s20  }
0xa1: {  	s6 =	ssub.s32 $0x0, s20;
	[sflag:s22] =	ssyncset.done $0x0  }
0xa2: {  	[sflag:s22] =	ssyncadd.s32 s6;
	_ =	sdelay $0x1  }
0xa3: {  	s23 =	simm.s32 $0x1B8B  }
0xa4: {  	_ =	swait.ge [sflag:s23], $0x1  }
0xa5: {  	[sflag:s23] =	ssyncset.done $0x0  }
0xa6: {  	s25 =	simm.s32 $0x1B8E;
	s24 =	sld [smem:$0x3FFE];
	[sflag:s23] =	ssyncadd.s32 $0xFFFFFFFF  }
0xa7: {  	s26 =	simm.s32 $execute0_lowered;
	[smem:$0x3FD2] =	sst s25  }
0xa8: {  	s7 =	sshll.u32 s26, $0x1;
	_ =	strace $0x80000046;
	[dreg:$0x1] =	wrdreg $0xFFFFFFFF  }
0xa9: {  	s28 =	simm.s32 $_size_execute0_lowered;
	s5 =	sadd.s32 s5, s7;
	[dreg:$0x0] =	wrdreg $0x0  }
0xaa: {  	s7 =	sshll.u32 s28, $0x1;
	[dreg:$0x2] =	wrdreg s5  }
0xab: {  	[dreg:$0x3] =	wrdreg s7  }
0xac: {  	[dreg:$0x4] =	wrdreg $0xC0  }
0xad: {  	_ =	task [dreg:s9], $0x5FFFF  }
0xae: {  	[dreg:$0x1] =	wrdreg $0xFFFFFFFF  }
0xaf: {  	[dreg:$0x0] =	wrdreg $0x60  }
0xb0: {  	[dreg:$0x2] =	wrdreg s24  }
0xb1: {  	[dreg:$0x3] =	wrdreg s2  }
0xb2: {  	[dreg:$0x4] =	wrdreg s18  }
0xb3: {  	[dreg:$0x5] =	wrdreg s4  }
0xb4: {  	[dreg:$0x6] =	wrdreg $0x17D800  }
0xb5: {  	[dreg:$0x7] =	wrdreg $0x9  }
0xb6: {  	_ =	task.clear_ibuf [dreg:s9], $0x8FFFF;
	_ =	strace $0x90000046  }
0xb7: {  	s29 =	simm.s32 $0x9;
	_ =	strace $0x80000048  }
0xb8: {  	_ =	swait.ge [sflag:s29], $0x1  }
0xb9: {  	[sflag:s29] =	ssyncadd.s32 $0xFFFFFFFF  }
0xba: {  	_ =	strace $0x90000048  }
0xbb: {  	_ =	sfence  }
0xbc: {  	s30 =	sld [smem:$0x0];
	_ =	sdelay $0x2  }
0xbd: {  	s31 =	sshll.u32 s1, $0xD;
	s1 =	sshrl.u32 s1, $0x2  }
0xbe: {  	s3 =	sand.u32 $0x4000, s31;
	s1 =	sadd.s32 s1, s30  }
0xbf: {  	s0 =	sor.u32 s3, s0;
	s1 =	sshll.u32 s1, $0x11  }
0xc0: {  	s0 =	sor.u32 s1, s0  }
0xc1: {  	s0 =	sadd.s32 $0x8F2B, s0  }
0xc2: {  	[sflag:s0] =	ssyncadd.remote.s32 $0x1  }
0xc3: {  	_ =	sfence.sel $0xFFFF  }
0xc4: {  	[dreg:$0x0] =	wrdreg $0xFFFFFFFF;
	(pc) =	sbr.abs _section_cstart, $3  }
0xc5: {  	[dreg:$0x1] =	wrdreg $0xFFFFFFFF  }
0xc6: {  	_ =	task.clear_ibuf [dreg:s9], $0x2FFFF;
	_ =	strace $0x9FFFFFFF  }
0xc7: {  	(tm) =	ssettm $0x7FFFFFFF  }
tec
execute0_lowered:
.L_overlay_start_1:
0x0: {  	(tag) =	ssettag $0x1  }
0x1: {  	s0 =	rddreg [dreg:$0x0]  }
0x2: {  	s1 =	rddreg [dreg:$0x1]  }
0x3: {  	s5 =	rddreg [dreg:$0x2]  }
0x4: {  	s6 =	rddreg [dreg:$0x3]  }
0x5: {  	s2 =	rddreg [dreg:$0x4]  }
0x6: {  	s16 =	simm.s32 $0x0;
	s4 =	stileid.u32;
	s3 =	srdreg.scid  }
0x7: {  	s28 =	simm.s32 $0x3;
	s30 =	simm.s32 $0x13060;
	s7 =	smul.u32 $0x9C4, s4  }
0x8: {  	[smem:$0x7FF] =	sst s16;
	s3 =	sand.u32 $0x1, s3;
	s8 =	smul.u32 $0x13880, s4  }
0x9: {  	s4 =	sadd.s32 $0x200, s0;
	_ =	strace $0x80000047;
	s9 =	ssub.s32 $0x2, s3  }
0xa: {  	s17 =	sshll.u32 s3, $0x6;
	s20 =	sshll.u32 s3, $0x3;
	s0 =	sadd.s32 s7, s0  }
0xb: {  	s10 =	sshrl.u32 s9, $0x1;
	s11 =	sshrl.u32 s8, $0x2;
	s12 =	sadd.s32 $0x3E80, s8  }
0xc: {  	s25 =	sadd.s32 $0x7D00, s8;
	s26 =	sadd.s32 $0xBB80, s8;
	s15 =	sadd.s32 $0xFA00, s8  }
0xd: {  	s18 =	sadd.s32 s1, s7;
	s19 =	sor.u32 s17, s8;
	s1 =	sadd.s32 s5, s20  }
0xe: {  	s9 =	ssub.s32 s9, s10;
	s23 =	sadd.s32 s11, s2;
	s24 =	sshrl.u32 s12, $0x2  }
0xf: {  	s13 =	sshrl.u32 s25, $0x2;
	s14 =	sshrl.u32 s26, $0x2;
	[dreg:$0xe] =	wrdreg s18  }
0x10: {  	s31 =	sshrl.u32 s15, $0x2;
	s21 =	sor.u32 s17, s12;
	[dreg:$0xf] =	wrdreg s1  }
0x11: {  	s11 =	simm.s32 $0x13A60;
	s12 =	simm.s32 $0x5;
	[dreg:$0x7] =	wrdreg s23  }
0x12: {  	s10 =	sadd.s32 s24, s2;
	s13 =	sadd.s32 s13, s2;
	s29 =	sadd.s32 s14, s2  }
0x13: {  	s14 =	sadd.s32 $0x1DA00, s0;
	s0 =	sadd.s32 $0x13C00, s0;
	[dreg:$0x8] =	wrdreg s10  }
0x14: {  	s22 =	sshrl.u32 s21, $0x3;
	s23 =	sor.u32 s17, s25;
	[dreg:$0x9] =	wrdreg s13  }
0x15: {  	s24 =	sor.u32 s17, s26;
	s25 =	sor.u32 s17, s15;
	[dreg:$0xa] =	wrdreg s29  }
0x16: {  	s21 =	simm.s32 $0xB;
	s13 =	sadd.s32 s31, s2;
	[dreg:$0xc] =	wrdreg s14  }
0x17: {  	[dreg:$0xd] =	wrdreg s0;
	s0 =	sshrl.u32 s19, $0x3;
	s1 =	sshrl.u32 s24, $0x3  }
0x18: {  	s29 =	sshrl.u32 s25, $0x3;
	s31 =	smax.u32 s9, $0x1;
	s24 =	simm.s32 $0x50  }
0x19: {  	s25 =	simm.s32 $0x2;
	s10 =	simm.s32 $0x4;
	[dreg:$0xb] =	wrdreg s13  }
0x1a: {  	s14 =	simm.s32 $0x14460;
	s0 =	sadd.s32 s6, s0;
	[dreg:$0x15] =	wrdreg s31  }
0x1b: {  	s26 =	sadd.s32 s6, s1;
	[dreg:$0x10] =	wrdreg s0;
	s0 =	sadd.s32 s6, s22  }
0x1c: {  	s13 =	simm.s32 $0xA;
	[dreg:$0x11] =	wrdreg s0;
	s0 =	sshrl.u32 s23, $0x3  }
0x1d: {  	[dreg:$0x13] =	wrdreg s26;
	s22 =	simm.s32 $0x11260;
	s0 =	sadd.s32 s6, s0  }
0x1e: {  	s26 =	simm.s32 $0x12660;
	[dreg:$0x12] =	wrdreg s0;
	s0 =	sadd.s32 s6, s29  }
0x1f: {  	v1 =	vimm.bf16 $0.0e+00;
	v0 =	vmov s3;
	s23 =	simm.s32 $0x9C40;
	[dreg:$0x14] =	wrdreg s0;
	s0 =	simm.s32 $0x1  }
.LBB2_1:
0x20: {  	s3 =	simm.s32 $0x80;
	s5 =	simm.s32 $0x0  }
.LBB2_2:
0x21: {  	p0 =	sne.s32 s3, $0x3E00;
	[tilespmem:s5+$0x16DA0] =	vst v1;
	s6 =	smov.u32 s3;
	s3 =	sadd.s32 $0x80, s3  }
.Ltmp0:
0x22: {  	[tilespmem:s5+$0x16DB0] =	vst v1;
	(pc) =	sbr.rel @p0 .LBB2_2-.Ltmp0, $2  }
0x23: {  	_ =	sdelay $0x2  }
0x24: {  	s5 =	sshra.s32 s6, $0x2  }
0x25: {  	[tilespmem:s5+$0x16DA0] =	vst v1  }
0x26: {  	[tilespmem:s5+$0x16DB0] =	vst v1  }
0x27: {  	s3 =	simm.s32 $0x16DA0;
	s1 =	rddreg [dreg:$0x7]  }
0x28: {  	[spmem:s1] =	stream.linear.scatter [tilespmem:s3], [sflag:$0xB], $0xFA0, $0x38;
	[tilespmem:$0x1CBA0] =	vst v63  }
0x29: {  	_ =	swait.ge [sflag:s21], $0xFA0  }
0x2a: {  	[sflag:s21] =	ssyncset.done $0x0  }
0x2b: {  	s8 =	rddreg [dreg:$0x8];
	[sflag:s21] =	ssyncadd.s32 $0xFFFFF060  }
0x2c: {  	[spmem:s8] =	stream.linear.scatter [tilespmem:s3], [sflag:$0xB], $0xFA0, $0x38;
	[tilespmem:$0x1CBA0] =	vst v63  }
0x2d: {  	_ =	swait.ge [sflag:s21], $0xFA0  }
0x2e: {  	[sflag:s21] =	ssyncset.done $0x0  }
0x2f: {  	s9 =	rddreg [dreg:$0x9];
	[sflag:s21] =	ssyncadd.s32 $0xFFFFF060  }
0x30: {  	[spmem:s9] =	stream.linear.scatter [tilespmem:s3], [sflag:$0xB], $0xFA0, $0x38;
	[tilespmem:$0x1CBA0] =	vst v63  }
0x31: {  	_ =	swait.ge [sflag:s21], $0xFA0  }
0x32: {  	[sflag:s21] =	ssyncset.done $0x0  }
0x33: {  	s15 =	rddreg [dreg:$0xa];
	[sflag:s21] =	ssyncadd.s32 $0xFFFFF060  }
0x34: {  	[spmem:s15] =	stream.linear.scatter [tilespmem:s3], [sflag:$0xB], $0xFA0, $0x38;
	[tilespmem:$0x1CBA0] =	vst v63  }
0x35: {  	_ =	swait.ge [sflag:s21], $0xFA0  }
0x36: {  	[sflag:s21] =	ssyncset.done $0x0  }
0x37: {  	s17 =	rddreg [dreg:$0xb];
	[sflag:s21] =	ssyncadd.s32 $0xFFFFF060  }
0x38: {  	[spmem:s17] =	stream.linear.scatter [tilespmem:s3], [sflag:$0xB], $0xFA0, $0x38;
	[tilespmem:$0x1CBA0] =	vst v63  }
0x39: {  	_ =	swait.ge [sflag:s21], $0xFA0  }
0x3a: {  	[sflag:s21] =	ssyncset.done $0x0  }
0x3b: {  	[sflag:s21] =	ssyncadd.s32 $0xFFFFF060  }
0x3c: {  	[bflag:$0x0] =	sbarrier.arrive $0xFFFF  }
0x3d: {  	s18 =	simm.s32 $0x0;
	s19 =	rddreg [dreg:$0xc]  }
0x3e: {  	[tilespmem:s18], [sflag:$0xB] =	stream.linear.gather [hbm4b:s19+s18], $0x4E20, $0x38;
	[tilespmem:$0x1CBA0] =	vst v63  }
0x3f: {  	_ =	swait.ge [sflag:s21], $0x4E20  }
0x40: {  	[sflag:s21] =	ssyncset.done $0x0  }
0x41: {  	s29 =	simm.s32 $0x4E20;
	s20 =	rddreg [dreg:$0xd];
	[sflag:s21] =	ssyncadd.s32 $0xFFFFB1E0  }
0x42: {  	[tilespmem:s29], [sflag:$0xB] =	stream.linear.gather [hbm4b:s20+s18], $0x4E20, $0x38;
	[tilespmem:$0x1CBA0] =	vst v63  }
0x43: {  	_ =	swait.ge [sflag:s21], $0x4E20  }
0x44: {  	[sflag:s21] =	ssyncset.done $0x0  }
0x45: {  	s31 =	rddreg [dreg:$0xe];
	[sflag:s21] =	ssyncadd.s32 $0xFFFFB1E0  }
0x46: {  	[tilespmem:s23], [sflag:$0xB] =	stream.linear.gather [hbm4b:s31+s18], $0x4E20, $0x38;
	[tilespmem:$0x1CBA0] =	vst v63  }
0x47: {  	_ =	swait.ge [sflag:s21], $0x4E20  }
0x48: {  	[sflag:s21] =	ssyncset.done $0x0  }
0x49: {  	s5 =	simm.s32 $0x0;
	[sflag:s21] =	ssyncadd.s32 $0xFFFFB1E0  }
0x4a: {  	v2 =	vld [tilespmem:s5+$0x40]  }
0x4b: {  	v3 =	vld [tilespmem:s5+$0x0]  }
0x4c: {  	v4 =	vld [tilespmem:s5+$0x10]  }
0x4d: {  	v6 =	vld [tilespmem:s5+$0x20]  }
0x4e: {  	v7 =	vld [tilespmem:s5+$0x30]  }
0x4f: {  	s3 =	simm.s32 $0x50;
	v5 =	vshll.u32 v2, $0x1  }
0x50: {  	v2 =	vld [tilespmem:s3+$0x40];
	v3 =	vshll.u32 v3, $0x1;
	v8 =	vor.u32 v0, v5  }
0x51: {  	v9 =	vshll.u32 v4, $0x1;
	v5 =	vld [tilespmem:s3+$0x0];
	v3 =	vor.u32 v0, v3;
	[tilespmem:s5+$0x40] =	vst v8  }
0x52: {  	v4 =	vld [tilespmem:s3+$0x10];
	v6 =	vshll.u32 v6, $0x1;
	[tilespmem:s5+$0x0] =	vst v3;
	v8 =	vor.u32 v0, v9  }
0x53: {  	v7 =	vshll.u32 v7, $0x1;
	v3 =	vld [tilespmem:s3+$0x20];
	[tilespmem:s5+$0x10] =	vst v8;
	v8 =	vor.u32 v0, v6  }
0x54: {  	s6 =	simm.s32 $0x280;
	v7 =	vor.u32 v0, v7;
	v6 =	vld [tilespmem:s3+$0x30];
	[tilespmem:s5+$0x20] =	vst v8  }
.LBB2_4:
0x55: {  	s7 =	sshra.s32 s6, $0x2;
	p0 =	sne.s32 s6, $0x13740;
	s6 =	sadd.s32 $0x140, s6;
	v8 =	vshll.u32 v2, $0x1;
	[tilespmem:s5+$0x30] =	vst v7  }
.Ltmp1:
0x56: {  	s5 =	smov.u32 s3;
	v2 =	vld [tilespmem:s7+$0x40];
	v7 =	vshll.u32 v5, $0x1;
	v8 =	vor.u32 v0, v8;
	s3 =	smov.u32 s7;
	(pc) =	sbr.rel @p0 .LBB2_4-.Ltmp1, $4  }
0x57: {  	v5 =	vld [tilespmem:s3+$0x0];
	v7 =	vor.u32 v0, v7;
	v9 =	vshll.u32 v4, $0x1;
	[tilespmem:s5+$0x40] =	vst v8  }
0x58: {  	v4 =	vld [tilespmem:s3+$0x10];
	[tilespmem:s5+$0x0] =	vst v7;
	v7 =	vor.u32 v0, v9;
	v8 =	vshll.u32 v3, $0x1  }
0x59: {  	v3 =	vld [tilespmem:s3+$0x20];
	[tilespmem:s5+$0x10] =	vst v7;
	v7 =	vor.u32 v0, v8;
	v8 =	vshll.u32 v6, $0x1  }
0x5a: {  	v6 =	vld [tilespmem:s3+$0x30];
	[tilespmem:s5+$0x20] =	vst v7;
	v7 =	vor.u32 v0, v8  }
0x5b: {  	[dreg:$0x6] =	wrdreg s16;
	v2 =	vshll.u32 v2, $0x1  }
0x5c: {  	[tilespmem:s5+$0x30] =	vst v7;
	v5 =	vshll.u32 v5, $0x1;
	v2 =	vor.u32 v0, v2  }
0x5d: {  	v5 =	vor.u32 v0, v5;
	v4 =	vshll.u32 v4, $0x1;
	[tilespmem:s3+$0x40] =	vst v2  }
0x5e: {  	[tilespmem:s3+$0x0] =	vst v5;
	v2 =	vor.u32 v0, v4;
	v3 =	vshll.u32 v3, $0x1  }
0x5f: {  	[tilespmem:s3+$0x10] =	vst v2;
	v2 =	vor.u32 v0, v3;
	v3 =	vshll.u32 v6, $0x1  }
0x60: {  	[tilespmem:s3+$0x20] =	vst v2;
	v2 =	vor.u32 v0, v3  }
0x61: {  	s17 =	simm.s32 $0x0;
	s1 =	simm.s32 $0xEA60;
	[tilespmem:s3+$0x30] =	vst v2  }
0x62: {  	[tilespmem:s1], [sflag:$0x1] =	stream.indirect.gather [hbm4b:s4+s24], $0x20, s17, s24, $0xb8;
	[tilespmem:$0x1CBA0] =	vst v63  }
0x63: {  	s18 =	simm.s32 $0xF460  }
0x64: {  	[tilespmem:s18], [sflag:$0x2] =	stream.indirect.gather [hbm4b:s4+s24], $0x20, s24, s24, $0xb8;
	[tilespmem:$0x1CBA0] =	vst v63  }
0x65: {  	s19 =	simm.s32 $0xA0;
	s20 =	simm.s32 $0xFE60  }
0x66: {  	[tilespmem:s20], [sflag:$0x3] =	stream.indirect.gather [hbm4b:s4+s24], $0x20, s19, s24, $0xb8;
	[tilespmem:$0x1CBA0] =	vst v63  }
0x67: {  	s29 =	simm.s32 $0xF0;
	s31 =	simm.s32 $0x10860;
	s18 =	simm.s32 $0x0  }
0x68: {  	[tilespmem:s31], [sflag:$0x4] =	stream.indirect.gather [hbm4b:s4+s24], $0x20, s29, s24, $0xb8;
	[tilespmem:$0x1CBA0] =	vst v63  }
.LBB2_6:
0x69: {  	s8 =	smul.u32 $0x5, s18;
	_ =	sdelay $0x1  }
0x6a: {  	v2 =	vmov s8  }
0x6b: {  	v2 =	vmul.u32 $0x50, v2  }
0x6c: {  	v3 =	vmov s17  }
0x6d: {  	s3 =	simm.s32 $0x1;
	s15 =	simm.s32 $0x3;
	v4 =	vand.u32 $0x78, v3;
	v2 =	vbroadcast v2, $0x0  }
0x6e: {  	v3 =	vand.u32 $0x4, v3;
	v5 =	vmov s3;
	v7 =	vmov s15  }
0x6f: {  	_ =	swait.ge [sflag:s0], $0xA00;
	v6 =	vand.u32 $0x78, v5;
	v5 =	vand.u32 $0x5, v5;
	v4 =	vadd.s32 v2, v4  }
0x70: {  	p0 =	seq.s32 s18, $0x0;
	[sflag:s0] =	ssyncset.done $0x0;
	v3 =	vor.u32 v3, v4;
	v4 =	vadd.s32 v2, v6;
	v6 =	vand.u32 $0x78, v7  }
0x71: {  	s5 =	simm.s32 $0x2;
	s3 =	simm.s32 @!p0 $0x6;
	[sflag:s0] =	ssyncadd.s32 $0xFFFFF600;
	v4 =	vor.u32 v5, v4;
	v5 =	vand.u32 $0x7, v7;
	v6 =	vadd.s32 v2, v6  }
0x72: {  	_ =	swait.ge @!p0 [sflag:s3], $0xA00;
	v7 =	vmov s5;
	v5 =	vor.u32 v5, v6  }
0x73: {  	s16 =	simm.s32 $0x4;
	[sflag:s3] =	ssyncset.done @!p0 $0x0;
	v6 =	vand.u32 $0x78, v7  }
0x74: {  	s19 =	simm.s32 $0x5;
	[sflag:s3] =	ssyncadd.s32 @!p0 $0xFFFFF600;
	s3 =	simm.s32 $0xEAA0;
	v7 =	vand.u32 $0x6, v7;
	v6 =	vadd.s32 v2, v6  }
0x75: {  	s20 =	simm.s32 $0x6;
	v8 =	vmov s16;
	v9 =	vmov s19;
	v12 =	vld [tilespmem:s3+$0x20];
	v6 =	vor.u32 v7, v6  }
0x76: {  	v10 =	vmov s20;
	v11 =	vand.u32 $0x78, v9;
	v7 =	vand.u32 $0x78, v8;
	v3 =	vld.idx.msk [tilespmem:v3+s23+$0x0], $0xffff  }
0x77: {  	v9 =	vand.u32 $0x5, v9;
	v8 =	vand.u32 $0x4, v8;
	v7 =	vadd.s32 v2, v7;
	v5 =	vld.idx.msk [tilespmem:v5+s23+$0x0], $0xffff  }
0x78: {  	v4 =	vld.idx.msk [tilespmem:v4+s23+$0x0], $0xffff;
	v8 =	vor.u32 v8, v7;
	v7 =	vadd.s32 v2, v11;
	v11 =	vand.u32 $0x78, v10  }
0x79: {  	s29 =	simm.s32 $0x7;
	v10 =	vand.u32 $0x6, v10;
	v9 =	vor.u32 v9, v7;
	v7 =	vadd.s32 v2, v11;
	v11 =	vld [tilespmem:s3+$0xFFFFFFC0]  }
0x7a: {  	v13 =	vld.idx.msk [tilespmem:v6+s23+$0x0], $0xffff;
	v6 =	vor.u32 v10, v7;
	v7 =	vmov s29  }
0x7b: {  	v10 =	vld [tilespmem:s3+$0xFFFFFFE0];
	v14 =	vand.u32 $0x78, v7  }
0x7c: {  	v15 =	vld [tilespmem:s3+$0x0];
	v16 =	vand.u32 $0x7, v7;
	v14 =	vadd.s32 v2, v14;
	v17 =	vpack.i.f32.bf16 v5, v5  }
0x7d: {  	v7 =	vpack.i.f32.bf16 v3, v3;
	v8 =	vld.idx.msk [tilespmem:v8+s23+$0x0], $0xffff;
	v14 =	vor.u32 v16, v14;
	v3 =	vmul.bf16 v12, v17  }
0x7e: {  	s5 =	simm.s32 $0x11CA0;
	v5 =	vld.idx.msk [tilespmem:v9+s23+$0x0], $0xffff;
	v9 =	vmul.bf16 v11, v7  }
0x7f: {  	s6 =	simm.s32 $0x8;
	s7 =	simm.s32 $0xA;
	v4 =	vpack.i.f32.bf16 v4, v4;
	v6 =	vld.idx.msk [tilespmem:v6+s23+$0x0], $0xffff;
	[tilespmem:s5+$0x20] =	vst v3  }
0x80: {  	v18 =	vmov s7;
	v11 =	vmul.bf16 v10, v4;
	v10 =	vmov s6;
	[tilespmem:s5+$0xFFFFFFC0] =	vst v9;
	v19 =	vld [tilespmem:s3+$0x30]  }
0x81: {  	s31 =	simm.s32 $0x9;
	v16 =	vand.u32 $0x6, v18;
	v9 =	vand.u32 $0x78, v10;
	v12 =	vand.u32 $0x4, v10;
	v10 =	vld [tilespmem:s3+$0xFFFFFFD0]  }
0x82: {  	v3 =	vpack.i.f32.bf16 v13, v13;
	[tilespmem:s5+$0xFFFFFFE0] =	vst v11;
	v13 =	vadd.s32 v2, v9;
	v9 =	vmov s31;
	v11 =	vld.idx.msk [tilespmem:v14+s23+$0x0], $0xffff  }
0x83: {  	s6 =	simm.s32 $0xEB20;
	v15 =	vmul.bf16 v15, v3;
	v14 =	vand.u32 $0x78, v9;
	v20 =	vand.u32 $0x5, v9;
	v9 =	vld [tilespmem:s3+$0xFFFFFFF0]  }
0x84: {  	v18 =	vand.u32 $0x78, v18;
	v13 =	vor.u32 v12, v13;
	v12 =	vld [tilespmem:s6+$0x20];
	v14 =	vadd.s32 v2, v14  }
0x85: {  	s9 =	simm.s32 $0xC;
	s15 =	simm.s32 $0xB;
	s7 =	simm.s32 $0x11CA0;
	v18 =	vadd.s32 v2, v18;
	[tilespmem:s5+$0x0] =	vst v15;
	v15 =	vld [tilespmem:s6+$0xFFFFFFC0];
	v14 =	vor.u32 v20, v14;
	v17 =	vmul.bf16 v19, v17  }
.LBB2_7:
0x86: {  	p1 =	slt.u32 s9, $0x4C;
	v16 =	vor.u32 v16, v18;
	v18 =	vmov s15;
	v19 =	vld [tilespmem:s6+$0xFFFFFFE0];
	v10 =	vmul.bf16 v10, v7  }
0x87: {  	v7 =	vpack.i.f32.bf16 v8, v8;
	v20 =	vand.u32 $0x78, v18;
	v21 =	vld [tilespmem:s6+$0x0];
	[tilespmem:s5+$0x30] =	vst v17  }
0x88: {  	v17 =	vand.u32 $0x7, v18;
	v18 =	vadd.s32 v2, v20;
	v20 =	vpack.i.f32.bf16 v11, v11;
	[tilespmem:s5+$0xFFFFFFD0] =	vst v10;
	v11 =	vld [tilespmem:s3+$0x10];
	s3 =	smov.u32 s6  }
0x89: {  	v8 =	vld.idx.msk [tilespmem:v13+s23+$0x0], $0xffff;
	v13 =	vor.u32 v17, v18;
	v10 =	vmul.bf16 v12, v20;
	v12 =	vmul.bf16 v9, v4  }
0x8a: {  	s5 =	sadd.s32 $0x80, s5;
	v4 =	vpack.i.f32.bf16 v5, v5;
	v9 =	vmul.bf16 v15, v7;
	v5 =	vld.idx.msk [tilespmem:v14+s23+$0x0], $0xffff  }
0x8b: {  	v15 =	vpack.i.f32.bf16 v6, v6;
	v14 =	vmul.bf16 v19, v4;
	v6 =	vld.idx.msk [tilespmem:v16+s23+$0x0], $0xffff;
	[tilespmem:s5+$0x20] =	vst v10  }
0x8c: {  	v10 =	vmov s9;
	[tilespmem:s5+$0xFFFFFFC0] =	vst v9;
	v9 =	vmul.bf16 v21, v15;
	v17 =	vld [tilespmem:s6+$0x30]  }
.Ltmp2:
0x8d: {  	s15 =	sadd.s32 $0x1, s9;
	s16 =	sadd.s32 $0x2, s9;
	v16 =	vand.u32 $0x78, v10;
	v18 =	vand.u32 $0x4, v10;
	v10 =	vld [tilespmem:s6+$0xFFFFFFD0];
	[tilespmem:s5+$0xFFFFFFE0] =	vst v14;
	v14 =	vmul.bf16 v11, v3;
	v3 =	vmovc v15;
	(pc) =	sbr.rel @p1 .LBB2_7-.Ltmp2, $4  }
0x8e: {  	v19 =	vmov s16;
	v15 =	vadd.s32 v2, v16;
	v16 =	vmov s15;
	v11 =	vld.idx.msk [tilespmem:v13+s23+$0x0], $0xffff;
	[tilespmem:s5+$0x0] =	vst v9  }
0x8f: {  	s6 =	sadd.s32 $0x80, s6;
	v21 =	vand.u32 $0x78, v16;
	v22 =	vand.u32 $0x5, v16;
	v16 =	vand.u32 $0x6, v19;
	v9 =	vld [tilespmem:s3+$0xFFFFFFF0];
	[tilespmem:s7+$0xFFFFFFF0] =	vst v12  }
0x90: {  	v13 =	vor.u32 v18, v15;
	v18 =	vand.u32 $0x78, v19;
	v15 =	vadd.s32 v2, v21;
	v12 =	vld [tilespmem:s6+$0x20];
	[tilespmem:s7+$0x10] =	vst v14;
	s7 =	smov.u32 s5  }
0x91: {  	s15 =	sadd.s32 $0x3, s9;
	s9 =	sadd.s32 $0x4, s9;
	v18 =	vadd.s32 v2, v18;
	v14 =	vor.u32 v22, v15;
	v15 =	vld [tilespmem:s6+$0xFFFFFFC0];
	v17 =	vmul.bf16 v17, v20  }
0x92: {  	_ = 	snop  }
0x93: {  	v19 =	vmov s15  }
0x94: {  	v20 =	vand.u32 $0x78, v19  }
0x95: {  	v16 =	vor.u32 v16, v18;
	v18 =	vld [tilespmem:s6+$0xFFFFFFE0];
	v19 =	vand.u32 $0x7, v19;
	v2 =	vadd.s32 v2, v20  }
0x96: {  	v13 =	vld.idx.msk [tilespmem:v13+s23+$0x0], $0xffff;
	v2 =	vor.u32 v19, v2  }
0x97: {  	v14 =	vld.idx.msk [tilespmem:v14+s23+$0x0], $0xffff;
	s19 =	sadd.s32 $0x80, s6  }
0x98: {  	[tilespmem:s5+$0x30] =	vst v17;
	v17 =	vld [tilespmem:s19+$0xFFFFFFE0]  }
0x99: {  	v20 =	vld [tilespmem:s6+$0x0]  }
0x9a: {  	v7 =	vmul.bf16 v10, v7;
	v10 =	vpack.i.f32.bf16 v11, v11;
	v19 =	vld [tilespmem:s3+$0x10]  }
0x9b: {  	v8 =	vpack.i.f32.bf16 v8, v8;
	v12 =	vmul.bf16 v12, v10;
	v2 =	vld.idx.msk [tilespmem:v2+s23+$0x0], $0xffff  }
0x9c: {  	s20 =	sadd.s32 $0x80, s5;
	[tilespmem:s5+$0xFFFFFFD0] =	vst v7;
	v4 =	vmul.bf16 v9, v4;
	v7 =	vmul.bf16 v15, v8;
	v15 =	vld [tilespmem:s19+$0x20]  }
0x9d: {  	v5 =	vpack.i.f32.bf16 v5, v5;
	[tilespmem:s20+$0x20] =	vst v12;
	v12 =	vld [tilespmem:s19+$0xFFFFFFC0]  }
0x9e: {  	v6 =	vpack.i.f32.bf16 v6, v6;
	[tilespmem:s7+$0xFFFFFFF0] =	vst v4;
	v11 =	vld.idx.msk [tilespmem:v16+s23+$0x0], $0xffff;
	v16 =	vmul.bf16 v18, v5  }
0x9f: {  	v9 =	vld [tilespmem:s19+$0x0];
	[tilespmem:s20+$0xFFFFFFC0] =	vst v7;
	v7 =	vmul.bf16 v20, v6  }
0xa0: {  	[tilespmem:s20+$0xFFFFFFE0] =	vst v16;
	v16 =	vld [tilespmem:s6+$0x30];
	v3 =	vmul.bf16 v19, v3;
	v2 =	vpack.i.f32.bf16 v2, v2  }
0xa1: {  	v4 =	vpack.i.f32.bf16 v13, v13;
	[tilespmem:s20+$0x0] =	vst v7;
	v7 =	vld [tilespmem:s6+$0xFFFFFFD0];
	v13 =	vmul.bf16 v15, v2  }
0xa2: {  	s1 =	sadd.s32 $0x80, s20;
	[tilespmem:s7+$0x10] =	vst v3;
	v3 =	vmul.bf16 v12, v4;
	v12 =	vpack.i.f32.bf16 v14, v14;
	v14 =	vld [tilespmem:s6+$0x10]  }
0xa3: {  	v11 =	vpack.i.f32.bf16 v11, v11;
	v17 =	vmul.bf16 v17, v12;
	v15 =	vld [tilespmem:s6+$0xFFFFFFF0];
	[tilespmem:s1+$0x20] =	vst v13  }
0xa4: {  	[tilespmem:s1+$0xFFFFFFC0] =	vst v3;
	v3 =	vmul.bf16 v9, v11;
	v9 =	vld [tilespmem:s19+$0x30]  }
0xa5: {  	v10 =	vmul.bf16 v16, v10;
	[tilespmem:s1+$0xFFFFFFE0] =	vst v17;
	v13 =	vld [tilespmem:s19+$0xFFFFFFD0]  }
0xa6: {  	v7 =	vmul.bf16 v7, v8;
	[tilespmem:s1+$0x0] =	vst v3;
	v3 =	vld [tilespmem:s19+$0xFFFFFFF0]  }
0xa7: {  	[tilespmem:s20+$0x30] =	vst v10;
	v8 =	vld [tilespmem:s19+$0x10];
	v6 =	vmul.bf16 v14, v6  }
0xa8: {  	[tilespmem:s20+$0xFFFFFFD0] =	vst v7;
	v5 =	vmul.bf16 v15, v5  }
0xa9: {  	[tilespmem:s20+$0x10] =	vst v6;
	v2 =	vmul.bf16 v9, v2  }
0xaa: {  	s9 =	smul.u32 $0x640, s18;
	[tilespmem:s20+$0xFFFFFFF0] =	vst v5;
	v4 =	vmul.bf16 v13, v4  }
0xab: {  	[tilespmem:s1+$0x30] =	vst v2;
	v2 =	vmul.bf16 v3, v12  }
0xac: {  	s5 =	sshra.s32 s9, $0x2;
	s3 =	sadd.s32 $0x1, s8;
	[tilespmem:s1+$0xFFFFFFD0] =	vst v4;
	v3 =	vmul.bf16 v8, v11  }
0xad: {  	s16 =	simm.s32 $0x0;
	s15 =	sadd.s32 $0x4E20, s5;
	s7 =	sadd.s32 $0x4, s8;
	[tilespmem:s1+$0xFFFFFFF0] =	vst v2;
	v2 =	vmov s3  }
0xae: {  	s6 =	smul.u32 $0x50, s7;
	s19 =	simm.s32 $0x1;
	[tilespmem:s1+$0x10] =	vst v3;
	s1 =	simm.s32 $0x11C60;
	v2 =	vmul.u32 $0x50, v2  }
0xaf: {  	[spmem:s2] =	stream.indirect.scatter.add.bf16 [tilespmem:s1], [sflag:$0x6], $0x20, s15, s24, $0xb8;
	[tilespmem:$0x1CBA0] =	vst v63  }
0xb0: {  	v5 =	vmov s19;
	s20 =	simm.s32 $0x3;
	v3 =	vmov s16;
	v2 =	vbroadcast v2, $0x0  }
0xb1: {  	v6 =	vand.u32 $0x78, v5;
	v5 =	vand.u32 $0x5, v5;
	v4 =	vand.u32 $0x78, v3;
	[tilespmem:s22], [sflag:$0x5] =	stream.indirect.gather [hbm4b:s4+s24], $0x20, s6, s24, $0xb8;
	[tilespmem:$0x1CBA0] =	vst v63  }
0xb2: {  	v7 =	vmov s20;
	v3 =	vand.u32 $0x4, v3;
	_ =	swait.ge [sflag:s25], $0xA00;
	v4 =	vadd.s32 v2, v4  }
0xb3: {  	[sflag:s25] =	ssyncset.done $0x0;
	v3 =	vor.u32 v3, v4;
	v4 =	vadd.s32 v2, v6;
	v6 =	vand.u32 $0x78, v7  }
0xb4: {  	s16 =	simm.s32 $0x2;
	s15 =	simm.s32 @!p0 $0x7;
	[sflag:s25] =	ssyncadd.s32 $0xFFFFF600;
	v4 =	vor.u32 v5, v4;
	v5 =	vand.u32 $0x7, v7;
	v6 =	vadd.s32 v2, v6  }
0xb5: {  	_ =	swait.ge @!p0 [sflag:s15], $0xA00;
	v7 =	vmov s16;
	v5 =	vor.u32 v5, v6  }
0xb6: {  	s1 =	simm.s32 $0x4;
	[sflag:s15] =	ssyncset.done @!p0 $0x0;
	v6 =	vand.u32 $0x78, v7  }
0xb7: {  	s16 =	simm.s32 $0x5;
	v7 =	vand.u32 $0x6, v7;
	[sflag:s15] =	ssyncadd.s32 @!p0 $0xFFFFF600;
	v6 =	vadd.s32 v2, v6;
	s15 =	simm.s32 $0xF4A0  }
0xb8: {  	s19 =	simm.s32 $0x6;
	v8 =	vmov s1;
	v9 =	vmov s16;
	v6 =	vor.u32 v7, v6;
	v12 =	vld [tilespmem:s15+$0x20]  }
0xb9: {  	v10 =	vmov s19;
	v11 =	vand.u32 $0x78, v9;
	v7 =	vand.u32 $0x78, v8;
	v3 =	vld.idx.msk [tilespmem:v3+s23+$0x0], $0xffff  }
0xba: {  	v9 =	vand.u32 $0x5, v9;
	v8 =	vand.u32 $0x4, v8;
	v7 =	vadd.s32 v2, v7;
	v5 =	vld.idx.msk [tilespmem:v5+s23+$0x0], $0xffff  }
0xbb: {  	v4 =	vld.idx.msk [tilespmem:v4+s23+$0x0], $0xffff;
	v8 =	vor.u32 v8, v7;
	v7 =	vadd.s32 v2, v11;
	v11 =	vand.u32 $0x78, v10  }
0xbc: {  	s20 =	simm.s32 $0x7;
	v10 =	vand.u32 $0x6, v10;
	v9 =	vor.u32 v9, v7;
	v7 =	vadd.s32 v2, v11;
	v11 =	vld [tilespmem:s15+$0xFFFFFFC0]  }
0xbd: {  	v13 =	vld.idx.msk [tilespmem:v6+s23+$0x0], $0xffff;
	v6 =	vor.u32 v10, v7;
	v7 =	vmov s20  }
0xbe: {  	v10 =	vld [tilespmem:s15+$0xFFFFFFE0];
	v14 =	vand.u32 $0x78, v7  }
0xbf: {  	v15 =	vld [tilespmem:s15+$0x0];
	v16 =	vand.u32 $0x7, v7;
	v14 =	vadd.s32 v2, v14;
	v17 =	vpack.i.f32.bf16 v5, v5  }
0xc0: {  	v7 =	vpack.i.f32.bf16 v3, v3;
	v8 =	vld.idx.msk [tilespmem:v8+s23+$0x0], $0xffff;
	v14 =	vor.u32 v16, v14;
	v3 =	vmul.bf16 v12, v17  }
0xc1: {  	s16 =	simm.s32 $0x126A0;
	v5 =	vld.idx.msk [tilespmem:v9+s23+$0x0], $0xffff;
	v9 =	vmul.bf16 v11, v7  }
0xc2: {  	s19 =	simm.s32 $0x8;
	s20 =	simm.s32 $0xA;
	v4 =	vpack.i.f32.bf16 v4, v4;
	v6 =	vld.idx.msk [tilespmem:v6+s23+$0x0], $0xffff;
	[tilespmem:s16+$0x20] =	vst v3  }
0xc3: {  	v18 =	vmov s20;
	v11 =	vmul.bf16 v10, v4;
	v10 =	vmov s19;
	[tilespmem:s16+$0xFFFFFFC0] =	vst v9;
	v19 =	vld [tilespmem:s15+$0x30]  }
0xc4: {  	s1 =	simm.s32 $0x9;
	v16 =	vand.u32 $0x6, v18;
	v9 =	vand.u32 $0x78, v10;
	v12 =	vand.u32 $0x4, v10;
	v10 =	vld [tilespmem:s15+$0xFFFFFFD0]  }
0xc5: {  	v3 =	vpack.i.f32.bf16 v13, v13;
	[tilespmem:s16+$0xFFFFFFE0] =	vst v11;
	v13 =	vadd.s32 v2, v9;
	v9 =	vmov s1;
	v11 =	vld.idx.msk [tilespmem:v14+s23+$0x0], $0xffff  }
0xc6: {  	s19 =	simm.s32 $0xF520;
	v15 =	vmul.bf16 v15, v3;
	v14 =	vand.u32 $0x78, v9;
	v20 =	vand.u32 $0x5, v9;
	v9 =	vld [tilespmem:s15+$0xFFFFFFF0]  }
0xc7: {  	v18 =	vand.u32 $0x78, v18;
	v13 =	vor.u32 v12, v13;
	v12 =	vld [tilespmem:s19+$0x20];
	v14 =	vadd.s32 v2, v14  }
0xc8: {  	s31 =	simm.s32 $0xB;
	s29 =	simm.s32 $0xC;
	s20 =	simm.s32 $0x126A0;
	v18 =	vadd.s32 v2, v18;
	[tilespmem:s16+$0x0] =	vst v15;
	v15 =	vld [tilespmem:s19+$0xFFFFFFC0];
	v14 =	vor.u32 v20, v14;
	v17 =	vmul.bf16 v19, v17  }
.LBB2_9:
0xc9: {  	p1 =	slt.u32 s29, $0x4C;
	v16 =	vor.u32 v16, v18;
	v18 =	vmov s31;
	v19 =	vld [tilespmem:s19+$0xFFFFFFE0];
	v10 =	vmul.bf16 v10, v7  }
0xca: {  	v7 =	vpack.i.f32.bf16 v8, v8;
	v20 =	vand.u32 $0x78, v18;
	v21 =	vld [tilespmem:s19+$0x0];
	[tilespmem:s16+$0x30] =	vst v17  }
0xcb: {  	v17 =	vand.u32 $0x7, v18;
	v18 =	vadd.s32 v2, v20;
	v20 =	vpack.i.f32.bf16 v11, v11;
	[tilespmem:s16+$0xFFFFFFD0] =	vst v10;
	v11 =	vld [tilespmem:s15+$0x10];
	s15 =	smov.u32 s19  }
0xcc: {  	v8 =	vld.idx.msk [tilespmem:v13+s23+$0x0], $0xffff;
	v13 =	vor.u32 v17, v18;
	v10 =	vmul.bf16 v12, v20;
	v12 =	vmul.bf16 v9, v4  }
0xcd: {  	s16 =	sadd.s32 $0x80, s16;
	v4 =	vpack.i.f32.bf16 v5, v5;
	v9 =	vmul.bf16 v15, v7;
	v5 =	vld.idx.msk [tilespmem:v14+s23+$0x0], $0xffff  }
0xce: {  	v15 =	vpack.i.f32.bf16 v6, v6;
	v14 =	vmul.bf16 v19, v4;
	v6 =	vld.idx.msk [tilespmem:v16+s23+$0x0], $0xffff;
	[tilespmem:s16+$0x20] =	vst v10  }
0xcf: {  	v10 =	vmov s29;
	[tilespmem:s16+$0xFFFFFFC0] =	vst v9;
	v9 =	vmul.bf16 v21, v15;
	v17 =	vld [tilespmem:s19+$0x30]  }
.Ltmp3:
0xd0: {  	s31 =	sadd.s32 $0x1, s29;
	s1 =	sadd.s32 $0x2, s29;
	v16 =	vand.u32 $0x78, v10;
	v18 =	vand.u32 $0x4, v10;
	v10 =	vld [tilespmem:s19+$0xFFFFFFD0];
	[tilespmem:s16+$0xFFFFFFE0] =	vst v14;
	v14 =	vmul.bf16 v11, v3;
	v3 =	vmovc v15;
	(pc) =	sbr.rel @p1 .LBB2_9-.Ltmp3, $4  }
0xd1: {  	v19 =	vmov s1;
	v15 =	vadd.s32 v2, v16;
	v16 =	vmov s31;
	v11 =	vld.idx.msk [tilespmem:v13+s23+$0x0], $0xffff;
	[tilespmem:s16+$0x0] =	vst v9  }
0xd2: {  	s19 =	sadd.s32 $0x80, s19;
	v21 =	vand.u32 $0x78, v16;
	v22 =	vand.u32 $0x5, v16;
	v16 =	vand.u32 $0x6, v19;
	v9 =	vld [tilespmem:s15+$0xFFFFFFF0];
	[tilespmem:s20+$0xFFFFFFF0] =	vst v12  }
0xd3: {  	v13 =	vor.u32 v18, v15;
	v18 =	vand.u32 $0x78, v19;
	v15 =	vadd.s32 v2, v21;
	v12 =	vld [tilespmem:s19+$0x20];
	[tilespmem:s20+$0x10] =	vst v14;
	s20 =	smov.u32 s16  }
0xd4: {  	s31 =	sadd.s32 $0x3, s29;
	s29 =	sadd.s32 $0x4, s29;
	v18 =	vadd.s32 v2, v18;
	v14 =	vor.u32 v22, v15;
	v15 =	vld [tilespmem:s19+$0xFFFFFFC0];
	v17 =	vmul.bf16 v17, v20  }
0xd5: {  	_ = 	snop  }
0xd6: {  	v19 =	vmov s31  }
0xd7: {  	v20 =	vand.u32 $0x78, v19  }
0xd8: {  	v16 =	vor.u32 v16, v18;
	v18 =	vld [tilespmem:s19+$0xFFFFFFE0];
	v19 =	vand.u32 $0x7, v19;
	v2 =	vadd.s32 v2, v20  }
0xd9: {  	v13 =	vld.idx.msk [tilespmem:v13+s23+$0x0], $0xffff;
	v2 =	vor.u32 v19, v2  }
0xda: {  	v14 =	vld.idx.msk [tilespmem:v14+s23+$0x0], $0xffff;
	s1 =	sadd.s32 $0x80, s19  }
0xdb: {  	[tilespmem:s16+$0x30] =	vst v17;
	v17 =	vld [tilespmem:s1+$0xFFFFFFE0]  }
0xdc: {  	v20 =	vld [tilespmem:s19+$0x0]  }
0xdd: {  	v7 =	vmul.bf16 v10, v7;
	v10 =	vpack.i.f32.bf16 v11, v11;
	v19 =	vld [tilespmem:s15+$0x10]  }
0xde: {  	v8 =	vpack.i.f32.bf16 v8, v8;
	v12 =	vmul.bf16 v12, v10;
	v2 =	vld.idx.msk [tilespmem:v2+s23+$0x0], $0xffff  }
0xdf: {  	[tilespmem:s16+$0xFFFFFFD0] =	vst v7;
	v4 =	vmul.bf16 v9, v4;
	s15 =	sadd.s32 $0x80, s16;
	v7 =	vmul.bf16 v15, v8;
	v15 =	vld [tilespmem:s1+$0x20]  }
0xe0: {  	v5 =	vpack.i.f32.bf16 v5, v5;
	[tilespmem:s15+$0x20] =	vst v12;
	v12 =	vld [tilespmem:s1+$0xFFFFFFC0]  }
0xe1: {  	v6 =	vpack.i.f32.bf16 v6, v6;
	[tilespmem:s20+$0xFFFFFFF0] =	vst v4;
	v11 =	vld.idx.msk [tilespmem:v16+s23+$0x0], $0xffff;
	v16 =	vmul.bf16 v18, v5  }
0xe2: {  	v9 =	vld [tilespmem:s1+$0x0];
	[tilespmem:s15+$0xFFFFFFC0] =	vst v7;
	v7 =	vmul.bf16 v20, v6  }
0xe3: {  	[tilespmem:s15+$0xFFFFFFE0] =	vst v16;
	v16 =	vld [tilespmem:s19+$0x30];
	v3 =	vmul.bf16 v19, v3;
	v2 =	vpack.i.f32.bf16 v2, v2  }
0xe4: {  	v4 =	vpack.i.f32.bf16 v13, v13;
	[tilespmem:s15+$0x0] =	vst v7;
	v7 =	vld [tilespmem:s19+$0xFFFFFFD0];
	v13 =	vmul.bf16 v15, v2  }
0xe5: {  	s16 =	sadd.s32 $0x80, s15;
	[tilespmem:s20+$0x10] =	vst v3;
	v3 =	vmul.bf16 v12, v4;
	v12 =	vpack.i.f32.bf16 v14, v14;
	v14 =	vld [tilespmem:s19+$0x10]  }
0xe6: {  	v11 =	vpack.i.f32.bf16 v11, v11;
	v17 =	vmul.bf16 v17, v12;
	v15 =	vld [tilespmem:s19+$0xFFFFFFF0];
	[tilespmem:s16+$0x20] =	vst v13  }
0xe7: {  	[tilespmem:s16+$0xFFFFFFC0] =	vst v3;
	v3 =	vmul.bf16 v9, v11;
	v9 =	vld [tilespmem:s1+$0x30]  }
0xe8: {  	v10 =	vmul.bf16 v16, v10;
	[tilespmem:s16+$0xFFFFFFE0] =	vst v17;
	v13 =	vld [tilespmem:s1+$0xFFFFFFD0]  }
0xe9: {  	v7 =	vmul.bf16 v7, v8;
	[tilespmem:s16+$0x0] =	vst v3;
	v3 =	vld [tilespmem:s1+$0xFFFFFFF0]  }
0xea: {  	[tilespmem:s15+$0x30] =	vst v10;
	v8 =	vld [tilespmem:s1+$0x10];
	v6 =	vmul.bf16 v14, v6  }
0xeb: {  	[tilespmem:s15+$0xFFFFFFD0] =	vst v7;
	v5 =	vmul.bf16 v15, v5  }
0xec: {  	[tilespmem:s15+$0x10] =	vst v6;
	v2 =	vmul.bf16 v9, v2  }
0xed: {  	[tilespmem:s15+$0xFFFFFFF0] =	vst v5;
	v4 =	vmul.bf16 v13, v4  }
0xee: {  	s19 =	smul.u32 $0x140, s3;
	[tilespmem:s16+$0x30] =	vst v2;
	v2 =	vmul.bf16 v3, v12  }
0xef: {  	p1 =	seq.s32 s18, $0x31;
	[tilespmem:s16+$0xFFFFFFD0] =	vst v4;
	v3 =	vmul.bf16 v8, v11  }
0xf0: {  	s9 =	sshra.s32 @!p1 s9, $0x2;
	s20 =	simm.s32 $0x0;
	s1 =	sshra.s32 s19, $0x2;
	[tilespmem:s16+$0xFFFFFFF0] =	vst v2  }
0xf1: {  	s3 =	sadd.s32 $0x2, s8;
	s19 =	simm.s32 $0x3;
	s1 =	sadd.s32 $0x4E20, s1;
	[tilespmem:s16+$0x10] =	vst v3  }
0xf2: {  	v2 =	vmov s3;
	[spmem:s2] =	stream.indirect.scatter.add.bf16 [tilespmem:s26], [sflag:$0x7], $0x20, s1, s24, $0xb8;
	[tilespmem:$0x1CBA0] =	vst v63  }
0xf3: {  	s15 =	simm.s32 @!p1 $0x50;
	s16 =	simm.s32 @!p1 $0xEA60;
	s1 =	sadd.s32 @!p1 $0x190, s9;
	v2 =	vmul.u32 $0x50, v2  }
0xf4: {  	[tilespmem:s16], [sflag:$0x1] =	stream.indirect.gather @!p1 [hbm4b:s4+s15], $0x20, s1, s15, $0xb8;
	[tilespmem:$0x1CBA0] =	vst v63  }
0xf5: {  	v7 =	vmov s19;
	v3 =	vmov s20;
	v2 =	vbroadcast v2, $0x0;
	s16 =	simm.s32 $0x1  }
0xf6: {  	v4 =	vand.u32 $0x78, v3;
	v3 =	vand.u32 $0x4, v3;
	v5 =	vmov s16  }
0xf7: {  	_ =	swait.ge [sflag:s28], $0xA00;
	v4 =	vadd.s32 v2, v4;
	v6 =	vand.u32 $0x78, v5;
	v5 =	vand.u32 $0x5, v5  }
0xf8: {  	[sflag:s28] =	ssyncset.done $0x0;
	v3 =	vor.u32 v3, v4;
	v4 =	vadd.s32 v2, v6;
	v6 =	vand.u32 $0x78, v7  }
0xf9: {  	s20 =	simm.s32 $0x2;
	s1 =	simm.s32 @!p0 $0x8;
	[sflag:s28] =	ssyncadd.s32 $0xFFFFF600;
	v4 =	vor.u32 v5, v4;
	v5 =	vand.u32 $0x7, v7;
	v6 =	vadd.s32 v2, v6  }
0xfa: {  	_ =	swait.ge @!p0 [sflag:s1], $0xA00;
	v7 =	vmov s20;
	v5 =	vor.u32 v5, v6  }
0xfb: {  	s19 =	simm.s32 $0x5;
	[sflag:s1] =	ssyncset.done @!p0 $0x0;
	v6 =	vand.u32 $0x78, v7  }
0xfc: {  	s15 =	simm.s32 $0xFEA0;
	s16 =	simm.s32 $0x4;
	v7 =	vand.u32 $0x6, v7;
	[sflag:s1] =	ssyncadd.s32 @!p0 $0xFFFFF600;
	v6 =	vadd.s32 v2, v6  }
0xfd: {  	v9 =	vmov s19;
	v8 =	vmov s16;
	v6 =	vor.u32 v7, v6;
	v12 =	vld [tilespmem:s15+$0x20]  }
0xfe: {  	v11 =	vand.u32 $0x78, v9;
	v9 =	vand.u32 $0x5, v9;
	s20 =	simm.s32 $0x6;
	v7 =	vand.u32 $0x78, v8;
	v3 =	vld.idx.msk [tilespmem:v3+s23+$0x0], $0xffff  }
0xff: {  	v10 =	vmov s20;
	v8 =	vand.u32 $0x4, v8;
	v7 =	vadd.s32 v2, v7;
	v5 =	vld.idx.msk [tilespmem:v5+s23+$0x0], $0xffff  }
0x100: {  	v4 =	vld.idx.msk [tilespmem:v4+s23+$0x0], $0xffff;
	v8 =	vor.u32 v8, v7;
	v7 =	vadd.s32 v2, v11;
	v11 =	vand.u32 $0x78, v10  }
0x101: {  	s19 =	simm.s32 $0x7;
	v10 =	vand.u32 $0x6, v10;
	v9 =	vor.u32 v9, v7;
	v7 =	vadd.s32 v2, v11;
	v11 =	vld [tilespmem:s15+$0xFFFFFFC0]  }
0x102: {  	v13 =	vld.idx.msk [tilespmem:v6+s23+$0x0], $0xffff;
	v6 =	vor.u32 v10, v7;
	v7 =	vmov s19  }
0x103: {  	v10 =	vld [tilespmem:s15+$0xFFFFFFE0];
	v14 =	vand.u32 $0x78, v7  }
0x104: {  	v15 =	vld [tilespmem:s15+$0x0];
	v16 =	vand.u32 $0x7, v7;
	v14 =	vadd.s32 v2, v14;
	v17 =	vpack.i.f32.bf16 v5, v5  }
0x105: {  	v7 =	vpack.i.f32.bf16 v3, v3;
	v8 =	vld.idx.msk [tilespmem:v8+s23+$0x0], $0xffff;
	v14 =	vor.u32 v16, v14;
	v3 =	vmul.bf16 v12, v17  }
0x106: {  	s16 =	simm.s32 $0x130A0;
	v5 =	vld.idx.msk [tilespmem:v9+s23+$0x0], $0xffff;
	v9 =	vmul.bf16 v11, v7  }
0x107: {  	s20 =	simm.s32 $0x8;
	v4 =	vpack.i.f32.bf16 v4, v4;
	v6 =	vld.idx.msk [tilespmem:v6+s23+$0x0], $0xffff;
	[tilespmem:s16+$0x20] =	vst v3  }
0x108: {  	v11 =	vmul.bf16 v10, v4;
	v10 =	vmov s20;
	[tilespmem:s16+$0xFFFFFFC0] =	vst v9;
	s20 =	simm.s32 $0xA;
	v3 =	vpack.i.f32.bf16 v13, v13;
	v19 =	vld [tilespmem:s15+$0x30]  }
0x109: {  	s19 =	simm.s32 $0x9;
	v9 =	vand.u32 $0x78, v10;
	v12 =	vand.u32 $0x4, v10;
	v10 =	vld [tilespmem:s15+$0xFFFFFFD0];
	v18 =	vmov s20  }
0x10a: {  	v15 =	vmul.bf16 v15, v3;
	[tilespmem:s16+$0xFFFFFFE0] =	vst v11;
	v13 =	vadd.s32 v2, v9;
	v9 =	vmov s19;
	v11 =	vld.idx.msk [tilespmem:v14+s23+$0x0], $0xffff  }
0x10b: {  	v16 =	vand.u32 $0x6, v18;
	s19 =	simm.s32 $0xFF20;
	v14 =	vand.u32 $0x78, v9;
	v20 =	vand.u32 $0x5, v9;
	v9 =	vld [tilespmem:s15+$0xFFFFFFF0]  }
0x10c: {  	v18 =	vand.u32 $0x78, v18;
	v13 =	vor.u32 v12, v13;
	v12 =	vld [tilespmem:s19+$0x20];
	v14 =	vadd.s32 v2, v14  }
0x10d: {  	s31 =	simm.s32 $0xB;
	s29 =	simm.s32 $0xC;
	s20 =	simm.s32 $0x130A0;
	v18 =	vadd.s32 v2, v18;
	[tilespmem:s16+$0x0] =	vst v15;
	v15 =	vld [tilespmem:s19+$0xFFFFFFC0];
	v14 =	vor.u32 v20, v14;
	v17 =	vmul.bf16 v19, v17  }
.LBB2_11:
0x10e: {  	p2 =	slt.u32 s29, $0x4C;
	v16 =	vor.u32 v16, v18;
	v18 =	vmov s31;
	v19 =	vld [tilespmem:s19+$0xFFFFFFE0];
	v10 =	vmul.bf16 v10, v7  }
0x10f: {  	v7 =	vpack.i.f32.bf16 v8, v8;
	v20 =	vand.u32 $0x78, v18;
	v21 =	vld [tilespmem:s19+$0x0];
	[tilespmem:s16+$0x30] =	vst v17  }
0x110: {  	v17 =	vand.u32 $0x7, v18;
	v18 =	vadd.s32 v2, v20;
	v20 =	vpack.i.f32.bf16 v11, v11;
	[tilespmem:s16+$0xFFFFFFD0] =	vst v10;
	v11 =	vld [tilespmem:s15+$0x10];
	s15 =	smov.u32 s19  }
0x111: {  	v8 =	vld.idx.msk [tilespmem:v13+s23+$0x0], $0xffff;
	v13 =	vor.u32 v17, v18;
	v10 =	vmul.bf16 v12, v20;
	v12 =	vmul.bf16 v9, v4  }
0x112: {  	s16 =	sadd.s32 $0x80, s16;
	v4 =	vpack.i.f32.bf16 v5, v5;
	v9 =	vmul.bf16 v15, v7;
	v5 =	vld.idx.msk [tilespmem:v14+s23+$0x0], $0xffff  }
0x113: {  	v15 =	vpack.i.f32.bf16 v6, v6;
	v14 =	vmul.bf16 v19, v4;
	v6 =	vld.idx.msk [tilespmem:v16+s23+$0x0], $0xffff;
	[tilespmem:s16+$0x20] =	vst v10  }
0x114: {  	v10 =	vmov s29;
	[tilespmem:s16+$0xFFFFFFC0] =	vst v9;
	v9 =	vmul.bf16 v21, v15;
	v17 =	vld [tilespmem:s19+$0x30]  }
.Ltmp4:
0x115: {  	s1 =	sadd.s32 $0x1, s29;
	s31 =	sadd.s32 $0x2, s29;
	v16 =	vand.u32 $0x78, v10;
	v18 =	vand.u32 $0x4, v10;
	v10 =	vld [tilespmem:s19+$0xFFFFFFD0];
	[tilespmem:s16+$0xFFFFFFE0] =	vst v14;
	v14 =	vmul.bf16 v11, v3;
	v3 =	vmovc v15;
	(pc) =	sbr.rel @p2 .LBB2_11-.Ltmp4, $4  }
0x116: {  	v19 =	vmov s31;
	v15 =	vadd.s32 v2, v16;
	v16 =	vmov s1;
	v11 =	vld.idx.msk [tilespmem:v13+s23+$0x0], $0xffff;
	[tilespmem:s16+$0x0] =	vst v9  }
0x117: {  	s19 =	sadd.s32 $0x80, s19;
	v21 =	vand.u32 $0x78, v16;
	v22 =	vand.u32 $0x5, v16;
	v16 =	vand.u32 $0x6, v19;
	v9 =	vld [tilespmem:s15+$0xFFFFFFF0];
	[tilespmem:s20+$0xFFFFFFF0] =	vst v12  }
0x118: {  	v13 =	vor.u32 v18, v15;
	v18 =	vand.u32 $0x78, v19;
	v15 =	vadd.s32 v2, v21;
	v12 =	vld [tilespmem:s19+$0x20];
	[tilespmem:s20+$0x10] =	vst v14;
	s20 =	smov.u32 s16  }
0x119: {  	s31 =	sadd.s32 $0x3, s29;
	s29 =	sadd.s32 $0x4, s29;
	v18 =	vadd.s32 v2, v18;
	v14 =	vor.u32 v22, v15;
	v15 =	vld [tilespmem:s19+$0xFFFFFFC0];
	v17 =	vmul.bf16 v17, v20  }
0x11a: {  	_ = 	snop  }
0x11b: {  	v19 =	vmov s31  }
0x11c: {  	v20 =	vand.u32 $0x78, v19  }
0x11d: {  	v16 =	vor.u32 v16, v18;
	v18 =	vld [tilespmem:s19+$0xFFFFFFE0];
	v19 =	vand.u32 $0x7, v19;
	v2 =	vadd.s32 v2, v20  }
0x11e: {  	v13 =	vld.idx.msk [tilespmem:v13+s23+$0x0], $0xffff;
	v2 =	vor.u32 v19, v2  }
0x11f: {  	v14 =	vld.idx.msk [tilespmem:v14+s23+$0x0], $0xffff;
	s1 =	sadd.s32 $0x80, s19  }
0x120: {  	[tilespmem:s16+$0x30] =	vst v17;
	v17 =	vld [tilespmem:s1+$0xFFFFFFE0]  }
0x121: {  	v20 =	vld [tilespmem:s19+$0x0]  }
0x122: {  	v7 =	vmul.bf16 v10, v7;
	v10 =	vpack.i.f32.bf16 v11, v11;
	v19 =	vld [tilespmem:s15+$0x10]  }
0x123: {  	v8 =	vpack.i.f32.bf16 v8, v8;
	v12 =	vmul.bf16 v12, v10;
	v2 =	vld.idx.msk [tilespmem:v2+s23+$0x0], $0xffff  }
0x124: {  	s31 =	sadd.s32 $0x80, s16;
	[tilespmem:s16+$0xFFFFFFD0] =	vst v7;
	v4 =	vmul.bf16 v9, v4;
	v7 =	vmul.bf16 v15, v8;
	v15 =	vld [tilespmem:s1+$0x20]  }
0x125: {  	v5 =	vpack.i.f32.bf16 v5, v5;
	[tilespmem:s31+$0x20] =	vst v12;
	v12 =	vld [tilespmem:s1+$0xFFFFFFC0]  }
0x126: {  	v6 =	vpack.i.f32.bf16 v6, v6;
	[tilespmem:s20+$0xFFFFFFF0] =	vst v4;
	v11 =	vld.idx.msk [tilespmem:v16+s23+$0x0], $0xffff;
	v16 =	vmul.bf16 v18, v5  }
0x127: {  	v9 =	vld [tilespmem:s1+$0x0];
	[tilespmem:s31+$0xFFFFFFC0] =	vst v7;
	v7 =	vmul.bf16 v20, v6  }
0x128: {  	[tilespmem:s31+$0xFFFFFFE0] =	vst v16;
	v16 =	vld [tilespmem:s19+$0x30];
	v3 =	vmul.bf16 v19, v3;
	v2 =	vpack.i.f32.bf16 v2, v2  }
0x129: {  	v4 =	vpack.i.f32.bf16 v13, v13;
	[tilespmem:s31+$0x0] =	vst v7;
	v7 =	vld [tilespmem:s19+$0xFFFFFFD0];
	v13 =	vmul.bf16 v15, v2  }
0x12a: {  	s16 =	sadd.s32 $0x80, s31;
	[tilespmem:s20+$0x10] =	vst v3;
	v3 =	vmul.bf16 v12, v4;
	v12 =	vpack.i.f32.bf16 v14, v14;
	v14 =	vld [tilespmem:s19+$0x10]  }
0x12b: {  	v11 =	vpack.i.f32.bf16 v11, v11;
	v17 =	vmul.bf16 v17, v12;
	v15 =	vld [tilespmem:s19+$0xFFFFFFF0];
	[tilespmem:s16+$0x20] =	vst v13  }
0x12c: {  	[tilespmem:s16+$0xFFFFFFC0] =	vst v3;
	v3 =	vmul.bf16 v9, v11;
	v9 =	vld [tilespmem:s1+$0x30]  }
0x12d: {  	v10 =	vmul.bf16 v16, v10;
	[tilespmem:s16+$0xFFFFFFE0] =	vst v17;
	v13 =	vld [tilespmem:s1+$0xFFFFFFD0]  }
0x12e: {  	v7 =	vmul.bf16 v7, v8;
	[tilespmem:s16+$0x0] =	vst v3;
	v3 =	vld [tilespmem:s1+$0xFFFFFFF0]  }
0x12f: {  	[tilespmem:s31+$0x30] =	vst v10;
	v8 =	vld [tilespmem:s1+$0x10];
	v6 =	vmul.bf16 v14, v6  }
0x130: {  	[tilespmem:s31+$0xFFFFFFD0] =	vst v7;
	v5 =	vmul.bf16 v15, v5  }
0x131: {  	[tilespmem:s31+$0x10] =	vst v6;
	v2 =	vmul.bf16 v9, v2  }
0x132: {  	[tilespmem:s31+$0xFFFFFFF0] =	vst v5;
	v4 =	vmul.bf16 v13, v4  }
0x133: {  	s15 =	smul.u32 $0x140, s3;
	[tilespmem:s16+$0x30] =	vst v2;
	v2 =	vmul.bf16 v3, v12  }
0x134: {  	s3 =	sadd.s32 $0x3, s8;
	[tilespmem:s16+$0xFFFFFFD0] =	vst v4;
	v3 =	vmul.bf16 v8, v11  }
0x135: {  	s29 =	simm.s32 $0x3;
	s1 =	sshra.s32 s15, $0x2;
	[tilespmem:s16+$0xFFFFFFF0] =	vst v2;
	v2 =	vmov s3  }
0x136: {  	s20 =	simm.s32 $0x1;
	s19 =	simm.s32 $0x0;
	s1 =	sadd.s32 $0x4E20, s1;
	[tilespmem:s16+$0x10] =	vst v3;
	v2 =	vmul.u32 $0x50, v2  }
0x137: {  	[spmem:s2] =	stream.indirect.scatter.add.bf16 [tilespmem:s30], [sflag:$0x8], $0x20, s1, s24, $0xb8;
	[tilespmem:$0x1CBA0] =	vst v63  }
0x138: {  	s8 =	simm.s32 @!p1 $0x50;
	v5 =	vmov s20;
	v3 =	vmov s19;
	s1 =	sadd.s32 @!p1 $0x1E0, s9;
	s9 =	simm.s32 @!p1 $0xF460;
	v2 =	vbroadcast v2, $0x0  }
0x139: {  	v7 =	vmov s29;
	v6 =	vand.u32 $0x78, v5;
	v4 =	vand.u32 $0x78, v3;
	[tilespmem:s9], [sflag:$0x2] =	stream.indirect.gather @!p1 [hbm4b:s4+s8], $0x20, s1, s8, $0xb8;
	[tilespmem:$0x1CBA0] =	vst v63  }
0x13a: {  	v5 =	vand.u32 $0x5, v5;
	v3 =	vand.u32 $0x4, v3;
	_ =	swait.ge [sflag:s10], $0xA00;
	v4 =	vadd.s32 v2, v4  }
0x13b: {  	[sflag:s10] =	ssyncset.done $0x0;
	v3 =	vor.u32 v3, v4;
	v4 =	vadd.s32 v2, v6;
	v6 =	vand.u32 $0x78, v7  }
0x13c: {  	s31 =	simm.s32 $0x2;
	s1 =	simm.s32 @!p0 $0x9;
	[sflag:s10] =	ssyncadd.s32 $0xFFFFF600;
	v4 =	vor.u32 v5, v4;
	v5 =	vand.u32 $0x7, v7;
	v6 =	vadd.s32 v2, v6  }
0x13d: {  	_ =	swait.ge @!p0 [sflag:s1], $0xA00;
	v7 =	vmov s31;
	v5 =	vor.u32 v5, v6  }
0x13e: {  	s15 =	simm.s32 $0x5;
	[sflag:s1] =	ssyncset.done @!p0 $0x0;
	v6 =	vand.u32 $0x78, v7  }
0x13f: {  	s9 =	simm.s32 $0x4;
	s8 =	simm.s32 $0x108A0;
	v7 =	vand.u32 $0x6, v7;
	[sflag:s1] =	ssyncadd.s32 @!p0 $0xFFFFF600;
	v6 =	vadd.s32 v2, v6  }
0x140: {  	v9 =	vmov s15;
	v8 =	vmov s9;
	v6 =	vor.u32 v7, v6;
	v12 =	vld [tilespmem:s8+$0x20]  }
0x141: {  	v11 =	vand.u32 $0x78, v9;
	v9 =	vand.u32 $0x5, v9;
	s16 =	simm.s32 $0x6;
	v7 =	vand.u32 $0x78, v8;
	v3 =	vld.idx.msk [tilespmem:v3+s23+$0x0], $0xffff  }
0x142: {  	v10 =	vmov s16;
	v8 =	vand.u32 $0x4, v8;
	v7 =	vadd.s32 v2, v7;
	v5 =	vld.idx.msk [tilespmem:v5+s23+$0x0], $0xffff  }
0x143: {  	v4 =	vld.idx.msk [tilespmem:v4+s23+$0x0], $0xffff;
	v8 =	vor.u32 v8, v7;
	v7 =	vadd.s32 v2, v11;
	v11 =	vand.u32 $0x78, v10  }
0x144: {  	s19 =	simm.s32 $0x7;
	v10 =	vand.u32 $0x6, v10;
	v9 =	vor.u32 v9, v7;
	v7 =	vadd.s32 v2, v11;
	v11 =	vld [tilespmem:s8+$0xFFFFFFC0]  }
0x145: {  	v13 =	vld.idx.msk [tilespmem:v6+s23+$0x0], $0xffff;
	v6 =	vor.u32 v10, v7;
	v7 =	vmov s19  }
0x146: {  	v10 =	vld [tilespmem:s8+$0xFFFFFFE0];
	v14 =	vand.u32 $0x78, v7  }
0x147: {  	v15 =	vld [tilespmem:s8+$0x0];
	v16 =	vand.u32 $0x7, v7;
	v14 =	vadd.s32 v2, v14;
	v17 =	vpack.i.f32.bf16 v5, v5  }
0x148: {  	v7 =	vpack.i.f32.bf16 v3, v3;
	v8 =	vld.idx.msk [tilespmem:v8+s23+$0x0], $0xffff;
	v14 =	vor.u32 v16, v14;
	v3 =	vmul.bf16 v12, v17  }
0x149: {  	s9 =	simm.s32 $0x13AA0;
	v5 =	vld.idx.msk [tilespmem:v9+s23+$0x0], $0xffff;
	v9 =	vmul.bf16 v11, v7  }
0x14a: {  	s20 =	simm.s32 $0x8;
	s31 =	simm.s32 $0xA;
	v4 =	vpack.i.f32.bf16 v4, v4;
	v6 =	vld.idx.msk [tilespmem:v6+s23+$0x0], $0xffff;
	[tilespmem:s9+$0x20] =	vst v3  }
0x14b: {  	v18 =	vmov s31;
	v11 =	vmul.bf16 v10, v4;
	v10 =	vmov s20;
	[tilespmem:s9+$0xFFFFFFC0] =	vst v9;
	v19 =	vld [tilespmem:s8+$0x30]  }
0x14c: {  	s29 =	simm.s32 $0x9;
	v16 =	vand.u32 $0x6, v18;
	v9 =	vand.u32 $0x78, v10;
	v12 =	vand.u32 $0x4, v10;
	v10 =	vld [tilespmem:s8+$0xFFFFFFD0]  }
0x14d: {  	v3 =	vpack.i.f32.bf16 v13, v13;
	[tilespmem:s9+$0xFFFFFFE0] =	vst v11;
	v13 =	vadd.s32 v2, v9;
	v9 =	vmov s29;
	v11 =	vld.idx.msk [tilespmem:v14+s23+$0x0], $0xffff  }
0x14e: {  	s15 =	simm.s32 $0x10920;
	v15 =	vmul.bf16 v15, v3;
	v14 =	vand.u32 $0x78, v9;
	v20 =	vand.u32 $0x5, v9;
	v9 =	vld [tilespmem:s8+$0xFFFFFFF0]  }
0x14f: {  	v18 =	vand.u32 $0x78, v18;
	v13 =	vor.u32 v12, v13;
	v12 =	vld [tilespmem:s15+$0x20];
	v14 =	vadd.s32 v2, v14  }
0x150: {  	s16 =	simm.s32 $0x13AA0;
	s19 =	simm.s32 $0xC;
	v18 =	vadd.s32 v2, v18;
	s20 =	simm.s32 $0xB;
	[tilespmem:s9+$0x0] =	vst v15;
	v15 =	vld [tilespmem:s15+$0xFFFFFFC0];
	v14 =	vor.u32 v20, v14;
	v17 =	vmul.bf16 v19, v17  }
.LBB2_13:
0x151: {  	p2 =	slt.u32 s19, $0x4C;
	v16 =	vor.u32 v16, v18;
	v18 =	vmov s20;
	v19 =	vld [tilespmem:s15+$0xFFFFFFE0];
	v10 =	vmul.bf16 v10, v7  }
0x152: {  	v7 =	vpack.i.f32.bf16 v8, v8;
	v20 =	vand.u32 $0x78, v18;
	v21 =	vld [tilespmem:s15+$0x0];
	[tilespmem:s9+$0x30] =	vst v17  }
0x153: {  	v17 =	vand.u32 $0x7, v18;
	v18 =	vadd.s32 v2, v20;
	v20 =	vpack.i.f32.bf16 v11, v11;
	[tilespmem:s9+$0xFFFFFFD0] =	vst v10;
	v11 =	vld [tilespmem:s8+$0x10];
	s8 =	smov.u32 s15  }
0x154: {  	v8 =	vld.idx.msk [tilespmem:v13+s23+$0x0], $0xffff;
	v13 =	vor.u32 v17, v18;
	v10 =	vmul.bf16 v12, v20;
	v12 =	vmul.bf16 v9, v4  }
0x155: {  	s9 =	sadd.s32 $0x80, s9;
	v4 =	vpack.i.f32.bf16 v5, v5;
	v9 =	vmul.bf16 v15, v7;
	v5 =	vld.idx.msk [tilespmem:v14+s23+$0x0], $0xffff  }
0x156: {  	v15 =	vpack.i.f32.bf16 v6, v6;
	v14 =	vmul.bf16 v19, v4;
	v6 =	vld.idx.msk [tilespmem:v16+s23+$0x0], $0xffff;
	[tilespmem:s9+$0x20] =	vst v10  }
0x157: {  	v10 =	vmov s19;
	[tilespmem:s9+$0xFFFFFFC0] =	vst v9;
	v9 =	vmul.bf16 v21, v15;
	v17 =	vld [tilespmem:s15+$0x30]  }
.Ltmp5:
0x158: {  	s1 =	sadd.s32 $0x1, s19;
	s20 =	sadd.s32 $0x2, s19;
	v16 =	vand.u32 $0x78, v10;
	v18 =	vand.u32 $0x4, v10;
	v10 =	vld [tilespmem:s15+$0xFFFFFFD0];
	[tilespmem:s9+$0xFFFFFFE0] =	vst v14;
	v14 =	vmul.bf16 v11, v3;
	v3 =	vmovc v15;
	(pc) =	sbr.rel @p2 .LBB2_13-.Ltmp5, $4  }
0x159: {  	v19 =	vmov s20;
	v15 =	vadd.s32 v2, v16;
	v16 =	vmov s1;
	v11 =	vld.idx.msk [tilespmem:v13+s23+$0x0], $0xffff;
	[tilespmem:s9+$0x0] =	vst v9  }
0x15a: {  	s15 =	sadd.s32 $0x80, s15;
	v21 =	vand.u32 $0x78, v16;
	v22 =	vand.u32 $0x5, v16;
	v16 =	vand.u32 $0x6, v19;
	v9 =	vld [tilespmem:s8+$0xFFFFFFF0];
	[tilespmem:s16+$0xFFFFFFF0] =	vst v12  }
0x15b: {  	v13 =	vor.u32 v18, v15;
	v18 =	vand.u32 $0x78, v19;
	v15 =	vadd.s32 v2, v21;
	v12 =	vld [tilespmem:s15+$0x20];
	[tilespmem:s16+$0x10] =	vst v14;
	s16 =	smov.u32 s9  }
0x15c: {  	s20 =	sadd.s32 $0x3, s19;
	s19 =	sadd.s32 $0x4, s19;
	v18 =	vadd.s32 v2, v18;
	v14 =	vor.u32 v22, v15;
	v15 =	vld [tilespmem:s15+$0xFFFFFFC0];
	v17 =	vmul.bf16 v17, v20  }
0x15d: {  	v19 =	vmov s20  }
0x15e: {  	v20 =	vand.u32 $0x78, v19  }
0x15f: {  	v42 =	vld [tilespmem:s15+$0xFFFFFFE0];
	v19 =	vand.u32 $0x7, v19;
	v2 =	vadd.s32 v2, v20  }
0x160: {  	v43 =	vld [tilespmem:s15+$0x0];
	v2 =	vor.u32 v19, v2  }
0x161: {  	v44 =	vld [tilespmem:s8+$0x10]  }
0x162: {  	v13 =	vld.idx.msk [tilespmem:v13+s23+$0x0], $0xffff  }
0x163: {  	v16 =	vor.u32 v16, v18;
	v14 =	vld.idx.msk [tilespmem:v14+s23+$0x0], $0xffff;
	s1 =	sadd.s32 $0x80, s15  }
0x164: {  	v7 =	vmul.bf16 v10, v7;
	v48 =	vld [tilespmem:s1+$0x20]  }
0x165: {  	v45 =	vpack.i.f32.bf16 v11, v11;
	[tilespmem:s9+$0x30] =	vst v17;
	v4 =	vmul.bf16 v9, v4;
	v2 =	vld.idx.msk [tilespmem:v2+s23+$0x0], $0xffff  }
0x166: {  	v8 =	vpack.i.f32.bf16 v8, v8;
	v50 =	vld [tilespmem:s1+$0xFFFFFFC0];
	[tilespmem:s9+$0xFFFFFFD0] =	vst v7;
	v12 =	vmul.bf16 v12, v45  }
0x167: {  	v5 =	vpack.i.f32.bf16 v5, v5;
	s29 =	sadd.s32 $0x80, s9;
	v52 =	vld [tilespmem:s1+$0xFFFFFFE0];
	v47 =	vmul.bf16 v15, v8;
	[tilespmem:s16+$0xFFFFFFF0] =	vst v4  }
0x168: {  	v6 =	vpack.i.f32.bf16 v6, v6;
	v46 =	vld.idx.msk [tilespmem:v16+s23+$0x0], $0xffff;
	v49 =	vmul.bf16 v42, v5;
	[tilespmem:s29+$0x20] =	vst v12  }
0x169: {  	v53 =	vld [tilespmem:s1+$0x0];
	v51 =	vmul.bf16 v43, v6;
	[tilespmem:s29+$0xFFFFFFC0] =	vst v47  }
0x16a: {  	v3 =	vmul.bf16 v44, v3;
	v54 =	vld [tilespmem:s15+$0x30];
	[tilespmem:s29+$0xFFFFFFE0] =	vst v49;
	v2 =	vpack.i.f32.bf16 v2, v2  }
0x16b: {  	v56 =	vpack.i.f32.bf16 v13, v13;
	[tilespmem:s29+$0x0] =	vst v51;
	v55 =	vld [tilespmem:s15+$0xFFFFFFD0];
	v57 =	vmul.bf16 v48, v2  }
0x16c: {  	s9 =	sadd.s32 $0x80, s29;
	v59 =	vpack.i.f32.bf16 v14, v14;
	[tilespmem:s16+$0x10] =	vst v3;
	v3 =	vmul.bf16 v50, v56;
	v58 =	vld [tilespmem:s15+$0xFFFFFFF0]  }
0x16d: {  	v17 =	vmul.bf16 v52, v59;
	v60 =	vld [tilespmem:s15+$0x10];
	v11 =	vpack.i.f32.bf16 v46, v46;
	[tilespmem:s9+$0x20] =	vst v57  }
0x16e: {  	[tilespmem:s9+$0xFFFFFFC0] =	vst v3;
	v3 =	vmul.bf16 v53, v11;
	v61 =	vld [tilespmem:s1+$0x30]  }
0x16f: {  	[tilespmem:s9+$0xFFFFFFE0] =	vst v17;
	v62 =	vld [tilespmem:s1+$0xFFFFFFD0];
	v10 =	vmul.bf16 v54, v45  }
0x170: {  	v7 =	vmul.bf16 v55, v8;
	[tilespmem:s9+$0x0] =	vst v3;
	v3 =	vld [tilespmem:s1+$0xFFFFFFF0]  }
0x171: {  	[tilespmem:s29+$0x30] =	vst v10;
	v5 =	vmul.bf16 v58, v5;
	v63 =	vld [tilespmem:s1+$0x10]  }
0x172: {  	v6 =	vmul.bf16 v60, v6;
	[tilespmem:s29+$0xFFFFFFD0] =	vst v7  }
0x173: {  	[tilespmem:s29+$0xFFFFFFF0] =	vst v5;
	v2 =	vmul.bf16 v61, v2  }
0x174: {  	s31 =	smul.u32 $0x140, s3;
	p2 =	sne.s32 s18, $0x31;
	[tilespmem:s29+$0x10] =	vst v6;
	v4 =	vmul.bf16 v62, v56  }
.Ltmp6:
0x175: {  	[tilespmem:s9+$0x30] =	vst v2;
	v2 =	vmul.bf16 v3, v59;
	(pc) =	sbr.rel @p2 .LBB2_16-.Ltmp6, $4  }
0x176: {  	[tilespmem:s9+$0xFFFFFFD0] =	vst v4;
	v3 =	vmul.bf16 v63, v11  }
0x177: {  	s1 =	sshra.s32 s31, $0x2;
	[tilespmem:s9+$0xFFFFFFF0] =	vst v2  }
0x178: {  	s1 =	sadd.s32 $0x4E20, s1;
	[tilespmem:s9+$0x10] =	vst v3  }
0x179: {  	[spmem:s2] =	stream.indirect.scatter.add.bf16 [tilespmem:s11], [sflag:$0x9], $0x20, s1, s24, $0xb8;
	[tilespmem:$0x1CBA0] =	vst v63  }
.Ltmp7:
0x17a: {  	(pc) =	sbr.rel .LBB2_17-.Ltmp7, $4  }
0x17b: {  	_ = 	snop  }
0x17c: {  	_ =	swait.ge [sflag:s12], $0xA00  }
0x17d: {  	[sflag:s12] =	ssyncset.done $0x0  }
0x17e: {  	[sflag:s12] =	ssyncadd.s32 $0xFFFFF600  }
.LBB2_16:
.Ltmp8:
0x17f: {  	s1 =	sadd.s32 $0x230, s5;
	s3 =	simm.s32 $0xFE60;
	(pc) =	sbr.rel @p0 .LBB2_18-.Ltmp8, $4  }
0x180: {  	[tilespmem:s3], [sflag:$0x3] =	stream.indirect.gather [hbm4b:s4+s24], $0x20, s1, s24, $0xb8;
	[tilespmem:$0x1CBA0] =	vst v63  }
0x181: {  	_ =	swait.ge [sflag:s12], $0xA00  }
0x182: {  	[sflag:s12] =	ssyncset.done $0x0  }
0x183: {  	[sflag:s12] =	ssyncadd.s32 $0xFFFFF600  }
.LBB2_17:
0x184: {  	_ =	swait.ge [sflag:s13], $0xA00  }
0x185: {  	[sflag:s13] =	ssyncset.done $0x0  }
0x186: {  	[sflag:s13] =	ssyncadd.s32 $0xFFFFF600  }
.LBB2_18:
0x187: {  	v2 =	vmov s7  }
0x188: {  	v2 =	vmul.u32 $0x50, v2  }
0x189: {  	s1 =	simm.s32 $0x0;
	s7 =	simm.s32 $0x1  }
0x18a: {  	s8 =	simm.s32 $0x3;
	v3 =	vmov s1;
	v5 =	vmov s7;
	v2 =	vbroadcast v2, $0x0  }
0x18b: {  	v7 =	vmov s8;
	v4 =	vand.u32 $0x78, v3;
	v3 =	vand.u32 $0x4, v3  }
0x18c: {  	v6 =	vand.u32 $0x78, v5;
	v5 =	vand.u32 $0x5, v5;
	v4 =	vadd.s32 v2, v4  }
0x18d: {  	v3 =	vor.u32 v3, v4;
	v4 =	vadd.s32 v2, v6;
	v6 =	vand.u32 $0x78, v7  }
0x18e: {  	s9 =	simm.s32 $0x2;
	v4 =	vor.u32 v5, v4;
	v5 =	vand.u32 $0x7, v7;
	v6 =	vadd.s32 v2, v6  }
0x18f: {  	v7 =	vmov s9;
	v5 =	vor.u32 v5, v6  }
0x190: {  	v6 =	vand.u32 $0x78, v7  }
0x191: {  	s15 =	simm.s32 $0x4;
	s16 =	simm.s32 $0x5;
	s3 =	simm.s32 $0x112A0;
	v7 =	vand.u32 $0x6, v7;
	v6 =	vadd.s32 v2, v6  }
0x192: {  	s19 =	simm.s32 $0x6;
	v8 =	vmov s15;
	v9 =	vmov s16;
	v12 =	vld [tilespmem:s3+$0x20];
	v6 =	vor.u32 v7, v6  }
0x193: {  	v10 =	vmov s19;
	v11 =	vand.u32 $0x78, v9;
	v7 =	vand.u32 $0x78, v8;
	v3 =	vld.idx.msk [tilespmem:v3+s23+$0x0], $0xffff  }
0x194: {  	v9 =	vand.u32 $0x5, v9;
	v8 =	vand.u32 $0x4, v8;
	v7 =	vadd.s32 v2, v7;
	v5 =	vld.idx.msk [tilespmem:v5+s23+$0x0], $0xffff  }
0x195: {  	v4 =	vld.idx.msk [tilespmem:v4+s23+$0x0], $0xffff;
	v8 =	vor.u32 v8, v7;
	v7 =	vadd.s32 v2, v11;
	v11 =	vand.u32 $0x78, v10  }
0x196: {  	s20 =	simm.s32 $0x7;
	v10 =	vand.u32 $0x6, v10;
	v9 =	vor.u32 v9, v7;
	v7 =	vadd.s32 v2, v11;
	v11 =	vld [tilespmem:s3+$0xFFFFFFC0]  }
0x197: {  	v13 =	vld.idx.msk [tilespmem:v6+s23+$0x0], $0xffff;
	v6 =	vor.u32 v10, v7;
	v7 =	vmov s20  }
0x198: {  	v10 =	vld [tilespmem:s3+$0xFFFFFFE0];
	v14 =	vand.u32 $0x78, v7  }
0x199: {  	v15 =	vld [tilespmem:s3+$0x0];
	v16 =	vand.u32 $0x7, v7;
	v14 =	vadd.s32 v2, v14;
	v17 =	vpack.i.f32.bf16 v5, v5  }
0x19a: {  	v7 =	vpack.i.f32.bf16 v3, v3;
	v8 =	vld.idx.msk [tilespmem:v8+s23+$0x0], $0xffff;
	v14 =	vor.u32 v16, v14;
	v3 =	vmul.bf16 v12, v17  }
0x19b: {  	s7 =	simm.s32 $0x144A0;
	v5 =	vld.idx.msk [tilespmem:v9+s23+$0x0], $0xffff;
	v9 =	vmul.bf16 v11, v7  }
0x19c: {  	s29 =	simm.s32 $0x8;
	s8 =	simm.s32 $0xA;
	v4 =	vpack.i.f32.bf16 v4, v4;
	v6 =	vld.idx.msk [tilespmem:v6+s23+$0x0], $0xffff;
	[tilespmem:s7+$0x20] =	vst v3  }
0x19d: {  	v18 =	vmov s8;
	v11 =	vmul.bf16 v10, v4;
	v10 =	vmov s29;
	[tilespmem:s7+$0xFFFFFFC0] =	vst v9;
	v19 =	vld [tilespmem:s3+$0x30]  }
0x19e: {  	s31 =	simm.s32 $0x9;
	v16 =	vand.u32 $0x6, v18;
	v9 =	vand.u32 $0x78, v10;
	v12 =	vand.u32 $0x4, v10;
	v10 =	vld [tilespmem:s3+$0xFFFFFFD0]  }
0x19f: {  	v3 =	vpack.i.f32.bf16 v13, v13;
	[tilespmem:s7+$0xFFFFFFE0] =	vst v11;
	v13 =	vadd.s32 v2, v9;
	v9 =	vmov s31;
	v11 =	vld.idx.msk [tilespmem:v14+s23+$0x0], $0xffff  }
0x1a0: {  	s8 =	simm.s32 $0x11320;
	v15 =	vmul.bf16 v15, v3;
	v14 =	vand.u32 $0x78, v9;
	v20 =	vand.u32 $0x5, v9;
	v9 =	vld [tilespmem:s3+$0xFFFFFFF0]  }
0x1a1: {  	v18 =	vand.u32 $0x78, v18;
	v13 =	vor.u32 v12, v13;
	v12 =	vld [tilespmem:s8+$0x20];
	v14 =	vadd.s32 v2, v14  }
0x1a2: {  	s16 =	simm.s32 $0xB;
	s15 =	simm.s32 $0xC;
	s9 =	simm.s32 $0x144A0;
	v18 =	vadd.s32 v2, v18;
	[tilespmem:s7+$0x0] =	vst v15;
	v15 =	vld [tilespmem:s8+$0xFFFFFFC0];
	v14 =	vor.u32 v20, v14;
	v17 =	vmul.bf16 v19, v17  }
.LBB2_19:
0x1a3: {  	p0 =	slt.u32 s15, $0x4C;
	v16 =	vor.u32 v16, v18;
	v18 =	vmov s16;
	v19 =	vld [tilespmem:s8+$0xFFFFFFE0];
	v10 =	vmul.bf16 v10, v7  }
0x1a4: {  	v7 =	vpack.i.f32.bf16 v8, v8;
	v20 =	vand.u32 $0x78, v18;
	v21 =	vld [tilespmem:s8+$0x0];
	[tilespmem:s7+$0x30] =	vst v17  }
0x1a5: {  	v17 =	vand.u32 $0x7, v18;
	v18 =	vadd.s32 v2, v20;
	v20 =	vpack.i.f32.bf16 v11, v11;
	[tilespmem:s7+$0xFFFFFFD0] =	vst v10;
	v11 =	vld [tilespmem:s3+$0x10];
	s3 =	smov.u32 s8  }
0x1a6: {  	v8 =	vld.idx.msk [tilespmem:v13+s23+$0x0], $0xffff;
	v13 =	vor.u32 v17, v18;
	v10 =	vmul.bf16 v12, v20;
	v12 =	vmul.bf16 v9, v4  }
0x1a7: {  	s7 =	sadd.s32 $0x80, s7;
	v4 =	vpack.i.f32.bf16 v5, v5;
	v9 =	vmul.bf16 v15, v7;
	v5 =	vld.idx.msk [tilespmem:v14+s23+$0x0], $0xffff  }
0x1a8: {  	v15 =	vpack.i.f32.bf16 v6, v6;
	v14 =	vmul.bf16 v19, v4;
	v6 =	vld.idx.msk [tilespmem:v16+s23+$0x0], $0xffff;
	[tilespmem:s7+$0x20] =	vst v10  }
0x1a9: {  	v10 =	vmov s15;
	[tilespmem:s7+$0xFFFFFFC0] =	vst v9;
	v9 =	vmul.bf16 v21, v15;
	v17 =	vld [tilespmem:s8+$0x30]  }
.Ltmp9:
0x1aa: {  	s1 =	sadd.s32 $0x1, s15;
	s16 =	sadd.s32 $0x2, s15;
	v16 =	vand.u32 $0x78, v10;
	v18 =	vand.u32 $0x4, v10;
	v10 =	vld [tilespmem:s8+$0xFFFFFFD0];
	[tilespmem:s7+$0xFFFFFFE0] =	vst v14;
	v14 =	vmul.bf16 v11, v3;
	v3 =	vmovc v15;
	(pc) =	sbr.rel @p0 .LBB2_19-.Ltmp9, $4  }
0x1ab: {  	v19 =	vmov s16;
	v15 =	vadd.s32 v2, v16;
	v16 =	vmov s1;
	v11 =	vld.idx.msk [tilespmem:v13+s23+$0x0], $0xffff;
	[tilespmem:s7+$0x0] =	vst v9  }
0x1ac: {  	s8 =	sadd.s32 $0x80, s8;
	v21 =	vand.u32 $0x78, v16;
	v22 =	vand.u32 $0x5, v16;
	v16 =	vand.u32 $0x6, v19;
	v9 =	vld [tilespmem:s3+$0xFFFFFFF0];
	[tilespmem:s9+$0xFFFFFFF0] =	vst v12  }
0x1ad: {  	v13 =	vor.u32 v18, v15;
	v18 =	vand.u32 $0x78, v19;
	v15 =	vadd.s32 v2, v21;
	v12 =	vld [tilespmem:s8+$0x20];
	[tilespmem:s9+$0x10] =	vst v14;
	s9 =	smov.u32 s7  }
0x1ae: {  	s16 =	sadd.s32 $0x3, s15;
	s15 =	sadd.s32 $0x4, s15;
	v18 =	vadd.s32 v2, v18;
	v14 =	vor.u32 v22, v15;
	v15 =	vld [tilespmem:s8+$0xFFFFFFC0];
	v17 =	vmul.bf16 v17, v20  }
0x1af: {  	v19 =	vmov s16  }
0x1b0: {  	v20 =	vand.u32 $0x78, v19  }
0x1b1: {  	v42 =	vld [tilespmem:s8+$0xFFFFFFE0];
	v19 =	vand.u32 $0x7, v19;
	v2 =	vadd.s32 v2, v20  }
0x1b2: {  	v43 =	vld [tilespmem:s8+$0x0];
	v2 =	vor.u32 v19, v2  }
0x1b3: {  	v44 =	vld [tilespmem:s3+$0x10]  }
0x1b4: {  	v13 =	vld.idx.msk [tilespmem:v13+s23+$0x0], $0xffff  }
0x1b5: {  	v16 =	vor.u32 v16, v18;
	v14 =	vld.idx.msk [tilespmem:v14+s23+$0x0], $0xffff;
	s1 =	sadd.s32 $0x80, s8  }
0x1b6: {  	v7 =	vmul.bf16 v10, v7;
	v48 =	vld [tilespmem:s1+$0x20]  }
0x1b7: {  	v45 =	vpack.i.f32.bf16 v11, v11;
	[tilespmem:s7+$0x30] =	vst v17;
	v4 =	vmul.bf16 v9, v4;
	v2 =	vld.idx.msk [tilespmem:v2+s23+$0x0], $0xffff  }
0x1b8: {  	v8 =	vpack.i.f32.bf16 v8, v8;
	v50 =	vld [tilespmem:s1+$0xFFFFFFC0];
	[tilespmem:s7+$0xFFFFFFD0] =	vst v7;
	v12 =	vmul.bf16 v12, v45  }
0x1b9: {  	v5 =	vpack.i.f32.bf16 v5, v5;
	s29 =	sadd.s32 $0x80, s7;
	v52 =	vld [tilespmem:s1+$0xFFFFFFE0];
	v47 =	vmul.bf16 v15, v8;
	[tilespmem:s9+$0xFFFFFFF0] =	vst v4  }
0x1ba: {  	v6 =	vpack.i.f32.bf16 v6, v6;
	v46 =	vld.idx.msk [tilespmem:v16+s23+$0x0], $0xffff;
	v49 =	vmul.bf16 v42, v5;
	[tilespmem:s29+$0x20] =	vst v12  }
0x1bb: {  	v53 =	vld [tilespmem:s1+$0x0];
	v51 =	vmul.bf16 v43, v6;
	[tilespmem:s29+$0xFFFFFFC0] =	vst v47  }
0x1bc: {  	v3 =	vmul.bf16 v44, v3;
	v54 =	vld [tilespmem:s8+$0x30];
	[tilespmem:s29+$0xFFFFFFE0] =	vst v49;
	v2 =	vpack.i.f32.bf16 v2, v2  }
0x1bd: {  	v56 =	vpack.i.f32.bf16 v13, v13;
	[tilespmem:s29+$0x0] =	vst v51;
	v55 =	vld [tilespmem:s8+$0xFFFFFFD0];
	v57 =	vmul.bf16 v48, v2  }
0x1be: {  	s7 =	sadd.s32 $0x80, s29;
	v59 =	vpack.i.f32.bf16 v14, v14;
	[tilespmem:s9+$0x10] =	vst v3;
	v3 =	vmul.bf16 v50, v56;
	v58 =	vld [tilespmem:s8+$0xFFFFFFF0]  }
0x1bf: {  	v17 =	vmul.bf16 v52, v59;
	v60 =	vld [tilespmem:s8+$0x10];
	v11 =	vpack.i.f32.bf16 v46, v46;
	[tilespmem:s7+$0x20] =	vst v57  }
0x1c0: {  	[tilespmem:s7+$0xFFFFFFC0] =	vst v3;
	v3 =	vmul.bf16 v53, v11;
	v61 =	vld [tilespmem:s1+$0x30]  }
0x1c1: {  	[tilespmem:s7+$0xFFFFFFE0] =	vst v17;
	v62 =	vld [tilespmem:s1+$0xFFFFFFD0];
	v10 =	vmul.bf16 v54, v45  }
0x1c2: {  	v7 =	vmul.bf16 v55, v8;
	[tilespmem:s7+$0x0] =	vst v3;
	v3 =	vld [tilespmem:s1+$0xFFFFFFF0]  }
0x1c3: {  	[tilespmem:s29+$0x30] =	vst v10;
	v5 =	vmul.bf16 v58, v5;
	v63 =	vld [tilespmem:s1+$0x10]  }
0x1c4: {  	v6 =	vmul.bf16 v60, v6;
	[tilespmem:s29+$0xFFFFFFD0] =	vst v7  }
0x1c5: {  	[tilespmem:s29+$0xFFFFFFF0] =	vst v5;
	v2 =	vmul.bf16 v61, v2  }
0x1c6: {  	[tilespmem:s29+$0x10] =	vst v6;
	v4 =	vmul.bf16 v62, v56  }
.Ltmp10:
0x1c7: {  	[tilespmem:s7+$0x30] =	vst v2;
	v2 =	vmul.bf16 v3, v59;
	(pc) =	sbr.rel @p1 .LBB2_22-.Ltmp10, $4  }
0x1c8: {  	[tilespmem:s7+$0xFFFFFFD0] =	vst v4;
	v3 =	vmul.bf16 v63, v11  }
0x1c9: {  	[tilespmem:s7+$0xFFFFFFF0] =	vst v2  }
0x1ca: {  	s31 =	sadd.s32 $0x4E20, s6;
	[tilespmem:s7+$0x10] =	vst v3  }
0x1cb: {  	[spmem:s2] =	stream.indirect.scatter.add.bf16 [tilespmem:s14], [sflag:$0xA], $0x20, s31, s24, $0xb8;
	[tilespmem:$0x1CBA0] =	vst v63  }
.Ltmp11:
0x1cc: {  	(pc) =	sbr.rel .LBB2_6-.Ltmp11, $3  }
0x1cd: {  	_ =	sdelay $0x1  }
0x1ce: {  	s1 =	sadd.s32 $0x280, s5;
	s3 =	simm.s32 $0x10860;
	s18 =	sadd.s32 $0x1, s18  }
0x1cf: {  	[tilespmem:s3], [sflag:$0x4] =	stream.indirect.gather [hbm4b:s4+s24], $0x20, s1, s24, $0xb8;
	[tilespmem:$0x1CBA0] =	vst v63  }
.LBB2_22:
0x1d0: {  	s1 =	simm.s32 $0x6  }
0x1d1: {  	_ =	swait.ge [sflag:s1], $0xA00  }
0x1d2: {  	[sflag:s1] =	ssyncset.done $0x0  }
0x1d3: {  	s15 =	simm.s32 $0x7;
	[sflag:s1] =	ssyncadd.s32 $0xFFFFF600  }
0x1d4: {  	_ =	swait.ge [sflag:s15], $0xA00  }
0x1d5: {  	[sflag:s15] =	ssyncset.done $0x0  }
0x1d6: {  	s16 =	simm.s32 $0x8;
	[sflag:s15] =	ssyncadd.s32 $0xFFFFF600  }
0x1d7: {  	_ =	swait.ge [sflag:s16], $0xA00  }
0x1d8: {  	[sflag:s16] =	ssyncset.done $0x0  }
0x1d9: {  	s17 =	simm.s32 $0x9;
	[sflag:s16] =	ssyncadd.s32 $0xFFFFF600  }
0x1da: {  	_ =	swait.ge [sflag:s17], $0xA00  }
0x1db: {  	[sflag:s17] =	ssyncset.done $0x0  }
0x1dc: {  	[sflag:s17] =	ssyncadd.s32 $0xFFFFF600  }
0x1dd: {  	_ =	swait.ge [sflag:s13], $0xA00  }
0x1de: {  	[sflag:s13] =	ssyncset.done $0x0  }
0x1df: {  	[sflag:s13] =	ssyncadd.s32 $0xFFFFF600  }
0x1e0: {  	[bflag:$0x0] =	sbarrier.arrive $0xFFFF  }
0x1e1: {  	s18 =	simm.s32 $0x0;
	s5 =	simm.s32 $0x17D40;
	s3 =	rddreg [dreg:$0xf]  }
0x1e2: {  	[tilespmem:s5], [sflag:$0xB] =	stream.linear.gather [hbm4b:s3+s18], $0x40, $0x38;
	[tilespmem:$0x1CBA0] =	vst v63  }
0x1e3: {  	_ =	swait.ge [sflag:s21], $0x40  }
0x1e4: {  	[sflag:s21] =	ssyncset.done $0x0  }
0x1e5: {  	s20 =	simm.s32 $0x16DA0;
	s19 =	rddreg [dreg:$0x7];
	[sflag:s21] =	ssyncadd.s32 $0xFFFFFFC0  }
0x1e6: {  	[tilespmem:s20], [sflag:$0xB] =	stream.linear.gather [spmem:s19], $0xFA0, $0x38;
	[tilespmem:$0x1CBA0] =	vst v63  }
0x1e7: {  	_ =	swait.ge [sflag:s21], $0xFA0  }
0x1e8: {  	[sflag:s21] =	ssyncset.done $0x0  }
0x1e9: {  	s8 =	simm.s32 $0x0;
	[sflag:s21] =	ssyncadd.s32 $0xFFFFF060  }
0x1ea: {  	v2 =	vld [tilespmem:s8+$0x16DA0]  }
0x1eb: {  	v3 =	vld [tilespmem:$0x17D40];
	_ =	sdelay $0x3  }
0x1ec: {  	v4 =	vunpack.i.l.bf16.f32 v2  }
0x1ed: {  	v3 =	vadd.f32 v3, v4;
	_ =	sdelay $0x1  }
0x1ee: {  	v4 =	vmul.f32 $1.442695020e+00, v3;
	_ =	sdelay $0x1  }
0x1ef: {  	s17 =	simm.s32 $0x20;
	(erf) = vpow2.f32 v4  }
0x1f0: {  	v4 =	vld [tilespmem:s17+$0x16DA0];
	_ =	sdelay $0x1  }
0x1f1: {  	v5 =	vld [tilespmem:$0x17D40];
	_ =	sdelay $0x2  }
0x1f2: {  	v6 =	vunpack.i.l.bf16.f32 v4;
	_ =	sdelay $0x1  }
0x1f3: {  	v5 =	vadd.f32 v5, v6  }
0x1f4: {  	v6 =	vpop (erf)  }
0x1f5: {  	v7 =	vmul.f32 $1.442695020e+00, v5;
	v6 =	vadd.f32 $-1.000000000e+00, v6;
	_ =	sdelay $0x1  }
0x1f6: {  	s18 =	simm.s32 $0x40;
	(erf) = vpow2.f32 v7;
	v6 =	vmul.f32 $1.673263190e+00, v6  }
0x1f7: {  	vm0 =	vgt.f32 v3, $0.0e+00;
	v7 =	vld [tilespmem:s18+$0x16DA0]  }
0x1f8: {  	v8 =	vld [tilespmem:$0x17D40];
	v3 =	vsel vm0, v3, v6  }
0x1f9: {  	v3 =	vmul.f32 $1.050701020e+00, v3  }
0x1fa: {  	s5 =	simm.s32 $0x14E80  }
0x1fb: {  	[tilespmem:s5+$0xFFFFFFE0] =	vst v3  }
0x1fc: {  	v3 =	vunpack.i.l.bf16.f32 v7;
	v6 =	vld [tilespmem:$0x17D50]  }
0x1fd: {  	v3 =	vadd.f32 v8, v3;
	_ =	sdelay $0x1  }
0x1fe: {  	v8 =	vpop (erf);
	v9 =	vmul.f32 $1.442695020e+00, v3  }
0x1ff: {  	v2 =	vunpack.i.u.bf16.f32 v2;
	v8 =	vadd.f32 $-1.000000000e+00, v8  }
0x200: {  	s1 =	simm.s32 $0x60;
	(erf) = vpow2.f32 v9;
	v2 =	vadd.f32 v6, v2  }
0x201: {  	v6 =	vmul.f32 $1.673263190e+00, v8;
	v8 =	vld [tilespmem:s1+$0x16DA0]  }
0x202: {  	v10 =	vld [tilespmem:$0x17D40];
	vm12 =	vgt.f32 v5, $0.0e+00;
	v9 =	vmul.f32 $1.442695020e+00, v2  }
0x203: {  	v5 =	vsel vm12, v5, v6  }
0x204: {  	v5 =	vmul.f32 $1.050701020e+00, v5;
	(erf) = vpow2.f32 v9  }
0x205: {  	s6 =	simm.s32 $0x14EC0  }
0x206: {  	[tilespmem:s6+$0xFFFFFFE0] =	vst v5;
	v5 =	vunpack.i.l.bf16.f32 v8  }
0x207: {  	v6 =	vld [tilespmem:$0x17D50];
	v5 =	vadd.f32 v10, v5;
	_ =	sdelay $0x1  }
0x208: {  	v9 =	vpop (erf);
	v10 =	vmul.f32 $1.442695020e+00, v5  }
0x209: {  	v9 =	vadd.f32 $-1.000000000e+00, v9  }
0x20a: {  	s9 =	simm.s32 $0x80;
	v4 =	vunpack.i.u.bf16.f32 v4;
	(erf) = vpow2.f32 v10  }
0x20b: {  	v9 =	vmul.f32 $1.673263190e+00, v9;
	v4 =	vadd.f32 v6, v4;
	v6 =	vld [tilespmem:s9+$0x16DA0]  }
0x20c: {  	v11 =	vld [tilespmem:$0x17D40];
	vm13 =	vgt.f32 v3, $0.0e+00;
	v10 =	vpop (erf)  }
0x20d: {  	v3 =	vsel vm13, v3, v9;
	v9 =	vmul.f32 $1.442695020e+00, v4;
	v10 =	vadd.f32 $-1.000000000e+00, v10  }
0x20e: {  	v3 =	vmul.f32 $1.050701020e+00, v3  }
0x20f: {  	s7 =	simm.s32 $0x14F00;
	(erf) = vpow2.f32 v9;
	v9 =	vmul.f32 $1.673263190e+00, v10  }
0x210: {  	vm14 =	vgt.f32 v2, $0.0e+00;
	[tilespmem:s7+$0xFFFFFFE0] =	vst v3;
	v3 =	vunpack.i.l.bf16.f32 v6  }
0x211: {  	v3 =	vadd.f32 v11, v3;
	v2 =	vsel vm14, v2, v9;
	v9 =	vld [tilespmem:$0x17D50]  }
0x212: {  	v2 =	vmul.f32 $1.050701020e+00, v2  }
0x213: {  	v10 =	vpop (erf);
	v11 =	vmul.f32 $1.442695020e+00, v3  }
0x214: {  	[tilespmem:s5+$0xFFFFFFF0] =	vst v2;
	v2 =	vunpack.i.u.bf16.f32 v7;
	v7 =	vadd.f32 $-1.000000000e+00, v10  }
0x215: {  	(erf) = vpow2.f32 v11;
	v10 =	vld [tilespmem:s8+$0x16DB0]  }
0x216: {  	s16 =	simm.s32 $0xA0;
	v11 =	vld [tilespmem:$0x17D60];
	v2 =	vadd.f32 v9, v2;
	v7 =	vmul.f32 $1.673263190e+00, v7  }
0x217: {  	vm15 =	vgt.f32 v5, $0.0e+00;
	v9 =	vld [tilespmem:s16+$0x16DA0]  }
0x218: {  	v14 =	vld [tilespmem:$0x17D40];
	v12 =	vpop (erf);
	v13 =	vmul.f32 $1.442695020e+00, v2;
	v5 =	vsel vm15, v5, v7  }
0x219: {  	v7 =	vadd.f32 $-1.000000000e+00, v12;
	v5 =	vmul.f32 $1.050701020e+00, v5  }
0x21a: {  	s8 =	simm.s32 $0x14F40;
	v12 =	vunpack.i.l.bf16.f32 v10;
	(erf) = vpow2.f32 v13  }
0x21b: {  	v7 =	vmul.f32 $1.673263190e+00, v7;
	v11 =	vadd.f32 v11, v12;
	[tilespmem:s8+$0xFFFFFFE0] =	vst v5  }
0x21c: {  	vm4 =	vgt.f32 v4, $0.0e+00;
	v5 =	vunpack.i.l.bf16.f32 v9;
	v12 =	vld [tilespmem:$0x17D50]  }
0x21d: {  	v4 =	vsel vm4, v4, v7;
	v5 =	vadd.f32 v14, v5;
	v7 =	vmul.f32 $1.442695020e+00, v11  }
0x21e: {  	v4 =	vmul.f32 $1.050701020e+00, v4;
	v13 =	vpop (erf)  }
0x21f: {  	s15 =	simm.s32 $0xC0;
	v13 =	vadd.f32 $-1.000000000e+00, v13;
	(erf) = vpow2.f32 v7;
	v7 =	vmul.f32 $1.442695020e+00, v5  }
0x220: {  	v14 =	vld [tilespmem:s15+$0x16DA0];
	[tilespmem:s6+$0xFFFFFFF0] =	vst v4;
	v4 =	vunpack.i.u.bf16.f32 v8  }
0x221: {  	v15 =	vld [tilespmem:s17+$0x16DB0];
	(erf) = vpow2.f32 v7;
	v7 =	vmul.f32 $1.673263190e+00, v13;
	v4 =	vadd.f32 v12, v4  }
0x222: {  	vm5 =	vgt.f32 v3, $0.0e+00;
	v8 =	vld [tilespmem:$0x17D60]  }
0x223: {  	v12 =	vld [tilespmem:$0x17D40];
	v13 =	vpop (erf);
	v3 =	vsel vm5, v3, v7;
	v7 =	vmul.f32 $1.442695020e+00, v4  }
0x224: {  	v13 =	vadd.f32 $-1.000000000e+00, v13  }
0x225: {  	v3 =	vmul.f32 $1.050701020e+00, v3;
	(erf) = vpow2.f32 v7  }
0x226: {  	s17 =	simm.s32 $0x14F80;
	v16 =	vunpack.i.l.bf16.f32 v15;
	v7 =	vmul.f32 $1.673263190e+00, v13  }
0x227: {  	vm6 =	vgt.f32 v2, $0.0e+00;
	v13 =	vunpack.i.l.bf16.f32 v14;
	v16 =	vadd.f32 v8, v16;
	[tilespmem:s17+$0xFFFFFFE0] =	vst v3  }
0x228: {  	v12 =	vadd.f32 v12, v13;
	v13 =	vld [tilespmem:$0x17D50];
	v8 =	vpop (erf);
	v2 =	vsel vm6, v2, v7  }
0x229: {  	v3 =	vmul.f32 $1.442695020e+00, v16;
	v7 =	vadd.f32 $-1.000000000e+00, v8;
	v2 =	vmul.f32 $1.050701020e+00, v2  }
0x22a: {  	v8 =	vmul.f32 $1.442695020e+00, v12;
	v17 =	vpop (erf)  }
0x22b: {  	(erf) = vpow2.f32 v3;
	v7 =	vmul.f32 $1.673263190e+00, v7;
	[tilespmem:s7+$0xFFFFFFF0] =	vst v2;
	v2 =	vadd.f32 $-1.000000000e+00, v17  }
0x22c: {  	v6 =	vunpack.i.u.bf16.f32 v6;
	vm7 =	vgt.f32 v11, $0.0e+00;
	(erf) = vpow2.f32 v8;
	v3 =	vld [tilespmem:s18+$0x16DB0]  }
0x22d: {  	s19 =	simm.s32 $0xE0;
	v17 =	vadd.f32 v13, v6;
	v7 =	vsel vm7, v11, v7;
	v11 =	vld [tilespmem:$0x17D60];
	v2 =	vmul.f32 $1.673263190e+00, v2  }
0x22e: {  	vm8 =	vgt.f32 v5, $0.0e+00;
	v8 =	vld [tilespmem:s19+$0x16DA0];
	v7 =	vmul.f32 $1.050701020e+00, v7;
	v13 =	vpop (erf)  }
0x22f: {  	v6 =	vld [tilespmem:$0x17D40];
	v2 =	vsel vm8, v5, v2;
	v5 =	vmul.f32 $1.442695020e+00, v17;
	v13 =	vadd.f32 $-1.000000000e+00, v13  }
0x230: {  	[tilespmem:s5+$0x0] =	vst v7;
	v2 =	vmul.f32 $1.050701020e+00, v2  }
0x231: {  	v7 =	vunpack.i.l.bf16.f32 v3;
	v18 =	vld [tilespmem:$0x17D70];
	(erf) = vpow2.f32 v5;
	v5 =	vmul.f32 $1.673263190e+00, v13  }
0x232: {  	vm9 =	vgt.f32 v4, $0.0e+00;
	s18 =	simm.s32 $0x14FC0;
	v19 =	vadd.f32 v11, v7  }
0x233: {  	v7 =	vunpack.i.l.bf16.f32 v8;
	[tilespmem:s18+$0xFFFFFFE0] =	vst v2;
	v2 =	vsel vm9, v4, v5  }
0x234: {  	v20 =	vadd.f32 v6, v7;
	v6 =	vpop (erf);
	v7 =	vld [tilespmem:$0x17D50];
	v4 =	vmul.f32 $1.442695020e+00, v19;
	v2 =	vmul.f32 $1.050701020e+00, v2  }
0x235: {  	s20 =	simm.s32 $0x100;
	v5 =	vadd.f32 $-1.000000000e+00, v6;
	v6 =	vunpack.i.u.bf16.f32 v10  }
0x236: {  	v10 =	vpop (erf);
	v11 =	vmul.f32 $1.442695020e+00, v20;
	(erf) = vpow2.f32 v4;
	v21 =	vadd.f32 v18, v6;
	v4 =	vld [tilespmem:s20+$0x16DA0];
	[tilespmem:s8+$0xFFFFFFF0] =	vst v2  }
0x237: {  	vm10 =	vgt.f32 v16, $0.0e+00;
	v10 =	vadd.f32 $-1.000000000e+00, v10;
	v5 =	vmul.f32 $1.673263190e+00, v5;
	v6 =	vld [tilespmem:s1+$0x16DB0]  }
0x238: {  	v2 =	vunpack.i.u.bf16.f32 v9;
	(erf) = vpow2.f32 v11;
	v11 =	vld [tilespmem:$0x17D60];
	v9 =	vmul.f32 $1.442695020e+00, v21  }
0x239: {  	v10 =	vmul.f32 $1.673263190e+00, v10;
	v5 =	vsel vm10, v16, v5;
	v16 =	vld [tilespmem:$0x17D40];
	v13 =	vadd.f32 v7, v2  }
0x23a: {  	v5 =	vmul.f32 $1.050701020e+00, v5;
	(erf) = vpow2.f32 v9  }
0x23b: {  	vm11 =	vgt.f32 v12, $0.0e+00;
	v2 =	vpop (erf);
	v9 =	vmul.f32 $1.442695020e+00, v13  }
0x23c: {  	v7 =	vsel vm11, v12, v10;
	v2 =	vadd.f32 $-1.000000000e+00, v2;
	[tilespmem:s6+$0x0] =	vst v5;
	v10 =	vunpack.i.l.bf16.f32 v6  }
0x23d: {  	vm12 =	vgt.f32 v17, $0.0e+00;
	v5 =	vunpack.i.l.bf16.f32 v4;
	v12 =	vld [tilespmem:$0x17D70];
	v11 =	vadd.f32 v11, v10  }
0x23e: {  	v7 =	vmul.f32 $1.050701020e+00, v7;
	v2 =	vmul.f32 $1.673263190e+00, v2;
	v10 =	vadd.f32 v16, v5  }
0x23f: {  	s29 =	simm.s32 $0x15000;
	(erf) = vpow2.f32 v9;
	v5 =	vunpack.i.u.bf16.f32 v14;
	v9 =	vpop (erf);
	v14 =	vmul.f32 $1.442695020e+00, v11  }
0x240: {  	[tilespmem:s29+$0xFFFFFFE0] =	vst v7;
	v2 =	vsel vm12, v17, v2;
	v16 =	vmul.f32 $1.442695020e+00, v10;
	v9 =	vadd.f32 $-1.000000000e+00, v9  }
0x241: {  	v17 =	vld [tilespmem:$0x17D50];
	v18 =	vmul.f32 $1.050701020e+00, v2;
	v2 =	vunpack.i.u.bf16.f32 v15;
	v15 =	vpop (erf);
	(erf) = vpow2.f32 v14  }
0x242: {  	s3 =	simm.s32 $0x120;
	v2 =	vadd.f32 v12, v2;
	v12 =	vadd.f32 $-1.000000000e+00, v15;
	v14 =	vmul.f32 $1.673263190e+00, v9  }
0x243: {  	vm13 =	vgt.f32 v19, $0.0e+00;
	v7 =	vld [tilespmem:s3+$0x16DA0];
	(erf) = vpow2.f32 v16;
	v15 =	vpop (erf)  }
0x244: {  	[tilespmem:s17+$0xFFFFFFF0] =	vst v18;
	v14 =	vsel vm13, v19, v14;
	v15 =	vadd.f32 $-1.000000000e+00, v15;
	v19 =	vmul.f32 $1.673263190e+00, v12  }
0x245: {  	v9 =	vld [tilespmem:s9+$0x16DB0];
	v16 =	vmul.f32 $1.442695020e+00, v2  }
0x246: {  	v12 =	vadd.f32 v17, v5;
	v5 =	vmul.f32 $1.673263190e+00, v15;
	v15 =	vld [tilespmem:$0x17D60]  }
0x247: {  	vm14 =	vgt.f32 v20, $0.0e+00;
	v17 =	vld [tilespmem:$0x17D40];
	v14 =	vmul.f32 $1.050701020e+00, v14;
	(erf) = vpow2.f32 v16  }
0x248: {  	vm15 =	vgt.f32 v21, $0.0e+00;
	v18 =	vunpack.i.l.bf16.f32 v7;
	v16 =	vsel vm14, v20, v19;
	v19 =	vpop (erf)  }
0x249: {  	v20 =	vmul.f32 $1.442695020e+00, v12;
	[tilespmem:s7+$0x0] =	vst v14;
	v5 =	vsel vm15, v21, v5;
	v19 =	vadd.f32 $-1.000000000e+00, v19  }
0x24a: {  	s31 =	simm.s32 $0x500;
	s9 =	simm.s32 $0x15000;
	v16 =	vmul.f32 $1.050701020e+00, v16;
	v21 =	vunpack.i.l.bf16.f32 v9;
	v14 =	vld [tilespmem:$0x17D70];
	v5 =	vmul.f32 $1.050701020e+00, v5  }
.LBB2_23:
0x24b: {  	p0 =	sne.s32 s31, $0x3E00;
	(erf) = vpow2.f32 v20;
	v19 =	vmul.f32 $1.673263190e+00, v19;
	v15 =	vadd.f32 v15, v21  }
0x24c: {  	s29 =	sadd.s32 $0x40, s29;
	vm0 =	vgt.f32 v13, $0.0e+00;
	v21 =	vadd.f32 v17, v18;
	v18 =	vunpack.i.u.bf16.f32 v8;
	v8 =	vpop (erf);
	[tilespmem:s5+$0x10] =	vst v5;
	s5 =	smov.u32 s6;
	s6 =	smov.u32 s7  }
0x24d: {  	s7 =	smov.u32 s8;
	s8 =	smov.u32 s17;
	s17 =	smov.u32 s18;
	v5 =	vpop (erf);
	[tilespmem:s29+$0xFFFFFFE0] =	vst v16;
	v13 =	vsel vm0, v13, v19;
	v16 =	vmul.f32 $1.442695020e+00, v15;
	v17 =	vadd.f32 $-1.000000000e+00, v8  }
0x24e: {  	s1 =	sshra.s32 s31, $0x2;
	v22 =	vunpack.i.u.bf16.f32 v3;
	s18 =	smov.u32 s9;
	s9 =	smov.u32 s29;
	v8 =	vmovc v4;
	v4 =	vmovc v7;
	v19 =	vmul.f32 $1.442695020e+00, v21;
	v20 =	vld [tilespmem:$0x17D50];
	v23 =	vmul.f32 $1.050701020e+00, v13  }
0x24f: {  	v3 =	vmovc v6;
	v6 =	vmovc v9;
	v7 =	vld [tilespmem:s1+$0x16DA0];
	(erf) = vpow2.f32 v16;
	v16 =	vmul.f32 $1.673263190e+00, v17;
	v14 =	vadd.f32 v14, v22  }
0x250: {  	vm0 =	vgt.f32 v11, $0.0e+00;
	v5 =	vadd.f32 $-1.000000000e+00, v5;
	(erf) = vpow2.f32 v19;
	[tilespmem:s17+$0xFFFFFFF0] =	vst v23;
	v13 =	vpop (erf)  }
0x251: {  	v9 =	vld [tilespmem:s16+$0x16DB0];
	v16 =	vsel vm0, v11, v16;
	v19 =	vmul.f32 $1.442695020e+00, v14;
	v22 =	vadd.f32 $-1.000000000e+00, v13;
	v11 =	vmovc v15;
	v13 =	vmovc v12;
	s16 =	smov.u32 s15;
	s15 =	smov.u32 s19;
	s19 =	smov.u32 s20  }
.Ltmp12:
0x252: {  	v5 =	vmul.f32 $1.673263190e+00, v5;
	vm0 =	vgt.f32 v10, $0.0e+00;
	s20 =	smov.u32 s3;
	s3 =	smov.u32 s1;
	v15 =	vld [tilespmem:$0x17D60];
	v16 =	vmul.f32 $1.050701020e+00, v16;
	(pc) =	sbr.rel @p0 .LBB2_23-.Ltmp12, $4  }
0x253: {  	v17 =	vld [tilespmem:$0x17D40];
	v12 =	vadd.f32 v20, v18;
	(erf) = vpow2.f32 v19;
	v22 =	vmul.f32 $1.673263190e+00, v22  }
0x254: {  	v5 =	vsel vm0, v10, v5;
	vm0 =	vgt.f32 v2, $0.0e+00;
	v18 =	vunpack.i.l.bf16.f32 v7;
	v10 =	vpop (erf)  }
0x255: {  	v20 =	vmul.f32 $1.442695020e+00, v12;
	v19 =	vadd.f32 $-1.000000000e+00, v10;
	[tilespmem:s7+$0x0] =	vst v16;
	v22 =	vsel vm0, v2, v22;
	v10 =	vmovc v21;
	v2 =	vmovc v14  }
0x256: {  	s31 =	sadd.s32 $0x80, s31;
	v16 =	vmul.f32 $1.050701020e+00, v5;
	v21 =	vunpack.i.l.bf16.f32 v9;
	v14 =	vld [tilespmem:$0x17D70];
	v5 =	vmul.f32 $1.050701020e+00, v22  }
0x257: {  	v15 =	vadd.f32 v15, v21;
	(erf) = vpow2.f32 v20  }
0x258: {  	v17 =	vadd.f32 v17, v18  }
0x259: {  	v18 =	vmul.f32 $1.442695020e+00, v15  }
0x25a: {  	v20 =	vmul.f32 $1.442695020e+00, v17  }
0x25b: {  	(erf) = vpow2.f32 v18  }
0x25c: {  	(erf) = vpow2.f32 v20  }
0x25d: {  	v18 =	vpop (erf)  }
0x25e: {  	v19 =	vmul.f32 $1.673263190e+00, v19;
	v20 =	vpop (erf);
	v18 =	vadd.f32 $-1.000000000e+00, v18  }
0x25f: {  	v21 =	vunpack.i.u.bf16.f32 v8;
	vm0 =	vgt.f32 v13, $0.0e+00;
	v8 =	vpop (erf)  }
0x260: {  	v13 =	vsel vm0, v13, v19;
	v19 =	vadd.f32 $-1.000000000e+00, v20;
	v18 =	vmul.f32 $1.673263190e+00, v18;
	v20 =	vpop (erf)  }
0x261: {  	v20 =	vadd.f32 $-1.000000000e+00, v20  }
0x262: {  	s29 =	sadd.s32 $0x40, s29;
	v13 =	vmul.f32 $1.050701020e+00, v13  }
0x263: {  	vm13 =	vgt.f32 v11, $0.0e+00;
	[tilespmem:s29+$0xFFFFFFE0] =	vst v16  }
0x264: {  	vm14 =	vgt.f32 v10, $0.0e+00;
	[tilespmem:s18+$0xFFFFFFF0] =	vst v13;
	v16 =	vmul.f32 $1.673263190e+00, v19;
	v11 =	vsel vm13, v11, v18;
	v18 =	vpop (erf)  }
0x265: {  	vm15 =	vgt.f32 v12, $0.0e+00;
	v22 =	vld [tilespmem:s16+$0x16DB0];
	v13 =	vmul.f32 $1.673263190e+00, v20;
	v20 =	vpop (erf);
	v18 =	vadd.f32 $-1.000000000e+00, v18  }
0x266: {  	v19 =	vld [tilespmem:$0x17D50];
	v11 =	vmul.f32 $1.050701020e+00, v11;
	v10 =	vsel vm14, v10, v16;
	v16 =	vadd.f32 $-1.000000000e+00, v20  }
0x267: {  	v10 =	vmul.f32 $1.050701020e+00, v10;
	v12 =	vsel vm15, v12, v13;
	v20 =	vld [tilespmem:$0x17D60];
	v13 =	vmul.f32 $1.673263190e+00, v18  }
0x268: {  	vm4 =	vgt.f32 v15, $0.0e+00;
	s16 =	sadd.s32 $0x40, s29;
	[tilespmem:s8+$0x0] =	vst v11;
	v11 =	vmul.f32 $1.050701020e+00, v12;
	v12 =	vmul.f32 $1.673263190e+00, v16  }
0x269: {  	v3 =	vunpack.i.u.bf16.f32 v3;
	vm5 =	vgt.f32 v17, $0.0e+00;
	[tilespmem:s16+$0xFFFFFFE0] =	vst v10;
	v16 =	vld [tilespmem:$0x17D70];
	v10 =	vsel vm4, v15, v13  }
0x26a: {  	v3 =	vadd.f32 v14, v3;
	[tilespmem:s9+$0xFFFFFFF0] =	vst v11;
	v13 =	vld [tilespmem:$0x17D50];
	v10 =	vmul.f32 $1.050701020e+00, v10;
	v11 =	vsel vm5, v17, v12  }
0x26b: {  	v14 =	vunpack.i.l.bf16.f32 v22;
	v15 =	vld [tilespmem:s15+$0x16DB0];
	v12 =	vadd.f32 v19, v21;
	v11 =	vmul.f32 $1.050701020e+00, v11  }
0x26c: {  	s1 =	sadd.s32 $0x40, s16;
	v18 =	vld [tilespmem:$0x17D60];
	v17 =	vmul.f32 $1.442695020e+00, v3;
	v14 =	vadd.f32 v20, v14;
	[tilespmem:s17+$0x0] =	vst v10  }
0x26d: {  	v10 =	vmul.f32 $1.442695020e+00, v12;
	v19 =	vld [tilespmem:$0x17D70];
	[tilespmem:s1+$0xFFFFFFE0] =	vst v11  }
0x26e: {  	v6 =	vunpack.i.u.bf16.f32 v6;
	(erf) = vpow2.f32 v17;
	v11 =	vmul.f32 $1.442695020e+00, v14;
	v17 =	vld [tilespmem:$0x17D50]  }
0x26f: {  	(erf) = vpow2.f32 v10;
	v10 =	vunpack.i.u.bf16.f32 v4;
	v4 =	vadd.f32 v16, v6  }
0x270: {  	v6 =	vunpack.i.l.bf16.f32 v15;
	(erf) = vpow2.f32 v11;
	v10 =	vadd.f32 v13, v10  }
0x271: {  	v13 =	vadd.f32 v18, v6;
	v6 =	vunpack.i.u.bf16.f32 v9;
	v11 =	vmul.f32 $1.442695020e+00, v4  }
0x272: {  	v7 =	vunpack.i.u.bf16.f32 v7;
	v9 =	vmul.f32 $1.442695020e+00, v10;
	v6 =	vadd.f32 v19, v6  }
0x273: {  	(erf) = vpow2.f32 v11;
	v11 =	vmul.f32 $1.442695020e+00, v13;
	v7 =	vadd.f32 v17, v7  }
0x274: {  	(erf) = vpow2.f32 v9;
	v9 =	vmul.f32 $1.442695020e+00, v6  }
0x275: {  	(erf) = vpow2.f32 v11;
	v11 =	vmul.f32 $1.442695020e+00, v7  }
0x276: {  	(erf) = vpow2.f32 v9  }
0x277: {  	(erf) = vpow2.f32 v11  }
0x278: {  	v9 =	vpop (erf)  }
0x279: {  	v11 =	vpop (erf)  }
0x27a: {  	v11 =	vadd.f32 $-1.000000000e+00, v11  }
0x27b: {  	v16 =	vpop (erf)  }
0x27c: {  	v17 =	vpop (erf);
	v11 =	vmul.f32 $1.673263190e+00, v11  }
0x27d: {  	vm6 =	vgt.f32 v12, $0.0e+00;
	v16 =	vadd.f32 $-1.000000000e+00, v16;
	v18 =	vpop (erf)  }
0x27e: {  	v11 =	vsel vm6, v12, v11;
	v12 =	vadd.f32 $-1.000000000e+00, v18;
	v18 =	vpop (erf)  }
0x27f: {  	vm7 =	vgt.f32 v14, $0.0e+00;
	v16 =	vmul.f32 $1.673263190e+00, v16;
	v19 =	vpop (erf)  }
0x280: {  	v11 =	vmul.f32 $1.050701020e+00, v11;
	v18 =	vadd.f32 $-1.000000000e+00, v18;
	v12 =	vmul.f32 $1.673263190e+00, v12;
	v20 =	vpop (erf)  }
0x281: {  	vm8 =	vgt.f32 v10, $0.0e+00;
	v14 =	vsel vm7, v14, v16;
	v16 =	vadd.f32 $-1.000000000e+00, v20  }
0x282: {  	[tilespmem:s29+$0xFFFFFFF0] =	vst v11;
	v11 =	vmul.f32 $1.050701020e+00, v14;
	v10 =	vsel vm8, v10, v12;
	v12 =	vmul.f32 $1.673263190e+00, v18  }
0x283: {  	vm9 =	vgt.f32 v13, $0.0e+00;
	v14 =	vld [tilespmem:s19+$0x16DB0];
	v10 =	vmul.f32 $1.050701020e+00, v10;
	v16 =	vmul.f32 $1.673263190e+00, v16  }
0x284: {  	vm10 =	vgt.f32 v7, $0.0e+00;
	v18 =	vld [tilespmem:$0x17D60];
	[tilespmem:s18+$0x0] =	vst v11;
	v11 =	vsel vm9, v13, v12  }
0x285: {  	v12 =	vld [tilespmem:$0x17D70];
	[tilespmem:s16+$0xFFFFFFF0] =	vst v10;
	v10 =	vmul.f32 $1.050701020e+00, v11;
	v7 =	vsel vm10, v7, v16  }
0x286: {  	v11 =	vld [tilespmem:s20+$0x16DB0];
	v7 =	vmul.f32 $1.050701020e+00, v7  }
0x287: {  	v13 =	vld [tilespmem:$0x17D60];
	[tilespmem:s9+$0x0] =	vst v10  }
0x288: {  	v10 =	vld [tilespmem:$0x17D70];
	[tilespmem:s1+$0xFFFFFFF0] =	vst v7  }
0x289: {  	v7 =	vld [tilespmem:s3+$0x16DB0]  }
0x28a: {  	v16 =	vunpack.i.l.bf16.f32 v14;
	v20 =	vld [tilespmem:$0x17D60]  }
0x28b: {  	v16 =	vadd.f32 v18, v16;
	v18 =	vunpack.i.u.bf16.f32 v22  }
0x28c: {  	v12 =	vadd.f32 v12, v18;
	v18 =	vunpack.i.l.bf16.f32 v11  }
0x28d: {  	v15 =	vunpack.i.u.bf16.f32 v15;
	v21 =	vmul.f32 $1.442695020e+00, v16;
	v13 =	vadd.f32 v13, v18  }
0x28e: {  	v18 =	vmul.f32 $1.442695020e+00, v12;
	v10 =	vadd.f32 v10, v15;
	v15 =	vunpack.i.l.bf16.f32 v7  }
0x28f: {  	(erf) = vpow2.f32 v21;
	v21 =	vmul.f32 $1.442695020e+00, v13;
	v15 =	vadd.f32 v20, v15  }
0x290: {  	(erf) = vpow2.f32 v18;
	v18 =	vmul.f32 $1.442695020e+00, v10  }
0x291: {  	(erf) = vpow2.f32 v21;
	v20 =	vmul.f32 $1.442695020e+00, v15  }
0x292: {  	(erf) = vpow2.f32 v18  }
0x293: {  	(erf) = vpow2.f32 v20;
	_ =	sdelay $0x4  }
0x294: {  	v18 =	vpop (erf)  }
0x295: {  	v20 =	vpop (erf)  }
0x296: {  	v21 =	vpop (erf)  }
0x297: {  	v18 =	vadd.f32 $-1.000000000e+00, v18;
	v22 =	vpop (erf)  }
0x298: {  	v21 =	vadd.f32 $-1.000000000e+00, v21;
	v23 =	vpop (erf)  }
0x299: {  	v18 =	vmul.f32 $1.673263190e+00, v18;
	v23 =	vadd.f32 $-1.000000000e+00, v23  }
0x29a: {  	vm11 =	vgt.f32 v16, $0.0e+00;
	v21 =	vmul.f32 $1.673263190e+00, v21  }
0x29b: {  	vm12 =	vgt.f32 v13, $0.0e+00;
	v16 =	vsel vm11, v16, v18;
	v18 =	vmul.f32 $1.673263190e+00, v23  }
0x29c: {  	vm13 =	vgt.f32 v15, $0.0e+00;
	v16 =	vmul.f32 $1.050701020e+00, v16;
	v13 =	vsel vm12, v13, v21  }
0x29d: {  	v13 =	vmul.f32 $1.050701020e+00, v13;
	v15 =	vsel vm13, v15, v18  }
0x29e: {  	[tilespmem:s29+$0x0] =	vst v16;
	v15 =	vmul.f32 $1.050701020e+00, v15  }
0x29f: {  	v16 =	vld [tilespmem:$0x17D70];
	[tilespmem:s16+$0x0] =	vst v13  }
0x2a0: {  	v13 =	vld [tilespmem:$0x17D70];
	[tilespmem:s1+$0x0] =	vst v15  }
0x2a1: {  	v15 =	vld [tilespmem:$0x17D70];
	_ =	sdelay $0x1  }
0x2a2: {  	v14 =	vunpack.i.u.bf16.f32 v14  }
0x2a3: {  	v11 =	vunpack.i.u.bf16.f32 v11;
	v14 =	vadd.f32 v16, v14  }
0x2a4: {  	v8 =	vadd.f32 $-1.000000000e+00, v8;
	v7 =	vunpack.i.u.bf16.f32 v7;
	v11 =	vadd.f32 v13, v11  }
0x2a5: {  	v13 =	vmul.f32 $1.442695020e+00, v14;
	v7 =	vadd.f32 v15, v7  }
0x2a6: {  	v8 =	vmul.f32 $1.673263190e+00, v8;
	v15 =	vmul.f32 $1.442695020e+00, v11  }
0x2a7: {  	v9 =	vadd.f32 $-1.000000000e+00, v9;
	(erf) = vpow2.f32 v13;
	v13 =	vmul.f32 $1.442695020e+00, v7  }
0x2a8: {  	vm14 =	vgt.f32 v2, $0.0e+00;
	(erf) = vpow2.f32 v15  }
0x2a9: {  	v2 =	vsel vm14, v2, v8;
	v9 =	vmul.f32 $1.673263190e+00, v9;
	(erf) = vpow2.f32 v13  }
0x2aa: {  	vm15 =	vgt.f32 v3, $0.0e+00;
	v8 =	vadd.f32 $-1.000000000e+00, v19;
	v13 =	vadd.f32 $-1.000000000e+00, v17  }
0x2ab: {  	v3 =	vsel vm15, v3, v9  }
0x2ac: {  	v8 =	vmul.f32 $1.673263190e+00, v8;
	v9 =	vmul.f32 $1.673263190e+00, v13;
	v13 =	vadd.f32 $-1.000000000e+00, v20  }
0x2ad: {  	v2 =	vmul.f32 $1.050701020e+00, v2;
	vm5 =	vgt.f32 v6, $0.0e+00  }
0x2ae: {  	vm4 =	vgt.f32 v4, $0.0e+00;
	v3 =	vmul.f32 $1.050701020e+00, v3;
	v6 =	vsel vm5, v6, v8  }
0x2af: {  	v4 =	vsel vm4, v4, v9;
	v8 =	vmul.f32 $1.673263190e+00, v13;
	v9 =	vadd.f32 $-1.000000000e+00, v22  }
0x2b0: {  	v6 =	vmul.f32 $1.050701020e+00, v6;
	vm6 =	vgt.f32 v12, $0.0e+00;
	vm7 =	vgt.f32 v10, $0.0e+00;
	v13 =	vpop (erf)  }
0x2b1: {  	[tilespmem:s5+$0x10] =	vst v5;
	v5 =	vsel vm6, v12, v8;
	v8 =	vmul.f32 $1.673263190e+00, v9;
	v9 =	vadd.f32 $-1.000000000e+00, v13;
	v12 =	vpop (erf)  }
0x2b2: {  	[tilespmem:s6+$0x10] =	vst v2;
	v4 =	vmul.f32 $1.050701020e+00, v4;
	v2 =	vmul.f32 $1.050701020e+00, v5;
	v5 =	vadd.f32 $-1.000000000e+00, v12;
	v12 =	vpop (erf)  }
0x2b3: {  	[tilespmem:s7+$0x10] =	vst v3;
	v3 =	vsel vm7, v10, v8;
	v8 =	vmul.f32 $1.673263190e+00, v9;
	v9 =	vadd.f32 $-1.000000000e+00, v12  }
0x2b4: {  	vm8 =	vgt.f32 v14, $0.0e+00;
	vm9 =	vgt.f32 v11, $0.0e+00;
	[tilespmem:s8+$0x10] =	vst v4;
	v4 =	vmul.f32 $1.673263190e+00, v5  }
0x2b5: {  	[tilespmem:s17+$0x10] =	vst v6;
	v3 =	vmul.f32 $1.050701020e+00, v3;
	v5 =	vsel vm8, v14, v8;
	v6 =	vmul.f32 $1.673263190e+00, v9  }
0x2b6: {  	vm10 =	vgt.f32 v7, $0.0e+00;
	[tilespmem:s18+$0x10] =	vst v2;
	v2 =	vmul.f32 $1.050701020e+00, v5;
	v4 =	vsel vm9, v11, v4  }
0x2b7: {  	[tilespmem:s9+$0x10] =	vst v3;
	v3 =	vmul.f32 $1.050701020e+00, v4;
	v4 =	vsel vm10, v7, v6  }
0x2b8: {  	[tilespmem:s29+$0x10] =	vst v2;
	v2 =	vmul.f32 $1.050701020e+00, v4  }
0x2b9: {  	[tilespmem:s16+$0x10] =	vst v3  }
0x2ba: {  	s15 =	simm.s32 $0x80;
	[tilespmem:s1+$0x10] =	vst v2  }
0x2bb: {  	s9 =	simm.s32 $0x40;
	s16 =	simm.s32 $0x14E60;
	s1 =	rddreg [dreg:$0x10]  }
0x2bc: {  	[hbm4b:s1+s9] =	stream.strided.scatter [tilespmem:s16], [sflag:$0xB], $0x1F40, s15, s9, $0x38;
	[tilespmem:$0x1CBA0] =	vst v63  }
0x2bd: {  	_ =	swait.ge [sflag:s21], $0x1F40  }
0x2be: {  	[sflag:s21] =	ssyncset.done $0x0  }
0x2bf: {  	s18 =	simm.s32 $0x16DA0;
	s17 =	rddreg [dreg:$0x8];
	[sflag:s21] =	ssyncadd.s32 $0xFFFFE0C0  }
0x2c0: {  	[tilespmem:s18], [sflag:$0xB] =	stream.linear.gather [spmem:s17], $0xFA0, $0x38;
	[tilespmem:$0x1CBA0] =	vst v63  }
0x2c1: {  	_ =	swait.ge [sflag:s21], $0xFA0  }
0x2c2: {  	[sflag:s21] =	ssyncset.done $0x0  }
0x2c3: {  	s19 =	simm.s32 $0x0;
	[sflag:s21] =	ssyncadd.s32 $0xFFFFF060  }
0x2c4: {  	v2 =	vld [tilespmem:s19+$0x16DA0]  }
0x2c5: {  	v3 =	vld [tilespmem:$0x17D40];
	_ =	sdelay $0x3  }
0x2c6: {  	v4 =	vunpack.i.l.bf16.f32 v2  }
0x2c7: {  	v3 =	vadd.f32 v3, v4;
	_ =	sdelay $0x1  }
0x2c8: {  	v4 =	vmul.f32 $1.442695020e+00, v3;
	_ =	sdelay $0x1  }
0x2c9: {  	s20 =	simm.s32 $0x20;
	(erf) = vpow2.f32 v4  }
0x2ca: {  	v4 =	vld [tilespmem:s20+$0x16DA0];
	_ =	sdelay $0x1  }
0x2cb: {  	v5 =	vld [tilespmem:$0x17D40];
	_ =	sdelay $0x2  }
0x2cc: {  	v6 =	vunpack.i.l.bf16.f32 v4;
	_ =	sdelay $0x1  }
0x2cd: {  	v5 =	vadd.f32 v5, v6  }
0x2ce: {  	v6 =	vpop (erf)  }
0x2cf: {  	v7 =	vmul.f32 $1.442695020e+00, v5;
	v6 =	vadd.f32 $-1.000000000e+00, v6;
	_ =	sdelay $0x1  }
0x2d0: {  	s3 =	simm.s32 $0x40;
	(erf) = vpow2.f32 v7;
	v6 =	vmul.f32 $1.673263190e+00, v6  }
0x2d1: {  	vm11 =	vgt.f32 v3, $0.0e+00;
	v7 =	vld [tilespmem:s3+$0x16DA0]  }
0x2d2: {  	v8 =	vld [tilespmem:$0x17D40];
	v3 =	vsel vm11, v3, v6  }
0x2d3: {  	v3 =	vmul.f32 $1.050701020e+00, v3  }
0x2d4: {  	s5 =	simm.s32 $0x14E80  }
0x2d5: {  	[tilespmem:s5+$0xFFFFFFE0] =	vst v3  }
0x2d6: {  	v3 =	vunpack.i.l.bf16.f32 v7;
	v6 =	vld [tilespmem:$0x17D50]  }
0x2d7: {  	v3 =	vadd.f32 v8, v3;
	_ =	sdelay $0x1  }
0x2d8: {  	v8 =	vpop (erf);
	v9 =	vmul.f32 $1.442695020e+00, v3  }
0x2d9: {  	v2 =	vunpack.i.u.bf16.f32 v2;
	v8 =	vadd.f32 $-1.000000000e+00, v8  }
0x2da: {  	s9 =	simm.s32 $0x60;
	(erf) = vpow2.f32 v9;
	v2 =	vadd.f32 v6, v2  }
0x2db: {  	v6 =	vmul.f32 $1.673263190e+00, v8;
	v8 =	vld [tilespmem:s9+$0x16DA0]  }
0x2dc: {  	v10 =	vld [tilespmem:$0x17D40];
	vm12 =	vgt.f32 v5, $0.0e+00;
	v9 =	vmul.f32 $1.442695020e+00, v2  }
0x2dd: {  	v5 =	vsel vm12, v5, v6  }
0x2de: {  	v5 =	vmul.f32 $1.050701020e+00, v5;
	(erf) = vpow2.f32 v9  }
0x2df: {  	s6 =	simm.s32 $0x14EC0  }
0x2e0: {  	[tilespmem:s6+$0xFFFFFFE0] =	vst v5;
	v5 =	vunpack.i.l.bf16.f32 v8  }
0x2e1: {  	v6 =	vld [tilespmem:$0x17D50];
	v5 =	vadd.f32 v10, v5;
	_ =	sdelay $0x1  }
0x2e2: {  	v9 =	vpop (erf);
	v10 =	vmul.f32 $1.442695020e+00, v5  }
0x2e3: {  	v9 =	vadd.f32 $-1.000000000e+00, v9  }
0x2e4: {  	s1 =	simm.s32 $0x80;
	v4 =	vunpack.i.u.bf16.f32 v4;
	(erf) = vpow2.f32 v10  }
0x2e5: {  	v9 =	vmul.f32 $1.673263190e+00, v9;
	v4 =	vadd.f32 v6, v4;
	v6 =	vld [tilespmem:s1+$0x16DA0]  }
0x2e6: {  	v11 =	vld [tilespmem:$0x17D40];
	vm13 =	vgt.f32 v3, $0.0e+00;
	v10 =	vpop (erf)  }
0x2e7: {  	v3 =	vsel vm13, v3, v9;
	v9 =	vmul.f32 $1.442695020e+00, v4;
	v10 =	vadd.f32 $-1.000000000e+00, v10  }
0x2e8: {  	v3 =	vmul.f32 $1.050701020e+00, v3  }
0x2e9: {  	s7 =	simm.s32 $0x14F00;
	(erf) = vpow2.f32 v9;
	v9 =	vmul.f32 $1.673263190e+00, v10  }
0x2ea: {  	vm14 =	vgt.f32 v2, $0.0e+00;
	[tilespmem:s7+$0xFFFFFFE0] =	vst v3;
	v3 =	vunpack.i.l.bf16.f32 v6  }
0x2eb: {  	v3 =	vadd.f32 v11, v3;
	v2 =	vsel vm14, v2, v9;
	v9 =	vld [tilespmem:$0x17D50]  }
0x2ec: {  	v2 =	vmul.f32 $1.050701020e+00, v2  }
0x2ed: {  	v10 =	vpop (erf);
	v11 =	vmul.f32 $1.442695020e+00, v3  }
0x2ee: {  	[tilespmem:s5+$0xFFFFFFF0] =	vst v2;
	v2 =	vunpack.i.u.bf16.f32 v7;
	v7 =	vadd.f32 $-1.000000000e+00, v10  }
0x2ef: {  	(erf) = vpow2.f32 v11;
	v10 =	vld [tilespmem:s19+$0x16DB0]  }
0x2f0: {  	s16 =	simm.s32 $0xA0;
	v11 =	vld [tilespmem:$0x17D60];
	v2 =	vadd.f32 v9, v2;
	v7 =	vmul.f32 $1.673263190e+00, v7  }
0x2f1: {  	vm15 =	vgt.f32 v5, $0.0e+00;
	v9 =	vld [tilespmem:s16+$0x16DA0]  }
0x2f2: {  	v14 =	vld [tilespmem:$0x17D40];
	v12 =	vpop (erf);
	v13 =	vmul.f32 $1.442695020e+00, v2;
	v5 =	vsel vm15, v5, v7  }
0x2f3: {  	v7 =	vadd.f32 $-1.000000000e+00, v12;
	v5 =	vmul.f32 $1.050701020e+00, v5  }
0x2f4: {  	s8 =	simm.s32 $0x14F40;
	v12 =	vunpack.i.l.bf16.f32 v10;
	(erf) = vpow2.f32 v13  }
0x2f5: {  	v7 =	vmul.f32 $1.673263190e+00, v7;
	v11 =	vadd.f32 v11, v12;
	[tilespmem:s8+$0xFFFFFFE0] =	vst v5  }
0x2f6: {  	vm4 =	vgt.f32 v4, $0.0e+00;
	v5 =	vunpack.i.l.bf16.f32 v9;
	v12 =	vld [tilespmem:$0x17D50]  }
0x2f7: {  	v4 =	vsel vm4, v4, v7;
	v5 =	vadd.f32 v14, v5;
	v7 =	vmul.f32 $1.442695020e+00, v11  }
0x2f8: {  	v4 =	vmul.f32 $1.050701020e+00, v4;
	v13 =	vpop (erf)  }
0x2f9: {  	s15 =	simm.s32 $0xC0;
	v13 =	vadd.f32 $-1.000000000e+00, v13;
	(erf) = vpow2.f32 v7;
	v7 =	vmul.f32 $1.442695020e+00, v5  }
0x2fa: {  	v14 =	vld [tilespmem:s15+$0x16DA0];
	[tilespmem:s6+$0xFFFFFFF0] =	vst v4;
	v4 =	vunpack.i.u.bf16.f32 v8  }
0x2fb: {  	v15 =	vld [tilespmem:s20+$0x16DB0];
	(erf) = vpow2.f32 v7;
	v7 =	vmul.f32 $1.673263190e+00, v13;
	v4 =	vadd.f32 v12, v4  }
0x2fc: {  	vm5 =	vgt.f32 v3, $0.0e+00;
	v8 =	vld [tilespmem:$0x17D60]  }
0x2fd: {  	v12 =	vld [tilespmem:$0x17D40];
	v13 =	vpop (erf);
	v3 =	vsel vm5, v3, v7;
	v7 =	vmul.f32 $1.442695020e+00, v4  }
0x2fe: {  	v13 =	vadd.f32 $-1.000000000e+00, v13  }
0x2ff: {  	v3 =	vmul.f32 $1.050701020e+00, v3;
	(erf) = vpow2.f32 v7  }
0x300: {  	s17 =	simm.s32 $0x14F80;
	v16 =	vunpack.i.l.bf16.f32 v15;
	v7 =	vmul.f32 $1.673263190e+00, v13  }
0x301: {  	vm6 =	vgt.f32 v2, $0.0e+00;
	v13 =	vunpack.i.l.bf16.f32 v14;
	v16 =	vadd.f32 v8, v16;
	[tilespmem:s17+$0xFFFFFFE0] =	vst v3  }
0x302: {  	v12 =	vadd.f32 v12, v13;
	v13 =	vld [tilespmem:$0x17D50];
	v8 =	vpop (erf);
	v2 =	vsel vm6, v2, v7  }
0x303: {  	v3 =	vmul.f32 $1.442695020e+00, v16;
	v7 =	vadd.f32 $-1.000000000e+00, v8;
	v2 =	vmul.f32 $1.050701020e+00, v2  }
0x304: {  	v8 =	vmul.f32 $1.442695020e+00, v12;
	v17 =	vpop (erf)  }
0x305: {  	(erf) = vpow2.f32 v3;
	v7 =	vmul.f32 $1.673263190e+00, v7;
	[tilespmem:s7+$0xFFFFFFF0] =	vst v2;
	v2 =	vadd.f32 $-1.000000000e+00, v17  }
0x306: {  	v6 =	vunpack.i.u.bf16.f32 v6;
	vm7 =	vgt.f32 v11, $0.0e+00;
	(erf) = vpow2.f32 v8;
	v3 =	vld [tilespmem:s3+$0x16DB0]  }
0x307: {  	s19 =	simm.s32 $0xE0;
	v17 =	vadd.f32 v13, v6;
	v7 =	vsel vm7, v11, v7;
	v11 =	vld [tilespmem:$0x17D60];
	v2 =	vmul.f32 $1.673263190e+00, v2  }
0x308: {  	vm8 =	vgt.f32 v5, $0.0e+00;
	v8 =	vld [tilespmem:s19+$0x16DA0];
	v7 =	vmul.f32 $1.050701020e+00, v7;
	v13 =	vpop (erf)  }
0x309: {  	v6 =	vld [tilespmem:$0x17D40];
	v2 =	vsel vm8, v5, v2;
	v5 =	vmul.f32 $1.442695020e+00, v17;
	v13 =	vadd.f32 $-1.000000000e+00, v13  }
0x30a: {  	[tilespmem:s5+$0x0] =	vst v7;
	v2 =	vmul.f32 $1.050701020e+00, v2  }
0x30b: {  	v7 =	vunpack.i.l.bf16.f32 v3;
	v18 =	vld [tilespmem:$0x17D70];
	(erf) = vpow2.f32 v5;
	v5 =	vmul.f32 $1.673263190e+00, v13  }
0x30c: {  	s18 =	simm.s32 $0x14FC0;
	vm9 =	vgt.f32 v4, $0.0e+00;
	v19 =	vadd.f32 v11, v7  }
0x30d: {  	v7 =	vunpack.i.l.bf16.f32 v8;
	[tilespmem:s18+$0xFFFFFFE0] =	vst v2;
	v2 =	vsel vm9, v4, v5  }
0x30e: {  	v20 =	vadd.f32 v6, v7;
	v6 =	vpop (erf);
	v7 =	vld [tilespmem:$0x17D50];
	v4 =	vmul.f32 $1.442695020e+00, v19;
	v2 =	vmul.f32 $1.050701020e+00, v2  }
0x30f: {  	s20 =	simm.s32 $0x100;
	v5 =	vadd.f32 $-1.000000000e+00, v6;
	v6 =	vunpack.i.u.bf16.f32 v10  }
0x310: {  	v10 =	vpop (erf);
	v11 =	vmul.f32 $1.442695020e+00, v20;
	(erf) = vpow2.f32 v4;
	v21 =	vadd.f32 v18, v6;
	v4 =	vld [tilespmem:s20+$0x16DA0];
	[tilespmem:s8+$0xFFFFFFF0] =	vst v2  }
0x311: {  	vm10 =	vgt.f32 v16, $0.0e+00;
	v10 =	vadd.f32 $-1.000000000e+00, v10;
	v5 =	vmul.f32 $1.673263190e+00, v5;
	v6 =	vld [tilespmem:s9+$0x16DB0]  }
0x312: {  	v2 =	vunpack.i.u.bf16.f32 v9;
	(erf) = vpow2.f32 v11;
	v11 =	vld [tilespmem:$0x17D60];
	v9 =	vmul.f32 $1.442695020e+00, v21  }
0x313: {  	v10 =	vmul.f32 $1.673263190e+00, v10;
	v5 =	vsel vm10, v16, v5;
	v16 =	vld [tilespmem:$0x17D40];
	v13 =	vadd.f32 v7, v2  }
0x314: {  	v5 =	vmul.f32 $1.050701020e+00, v5;
	(erf) = vpow2.f32 v9  }
0x315: {  	vm11 =	vgt.f32 v12, $0.0e+00;
	v2 =	vpop (erf);
	v9 =	vmul.f32 $1.442695020e+00, v13  }
0x316: {  	v7 =	vsel vm11, v12, v10;
	v2 =	vadd.f32 $-1.000000000e+00, v2;
	[tilespmem:s6+$0x0] =	vst v5;
	v10 =	vunpack.i.l.bf16.f32 v6  }
0x317: {  	vm12 =	vgt.f32 v17, $0.0e+00;
	v5 =	vunpack.i.l.bf16.f32 v4;
	v12 =	vld [tilespmem:$0x17D70];
	v11 =	vadd.f32 v11, v10  }
0x318: {  	v7 =	vmul.f32 $1.050701020e+00, v7;
	v2 =	vmul.f32 $1.673263190e+00, v2;
	v10 =	vadd.f32 v16, v5  }
0x319: {  	s29 =	simm.s32 $0x15000;
	(erf) = vpow2.f32 v9;
	v5 =	vunpack.i.u.bf16.f32 v14;
	v9 =	vpop (erf);
	v14 =	vmul.f32 $1.442695020e+00, v11  }
0x31a: {  	[tilespmem:s29+$0xFFFFFFE0] =	vst v7;
	v2 =	vsel vm12, v17, v2;
	v16 =	vmul.f32 $1.442695020e+00, v10;
	v9 =	vadd.f32 $-1.000000000e+00, v9  }
0x31b: {  	v17 =	vld [tilespmem:$0x17D50];
	v18 =	vmul.f32 $1.050701020e+00, v2;
	v2 =	vunpack.i.u.bf16.f32 v15;
	v15 =	vpop (erf);
	(erf) = vpow2.f32 v14  }
0x31c: {  	s3 =	simm.s32 $0x120;
	v2 =	vadd.f32 v12, v2;
	v12 =	vadd.f32 $-1.000000000e+00, v15;
	v14 =	vmul.f32 $1.673263190e+00, v9  }
0x31d: {  	vm13 =	vgt.f32 v19, $0.0e+00;
	v7 =	vld [tilespmem:s3+$0x16DA0];
	(erf) = vpow2.f32 v16;
	v15 =	vpop (erf)  }
0x31e: {  	[tilespmem:s17+$0xFFFFFFF0] =	vst v18;
	v14 =	vsel vm13, v19, v14;
	v15 =	vadd.f32 $-1.000000000e+00, v15;
	v19 =	vmul.f32 $1.673263190e+00, v12  }
0x31f: {  	v9 =	vld [tilespmem:s1+$0x16DB0];
	v16 =	vmul.f32 $1.442695020e+00, v2  }
0x320: {  	v12 =	vadd.f32 v17, v5;
	v5 =	vmul.f32 $1.673263190e+00, v15;
	v15 =	vld [tilespmem:$0x17D60]  }
0x321: {  	vm14 =	vgt.f32 v20, $0.0e+00;
	v17 =	vld [tilespmem:$0x17D40];
	v14 =	vmul.f32 $1.050701020e+00, v14;
	(erf) = vpow2.f32 v16  }
0x322: {  	vm15 =	vgt.f32 v21, $0.0e+00;
	v18 =	vunpack.i.l.bf16.f32 v7;
	v16 =	vsel vm14, v20, v19;
	v19 =	vpop (erf)  }
0x323: {  	v20 =	vmul.f32 $1.442695020e+00, v12;
	[tilespmem:s7+$0x0] =	vst v14;
	v5 =	vsel vm15, v21, v5;
	v19 =	vadd.f32 $-1.000000000e+00, v19  }
0x324: {  	s31 =	simm.s32 $0x500;
	s9 =	simm.s32 $0x15000;
	v16 =	vmul.f32 $1.050701020e+00, v16;
	v21 =	vunpack.i.l.bf16.f32 v9;
	v14 =	vld [tilespmem:$0x17D70];
	v5 =	vmul.f32 $1.050701020e+00, v5  }
.LBB2_25:
0x325: {  	p0 =	sne.s32 s31, $0x3E00;
	(erf) = vpow2.f32 v20;
	v19 =	vmul.f32 $1.673263190e+00, v19;
	v15 =	vadd.f32 v15, v21  }
0x326: {  	s29 =	sadd.s32 $0x40, s29;
	vm0 =	vgt.f32 v13, $0.0e+00;
	v21 =	vadd.f32 v17, v18;
	v18 =	vunpack.i.u.bf16.f32 v8;
	v8 =	vpop (erf);
	[tilespmem:s5+$0x10] =	vst v5;
	s5 =	smov.u32 s6;
	s6 =	smov.u32 s7  }
0x327: {  	s7 =	smov.u32 s8;
	s8 =	smov.u32 s17;
	s17 =	smov.u32 s18;
	v5 =	vpop (erf);
	[tilespmem:s29+$0xFFFFFFE0] =	vst v16;
	v13 =	vsel vm0, v13, v19;
	v16 =	vmul.f32 $1.442695020e+00, v15;
	v17 =	vadd.f32 $-1.000000000e+00, v8  }
0x328: {  	s1 =	sshra.s32 s31, $0x2;
	v22 =	vunpack.i.u.bf16.f32 v3;
	s18 =	smov.u32 s9;
	s9 =	smov.u32 s29;
	v8 =	vmovc v4;
	v4 =	vmovc v7;
	v19 =	vmul.f32 $1.442695020e+00, v21;
	v20 =	vld [tilespmem:$0x17D50];
	v23 =	vmul.f32 $1.050701020e+00, v13  }
0x329: {  	v3 =	vmovc v6;
	v6 =	vmovc v9;
	v7 =	vld [tilespmem:s1+$0x16DA0];
	(erf) = vpow2.f32 v16;
	v16 =	vmul.f32 $1.673263190e+00, v17;
	v14 =	vadd.f32 v14, v22  }
0x32a: {  	vm0 =	vgt.f32 v11, $0.0e+00;
	v5 =	vadd.f32 $-1.000000000e+00, v5;
	(erf) = vpow2.f32 v19;
	[tilespmem:s17+$0xFFFFFFF0] =	vst v23;
	v13 =	vpop (erf)  }
0x32b: {  	v9 =	vld [tilespmem:s16+$0x16DB0];
	v16 =	vsel vm0, v11, v16;
	v19 =	vmul.f32 $1.442695020e+00, v14;
	v22 =	vadd.f32 $-1.000000000e+00, v13;
	v11 =	vmovc v15;
	v13 =	vmovc v12;
	s16 =	smov.u32 s15;
	s15 =	smov.u32 s19;
	s19 =	smov.u32 s20  }
.Ltmp13:
0x32c: {  	v5 =	vmul.f32 $1.673263190e+00, v5;
	vm0 =	vgt.f32 v10, $0.0e+00;
	s20 =	smov.u32 s3;
	s3 =	smov.u32 s1;
	v15 =	vld [tilespmem:$0x17D60];
	v16 =	vmul.f32 $1.050701020e+00, v16;
	(pc) =	sbr.rel @p0 .LBB2_25-.Ltmp13, $4  }
0x32d: {  	v17 =	vld [tilespmem:$0x17D40];
	v12 =	vadd.f32 v20, v18;
	(erf) = vpow2.f32 v19;
	v22 =	vmul.f32 $1.673263190e+00, v22  }
0x32e: {  	v5 =	vsel vm0, v10, v5;
	vm0 =	vgt.f32 v2, $0.0e+00;
	v18 =	vunpack.i.l.bf16.f32 v7;
	v10 =	vpop (erf)  }
0x32f: {  	v20 =	vmul.f32 $1.442695020e+00, v12;
	v19 =	vadd.f32 $-1.000000000e+00, v10;
	[tilespmem:s7+$0x0] =	vst v16;
	v22 =	vsel vm0, v2, v22;
	v10 =	vmovc v21;
	v2 =	vmovc v14  }
0x330: {  	s31 =	sadd.s32 $0x80, s31;
	v16 =	vmul.f32 $1.050701020e+00, v5;
	v21 =	vunpack.i.l.bf16.f32 v9;
	v14 =	vld [tilespmem:$0x17D70];
	v5 =	vmul.f32 $1.050701020e+00, v22  }
0x331: {  	v15 =	vadd.f32 v15, v21;
	(erf) = vpow2.f32 v20  }
0x332: {  	v17 =	vadd.f32 v17, v18  }
0x333: {  	v18 =	vmul.f32 $1.442695020e+00, v15  }
0x334: {  	v20 =	vmul.f32 $1.442695020e+00, v17  }
0x335: {  	(erf) = vpow2.f32 v18  }
0x336: {  	(erf) = vpow2.f32 v20  }
0x337: {  	v18 =	vpop (erf)  }
0x338: {  	v19 =	vmul.f32 $1.673263190e+00, v19;
	v20 =	vpop (erf);
	v18 =	vadd.f32 $-1.000000000e+00, v18  }
0x339: {  	v21 =	vunpack.i.u.bf16.f32 v8;
	vm0 =	vgt.f32 v13, $0.0e+00;
	v8 =	vpop (erf)  }
0x33a: {  	v13 =	vsel vm0, v13, v19;
	v19 =	vadd.f32 $-1.000000000e+00, v20;
	v18 =	vmul.f32 $1.673263190e+00, v18;
	v20 =	vpop (erf)  }
0x33b: {  	v20 =	vadd.f32 $-1.000000000e+00, v20  }
0x33c: {  	s29 =	sadd.s32 $0x40, s29;
	v13 =	vmul.f32 $1.050701020e+00, v13  }
0x33d: {  	vm13 =	vgt.f32 v11, $0.0e+00;
	[tilespmem:s29+$0xFFFFFFE0] =	vst v16  }
0x33e: {  	vm14 =	vgt.f32 v10, $0.0e+00;
	[tilespmem:s18+$0xFFFFFFF0] =	vst v13;
	v16 =	vmul.f32 $1.673263190e+00, v19;
	v11 =	vsel vm13, v11, v18;
	v18 =	vpop (erf)  }
0x33f: {  	vm15 =	vgt.f32 v12, $0.0e+00;
	v22 =	vld [tilespmem:s16+$0x16DB0];
	v13 =	vmul.f32 $1.673263190e+00, v20;
	v20 =	vpop (erf);
	v18 =	vadd.f32 $-1.000000000e+00, v18  }
0x340: {  	v19 =	vld [tilespmem:$0x17D50];
	v11 =	vmul.f32 $1.050701020e+00, v11;
	v10 =	vsel vm14, v10, v16;
	v16 =	vadd.f32 $-1.000000000e+00, v20  }
0x341: {  	v10 =	vmul.f32 $1.050701020e+00, v10;
	v12 =	vsel vm15, v12, v13;
	v20 =	vld [tilespmem:$0x17D60];
	v13 =	vmul.f32 $1.673263190e+00, v18  }
0x342: {  	vm4 =	vgt.f32 v15, $0.0e+00;
	s16 =	sadd.s32 $0x40, s29;
	[tilespmem:s8+$0x0] =	vst v11;
	v11 =	vmul.f32 $1.050701020e+00, v12;
	v12 =	vmul.f32 $1.673263190e+00, v16  }
0x343: {  	v3 =	vunpack.i.u.bf16.f32 v3;
	vm5 =	vgt.f32 v17, $0.0e+00;
	[tilespmem:s16+$0xFFFFFFE0] =	vst v10;
	v16 =	vld [tilespmem:$0x17D70];
	v10 =	vsel vm4, v15, v13  }
0x344: {  	v3 =	vadd.f32 v14, v3;
	[tilespmem:s9+$0xFFFFFFF0] =	vst v11;
	v13 =	vld [tilespmem:$0x17D50];
	v10 =	vmul.f32 $1.050701020e+00, v10;
	v11 =	vsel vm5, v17, v12  }
0x345: {  	v14 =	vunpack.i.l.bf16.f32 v22;
	v15 =	vld [tilespmem:s15+$0x16DB0];
	v12 =	vadd.f32 v19, v21;
	v11 =	vmul.f32 $1.050701020e+00, v11  }
0x346: {  	s1 =	sadd.s32 $0x40, s16;
	v18 =	vld [tilespmem:$0x17D60];
	v17 =	vmul.f32 $1.442695020e+00, v3;
	v14 =	vadd.f32 v20, v14;
	[tilespmem:s17+$0x0] =	vst v10  }
0x347: {  	v10 =	vmul.f32 $1.442695020e+00, v12;
	v19 =	vld [tilespmem:$0x17D70];
	[tilespmem:s1+$0xFFFFFFE0] =	vst v11  }
0x348: {  	v6 =	vunpack.i.u.bf16.f32 v6;
	(erf) = vpow2.f32 v17;
	v11 =	vmul.f32 $1.442695020e+00, v14;
	v17 =	vld [tilespmem:$0x17D50]  }
0x349: {  	(erf) = vpow2.f32 v10;
	v10 =	vunpack.i.u.bf16.f32 v4;
	v4 =	vadd.f32 v16, v6  }
0x34a: {  	v6 =	vunpack.i.l.bf16.f32 v15;
	(erf) = vpow2.f32 v11;
	v10 =	vadd.f32 v13, v10  }
0x34b: {  	v13 =	vadd.f32 v18, v6;
	v6 =	vunpack.i.u.bf16.f32 v9;
	v11 =	vmul.f32 $1.442695020e+00, v4  }
0x34c: {  	v7 =	vunpack.i.u.bf16.f32 v7;
	v9 =	vmul.f32 $1.442695020e+00, v10;
	v6 =	vadd.f32 v19, v6  }
0x34d: {  	(erf) = vpow2.f32 v11;
	v11 =	vmul.f32 $1.442695020e+00, v13;
	v7 =	vadd.f32 v17, v7  }
0x34e: {  	(erf) = vpow2.f32 v9;
	v9 =	vmul.f32 $1.442695020e+00, v6  }
0x34f: {  	(erf) = vpow2.f32 v11;
	v11 =	vmul.f32 $1.442695020e+00, v7  }
0x350: {  	(erf) = vpow2.f32 v9  }
0x351: {  	(erf) = vpow2.f32 v11  }
0x352: {  	v9 =	vpop (erf)  }
0x353: {  	v11 =	vpop (erf)  }
0x354: {  	v11 =	vadd.f32 $-1.000000000e+00, v11  }
0x355: {  	v16 =	vpop (erf)  }
0x356: {  	v17 =	vpop (erf);
	v11 =	vmul.f32 $1.673263190e+00, v11  }
0x357: {  	vm6 =	vgt.f32 v12, $0.0e+00;
	v16 =	vadd.f32 $-1.000000000e+00, v16;
	v18 =	vpop (erf)  }
0x358: {  	v11 =	vsel vm6, v12, v11;
	v12 =	vadd.f32 $-1.000000000e+00, v18;
	v18 =	vpop (erf)  }
0x359: {  	vm7 =	vgt.f32 v14, $0.0e+00;
	v16 =	vmul.f32 $1.673263190e+00, v16;
	v19 =	vpop (erf)  }
0x35a: {  	v11 =	vmul.f32 $1.050701020e+00, v11;
	v18 =	vadd.f32 $-1.000000000e+00, v18;
	v12 =	vmul.f32 $1.673263190e+00, v12;
	v20 =	vpop (erf)  }
0x35b: {  	vm8 =	vgt.f32 v10, $0.0e+00;
	v14 =	vsel vm7, v14, v16;
	v16 =	vadd.f32 $-1.000000000e+00, v20  }
0x35c: {  	[tilespmem:s29+$0xFFFFFFF0] =	vst v11;
	v11 =	vmul.f32 $1.050701020e+00, v14;
	v10 =	vsel vm8, v10, v12;
	v12 =	vmul.f32 $1.673263190e+00, v18  }
0x35d: {  	vm9 =	vgt.f32 v13, $0.0e+00;
	v14 =	vld [tilespmem:s19+$0x16DB0];
	v10 =	vmul.f32 $1.050701020e+00, v10;
	v16 =	vmul.f32 $1.673263190e+00, v16  }
0x35e: {  	vm10 =	vgt.f32 v7, $0.0e+00;
	v18 =	vld [tilespmem:$0x17D60];
	[tilespmem:s18+$0x0] =	vst v11;
	v11 =	vsel vm9, v13, v12  }
0x35f: {  	v12 =	vld [tilespmem:$0x17D70];
	[tilespmem:s16+$0xFFFFFFF0] =	vst v10;
	v10 =	vmul.f32 $1.050701020e+00, v11;
	v7 =	vsel vm10, v7, v16  }
0x360: {  	v11 =	vld [tilespmem:s20+$0x16DB0];
	v7 =	vmul.f32 $1.050701020e+00, v7  }
0x361: {  	v13 =	vld [tilespmem:$0x17D60];
	[tilespmem:s9+$0x0] =	vst v10  }
0x362: {  	v10 =	vld [tilespmem:$0x17D70];
	[tilespmem:s1+$0xFFFFFFF0] =	vst v7  }
0x363: {  	v7 =	vld [tilespmem:s3+$0x16DB0]  }
0x364: {  	v16 =	vunpack.i.l.bf16.f32 v14;
	v20 =	vld [tilespmem:$0x17D60]  }
0x365: {  	v16 =	vadd.f32 v18, v16;
	v18 =	vunpack.i.u.bf16.f32 v22  }
0x366: {  	v12 =	vadd.f32 v12, v18;
	v18 =	vunpack.i.l.bf16.f32 v11  }
0x367: {  	v15 =	vunpack.i.u.bf16.f32 v15;
	v21 =	vmul.f32 $1.442695020e+00, v16;
	v13 =	vadd.f32 v13, v18  }
0x368: {  	v18 =	vmul.f32 $1.442695020e+00, v12;
	v10 =	vadd.f32 v10, v15;
	v15 =	vunpack.i.l.bf16.f32 v7  }
0x369: {  	(erf) = vpow2.f32 v21;
	v21 =	vmul.f32 $1.442695020e+00, v13;
	v15 =	vadd.f32 v20, v15  }
0x36a: {  	(erf) = vpow2.f32 v18;
	v18 =	vmul.f32 $1.442695020e+00, v10  }
0x36b: {  	(erf) = vpow2.f32 v21;
	v20 =	vmul.f32 $1.442695020e+00, v15  }
0x36c: {  	(erf) = vpow2.f32 v18  }
0x36d: {  	(erf) = vpow2.f32 v20;
	_ =	sdelay $0x4  }
0x36e: {  	v18 =	vpop (erf)  }
0x36f: {  	v20 =	vpop (erf)  }
0x370: {  	v21 =	vpop (erf)  }
0x371: {  	v18 =	vadd.f32 $-1.000000000e+00, v18;
	v22 =	vpop (erf)  }
0x372: {  	v21 =	vadd.f32 $-1.000000000e+00, v21;
	v23 =	vpop (erf)  }
0x373: {  	v18 =	vmul.f32 $1.673263190e+00, v18;
	v23 =	vadd.f32 $-1.000000000e+00, v23  }
0x374: {  	vm11 =	vgt.f32 v16, $0.0e+00;
	v21 =	vmul.f32 $1.673263190e+00, v21  }
0x375: {  	vm12 =	vgt.f32 v13, $0.0e+00;
	v16 =	vsel vm11, v16, v18;
	v18 =	vmul.f32 $1.673263190e+00, v23  }
0x376: {  	vm13 =	vgt.f32 v15, $0.0e+00;
	v16 =	vmul.f32 $1.050701020e+00, v16;
	v13 =	vsel vm12, v13, v21  }
0x377: {  	v13 =	vmul.f32 $1.050701020e+00, v13;
	v15 =	vsel vm13, v15, v18  }
0x378: {  	[tilespmem:s29+$0x0] =	vst v16;
	v15 =	vmul.f32 $1.050701020e+00, v15  }
0x379: {  	v16 =	vld [tilespmem:$0x17D70];
	[tilespmem:s16+$0x0] =	vst v13  }
0x37a: {  	v13 =	vld [tilespmem:$0x17D70];
	[tilespmem:s1+$0x0] =	vst v15  }
0x37b: {  	v15 =	vld [tilespmem:$0x17D70];
	_ =	sdelay $0x1  }
0x37c: {  	v14 =	vunpack.i.u.bf16.f32 v14  }
0x37d: {  	v11 =	vunpack.i.u.bf16.f32 v11;
	v14 =	vadd.f32 v16, v14  }
0x37e: {  	v8 =	vadd.f32 $-1.000000000e+00, v8;
	v7 =	vunpack.i.u.bf16.f32 v7;
	v11 =	vadd.f32 v13, v11  }
0x37f: {  	v13 =	vmul.f32 $1.442695020e+00, v14;
	v7 =	vadd.f32 v15, v7  }
0x380: {  	v8 =	vmul.f32 $1.673263190e+00, v8;
	v15 =	vmul.f32 $1.442695020e+00, v11  }
0x381: {  	v9 =	vadd.f32 $-1.000000000e+00, v9;
	(erf) = vpow2.f32 v13;
	v13 =	vmul.f32 $1.442695020e+00, v7  }
0x382: {  	vm14 =	vgt.f32 v2, $0.0e+00;
	(erf) = vpow2.f32 v15  }
0x383: {  	v2 =	vsel vm14, v2, v8;
	v9 =	vmul.f32 $1.673263190e+00, v9;
	(erf) = vpow2.f32 v13  }
0x384: {  	vm15 =	vgt.f32 v3, $0.0e+00;
	v8 =	vadd.f32 $-1.000000000e+00, v19;
	v13 =	vadd.f32 $-1.000000000e+00, v17  }
0x385: {  	v3 =	vsel vm15, v3, v9  }
0x386: {  	v8 =	vmul.f32 $1.673263190e+00, v8;
	v9 =	vmul.f32 $1.673263190e+00, v13;
	v13 =	vadd.f32 $-1.000000000e+00, v20  }
0x387: {  	v2 =	vmul.f32 $1.050701020e+00, v2;
	vm5 =	vgt.f32 v6, $0.0e+00  }
0x388: {  	vm4 =	vgt.f32 v4, $0.0e+00;
	v3 =	vmul.f32 $1.050701020e+00, v3;
	v6 =	vsel vm5, v6, v8  }
0x389: {  	v4 =	vsel vm4, v4, v9;
	v8 =	vmul.f32 $1.673263190e+00, v13;
	v9 =	vadd.f32 $-1.000000000e+00, v22  }
0x38a: {  	v6 =	vmul.f32 $1.050701020e+00, v6;
	vm6 =	vgt.f32 v12, $0.0e+00;
	vm7 =	vgt.f32 v10, $0.0e+00;
	v13 =	vpop (erf)  }
0x38b: {  	[tilespmem:s5+$0x10] =	vst v5;
	v5 =	vsel vm6, v12, v8;
	v8 =	vmul.f32 $1.673263190e+00, v9;
	v9 =	vadd.f32 $-1.000000000e+00, v13;
	v12 =	vpop (erf)  }
0x38c: {  	[tilespmem:s6+$0x10] =	vst v2;
	v4 =	vmul.f32 $1.050701020e+00, v4;
	v2 =	vmul.f32 $1.050701020e+00, v5;
	v5 =	vadd.f32 $-1.000000000e+00, v12;
	v12 =	vpop (erf)  }
0x38d: {  	[tilespmem:s7+$0x10] =	vst v3;
	v3 =	vsel vm7, v10, v8;
	v8 =	vmul.f32 $1.673263190e+00, v9;
	v9 =	vadd.f32 $-1.000000000e+00, v12  }
0x38e: {  	vm8 =	vgt.f32 v14, $0.0e+00;
	vm9 =	vgt.f32 v11, $0.0e+00;
	[tilespmem:s8+$0x10] =	vst v4;
	v4 =	vmul.f32 $1.673263190e+00, v5  }
0x38f: {  	[tilespmem:s17+$0x10] =	vst v6;
	v3 =	vmul.f32 $1.050701020e+00, v3;
	v5 =	vsel vm8, v14, v8;
	v6 =	vmul.f32 $1.673263190e+00, v9  }
0x390: {  	vm10 =	vgt.f32 v7, $0.0e+00;
	[tilespmem:s18+$0x10] =	vst v2;
	v2 =	vmul.f32 $1.050701020e+00, v5;
	v4 =	vsel vm9, v11, v4  }
0x391: {  	[tilespmem:s9+$0x10] =	vst v3;
	v3 =	vmul.f32 $1.050701020e+00, v4;
	v4 =	vsel vm10, v7, v6  }
0x392: {  	[tilespmem:s29+$0x10] =	vst v2;
	v2 =	vmul.f32 $1.050701020e+00, v4  }
0x393: {  	[tilespmem:s16+$0x10] =	vst v3  }
0x394: {  	s15 =	simm.s32 $0x80;
	[tilespmem:s1+$0x10] =	vst v2  }
0x395: {  	s9 =	simm.s32 $0x40;
	s16 =	simm.s32 $0x14E60;
	s1 =	rddreg [dreg:$0x11]  }
0x396: {  	[hbm4b:s1+s9] =	stream.strided.scatter [tilespmem:s16], [sflag:$0xB], $0x1F40, s15, s9, $0x38;
	[tilespmem:$0x1CBA0] =	vst v63  }
0x397: {  	_ =	swait.ge [sflag:s21], $0x1F40  }
0x398: {  	[sflag:s21] =	ssyncset.done $0x0  }
0x399: {  	s18 =	simm.s32 $0x16DA0;
	s17 =	rddreg [dreg:$0x9];
	[sflag:s21] =	ssyncadd.s32 $0xFFFFE0C0  }
0x39a: {  	[tilespmem:s18], [sflag:$0xB] =	stream.linear.gather [spmem:s17], $0xFA0, $0x38;
	[tilespmem:$0x1CBA0] =	vst v63  }
0x39b: {  	_ =	swait.ge [sflag:s21], $0xFA0  }
0x39c: {  	[sflag:s21] =	ssyncset.done $0x0  }
0x39d: {  	s19 =	simm.s32 $0x0;
	[sflag:s21] =	ssyncadd.s32 $0xFFFFF060  }
0x39e: {  	v2 =	vld [tilespmem:s19+$0x16DA0]  }
0x39f: {  	v3 =	vld [tilespmem:$0x17D40];
	_ =	sdelay $0x3  }
0x3a0: {  	v4 =	vunpack.i.l.bf16.f32 v2  }
0x3a1: {  	v3 =	vadd.f32 v3, v4;
	_ =	sdelay $0x1  }
0x3a2: {  	v4 =	vmul.f32 $1.442695020e+00, v3;
	_ =	sdelay $0x1  }
0x3a3: {  	s20 =	simm.s32 $0x20;
	(erf) = vpow2.f32 v4  }
0x3a4: {  	v4 =	vld [tilespmem:s20+$0x16DA0];
	_ =	sdelay $0x1  }
0x3a5: {  	v5 =	vld [tilespmem:$0x17D40];
	_ =	sdelay $0x2  }
0x3a6: {  	v6 =	vunpack.i.l.bf16.f32 v4;
	_ =	sdelay $0x1  }
0x3a7: {  	v5 =	vadd.f32 v5, v6  }
0x3a8: {  	v6 =	vpop (erf)  }
0x3a9: {  	v7 =	vmul.f32 $1.442695020e+00, v5;
	v6 =	vadd.f32 $-1.000000000e+00, v6;
	_ =	sdelay $0x1  }
0x3aa: {  	s3 =	simm.s32 $0x40;
	(erf) = vpow2.f32 v7;
	v6 =	vmul.f32 $1.673263190e+00, v6  }
0x3ab: {  	vm11 =	vgt.f32 v3, $0.0e+00;
	v7 =	vld [tilespmem:s3+$0x16DA0]  }
0x3ac: {  	v8 =	vld [tilespmem:$0x17D40];
	v3 =	vsel vm11, v3, v6  }
0x3ad: {  	v3 =	vmul.f32 $1.050701020e+00, v3  }
0x3ae: {  	s5 =	simm.s32 $0x14E80  }
0x3af: {  	[tilespmem:s5+$0xFFFFFFE0] =	vst v3  }
0x3b0: {  	v3 =	vunpack.i.l.bf16.f32 v7;
	v6 =	vld [tilespmem:$0x17D50]  }
0x3b1: {  	v3 =	vadd.f32 v8, v3;
	_ =	sdelay $0x1  }
0x3b2: {  	v8 =	vpop (erf);
	v9 =	vmul.f32 $1.442695020e+00, v3  }
0x3b3: {  	v2 =	vunpack.i.u.bf16.f32 v2;
	v8 =	vadd.f32 $-1.000000000e+00, v8  }
0x3b4: {  	s9 =	simm.s32 $0x60;
	(erf) = vpow2.f32 v9;
	v2 =	vadd.f32 v6, v2  }
0x3b5: {  	v6 =	vmul.f32 $1.673263190e+00, v8;
	v8 =	vld [tilespmem:s9+$0x16DA0]  }
0x3b6: {  	v10 =	vld [tilespmem:$0x17D40];
	vm12 =	vgt.f32 v5, $0.0e+00;
	v9 =	vmul.f32 $1.442695020e+00, v2  }
0x3b7: {  	v5 =	vsel vm12, v5, v6  }
0x3b8: {  	v5 =	vmul.f32 $1.050701020e+00, v5;
	(erf) = vpow2.f32 v9  }
0x3b9: {  	s6 =	simm.s32 $0x14EC0  }
0x3ba: {  	[tilespmem:s6+$0xFFFFFFE0] =	vst v5;
	v5 =	vunpack.i.l.bf16.f32 v8  }
0x3bb: {  	v6 =	vld [tilespmem:$0x17D50];
	v5 =	vadd.f32 v10, v5;
	_ =	sdelay $0x1  }
0x3bc: {  	v9 =	vpop (erf);
	v10 =	vmul.f32 $1.442695020e+00, v5  }
0x3bd: {  	v9 =	vadd.f32 $-1.000000000e+00, v9  }
0x3be: {  	s1 =	simm.s32 $0x80;
	v4 =	vunpack.i.u.bf16.f32 v4;
	(erf) = vpow2.f32 v10  }
0x3bf: {  	v9 =	vmul.f32 $1.673263190e+00, v9;
	v4 =	vadd.f32 v6, v4;
	v6 =	vld [tilespmem:s1+$0x16DA0]  }
0x3c0: {  	v11 =	vld [tilespmem:$0x17D40];
	vm13 =	vgt.f32 v3, $0.0e+00;
	v10 =	vpop (erf)  }
0x3c1: {  	v3 =	vsel vm13, v3, v9;
	v9 =	vmul.f32 $1.442695020e+00, v4;
	v10 =	vadd.f32 $-1.000000000e+00, v10  }
0x3c2: {  	v3 =	vmul.f32 $1.050701020e+00, v3  }
0x3c3: {  	s7 =	simm.s32 $0x14F00;
	(erf) = vpow2.f32 v9;
	v9 =	vmul.f32 $1.673263190e+00, v10  }
0x3c4: {  	vm14 =	vgt.f32 v2, $0.0e+00;
	[tilespmem:s7+$0xFFFFFFE0] =	vst v3;
	v3 =	vunpack.i.l.bf16.f32 v6  }
0x3c5: {  	v3 =	vadd.f32 v11, v3;
	v2 =	vsel vm14, v2, v9;
	v9 =	vld [tilespmem:$0x17D50]  }
0x3c6: {  	v2 =	vmul.f32 $1.050701020e+00, v2  }
0x3c7: {  	v10 =	vpop (erf);
	v11 =	vmul.f32 $1.442695020e+00, v3  }
0x3c8: {  	[tilespmem:s5+$0xFFFFFFF0] =	vst v2;
	v2 =	vunpack.i.u.bf16.f32 v7;
	v7 =	vadd.f32 $-1.000000000e+00, v10  }
0x3c9: {  	(erf) = vpow2.f32 v11;
	v10 =	vld [tilespmem:s19+$0x16DB0]  }
0x3ca: {  	s16 =	simm.s32 $0xA0;
	v11 =	vld [tilespmem:$0x17D60];
	v2 =	vadd.f32 v9, v2;
	v7 =	vmul.f32 $1.673263190e+00, v7  }
0x3cb: {  	vm15 =	vgt.f32 v5, $0.0e+00;
	v9 =	vld [tilespmem:s16+$0x16DA0]  }
0x3cc: {  	v14 =	vld [tilespmem:$0x17D40];
	v12 =	vpop (erf);
	v13 =	vmul.f32 $1.442695020e+00, v2;
	v5 =	vsel vm15, v5, v7  }
0x3cd: {  	v7 =	vadd.f32 $-1.000000000e+00, v12;
	v5 =	vmul.f32 $1.050701020e+00, v5  }
0x3ce: {  	s8 =	simm.s32 $0x14F40;
	v12 =	vunpack.i.l.bf16.f32 v10;
	(erf) = vpow2.f32 v13  }
0x3cf: {  	v7 =	vmul.f32 $1.673263190e+00, v7;
	v11 =	vadd.f32 v11, v12;
	[tilespmem:s8+$0xFFFFFFE0] =	vst v5  }
0x3d0: {  	vm4 =	vgt.f32 v4, $0.0e+00;
	v5 =	vunpack.i.l.bf16.f32 v9;
	v12 =	vld [tilespmem:$0x17D50]  }
0x3d1: {  	v4 =	vsel vm4, v4, v7;
	v5 =	vadd.f32 v14, v5;
	v7 =	vmul.f32 $1.442695020e+00, v11  }
0x3d2: {  	v4 =	vmul.f32 $1.050701020e+00, v4;
	v13 =	vpop (erf)  }
0x3d3: {  	s15 =	simm.s32 $0xC0;
	v13 =	vadd.f32 $-1.000000000e+00, v13;
	(erf) = vpow2.f32 v7;
	v7 =	vmul.f32 $1.442695020e+00, v5  }
0x3d4: {  	v14 =	vld [tilespmem:s15+$0x16DA0];
	[tilespmem:s6+$0xFFFFFFF0] =	vst v4;
	v4 =	vunpack.i.u.bf16.f32 v8  }
0x3d5: {  	v15 =	vld [tilespmem:s20+$0x16DB0];
	(erf) = vpow2.f32 v7;
	v7 =	vmul.f32 $1.673263190e+00, v13;
	v4 =	vadd.f32 v12, v4  }
0x3d6: {  	vm5 =	vgt.f32 v3, $0.0e+00;
	v8 =	vld [tilespmem:$0x17D60]  }
0x3d7: {  	v12 =	vld [tilespmem:$0x17D40];
	v13 =	vpop (erf);
	v3 =	vsel vm5, v3, v7;
	v7 =	vmul.f32 $1.442695020e+00, v4  }
0x3d8: {  	v13 =	vadd.f32 $-1.000000000e+00, v13  }
0x3d9: {  	v3 =	vmul.f32 $1.050701020e+00, v3;
	(erf) = vpow2.f32 v7  }
0x3da: {  	s17 =	simm.s32 $0x14F80;
	v16 =	vunpack.i.l.bf16.f32 v15;
	v7 =	vmul.f32 $1.673263190e+00, v13  }
0x3db: {  	vm6 =	vgt.f32 v2, $0.0e+00;
	v13 =	vunpack.i.l.bf16.f32 v14;
	v16 =	vadd.f32 v8, v16;
	[tilespmem:s17+$0xFFFFFFE0] =	vst v3  }
0x3dc: {  	v12 =	vadd.f32 v12, v13;
	v13 =	vld [tilespmem:$0x17D50];
	v8 =	vpop (erf);
	v2 =	vsel vm6, v2, v7  }
0x3dd: {  	v3 =	vmul.f32 $1.442695020e+00, v16;
	v7 =	vadd.f32 $-1.000000000e+00, v8;
	v2 =	vmul.f32 $1.050701020e+00, v2  }
0x3de: {  	v8 =	vmul.f32 $1.442695020e+00, v12;
	v17 =	vpop (erf)  }
0x3df: {  	(erf) = vpow2.f32 v3;
	v7 =	vmul.f32 $1.673263190e+00, v7;
	[tilespmem:s7+$0xFFFFFFF0] =	vst v2;
	v2 =	vadd.f32 $-1.000000000e+00, v17  }
0x3e0: {  	v6 =	vunpack.i.u.bf16.f32 v6;
	vm7 =	vgt.f32 v11, $0.0e+00;
	(erf) = vpow2.f32 v8;
	v3 =	vld [tilespmem:s3+$0x16DB0]  }
0x3e1: {  	s19 =	simm.s32 $0xE0;
	v17 =	vadd.f32 v13, v6;
	v7 =	vsel vm7, v11, v7;
	v11 =	vld [tilespmem:$0x17D60];
	v2 =	vmul.f32 $1.673263190e+00, v2  }
0x3e2: {  	vm8 =	vgt.f32 v5, $0.0e+00;
	v8 =	vld [tilespmem:s19+$0x16DA0];
	v7 =	vmul.f32 $1.050701020e+00, v7;
	v13 =	vpop (erf)  }
0x3e3: {  	v6 =	vld [tilespmem:$0x17D40];
	v2 =	vsel vm8, v5, v2;
	v5 =	vmul.f32 $1.442695020e+00, v17;
	v13 =	vadd.f32 $-1.000000000e+00, v13  }
0x3e4: {  	[tilespmem:s5+$0x0] =	vst v7;
	v2 =	vmul.f32 $1.050701020e+00, v2  }
0x3e5: {  	v7 =	vunpack.i.l.bf16.f32 v3;
	v18 =	vld [tilespmem:$0x17D70];
	(erf) = vpow2.f32 v5;
	v5 =	vmul.f32 $1.673263190e+00, v13  }
0x3e6: {  	s18 =	simm.s32 $0x14FC0;
	vm9 =	vgt.f32 v4, $0.0e+00;
	v19 =	vadd.f32 v11, v7  }
0x3e7: {  	v7 =	vunpack.i.l.bf16.f32 v8;
	[tilespmem:s18+$0xFFFFFFE0] =	vst v2;
	v2 =	vsel vm9, v4, v5  }
0x3e8: {  	v20 =	vadd.f32 v6, v7;
	v6 =	vpop (erf);
	v7 =	vld [tilespmem:$0x17D50];
	v4 =	vmul.f32 $1.442695020e+00, v19;
	v2 =	vmul.f32 $1.050701020e+00, v2  }
0x3e9: {  	s20 =	simm.s32 $0x100;
	v5 =	vadd.f32 $-1.000000000e+00, v6;
	v6 =	vunpack.i.u.bf16.f32 v10  }
0x3ea: {  	v10 =	vpop (erf);
	v11 =	vmul.f32 $1.442695020e+00, v20;
	(erf) = vpow2.f32 v4;
	v21 =	vadd.f32 v18, v6;
	v4 =	vld [tilespmem:s20+$0x16DA0];
	[tilespmem:s8+$0xFFFFFFF0] =	vst v2  }
0x3eb: {  	vm10 =	vgt.f32 v16, $0.0e+00;
	v10 =	vadd.f32 $-1.000000000e+00, v10;
	v5 =	vmul.f32 $1.673263190e+00, v5;
	v6 =	vld [tilespmem:s9+$0x16DB0]  }
0x3ec: {  	v2 =	vunpack.i.u.bf16.f32 v9;
	(erf) = vpow2.f32 v11;
	v11 =	vld [tilespmem:$0x17D60];
	v9 =	vmul.f32 $1.442695020e+00, v21  }
0x3ed: {  	v10 =	vmul.f32 $1.673263190e+00, v10;
	v5 =	vsel vm10, v16, v5;
	v16 =	vld [tilespmem:$0x17D40];
	v13 =	vadd.f32 v7, v2  }
0x3ee: {  	v5 =	vmul.f32 $1.050701020e+00, v5;
	(erf) = vpow2.f32 v9  }
0x3ef: {  	vm11 =	vgt.f32 v12, $0.0e+00;
	v2 =	vpop (erf);
	v9 =	vmul.f32 $1.442695020e+00, v13  }
0x3f0: {  	v7 =	vsel vm11, v12, v10;
	v2 =	vadd.f32 $-1.000000000e+00, v2;
	[tilespmem:s6+$0x0] =	vst v5;
	v10 =	vunpack.i.l.bf16.f32 v6  }
0x3f1: {  	vm12 =	vgt.f32 v17, $0.0e+00;
	v5 =	vunpack.i.l.bf16.f32 v4;
	v12 =	vld [tilespmem:$0x17D70];
	v11 =	vadd.f32 v11, v10  }
0x3f2: {  	v7 =	vmul.f32 $1.050701020e+00, v7;
	v2 =	vmul.f32 $1.673263190e+00, v2;
	v10 =	vadd.f32 v16, v5  }
0x3f3: {  	s29 =	simm.s32 $0x15000;
	(erf) = vpow2.f32 v9;
	v5 =	vunpack.i.u.bf16.f32 v14;
	v9 =	vpop (erf);
	v14 =	vmul.f32 $1.442695020e+00, v11  }
0x3f4: {  	[tilespmem:s29+$0xFFFFFFE0] =	vst v7;
	v2 =	vsel vm12, v17, v2;
	v16 =	vmul.f32 $1.442695020e+00, v10;
	v9 =	vadd.f32 $-1.000000000e+00, v9  }
0x3f5: {  	v17 =	vld [tilespmem:$0x17D50];
	v18 =	vmul.f32 $1.050701020e+00, v2;
	v2 =	vunpack.i.u.bf16.f32 v15;
	v15 =	vpop (erf);
	(erf) = vpow2.f32 v14  }
0x3f6: {  	s3 =	simm.s32 $0x120;
	v2 =	vadd.f32 v12, v2;
	v12 =	vadd.f32 $-1.000000000e+00, v15;
	v14 =	vmul.f32 $1.673263190e+00, v9  }
0x3f7: {  	vm13 =	vgt.f32 v19, $0.0e+00;
	v7 =	vld [tilespmem:s3+$0x16DA0];
	(erf) = vpow2.f32 v16;
	v15 =	vpop (erf)  }
0x3f8: {  	[tilespmem:s17+$0xFFFFFFF0] =	vst v18;
	v14 =	vsel vm13, v19, v14;
	v15 =	vadd.f32 $-1.000000000e+00, v15;
	v19 =	vmul.f32 $1.673263190e+00, v12  }
0x3f9: {  	v9 =	vld [tilespmem:s1+$0x16DB0];
	v16 =	vmul.f32 $1.442695020e+00, v2  }
0x3fa: {  	v12 =	vadd.f32 v17, v5;
	v5 =	vmul.f32 $1.673263190e+00, v15;
	v15 =	vld [tilespmem:$0x17D60]  }
0x3fb: {  	vm14 =	vgt.f32 v20, $0.0e+00;
	v17 =	vld [tilespmem:$0x17D40];
	v14 =	vmul.f32 $1.050701020e+00, v14;
	(erf) = vpow2.f32 v16  }
0x3fc: {  	vm15 =	vgt.f32 v21, $0.0e+00;
	v18 =	vunpack.i.l.bf16.f32 v7;
	v16 =	vsel vm14, v20, v19;
	v19 =	vpop (erf)  }
0x3fd: {  	v20 =	vmul.f32 $1.442695020e+00, v12;
	[tilespmem:s7+$0x0] =	vst v14;
	v5 =	vsel vm15, v21, v5;
	v19 =	vadd.f32 $-1.000000000e+00, v19  }
0x3fe: {  	s31 =	simm.s32 $0x500;
	s9 =	simm.s32 $0x15000;
	v16 =	vmul.f32 $1.050701020e+00, v16;
	v21 =	vunpack.i.l.bf16.f32 v9;
	v14 =	vld [tilespmem:$0x17D70];
	v5 =	vmul.f32 $1.050701020e+00, v5  }
.LBB2_27:
0x3ff: {  	p0 =	sne.s32 s31, $0x3E00;
	(erf) = vpow2.f32 v20;
	v19 =	vmul.f32 $1.673263190e+00, v19;
	v15 =	vadd.f32 v15, v21  }
0x400: {  	s29 =	sadd.s32 $0x40, s29;
	vm0 =	vgt.f32 v13, $0.0e+00;
	v21 =	vadd.f32 v17, v18;
	v18 =	vunpack.i.u.bf16.f32 v8;
	v8 =	vpop (erf);
	[tilespmem:s5+$0x10] =	vst v5;
	s5 =	smov.u32 s6;
	s6 =	smov.u32 s7  }
0x401: {  	s7 =	smov.u32 s8;
	s8 =	smov.u32 s17;
	s17 =	smov.u32 s18;
	v5 =	vpop (erf);
	[tilespmem:s29+$0xFFFFFFE0] =	vst v16;
	v13 =	vsel vm0, v13, v19;
	v16 =	vmul.f32 $1.442695020e+00, v15;
	v17 =	vadd.f32 $-1.000000000e+00, v8  }
0x402: {  	s1 =	sshra.s32 s31, $0x2;
	v22 =	vunpack.i.u.bf16.f32 v3;
	s18 =	smov.u32 s9;
	s9 =	smov.u32 s29;
	v8 =	vmovc v4;
	v4 =	vmovc v7;
	v19 =	vmul.f32 $1.442695020e+00, v21;
	v20 =	vld [tilespmem:$0x17D50];
	v23 =	vmul.f32 $1.050701020e+00, v13  }
0x403: {  	v3 =	vmovc v6;
	v6 =	vmovc v9;
	v7 =	vld [tilespmem:s1+$0x16DA0];
	(erf) = vpow2.f32 v16;
	v16 =	vmul.f32 $1.673263190e+00, v17;
	v14 =	vadd.f32 v14, v22  }
0x404: {  	vm0 =	vgt.f32 v11, $0.0e+00;
	v5 =	vadd.f32 $-1.000000000e+00, v5;
	(erf) = vpow2.f32 v19;
	[tilespmem:s17+$0xFFFFFFF0] =	vst v23;
	v13 =	vpop (erf)  }
0x405: {  	v9 =	vld [tilespmem:s16+$0x16DB0];
	v16 =	vsel vm0, v11, v16;
	v19 =	vmul.f32 $1.442695020e+00, v14;
	v22 =	vadd.f32 $-1.000000000e+00, v13;
	v11 =	vmovc v15;
	v13 =	vmovc v12;
	s16 =	smov.u32 s15;
	s15 =	smov.u32 s19;
	s19 =	smov.u32 s20  }
.Ltmp14:
0x406: {  	v5 =	vmul.f32 $1.673263190e+00, v5;
	vm0 =	vgt.f32 v10, $0.0e+00;
	s20 =	smov.u32 s3;
	s3 =	smov.u32 s1;
	v15 =	vld [tilespmem:$0x17D60];
	v16 =	vmul.f32 $1.050701020e+00, v16;
	(pc) =	sbr.rel @p0 .LBB2_27-.Ltmp14, $4  }
0x407: {  	v17 =	vld [tilespmem:$0x17D40];
	v12 =	vadd.f32 v20, v18;
	(erf) = vpow2.f32 v19;
	v22 =	vmul.f32 $1.673263190e+00, v22  }
0x408: {  	v5 =	vsel vm0, v10, v5;
	vm0 =	vgt.f32 v2, $0.0e+00;
	v18 =	vunpack.i.l.bf16.f32 v7;
	v10 =	vpop (erf)  }
0x409: {  	v20 =	vmul.f32 $1.442695020e+00, v12;
	v19 =	vadd.f32 $-1.000000000e+00, v10;
	[tilespmem:s7+$0x0] =	vst v16;
	v22 =	vsel vm0, v2, v22;
	v10 =	vmovc v21;
	v2 =	vmovc v14  }
0x40a: {  	s31 =	sadd.s32 $0x80, s31;
	v16 =	vmul.f32 $1.050701020e+00, v5;
	v21 =	vunpack.i.l.bf16.f32 v9;
	v14 =	vld [tilespmem:$0x17D70];
	v5 =	vmul.f32 $1.050701020e+00, v22  }
0x40b: {  	v15 =	vadd.f32 v15, v21;
	(erf) = vpow2.f32 v20  }
0x40c: {  	v17 =	vadd.f32 v17, v18  }
0x40d: {  	v18 =	vmul.f32 $1.442695020e+00, v15  }
0x40e: {  	v20 =	vmul.f32 $1.442695020e+00, v17  }
0x40f: {  	(erf) = vpow2.f32 v18  }
0x410: {  	(erf) = vpow2.f32 v20  }
0x411: {  	v18 =	vpop (erf)  }
0x412: {  	v19 =	vmul.f32 $1.673263190e+00, v19;
	v20 =	vpop (erf);
	v18 =	vadd.f32 $-1.000000000e+00, v18  }
0x413: {  	v21 =	vunpack.i.u.bf16.f32 v8;
	vm0 =	vgt.f32 v13, $0.0e+00;
	v8 =	vpop (erf)  }
0x414: {  	v13 =	vsel vm0, v13, v19;
	v19 =	vadd.f32 $-1.000000000e+00, v20;
	v18 =	vmul.f32 $1.673263190e+00, v18;
	v20 =	vpop (erf)  }
0x415: {  	v20 =	vadd.f32 $-1.000000000e+00, v20  }
0x416: {  	s29 =	sadd.s32 $0x40, s29;
	v13 =	vmul.f32 $1.050701020e+00, v13  }
0x417: {  	vm13 =	vgt.f32 v11, $0.0e+00;
	[tilespmem:s29+$0xFFFFFFE0] =	vst v16  }
0x418: {  	vm14 =	vgt.f32 v10, $0.0e+00;
	[tilespmem:s18+$0xFFFFFFF0] =	vst v13;
	v16 =	vmul.f32 $1.673263190e+00, v19;
	v11 =	vsel vm13, v11, v18;
	v18 =	vpop (erf)  }
0x419: {  	vm15 =	vgt.f32 v12, $0.0e+00;
	v22 =	vld [tilespmem:s16+$0x16DB0];
	v13 =	vmul.f32 $1.673263190e+00, v20;
	v20 =	vpop (erf);
	v18 =	vadd.f32 $-1.000000000e+00, v18  }
0x41a: {  	v19 =	vld [tilespmem:$0x17D50];
	v11 =	vmul.f32 $1.050701020e+00, v11;
	v10 =	vsel vm14, v10, v16;
	v16 =	vadd.f32 $-1.000000000e+00, v20  }
0x41b: {  	v10 =	vmul.f32 $1.050701020e+00, v10;
	v12 =	vsel vm15, v12, v13;
	v20 =	vld [tilespmem:$0x17D60];
	v13 =	vmul.f32 $1.673263190e+00, v18  }
0x41c: {  	vm4 =	vgt.f32 v15, $0.0e+00;
	s16 =	sadd.s32 $0x40, s29;
	[tilespmem:s8+$0x0] =	vst v11;
	v11 =	vmul.f32 $1.050701020e+00, v12;
	v12 =	vmul.f32 $1.673263190e+00, v16  }
0x41d: {  	v3 =	vunpack.i.u.bf16.f32 v3;
	vm5 =	vgt.f32 v17, $0.0e+00;
	[tilespmem:s16+$0xFFFFFFE0] =	vst v10;
	v16 =	vld [tilespmem:$0x17D70];
	v10 =	vsel vm4, v15, v13  }
0x41e: {  	v3 =	vadd.f32 v14, v3;
	[tilespmem:s9+$0xFFFFFFF0] =	vst v11;
	v13 =	vld [tilespmem:$0x17D50];
	v10 =	vmul.f32 $1.050701020e+00, v10;
	v11 =	vsel vm5, v17, v12  }
0x41f: {  	v14 =	vunpack.i.l.bf16.f32 v22;
	v15 =	vld [tilespmem:s15+$0x16DB0];
	v12 =	vadd.f32 v19, v21;
	v11 =	vmul.f32 $1.050701020e+00, v11  }
0x420: {  	s1 =	sadd.s32 $0x40, s16;
	v18 =	vld [tilespmem:$0x17D60];
	v17 =	vmul.f32 $1.442695020e+00, v3;
	v14 =	vadd.f32 v20, v14;
	[tilespmem:s17+$0x0] =	vst v10  }
0x421: {  	v10 =	vmul.f32 $1.442695020e+00, v12;
	v19 =	vld [tilespmem:$0x17D70];
	[tilespmem:s1+$0xFFFFFFE0] =	vst v11  }
0x422: {  	v6 =	vunpack.i.u.bf16.f32 v6;
	(erf) = vpow2.f32 v17;
	v11 =	vmul.f32 $1.442695020e+00, v14;
	v17 =	vld [tilespmem:$0x17D50]  }
0x423: {  	(erf) = vpow2.f32 v10;
	v10 =	vunpack.i.u.bf16.f32 v4;
	v4 =	vadd.f32 v16, v6  }
0x424: {  	v6 =	vunpack.i.l.bf16.f32 v15;
	(erf) = vpow2.f32 v11;
	v10 =	vadd.f32 v13, v10  }
0x425: {  	v13 =	vadd.f32 v18, v6;
	v6 =	vunpack.i.u.bf16.f32 v9;
	v11 =	vmul.f32 $1.442695020e+00, v4  }
0x426: {  	v7 =	vunpack.i.u.bf16.f32 v7;
	v9 =	vmul.f32 $1.442695020e+00, v10;
	v6 =	vadd.f32 v19, v6  }
0x427: {  	(erf) = vpow2.f32 v11;
	v11 =	vmul.f32 $1.442695020e+00, v13;
	v7 =	vadd.f32 v17, v7  }
0x428: {  	(erf) = vpow2.f32 v9;
	v9 =	vmul.f32 $1.442695020e+00, v6  }
0x429: {  	(erf) = vpow2.f32 v11;
	v11 =	vmul.f32 $1.442695020e+00, v7  }
0x42a: {  	(erf) = vpow2.f32 v9  }
0x42b: {  	(erf) = vpow2.f32 v11  }
0x42c: {  	v9 =	vpop (erf)  }
0x42d: {  	v11 =	vpop (erf)  }
0x42e: {  	v11 =	vadd.f32 $-1.000000000e+00, v11  }
0x42f: {  	v16 =	vpop (erf)  }
0x430: {  	v17 =	vpop (erf);
	v11 =	vmul.f32 $1.673263190e+00, v11  }
0x431: {  	vm6 =	vgt.f32 v12, $0.0e+00;
	v16 =	vadd.f32 $-1.000000000e+00, v16;
	v18 =	vpop (erf)  }
0x432: {  	v11 =	vsel vm6, v12, v11;
	v12 =	vadd.f32 $-1.000000000e+00, v18;
	v18 =	vpop (erf)  }
0x433: {  	vm7 =	vgt.f32 v14, $0.0e+00;
	v16 =	vmul.f32 $1.673263190e+00, v16;
	v19 =	vpop (erf)  }
0x434: {  	v11 =	vmul.f32 $1.050701020e+00, v11;
	v18 =	vadd.f32 $-1.000000000e+00, v18;
	v12 =	vmul.f32 $1.673263190e+00, v12;
	v20 =	vpop (erf)  }
0x435: {  	vm8 =	vgt.f32 v10, $0.0e+00;
	v14 =	vsel vm7, v14, v16;
	v16 =	vadd.f32 $-1.000000000e+00, v20  }
0x436: {  	[tilespmem:s29+$0xFFFFFFF0] =	vst v11;
	v11 =	vmul.f32 $1.050701020e+00, v14;
	v10 =	vsel vm8, v10, v12;
	v12 =	vmul.f32 $1.673263190e+00, v18  }
0x437: {  	vm9 =	vgt.f32 v13, $0.0e+00;
	v14 =	vld [tilespmem:s19+$0x16DB0];
	v10 =	vmul.f32 $1.050701020e+00, v10;
	v16 =	vmul.f32 $1.673263190e+00, v16  }
0x438: {  	vm10 =	vgt.f32 v7, $0.0e+00;
	v18 =	vld [tilespmem:$0x17D60];
	[tilespmem:s18+$0x0] =	vst v11;
	v11 =	vsel vm9, v13, v12  }
0x439: {  	v12 =	vld [tilespmem:$0x17D70];
	[tilespmem:s16+$0xFFFFFFF0] =	vst v10;
	v10 =	vmul.f32 $1.050701020e+00, v11;
	v7 =	vsel vm10, v7, v16  }
0x43a: {  	v11 =	vld [tilespmem:s20+$0x16DB0];
	v7 =	vmul.f32 $1.050701020e+00, v7  }
0x43b: {  	v13 =	vld [tilespmem:$0x17D60];
	[tilespmem:s9+$0x0] =	vst v10  }
0x43c: {  	v10 =	vld [tilespmem:$0x17D70];
	[tilespmem:s1+$0xFFFFFFF0] =	vst v7  }
0x43d: {  	v7 =	vld [tilespmem:s3+$0x16DB0]  }
0x43e: {  	v16 =	vunpack.i.l.bf16.f32 v14;
	v20 =	vld [tilespmem:$0x17D60]  }
0x43f: {  	v16 =	vadd.f32 v18, v16;
	v18 =	vunpack.i.u.bf16.f32 v22  }
0x440: {  	v12 =	vadd.f32 v12, v18;
	v18 =	vunpack.i.l.bf16.f32 v11  }
0x441: {  	v15 =	vunpack.i.u.bf16.f32 v15;
	v21 =	vmul.f32 $1.442695020e+00, v16;
	v13 =	vadd.f32 v13, v18  }
0x442: {  	v18 =	vmul.f32 $1.442695020e+00, v12;
	v10 =	vadd.f32 v10, v15;
	v15 =	vunpack.i.l.bf16.f32 v7  }
0x443: {  	(erf) = vpow2.f32 v21;
	v21 =	vmul.f32 $1.442695020e+00, v13;
	v15 =	vadd.f32 v20, v15  }
0x444: {  	(erf) = vpow2.f32 v18;
	v18 =	vmul.f32 $1.442695020e+00, v10  }
0x445: {  	(erf) = vpow2.f32 v21;
	v20 =	vmul.f32 $1.442695020e+00, v15  }
0x446: {  	(erf) = vpow2.f32 v18  }
0x447: {  	(erf) = vpow2.f32 v20;
	_ =	sdelay $0x4  }
0x448: {  	v18 =	vpop (erf)  }
0x449: {  	v20 =	vpop (erf)  }
0x44a: {  	v21 =	vpop (erf)  }
0x44b: {  	v18 =	vadd.f32 $-1.000000000e+00, v18;
	v22 =	vpop (erf)  }
0x44c: {  	v21 =	vadd.f32 $-1.000000000e+00, v21;
	v23 =	vpop (erf)  }
0x44d: {  	v18 =	vmul.f32 $1.673263190e+00, v18;
	v23 =	vadd.f32 $-1.000000000e+00, v23  }
0x44e: {  	vm11 =	vgt.f32 v16, $0.0e+00;
	v21 =	vmul.f32 $1.673263190e+00, v21  }
0x44f: {  	vm12 =	vgt.f32 v13, $0.0e+00;
	v16 =	vsel vm11, v16, v18;
	v18 =	vmul.f32 $1.673263190e+00, v23  }
0x450: {  	vm13 =	vgt.f32 v15, $0.0e+00;
	v16 =	vmul.f32 $1.050701020e+00, v16;
	v13 =	vsel vm12, v13, v21  }
0x451: {  	v13 =	vmul.f32 $1.050701020e+00, v13;
	v15 =	vsel vm13, v15, v18  }
0x452: {  	[tilespmem:s29+$0x0] =	vst v16;
	v15 =	vmul.f32 $1.050701020e+00, v15  }
0x453: {  	v16 =	vld [tilespmem:$0x17D70];
	[tilespmem:s16+$0x0] =	vst v13  }
0x454: {  	v13 =	vld [tilespmem:$0x17D70];
	[tilespmem:s1+$0x0] =	vst v15  }
0x455: {  	v15 =	vld [tilespmem:$0x17D70];
	_ =	sdelay $0x1  }
0x456: {  	v14 =	vunpack.i.u.bf16.f32 v14  }
0x457: {  	v11 =	vunpack.i.u.bf16.f32 v11;
	v14 =	vadd.f32 v16, v14  }
0x458: {  	v8 =	vadd.f32 $-1.000000000e+00, v8;
	v7 =	vunpack.i.u.bf16.f32 v7;
	v11 =	vadd.f32 v13, v11  }
0x459: {  	v13 =	vmul.f32 $1.442695020e+00, v14;
	v7 =	vadd.f32 v15, v7  }
0x45a: {  	v8 =	vmul.f32 $1.673263190e+00, v8;
	v15 =	vmul.f32 $1.442695020e+00, v11  }
0x45b: {  	v9 =	vadd.f32 $-1.000000000e+00, v9;
	(erf) = vpow2.f32 v13;
	v13 =	vmul.f32 $1.442695020e+00, v7  }
0x45c: {  	vm14 =	vgt.f32 v2, $0.0e+00;
	(erf) = vpow2.f32 v15  }
0x45d: {  	v2 =	vsel vm14, v2, v8;
	v9 =	vmul.f32 $1.673263190e+00, v9;
	(erf) = vpow2.f32 v13  }
0x45e: {  	vm15 =	vgt.f32 v3, $0.0e+00;
	v8 =	vadd.f32 $-1.000000000e+00, v19;
	v13 =	vadd.f32 $-1.000000000e+00, v17  }
0x45f: {  	v3 =	vsel vm15, v3, v9  }
0x460: {  	v8 =	vmul.f32 $1.673263190e+00, v8;
	v9 =	vmul.f32 $1.673263190e+00, v13;
	v13 =	vadd.f32 $-1.000000000e+00, v20  }
0x461: {  	v2 =	vmul.f32 $1.050701020e+00, v2;
	vm5 =	vgt.f32 v6, $0.0e+00  }
0x462: {  	vm4 =	vgt.f32 v4, $0.0e+00;
	v3 =	vmul.f32 $1.050701020e+00, v3;
	v6 =	vsel vm5, v6, v8  }
0x463: {  	v4 =	vsel vm4, v4, v9;
	v8 =	vmul.f32 $1.673263190e+00, v13;
	v9 =	vadd.f32 $-1.000000000e+00, v22  }
0x464: {  	v6 =	vmul.f32 $1.050701020e+00, v6;
	vm6 =	vgt.f32 v12, $0.0e+00;
	vm7 =	vgt.f32 v10, $0.0e+00;
	v13 =	vpop (erf)  }
0x465: {  	[tilespmem:s5+$0x10] =	vst v5;
	v5 =	vsel vm6, v12, v8;
	v8 =	vmul.f32 $1.673263190e+00, v9;
	v9 =	vadd.f32 $-1.000000000e+00, v13;
	v12 =	vpop (erf)  }
0x466: {  	[tilespmem:s6+$0x10] =	vst v2;
	v4 =	vmul.f32 $1.050701020e+00, v4;
	v2 =	vmul.f32 $1.050701020e+00, v5;
	v5 =	vadd.f32 $-1.000000000e+00, v12;
	v12 =	vpop (erf)  }
0x467: {  	[tilespmem:s7+$0x10] =	vst v3;
	v3 =	vsel vm7, v10, v8;
	v8 =	vmul.f32 $1.673263190e+00, v9;
	v9 =	vadd.f32 $-1.000000000e+00, v12  }
0x468: {  	vm8 =	vgt.f32 v14, $0.0e+00;
	vm9 =	vgt.f32 v11, $0.0e+00;
	[tilespmem:s8+$0x10] =	vst v4;
	v4 =	vmul.f32 $1.673263190e+00, v5  }
0x469: {  	[tilespmem:s17+$0x10] =	vst v6;
	v3 =	vmul.f32 $1.050701020e+00, v3;
	v5 =	vsel vm8, v14, v8;
	v6 =	vmul.f32 $1.673263190e+00, v9  }
0x46a: {  	vm10 =	vgt.f32 v7, $0.0e+00;
	[tilespmem:s18+$0x10] =	vst v2;
	v2 =	vmul.f32 $1.050701020e+00, v5;
	v4 =	vsel vm9, v11, v4  }
0x46b: {  	[tilespmem:s9+$0x10] =	vst v3;
	v3 =	vmul.f32 $1.050701020e+00, v4;
	v4 =	vsel vm10, v7, v6  }
0x46c: {  	[tilespmem:s29+$0x10] =	vst v2;
	v2 =	vmul.f32 $1.050701020e+00, v4  }
0x46d: {  	[tilespmem:s16+$0x10] =	vst v3  }
0x46e: {  	s15 =	simm.s32 $0x80;
	[tilespmem:s1+$0x10] =	vst v2  }
0x46f: {  	s9 =	simm.s32 $0x40;
	s16 =	simm.s32 $0x14E60;
	s1 =	rddreg [dreg:$0x12]  }
0x470: {  	[hbm4b:s1+s9] =	stream.strided.scatter [tilespmem:s16], [sflag:$0xB], $0x1F40, s15, s9, $0x38;
	[tilespmem:$0x1CBA0] =	vst v63  }
0x471: {  	_ =	swait.ge [sflag:s21], $0x1F40  }
0x472: {  	[sflag:s21] =	ssyncset.done $0x0  }
0x473: {  	s18 =	simm.s32 $0x16DA0;
	s17 =	rddreg [dreg:$0xa];
	[sflag:s21] =	ssyncadd.s32 $0xFFFFE0C0  }
0x474: {  	[tilespmem:s18], [sflag:$0xB] =	stream.linear.gather [spmem:s17], $0xFA0, $0x38;
	[tilespmem:$0x1CBA0] =	vst v63  }
0x475: {  	_ =	swait.ge [sflag:s21], $0xFA0  }
0x476: {  	[sflag:s21] =	ssyncset.done $0x0  }
0x477: {  	s19 =	simm.s32 $0x0;
	[sflag:s21] =	ssyncadd.s32 $0xFFFFF060  }
0x478: {  	v2 =	vld [tilespmem:s19+$0x16DA0]  }
0x479: {  	v3 =	vld [tilespmem:$0x17D40];
	_ =	sdelay $0x3  }
0x47a: {  	v4 =	vunpack.i.l.bf16.f32 v2  }
0x47b: {  	v3 =	vadd.f32 v3, v4;
	_ =	sdelay $0x1  }
0x47c: {  	v4 =	vmul.f32 $1.442695020e+00, v3;
	_ =	sdelay $0x1  }
0x47d: {  	s20 =	simm.s32 $0x20;
	(erf) = vpow2.f32 v4  }
0x47e: {  	v4 =	vld [tilespmem:s20+$0x16DA0];
	_ =	sdelay $0x1  }
0x47f: {  	v5 =	vld [tilespmem:$0x17D40];
	_ =	sdelay $0x2  }
0x480: {  	v6 =	vunpack.i.l.bf16.f32 v4;
	_ =	sdelay $0x1  }
0x481: {  	v5 =	vadd.f32 v5, v6  }
0x482: {  	v6 =	vpop (erf)  }
0x483: {  	v7 =	vmul.f32 $1.442695020e+00, v5;
	v6 =	vadd.f32 $-1.000000000e+00, v6;
	_ =	sdelay $0x1  }
0x484: {  	s3 =	simm.s32 $0x40;
	(erf) = vpow2.f32 v7;
	v6 =	vmul.f32 $1.673263190e+00, v6  }
0x485: {  	vm11 =	vgt.f32 v3, $0.0e+00;
	v7 =	vld [tilespmem:s3+$0x16DA0]  }
0x486: {  	v8 =	vld [tilespmem:$0x17D40];
	v3 =	vsel vm11, v3, v6  }
0x487: {  	v3 =	vmul.f32 $1.050701020e+00, v3  }
0x488: {  	s5 =	simm.s32 $0x14E80  }
0x489: {  	[tilespmem:s5+$0xFFFFFFE0] =	vst v3  }
0x48a: {  	v3 =	vunpack.i.l.bf16.f32 v7;
	v6 =	vld [tilespmem:$0x17D50]  }
0x48b: {  	v3 =	vadd.f32 v8, v3;
	_ =	sdelay $0x1  }
0x48c: {  	v8 =	vpop (erf);
	v9 =	vmul.f32 $1.442695020e+00, v3  }
0x48d: {  	v2 =	vunpack.i.u.bf16.f32 v2;
	v8 =	vadd.f32 $-1.000000000e+00, v8  }
0x48e: {  	s9 =	simm.s32 $0x60;
	(erf) = vpow2.f32 v9;
	v2 =	vadd.f32 v6, v2  }
0x48f: {  	v6 =	vmul.f32 $1.673263190e+00, v8;
	v8 =	vld [tilespmem:s9+$0x16DA0]  }
0x490: {  	v10 =	vld [tilespmem:$0x17D40];
	vm12 =	vgt.f32 v5, $0.0e+00;
	v9 =	vmul.f32 $1.442695020e+00, v2  }
0x491: {  	v5 =	vsel vm12, v5, v6  }
0x492: {  	v5 =	vmul.f32 $1.050701020e+00, v5;
	(erf) = vpow2.f32 v9  }
0x493: {  	s6 =	simm.s32 $0x14EC0  }
0x494: {  	[tilespmem:s6+$0xFFFFFFE0] =	vst v5;
	v5 =	vunpack.i.l.bf16.f32 v8  }
0x495: {  	v6 =	vld [tilespmem:$0x17D50];
	v5 =	vadd.f32 v10, v5;
	_ =	sdelay $0x1  }
0x496: {  	v9 =	vpop (erf);
	v10 =	vmul.f32 $1.442695020e+00, v5  }
0x497: {  	v9 =	vadd.f32 $-1.000000000e+00, v9  }
0x498: {  	s1 =	simm.s32 $0x80;
	v4 =	vunpack.i.u.bf16.f32 v4;
	(erf) = vpow2.f32 v10  }
0x499: {  	v9 =	vmul.f32 $1.673263190e+00, v9;
	v4 =	vadd.f32 v6, v4;
	v6 =	vld [tilespmem:s1+$0x16DA0]  }
0x49a: {  	v11 =	vld [tilespmem:$0x17D40];
	vm13 =	vgt.f32 v3, $0.0e+00;
	v10 =	vpop (erf)  }
0x49b: {  	v3 =	vsel vm13, v3, v9;
	v9 =	vmul.f32 $1.442695020e+00, v4;
	v10 =	vadd.f32 $-1.000000000e+00, v10  }
0x49c: {  	v3 =	vmul.f32 $1.050701020e+00, v3  }
0x49d: {  	s7 =	simm.s32 $0x14F00;
	(erf) = vpow2.f32 v9;
	v9 =	vmul.f32 $1.673263190e+00, v10  }
0x49e: {  	vm14 =	vgt.f32 v2, $0.0e+00;
	[tilespmem:s7+$0xFFFFFFE0] =	vst v3;
	v3 =	vunpack.i.l.bf16.f32 v6  }
0x49f: {  	v3 =	vadd.f32 v11, v3;
	v2 =	vsel vm14, v2, v9;
	v9 =	vld [tilespmem:$0x17D50]  }
0x4a0: {  	v2 =	vmul.f32 $1.050701020e+00, v2  }
0x4a1: {  	v10 =	vpop (erf);
	v11 =	vmul.f32 $1.442695020e+00, v3  }
0x4a2: {  	[tilespmem:s5+$0xFFFFFFF0] =	vst v2;
	v2 =	vunpack.i.u.bf16.f32 v7;
	v7 =	vadd.f32 $-1.000000000e+00, v10  }
0x4a3: {  	(erf) = vpow2.f32 v11;
	v10 =	vld [tilespmem:s19+$0x16DB0]  }
0x4a4: {  	s16 =	simm.s32 $0xA0;
	v11 =	vld [tilespmem:$0x17D60];
	v2 =	vadd.f32 v9, v2;
	v7 =	vmul.f32 $1.673263190e+00, v7  }
0x4a5: {  	vm15 =	vgt.f32 v5, $0.0e+00;
	v9 =	vld [tilespmem:s16+$0x16DA0]  }
0x4a6: {  	v14 =	vld [tilespmem:$0x17D40];
	v12 =	vpop (erf);
	v13 =	vmul.f32 $1.442695020e+00, v2;
	v5 =	vsel vm15, v5, v7  }
0x4a7: {  	v7 =	vadd.f32 $-1.000000000e+00, v12;
	v5 =	vmul.f32 $1.050701020e+00, v5  }
0x4a8: {  	s8 =	simm.s32 $0x14F40;
	v12 =	vunpack.i.l.bf16.f32 v10;
	(erf) = vpow2.f32 v13  }
0x4a9: {  	v7 =	vmul.f32 $1.673263190e+00, v7;
	v11 =	vadd.f32 v11, v12;
	[tilespmem:s8+$0xFFFFFFE0] =	vst v5  }
0x4aa: {  	vm4 =	vgt.f32 v4, $0.0e+00;
	v5 =	vunpack.i.l.bf16.f32 v9;
	v12 =	vld [tilespmem:$0x17D50]  }
0x4ab: {  	v4 =	vsel vm4, v4, v7;
	v5 =	vadd.f32 v14, v5;
	v7 =	vmul.f32 $1.442695020e+00, v11  }
0x4ac: {  	v4 =	vmul.f32 $1.050701020e+00, v4;
	v13 =	vpop (erf)  }
0x4ad: {  	s15 =	simm.s32 $0xC0;
	v13 =	vadd.f32 $-1.000000000e+00, v13;
	(erf) = vpow2.f32 v7;
	v7 =	vmul.f32 $1.442695020e+00, v5  }
0x4ae: {  	v14 =	vld [tilespmem:s15+$0x16DA0];
	[tilespmem:s6+$0xFFFFFFF0] =	vst v4;
	v4 =	vunpack.i.u.bf16.f32 v8  }
0x4af: {  	v15 =	vld [tilespmem:s20+$0x16DB0];
	(erf) = vpow2.f32 v7;
	v7 =	vmul.f32 $1.673263190e+00, v13;
	v4 =	vadd.f32 v12, v4  }
0x4b0: {  	vm5 =	vgt.f32 v3, $0.0e+00;
	v8 =	vld [tilespmem:$0x17D60]  }
0x4b1: {  	v12 =	vld [tilespmem:$0x17D40];
	v13 =	vpop (erf);
	v3 =	vsel vm5, v3, v7;
	v7 =	vmul.f32 $1.442695020e+00, v4  }
0x4b2: {  	v13 =	vadd.f32 $-1.000000000e+00, v13  }
0x4b3: {  	v3 =	vmul.f32 $1.050701020e+00, v3;
	(erf) = vpow2.f32 v7  }
0x4b4: {  	s17 =	simm.s32 $0x14F80;
	v16 =	vunpack.i.l.bf16.f32 v15;
	v7 =	vmul.f32 $1.673263190e+00, v13  }
0x4b5: {  	vm6 =	vgt.f32 v2, $0.0e+00;
	v13 =	vunpack.i.l.bf16.f32 v14;
	v16 =	vadd.f32 v8, v16;
	[tilespmem:s17+$0xFFFFFFE0] =	vst v3  }
0x4b6: {  	v12 =	vadd.f32 v12, v13;
	v13 =	vld [tilespmem:$0x17D50];
	v8 =	vpop (erf);
	v2 =	vsel vm6, v2, v7  }
0x4b7: {  	v3 =	vmul.f32 $1.442695020e+00, v16;
	v7 =	vadd.f32 $-1.000000000e+00, v8;
	v2 =	vmul.f32 $1.050701020e+00, v2  }
0x4b8: {  	v8 =	vmul.f32 $1.442695020e+00, v12;
	v17 =	vpop (erf)  }
0x4b9: {  	(erf) = vpow2.f32 v3;
	v7 =	vmul.f32 $1.673263190e+00, v7;
	[tilespmem:s7+$0xFFFFFFF0] =	vst v2;
	v2 =	vadd.f32 $-1.000000000e+00, v17  }
0x4ba: {  	v6 =	vunpack.i.u.bf16.f32 v6;
	vm7 =	vgt.f32 v11, $0.0e+00;
	(erf) = vpow2.f32 v8;
	v3 =	vld [tilespmem:s3+$0x16DB0]  }
0x4bb: {  	s19 =	simm.s32 $0xE0;
	v17 =	vadd.f32 v13, v6;
	v7 =	vsel vm7, v11, v7;
	v11 =	vld [tilespmem:$0x17D60];
	v2 =	vmul.f32 $1.673263190e+00, v2  }
0x4bc: {  	vm8 =	vgt.f32 v5, $0.0e+00;
	v8 =	vld [tilespmem:s19+$0x16DA0];
	v7 =	vmul.f32 $1.050701020e+00, v7;
	v13 =	vpop (erf)  }
0x4bd: {  	v6 =	vld [tilespmem:$0x17D40];
	v2 =	vsel vm8, v5, v2;
	v5 =	vmul.f32 $1.442695020e+00, v17;
	v13 =	vadd.f32 $-1.000000000e+00, v13  }
0x4be: {  	[tilespmem:s5+$0x0] =	vst v7;
	v2 =	vmul.f32 $1.050701020e+00, v2  }
0x4bf: {  	v7 =	vunpack.i.l.bf16.f32 v3;
	v18 =	vld [tilespmem:$0x17D70];
	(erf) = vpow2.f32 v5;
	v5 =	vmul.f32 $1.673263190e+00, v13  }
0x4c0: {  	s18 =	simm.s32 $0x14FC0;
	vm9 =	vgt.f32 v4, $0.0e+00;
	v19 =	vadd.f32 v11, v7  }
0x4c1: {  	v7 =	vunpack.i.l.bf16.f32 v8;
	[tilespmem:s18+$0xFFFFFFE0] =	vst v2;
	v2 =	vsel vm9, v4, v5  }
0x4c2: {  	v20 =	vadd.f32 v6, v7;
	v6 =	vpop (erf);
	v7 =	vld [tilespmem:$0x17D50];
	v4 =	vmul.f32 $1.442695020e+00, v19;
	v2 =	vmul.f32 $1.050701020e+00, v2  }
0x4c3: {  	s20 =	simm.s32 $0x100;
	v5 =	vadd.f32 $-1.000000000e+00, v6;
	v6 =	vunpack.i.u.bf16.f32 v10  }
0x4c4: {  	v10 =	vpop (erf);
	v11 =	vmul.f32 $1.442695020e+00, v20;
	(erf) = vpow2.f32 v4;
	v21 =	vadd.f32 v18, v6;
	v4 =	vld [tilespmem:s20+$0x16DA0];
	[tilespmem:s8+$0xFFFFFFF0] =	vst v2  }
0x4c5: {  	vm10 =	vgt.f32 v16, $0.0e+00;
	v10 =	vadd.f32 $-1.000000000e+00, v10;
	v5 =	vmul.f32 $1.673263190e+00, v5;
	v6 =	vld [tilespmem:s9+$0x16DB0]  }
0x4c6: {  	v2 =	vunpack.i.u.bf16.f32 v9;
	(erf) = vpow2.f32 v11;
	v11 =	vld [tilespmem:$0x17D60];
	v9 =	vmul.f32 $1.442695020e+00, v21  }
0x4c7: {  	v10 =	vmul.f32 $1.673263190e+00, v10;
	v5 =	vsel vm10, v16, v5;
	v16 =	vld [tilespmem:$0x17D40];
	v13 =	vadd.f32 v7, v2  }
0x4c8: {  	v5 =	vmul.f32 $1.050701020e+00, v5;
	(erf) = vpow2.f32 v9  }
0x4c9: {  	vm11 =	vgt.f32 v12, $0.0e+00;
	v2 =	vpop (erf);
	v9 =	vmul.f32 $1.442695020e+00, v13  }
0x4ca: {  	v7 =	vsel vm11, v12, v10;
	v2 =	vadd.f32 $-1.000000000e+00, v2;
	[tilespmem:s6+$0x0] =	vst v5;
	v10 =	vunpack.i.l.bf16.f32 v6  }
0x4cb: {  	vm12 =	vgt.f32 v17, $0.0e+00;
	v5 =	vunpack.i.l.bf16.f32 v4;
	v12 =	vld [tilespmem:$0x17D70];
	v11 =	vadd.f32 v11, v10  }
0x4cc: {  	v7 =	vmul.f32 $1.050701020e+00, v7;
	v2 =	vmul.f32 $1.673263190e+00, v2;
	v10 =	vadd.f32 v16, v5  }
0x4cd: {  	s29 =	simm.s32 $0x15000;
	(erf) = vpow2.f32 v9;
	v5 =	vunpack.i.u.bf16.f32 v14;
	v9 =	vpop (erf);
	v14 =	vmul.f32 $1.442695020e+00, v11  }
0x4ce: {  	[tilespmem:s29+$0xFFFFFFE0] =	vst v7;
	v2 =	vsel vm12, v17, v2;
	v16 =	vmul.f32 $1.442695020e+00, v10;
	v9 =	vadd.f32 $-1.000000000e+00, v9  }
0x4cf: {  	v17 =	vld [tilespmem:$0x17D50];
	v18 =	vmul.f32 $1.050701020e+00, v2;
	v2 =	vunpack.i.u.bf16.f32 v15;
	v15 =	vpop (erf);
	(erf) = vpow2.f32 v14  }
0x4d0: {  	s3 =	simm.s32 $0x120;
	v2 =	vadd.f32 v12, v2;
	v12 =	vadd.f32 $-1.000000000e+00, v15;
	v14 =	vmul.f32 $1.673263190e+00, v9  }
0x4d1: {  	vm13 =	vgt.f32 v19, $0.0e+00;
	v7 =	vld [tilespmem:s3+$0x16DA0];
	(erf) = vpow2.f32 v16;
	v15 =	vpop (erf)  }
0x4d2: {  	[tilespmem:s17+$0xFFFFFFF0] =	vst v18;
	v14 =	vsel vm13, v19, v14;
	v15 =	vadd.f32 $-1.000000000e+00, v15;
	v19 =	vmul.f32 $1.673263190e+00, v12  }
0x4d3: {  	v9 =	vld [tilespmem:s1+$0x16DB0];
	v16 =	vmul.f32 $1.442695020e+00, v2  }
0x4d4: {  	v12 =	vadd.f32 v17, v5;
	v5 =	vmul.f32 $1.673263190e+00, v15;
	v15 =	vld [tilespmem:$0x17D60]  }
0x4d5: {  	vm14 =	vgt.f32 v20, $0.0e+00;
	v17 =	vld [tilespmem:$0x17D40];
	v14 =	vmul.f32 $1.050701020e+00, v14;
	(erf) = vpow2.f32 v16  }
0x4d6: {  	vm15 =	vgt.f32 v21, $0.0e+00;
	v18 =	vunpack.i.l.bf16.f32 v7;
	v16 =	vsel vm14, v20, v19;
	v19 =	vpop (erf)  }
0x4d7: {  	v20 =	vmul.f32 $1.442695020e+00, v12;
	[tilespmem:s7+$0x0] =	vst v14;
	v5 =	vsel vm15, v21, v5;
	v19 =	vadd.f32 $-1.000000000e+00, v19  }
0x4d8: {  	s31 =	simm.s32 $0x500;
	s9 =	simm.s32 $0x15000;
	v16 =	vmul.f32 $1.050701020e+00, v16;
	v21 =	vunpack.i.l.bf16.f32 v9;
	v14 =	vld [tilespmem:$0x17D70];
	v5 =	vmul.f32 $1.050701020e+00, v5  }
.LBB2_29:
0x4d9: {  	p0 =	sne.s32 s31, $0x3E00;
	(erf) = vpow2.f32 v20;
	v19 =	vmul.f32 $1.673263190e+00, v19;
	v15 =	vadd.f32 v15, v21  }
0x4da: {  	s29 =	sadd.s32 $0x40, s29;
	vm0 =	vgt.f32 v13, $0.0e+00;
	v21 =	vadd.f32 v17, v18;
	v18 =	vunpack.i.u.bf16.f32 v8;
	v8 =	vpop (erf);
	[tilespmem:s5+$0x10] =	vst v5;
	s5 =	smov.u32 s6;
	s6 =	smov.u32 s7  }
0x4db: {  	s7 =	smov.u32 s8;
	s8 =	smov.u32 s17;
	s17 =	smov.u32 s18;
	v5 =	vpop (erf);
	[tilespmem:s29+$0xFFFFFFE0] =	vst v16;
	v13 =	vsel vm0, v13, v19;
	v16 =	vmul.f32 $1.442695020e+00, v15;
	v17 =	vadd.f32 $-1.000000000e+00, v8  }
0x4dc: {  	s1 =	sshra.s32 s31, $0x2;
	v22 =	vunpack.i.u.bf16.f32 v3;
	s18 =	smov.u32 s9;
	s9 =	smov.u32 s29;
	v8 =	vmovc v4;
	v4 =	vmovc v7;
	v19 =	vmul.f32 $1.442695020e+00, v21;
	v20 =	vld [tilespmem:$0x17D50];
	v23 =	vmul.f32 $1.050701020e+00, v13  }
0x4dd: {  	v3 =	vmovc v6;
	v6 =	vmovc v9;
	v7 =	vld [tilespmem:s1+$0x16DA0];
	(erf) = vpow2.f32 v16;
	v16 =	vmul.f32 $1.673263190e+00, v17;
	v14 =	vadd.f32 v14, v22  }
0x4de: {  	vm0 =	vgt.f32 v11, $0.0e+00;
	v5 =	vadd.f32 $-1.000000000e+00, v5;
	(erf) = vpow2.f32 v19;
	[tilespmem:s17+$0xFFFFFFF0] =	vst v23;
	v13 =	vpop (erf)  }
0x4df: {  	v9 =	vld [tilespmem:s16+$0x16DB0];
	v16 =	vsel vm0, v11, v16;
	v19 =	vmul.f32 $1.442695020e+00, v14;
	v22 =	vadd.f32 $-1.000000000e+00, v13;
	v11 =	vmovc v15;
	v13 =	vmovc v12;
	s16 =	smov.u32 s15;
	s15 =	smov.u32 s19;
	s19 =	smov.u32 s20  }
.Ltmp15:
0x4e0: {  	v5 =	vmul.f32 $1.673263190e+00, v5;
	vm0 =	vgt.f32 v10, $0.0e+00;
	s20 =	smov.u32 s3;
	s3 =	smov.u32 s1;
	v15 =	vld [tilespmem:$0x17D60];
	v16 =	vmul.f32 $1.050701020e+00, v16;
	(pc) =	sbr.rel @p0 .LBB2_29-.Ltmp15, $4  }
0x4e1: {  	v17 =	vld [tilespmem:$0x17D40];
	v12 =	vadd.f32 v20, v18;
	(erf) = vpow2.f32 v19;
	v22 =	vmul.f32 $1.673263190e+00, v22  }
0x4e2: {  	v5 =	vsel vm0, v10, v5;
	vm0 =	vgt.f32 v2, $0.0e+00;
	v18 =	vunpack.i.l.bf16.f32 v7;
	v10 =	vpop (erf)  }
0x4e3: {  	v20 =	vmul.f32 $1.442695020e+00, v12;
	v19 =	vadd.f32 $-1.000000000e+00, v10;
	[tilespmem:s7+$0x0] =	vst v16;
	v22 =	vsel vm0, v2, v22;
	v10 =	vmovc v21;
	v2 =	vmovc v14  }
0x4e4: {  	s31 =	sadd.s32 $0x80, s31;
	v16 =	vmul.f32 $1.050701020e+00, v5;
	v21 =	vunpack.i.l.bf16.f32 v9;
	v14 =	vld [tilespmem:$0x17D70];
	v5 =	vmul.f32 $1.050701020e+00, v22  }
0x4e5: {  	v15 =	vadd.f32 v15, v21;
	(erf) = vpow2.f32 v20  }
0x4e6: {  	v17 =	vadd.f32 v17, v18  }
0x4e7: {  	v18 =	vmul.f32 $1.442695020e+00, v15  }
0x4e8: {  	v20 =	vmul.f32 $1.442695020e+00, v17  }
0x4e9: {  	(erf) = vpow2.f32 v18  }
0x4ea: {  	(erf) = vpow2.f32 v20  }
0x4eb: {  	v18 =	vpop (erf)  }
0x4ec: {  	v19 =	vmul.f32 $1.673263190e+00, v19;
	v20 =	vpop (erf);
	v18 =	vadd.f32 $-1.000000000e+00, v18  }
0x4ed: {  	v21 =	vunpack.i.u.bf16.f32 v8;
	vm0 =	vgt.f32 v13, $0.0e+00;
	v8 =	vpop (erf)  }
0x4ee: {  	v13 =	vsel vm0, v13, v19;
	v19 =	vadd.f32 $-1.000000000e+00, v20;
	v18 =	vmul.f32 $1.673263190e+00, v18;
	v20 =	vpop (erf)  }
0x4ef: {  	v20 =	vadd.f32 $-1.000000000e+00, v20  }
0x4f0: {  	s29 =	sadd.s32 $0x40, s29;
	v13 =	vmul.f32 $1.050701020e+00, v13  }
0x4f1: {  	vm13 =	vgt.f32 v11, $0.0e+00;
	[tilespmem:s29+$0xFFFFFFE0] =	vst v16  }
0x4f2: {  	vm14 =	vgt.f32 v10, $0.0e+00;
	[tilespmem:s18+$0xFFFFFFF0] =	vst v13;
	v16 =	vmul.f32 $1.673263190e+00, v19;
	v11 =	vsel vm13, v11, v18;
	v18 =	vpop (erf)  }
0x4f3: {  	vm15 =	vgt.f32 v12, $0.0e+00;
	v22 =	vld [tilespmem:s16+$0x16DB0];
	v13 =	vmul.f32 $1.673263190e+00, v20;
	v20 =	vpop (erf);
	v18 =	vadd.f32 $-1.000000000e+00, v18  }
0x4f4: {  	v19 =	vld [tilespmem:$0x17D50];
	v11 =	vmul.f32 $1.050701020e+00, v11;
	v10 =	vsel vm14, v10, v16;
	v16 =	vadd.f32 $-1.000000000e+00, v20  }
0x4f5: {  	v10 =	vmul.f32 $1.050701020e+00, v10;
	v12 =	vsel vm15, v12, v13;
	v20 =	vld [tilespmem:$0x17D60];
	v13 =	vmul.f32 $1.673263190e+00, v18  }
0x4f6: {  	vm4 =	vgt.f32 v15, $0.0e+00;
	s16 =	sadd.s32 $0x40, s29;
	[tilespmem:s8+$0x0] =	vst v11;
	v11 =	vmul.f32 $1.050701020e+00, v12;
	v12 =	vmul.f32 $1.673263190e+00, v16  }
0x4f7: {  	v3 =	vunpack.i.u.bf16.f32 v3;
	vm5 =	vgt.f32 v17, $0.0e+00;
	[tilespmem:s16+$0xFFFFFFE0] =	vst v10;
	v16 =	vld [tilespmem:$0x17D70];
	v10 =	vsel vm4, v15, v13  }
0x4f8: {  	v3 =	vadd.f32 v14, v3;
	[tilespmem:s9+$0xFFFFFFF0] =	vst v11;
	v13 =	vld [tilespmem:$0x17D50];
	v10 =	vmul.f32 $1.050701020e+00, v10;
	v11 =	vsel vm5, v17, v12  }
0x4f9: {  	v14 =	vunpack.i.l.bf16.f32 v22;
	v15 =	vld [tilespmem:s15+$0x16DB0];
	v12 =	vadd.f32 v19, v21;
	v11 =	vmul.f32 $1.050701020e+00, v11  }
0x4fa: {  	s1 =	sadd.s32 $0x40, s16;
	v18 =	vld [tilespmem:$0x17D60];
	v17 =	vmul.f32 $1.442695020e+00, v3;
	v14 =	vadd.f32 v20, v14;
	[tilespmem:s17+$0x0] =	vst v10  }
0x4fb: {  	v10 =	vmul.f32 $1.442695020e+00, v12;
	v19 =	vld [tilespmem:$0x17D70];
	[tilespmem:s1+$0xFFFFFFE0] =	vst v11  }
0x4fc: {  	v6 =	vunpack.i.u.bf16.f32 v6;
	(erf) = vpow2.f32 v17;
	v11 =	vmul.f32 $1.442695020e+00, v14;
	v17 =	vld [tilespmem:$0x17D50]  }
0x4fd: {  	(erf) = vpow2.f32 v10;
	v10 =	vunpack.i.u.bf16.f32 v4;
	v4 =	vadd.f32 v16, v6  }
0x4fe: {  	v6 =	vunpack.i.l.bf16.f32 v15;
	(erf) = vpow2.f32 v11;
	v10 =	vadd.f32 v13, v10  }
0x4ff: {  	v13 =	vadd.f32 v18, v6;
	v6 =	vunpack.i.u.bf16.f32 v9;
	v11 =	vmul.f32 $1.442695020e+00, v4  }
0x500: {  	v7 =	vunpack.i.u.bf16.f32 v7;
	v9 =	vmul.f32 $1.442695020e+00, v10;
	v6 =	vadd.f32 v19, v6  }
0x501: {  	(erf) = vpow2.f32 v11;
	v11 =	vmul.f32 $1.442695020e+00, v13;
	v7 =	vadd.f32 v17, v7  }
0x502: {  	(erf) = vpow2.f32 v9;
	v9 =	vmul.f32 $1.442695020e+00, v6  }
0x503: {  	(erf) = vpow2.f32 v11;
	v11 =	vmul.f32 $1.442695020e+00, v7  }
0x504: {  	(erf) = vpow2.f32 v9  }
0x505: {  	(erf) = vpow2.f32 v11  }
0x506: {  	v9 =	vpop (erf)  }
0x507: {  	v11 =	vpop (erf)  }
0x508: {  	v11 =	vadd.f32 $-1.000000000e+00, v11  }
0x509: {  	v16 =	vpop (erf)  }
0x50a: {  	v17 =	vpop (erf);
	v11 =	vmul.f32 $1.673263190e+00, v11  }
0x50b: {  	vm6 =	vgt.f32 v12, $0.0e+00;
	v16 =	vadd.f32 $-1.000000000e+00, v16;
	v18 =	vpop (erf)  }
0x50c: {  	v11 =	vsel vm6, v12, v11;
	v12 =	vadd.f32 $-1.000000000e+00, v18;
	v18 =	vpop (erf)  }
0x50d: {  	vm7 =	vgt.f32 v14, $0.0e+00;
	v16 =	vmul.f32 $1.673263190e+00, v16;
	v19 =	vpop (erf)  }
0x50e: {  	v11 =	vmul.f32 $1.050701020e+00, v11;
	v18 =	vadd.f32 $-1.000000000e+00, v18;
	v12 =	vmul.f32 $1.673263190e+00, v12;
	v20 =	vpop (erf)  }
0x50f: {  	vm8 =	vgt.f32 v10, $0.0e+00;
	v14 =	vsel vm7, v14, v16;
	v16 =	vadd.f32 $-1.000000000e+00, v20  }
0x510: {  	[tilespmem:s29+$0xFFFFFFF0] =	vst v11;
	v11 =	vmul.f32 $1.050701020e+00, v14;
	v10 =	vsel vm8, v10, v12;
	v12 =	vmul.f32 $1.673263190e+00, v18  }
0x511: {  	vm9 =	vgt.f32 v13, $0.0e+00;
	v14 =	vld [tilespmem:s19+$0x16DB0];
	v10 =	vmul.f32 $1.050701020e+00, v10;
	v16 =	vmul.f32 $1.673263190e+00, v16  }
0x512: {  	vm10 =	vgt.f32 v7, $0.0e+00;
	v18 =	vld [tilespmem:$0x17D60];
	[tilespmem:s18+$0x0] =	vst v11;
	v11 =	vsel vm9, v13, v12  }
0x513: {  	v12 =	vld [tilespmem:$0x17D70];
	[tilespmem:s16+$0xFFFFFFF0] =	vst v10;
	v10 =	vmul.f32 $1.050701020e+00, v11;
	v7 =	vsel vm10, v7, v16  }
0x514: {  	v11 =	vld [tilespmem:s20+$0x16DB0];
	v7 =	vmul.f32 $1.050701020e+00, v7  }
0x515: {  	v13 =	vld [tilespmem:$0x17D60];
	[tilespmem:s9+$0x0] =	vst v10  }
0x516: {  	v10 =	vld [tilespmem:$0x17D70];
	[tilespmem:s1+$0xFFFFFFF0] =	vst v7  }
0x517: {  	v7 =	vld [tilespmem:s3+$0x16DB0]  }
0x518: {  	v16 =	vunpack.i.l.bf16.f32 v14;
	v20 =	vld [tilespmem:$0x17D60]  }
0x519: {  	v16 =	vadd.f32 v18, v16;
	v18 =	vunpack.i.u.bf16.f32 v22  }
0x51a: {  	v12 =	vadd.f32 v12, v18;
	v18 =	vunpack.i.l.bf16.f32 v11  }
0x51b: {  	v15 =	vunpack.i.u.bf16.f32 v15;
	v21 =	vmul.f32 $1.442695020e+00, v16;
	v13 =	vadd.f32 v13, v18  }
0x51c: {  	v18 =	vmul.f32 $1.442695020e+00, v12;
	v10 =	vadd.f32 v10, v15;
	v15 =	vunpack.i.l.bf16.f32 v7  }
0x51d: {  	(erf) = vpow2.f32 v21;
	v21 =	vmul.f32 $1.442695020e+00, v13;
	v15 =	vadd.f32 v20, v15  }
0x51e: {  	(erf) = vpow2.f32 v18;
	v18 =	vmul.f32 $1.442695020e+00, v10  }
0x51f: {  	(erf) = vpow2.f32 v21;
	v20 =	vmul.f32 $1.442695020e+00, v15  }
0x520: {  	(erf) = vpow2.f32 v18  }
0x521: {  	(erf) = vpow2.f32 v20;
	_ =	sdelay $0x4  }
0x522: {  	v18 =	vpop (erf)  }
0x523: {  	v20 =	vpop (erf)  }
0x524: {  	v21 =	vpop (erf)  }
0x525: {  	v18 =	vadd.f32 $-1.000000000e+00, v18;
	v22 =	vpop (erf)  }
0x526: {  	v21 =	vadd.f32 $-1.000000000e+00, v21;
	v23 =	vpop (erf)  }
0x527: {  	v18 =	vmul.f32 $1.673263190e+00, v18;
	v23 =	vadd.f32 $-1.000000000e+00, v23  }
0x528: {  	vm11 =	vgt.f32 v16, $0.0e+00;
	v21 =	vmul.f32 $1.673263190e+00, v21  }
0x529: {  	vm12 =	vgt.f32 v13, $0.0e+00;
	v16 =	vsel vm11, v16, v18;
	v18 =	vmul.f32 $1.673263190e+00, v23  }
0x52a: {  	vm13 =	vgt.f32 v15, $0.0e+00;
	v16 =	vmul.f32 $1.050701020e+00, v16;
	v13 =	vsel vm12, v13, v21  }
0x52b: {  	v13 =	vmul.f32 $1.050701020e+00, v13;
	v15 =	vsel vm13, v15, v18  }
0x52c: {  	[tilespmem:s29+$0x0] =	vst v16;
	v15 =	vmul.f32 $1.050701020e+00, v15  }
0x52d: {  	v16 =	vld [tilespmem:$0x17D70];
	[tilespmem:s16+$0x0] =	vst v13  }
0x52e: {  	v13 =	vld [tilespmem:$0x17D70];
	[tilespmem:s1+$0x0] =	vst v15  }
0x52f: {  	v15 =	vld [tilespmem:$0x17D70];
	_ =	sdelay $0x1  }
0x530: {  	v14 =	vunpack.i.u.bf16.f32 v14  }
0x531: {  	v11 =	vunpack.i.u.bf16.f32 v11;
	v14 =	vadd.f32 v16, v14  }
0x532: {  	v8 =	vadd.f32 $-1.000000000e+00, v8;
	v7 =	vunpack.i.u.bf16.f32 v7;
	v11 =	vadd.f32 v13, v11  }
0x533: {  	v13 =	vmul.f32 $1.442695020e+00, v14;
	v7 =	vadd.f32 v15, v7  }
0x534: {  	v8 =	vmul.f32 $1.673263190e+00, v8;
	v15 =	vmul.f32 $1.442695020e+00, v11  }
0x535: {  	v9 =	vadd.f32 $-1.000000000e+00, v9;
	(erf) = vpow2.f32 v13;
	v13 =	vmul.f32 $1.442695020e+00, v7  }
0x536: {  	vm14 =	vgt.f32 v2, $0.0e+00;
	(erf) = vpow2.f32 v15  }
0x537: {  	v2 =	vsel vm14, v2, v8;
	v9 =	vmul.f32 $1.673263190e+00, v9;
	(erf) = vpow2.f32 v13  }
0x538: {  	vm15 =	vgt.f32 v3, $0.0e+00;
	v8 =	vadd.f32 $-1.000000000e+00, v19;
	v13 =	vadd.f32 $-1.000000000e+00, v17  }
0x539: {  	v3 =	vsel vm15, v3, v9  }
0x53a: {  	v8 =	vmul.f32 $1.673263190e+00, v8;
	v9 =	vmul.f32 $1.673263190e+00, v13;
	v13 =	vadd.f32 $-1.000000000e+00, v20  }
0x53b: {  	v2 =	vmul.f32 $1.050701020e+00, v2;
	vm5 =	vgt.f32 v6, $0.0e+00  }
0x53c: {  	vm4 =	vgt.f32 v4, $0.0e+00;
	v3 =	vmul.f32 $1.050701020e+00, v3;
	v6 =	vsel vm5, v6, v8  }
0x53d: {  	v4 =	vsel vm4, v4, v9;
	v8 =	vmul.f32 $1.673263190e+00, v13;
	v9 =	vadd.f32 $-1.000000000e+00, v22  }
0x53e: {  	v6 =	vmul.f32 $1.050701020e+00, v6;
	vm6 =	vgt.f32 v12, $0.0e+00;
	vm7 =	vgt.f32 v10, $0.0e+00;
	v13 =	vpop (erf)  }
0x53f: {  	[tilespmem:s5+$0x10] =	vst v5;
	v5 =	vsel vm6, v12, v8;
	v8 =	vmul.f32 $1.673263190e+00, v9;
	v9 =	vadd.f32 $-1.000000000e+00, v13;
	v12 =	vpop (erf)  }
0x540: {  	[tilespmem:s6+$0x10] =	vst v2;
	v4 =	vmul.f32 $1.050701020e+00, v4;
	v2 =	vmul.f32 $1.050701020e+00, v5;
	v5 =	vadd.f32 $-1.000000000e+00, v12;
	v12 =	vpop (erf)  }
0x541: {  	[tilespmem:s7+$0x10] =	vst v3;
	v3 =	vsel vm7, v10, v8;
	v8 =	vmul.f32 $1.673263190e+00, v9;
	v9 =	vadd.f32 $-1.000000000e+00, v12  }
0x542: {  	vm8 =	vgt.f32 v14, $0.0e+00;
	vm9 =	vgt.f32 v11, $0.0e+00;
	[tilespmem:s8+$0x10] =	vst v4;
	v4 =	vmul.f32 $1.673263190e+00, v5  }
0x543: {  	[tilespmem:s17+$0x10] =	vst v6;
	v3 =	vmul.f32 $1.050701020e+00, v3;
	v5 =	vsel vm8, v14, v8;
	v6 =	vmul.f32 $1.673263190e+00, v9  }
0x544: {  	vm10 =	vgt.f32 v7, $0.0e+00;
	[tilespmem:s18+$0x10] =	vst v2;
	v2 =	vmul.f32 $1.050701020e+00, v5;
	v4 =	vsel vm9, v11, v4  }
0x545: {  	[tilespmem:s9+$0x10] =	vst v3;
	v3 =	vmul.f32 $1.050701020e+00, v4;
	v4 =	vsel vm10, v7, v6  }
0x546: {  	[tilespmem:s29+$0x10] =	vst v2;
	v2 =	vmul.f32 $1.050701020e+00, v4  }
0x547: {  	[tilespmem:s16+$0x10] =	vst v3  }
0x548: {  	s15 =	simm.s32 $0x80;
	[tilespmem:s1+$0x10] =	vst v2  }
0x549: {  	s9 =	simm.s32 $0x40;
	s16 =	simm.s32 $0x14E60;
	s1 =	rddreg [dreg:$0x13]  }
0x54a: {  	[hbm4b:s1+s9] =	stream.strided.scatter [tilespmem:s16], [sflag:$0xB], $0x1F40, s15, s9, $0x38;
	[tilespmem:$0x1CBA0] =	vst v63  }
0x54b: {  	_ =	swait.ge [sflag:s21], $0x1F40  }
0x54c: {  	[sflag:s21] =	ssyncset.done $0x0  }
0x54d: {  	s18 =	simm.s32 $0x16DA0;
	s17 =	rddreg [dreg:$0xb];
	[sflag:s21] =	ssyncadd.s32 $0xFFFFE0C0  }
0x54e: {  	[tilespmem:s18], [sflag:$0xB] =	stream.linear.gather [spmem:s17], $0xFA0, $0x38;
	[tilespmem:$0x1CBA0] =	vst v63  }
0x54f: {  	_ =	swait.ge [sflag:s21], $0xFA0  }
0x550: {  	[sflag:s21] =	ssyncset.done $0x0  }
0x551: {  	s19 =	simm.s32 $0x0;
	[sflag:s21] =	ssyncadd.s32 $0xFFFFF060  }
0x552: {  	v2 =	vld [tilespmem:s19+$0x16DA0]  }
0x553: {  	v3 =	vld [tilespmem:$0x17D40];
	_ =	sdelay $0x3  }
0x554: {  	v4 =	vunpack.i.l.bf16.f32 v2  }
0x555: {  	v3 =	vadd.f32 v3, v4;
	_ =	sdelay $0x1  }
0x556: {  	v4 =	vmul.f32 $1.442695020e+00, v3;
	_ =	sdelay $0x1  }
0x557: {  	s20 =	simm.s32 $0x20;
	(erf) = vpow2.f32 v4  }
0x558: {  	v4 =	vld [tilespmem:s20+$0x16DA0];
	_ =	sdelay $0x1  }
0x559: {  	v5 =	vld [tilespmem:$0x17D40];
	_ =	sdelay $0x2  }
0x55a: {  	v6 =	vunpack.i.l.bf16.f32 v4;
	_ =	sdelay $0x1  }
0x55b: {  	v5 =	vadd.f32 v5, v6  }
0x55c: {  	v6 =	vpop (erf)  }
0x55d: {  	v7 =	vmul.f32 $1.442695020e+00, v5;
	v6 =	vadd.f32 $-1.000000000e+00, v6;
	_ =	sdelay $0x1  }
0x55e: {  	s3 =	simm.s32 $0x40;
	(erf) = vpow2.f32 v7;
	v6 =	vmul.f32 $1.673263190e+00, v6  }
0x55f: {  	vm11 =	vgt.f32 v3, $0.0e+00;
	v7 =	vld [tilespmem:s3+$0x16DA0]  }
0x560: {  	v8 =	vld [tilespmem:$0x17D40];
	v3 =	vsel vm11, v3, v6  }
0x561: {  	v3 =	vmul.f32 $1.050701020e+00, v3  }
0x562: {  	s5 =	simm.s32 $0x14E80  }
0x563: {  	[tilespmem:s5+$0xFFFFFFE0] =	vst v3  }
0x564: {  	v3 =	vunpack.i.l.bf16.f32 v7;
	v6 =	vld [tilespmem:$0x17D50]  }
0x565: {  	v3 =	vadd.f32 v8, v3;
	_ =	sdelay $0x1  }
0x566: {  	v8 =	vpop (erf);
	v9 =	vmul.f32 $1.442695020e+00, v3  }
0x567: {  	v2 =	vunpack.i.u.bf16.f32 v2;
	v8 =	vadd.f32 $-1.000000000e+00, v8  }
0x568: {  	s9 =	simm.s32 $0x60;
	(erf) = vpow2.f32 v9;
	v2 =	vadd.f32 v6, v2  }
0x569: {  	v6 =	vmul.f32 $1.673263190e+00, v8;
	v8 =	vld [tilespmem:s9+$0x16DA0]  }
0x56a: {  	v10 =	vld [tilespmem:$0x17D40];
	vm12 =	vgt.f32 v5, $0.0e+00;
	v9 =	vmul.f32 $1.442695020e+00, v2  }
0x56b: {  	v5 =	vsel vm12, v5, v6  }
0x56c: {  	v5 =	vmul.f32 $1.050701020e+00, v5;
	(erf) = vpow2.f32 v9  }
0x56d: {  	s6 =	simm.s32 $0x14EC0  }
0x56e: {  	[tilespmem:s6+$0xFFFFFFE0] =	vst v5;
	v5 =	vunpack.i.l.bf16.f32 v8  }
0x56f: {  	v6 =	vld [tilespmem:$0x17D50];
	v5 =	vadd.f32 v10, v5;
	_ =	sdelay $0x1  }
0x570: {  	v9 =	vpop (erf);
	v10 =	vmul.f32 $1.442695020e+00, v5  }
0x571: {  	v9 =	vadd.f32 $-1.000000000e+00, v9  }
0x572: {  	s1 =	simm.s32 $0x80;
	v4 =	vunpack.i.u.bf16.f32 v4;
	(erf) = vpow2.f32 v10  }
0x573: {  	v9 =	vmul.f32 $1.673263190e+00, v9;
	v4 =	vadd.f32 v6, v4;
	v6 =	vld [tilespmem:s1+$0x16DA0]  }
0x574: {  	v11 =	vld [tilespmem:$0x17D40];
	vm13 =	vgt.f32 v3, $0.0e+00;
	v10 =	vpop (erf)  }
0x575: {  	v3 =	vsel vm13, v3, v9;
	v9 =	vmul.f32 $1.442695020e+00, v4;
	v10 =	vadd.f32 $-1.000000000e+00, v10  }
0x576: {  	v3 =	vmul.f32 $1.050701020e+00, v3  }
0x577: {  	s7 =	simm.s32 $0x14F00;
	(erf) = vpow2.f32 v9;
	v9 =	vmul.f32 $1.673263190e+00, v10  }
0x578: {  	vm14 =	vgt.f32 v2, $0.0e+00;
	[tilespmem:s7+$0xFFFFFFE0] =	vst v3;
	v3 =	vunpack.i.l.bf16.f32 v6  }
0x579: {  	v3 =	vadd.f32 v11, v3;
	v2 =	vsel vm14, v2, v9;
	v9 =	vld [tilespmem:$0x17D50]  }
0x57a: {  	v2 =	vmul.f32 $1.050701020e+00, v2  }
0x57b: {  	v10 =	vpop (erf);
	v11 =	vmul.f32 $1.442695020e+00, v3  }
0x57c: {  	[tilespmem:s5+$0xFFFFFFF0] =	vst v2;
	v2 =	vunpack.i.u.bf16.f32 v7;
	v7 =	vadd.f32 $-1.000000000e+00, v10  }
0x57d: {  	(erf) = vpow2.f32 v11;
	v10 =	vld [tilespmem:s19+$0x16DB0]  }
0x57e: {  	s16 =	simm.s32 $0xA0;
	v11 =	vld [tilespmem:$0x17D60];
	v2 =	vadd.f32 v9, v2;
	v7 =	vmul.f32 $1.673263190e+00, v7  }
0x57f: {  	vm15 =	vgt.f32 v5, $0.0e+00;
	v9 =	vld [tilespmem:s16+$0x16DA0]  }
0x580: {  	v14 =	vld [tilespmem:$0x17D40];
	v12 =	vpop (erf);
	v13 =	vmul.f32 $1.442695020e+00, v2;
	v5 =	vsel vm15, v5, v7  }
0x581: {  	v7 =	vadd.f32 $-1.000000000e+00, v12;
	v5 =	vmul.f32 $1.050701020e+00, v5  }
0x582: {  	s8 =	simm.s32 $0x14F40;
	v12 =	vunpack.i.l.bf16.f32 v10;
	(erf) = vpow2.f32 v13  }
0x583: {  	v7 =	vmul.f32 $1.673263190e+00, v7;
	v11 =	vadd.f32 v11, v12;
	[tilespmem:s8+$0xFFFFFFE0] =	vst v5  }
0x584: {  	vm4 =	vgt.f32 v4, $0.0e+00;
	v5 =	vunpack.i.l.bf16.f32 v9;
	v12 =	vld [tilespmem:$0x17D50]  }
0x585: {  	v4 =	vsel vm4, v4, v7;
	v5 =	vadd.f32 v14, v5;
	v7 =	vmul.f32 $1.442695020e+00, v11  }
0x586: {  	v4 =	vmul.f32 $1.050701020e+00, v4;
	v13 =	vpop (erf)  }
0x587: {  	s15 =	simm.s32 $0xC0;
	v13 =	vadd.f32 $-1.000000000e+00, v13;
	(erf) = vpow2.f32 v7;
	v7 =	vmul.f32 $1.442695020e+00, v5  }
0x588: {  	v14 =	vld [tilespmem:s15+$0x16DA0];
	[tilespmem:s6+$0xFFFFFFF0] =	vst v4;
	v4 =	vunpack.i.u.bf16.f32 v8  }
0x589: {  	v15 =	vld [tilespmem:s20+$0x16DB0];
	(erf) = vpow2.f32 v7;
	v7 =	vmul.f32 $1.673263190e+00, v13;
	v4 =	vadd.f32 v12, v4  }
0x58a: {  	vm5 =	vgt.f32 v3, $0.0e+00;
	v8 =	vld [tilespmem:$0x17D60]  }
0x58b: {  	v12 =	vld [tilespmem:$0x17D40];
	v13 =	vpop (erf);
	v3 =	vsel vm5, v3, v7;
	v7 =	vmul.f32 $1.442695020e+00, v4  }
0x58c: {  	v13 =	vadd.f32 $-1.000000000e+00, v13  }
0x58d: {  	v3 =	vmul.f32 $1.050701020e+00, v3;
	(erf) = vpow2.f32 v7  }
0x58e: {  	s17 =	simm.s32 $0x14F80;
	v16 =	vunpack.i.l.bf16.f32 v15;
	v7 =	vmul.f32 $1.673263190e+00, v13  }
0x58f: {  	vm6 =	vgt.f32 v2, $0.0e+00;
	v13 =	vunpack.i.l.bf16.f32 v14;
	v16 =	vadd.f32 v8, v16;
	[tilespmem:s17+$0xFFFFFFE0] =	vst v3  }
0x590: {  	v12 =	vadd.f32 v12, v13;
	v13 =	vld [tilespmem:$0x17D50];
	v8 =	vpop (erf);
	v2 =	vsel vm6, v2, v7  }
0x591: {  	v3 =	vmul.f32 $1.442695020e+00, v16;
	v7 =	vadd.f32 $-1.000000000e+00, v8;
	v2 =	vmul.f32 $1.050701020e+00, v2  }
0x592: {  	v8 =	vmul.f32 $1.442695020e+00, v12;
	v17 =	vpop (erf)  }
0x593: {  	(erf) = vpow2.f32 v3;
	v7 =	vmul.f32 $1.673263190e+00, v7;
	[tilespmem:s7+$0xFFFFFFF0] =	vst v2;
	v2 =	vadd.f32 $-1.000000000e+00, v17  }
0x594: {  	v6 =	vunpack.i.u.bf16.f32 v6;
	vm7 =	vgt.f32 v11, $0.0e+00;
	(erf) = vpow2.f32 v8;
	v3 =	vld [tilespmem:s3+$0x16DB0]  }
0x595: {  	s19 =	simm.s32 $0xE0;
	v17 =	vadd.f32 v13, v6;
	v7 =	vsel vm7, v11, v7;
	v11 =	vld [tilespmem:$0x17D60];
	v2 =	vmul.f32 $1.673263190e+00, v2  }
0x596: {  	vm8 =	vgt.f32 v5, $0.0e+00;
	v8 =	vld [tilespmem:s19+$0x16DA0];
	v7 =	vmul.f32 $1.050701020e+00, v7;
	v13 =	vpop (erf)  }
0x597: {  	v6 =	vld [tilespmem:$0x17D40];
	v2 =	vsel vm8, v5, v2;
	v5 =	vmul.f32 $1.442695020e+00, v17;
	v13 =	vadd.f32 $-1.000000000e+00, v13  }
0x598: {  	[tilespmem:s5+$0x0] =	vst v7;
	v2 =	vmul.f32 $1.050701020e+00, v2  }
0x599: {  	v7 =	vunpack.i.l.bf16.f32 v3;
	v18 =	vld [tilespmem:$0x17D70];
	(erf) = vpow2.f32 v5;
	v5 =	vmul.f32 $1.673263190e+00, v13  }
0x59a: {  	s18 =	simm.s32 $0x14FC0;
	vm9 =	vgt.f32 v4, $0.0e+00;
	v19 =	vadd.f32 v11, v7  }
0x59b: {  	v7 =	vunpack.i.l.bf16.f32 v8;
	[tilespmem:s18+$0xFFFFFFE0] =	vst v2;
	v2 =	vsel vm9, v4, v5  }
0x59c: {  	v20 =	vadd.f32 v6, v7;
	v6 =	vpop (erf);
	v7 =	vld [tilespmem:$0x17D50];
	v4 =	vmul.f32 $1.442695020e+00, v19;
	v2 =	vmul.f32 $1.050701020e+00, v2  }
0x59d: {  	s20 =	simm.s32 $0x100;
	v5 =	vadd.f32 $-1.000000000e+00, v6;
	v6 =	vunpack.i.u.bf16.f32 v10  }
0x59e: {  	v10 =	vpop (erf);
	v11 =	vmul.f32 $1.442695020e+00, v20;
	(erf) = vpow2.f32 v4;
	v21 =	vadd.f32 v18, v6;
	v4 =	vld [tilespmem:s20+$0x16DA0];
	[tilespmem:s8+$0xFFFFFFF0] =	vst v2  }
0x59f: {  	vm10 =	vgt.f32 v16, $0.0e+00;
	v10 =	vadd.f32 $-1.000000000e+00, v10;
	v5 =	vmul.f32 $1.673263190e+00, v5;
	v6 =	vld [tilespmem:s9+$0x16DB0]  }
0x5a0: {  	v2 =	vunpack.i.u.bf16.f32 v9;
	(erf) = vpow2.f32 v11;
	v11 =	vld [tilespmem:$0x17D60];
	v9 =	vmul.f32 $1.442695020e+00, v21  }
0x5a1: {  	v10 =	vmul.f32 $1.673263190e+00, v10;
	v5 =	vsel vm10, v16, v5;
	v16 =	vld [tilespmem:$0x17D40];
	v13 =	vadd.f32 v7, v2  }
0x5a2: {  	v5 =	vmul.f32 $1.050701020e+00, v5;
	(erf) = vpow2.f32 v9  }
0x5a3: {  	vm11 =	vgt.f32 v12, $0.0e+00;
	v2 =	vpop (erf);
	v9 =	vmul.f32 $1.442695020e+00, v13  }
0x5a4: {  	v7 =	vsel vm11, v12, v10;
	v2 =	vadd.f32 $-1.000000000e+00, v2;
	[tilespmem:s6+$0x0] =	vst v5;
	v10 =	vunpack.i.l.bf16.f32 v6  }
0x5a5: {  	vm12 =	vgt.f32 v17, $0.0e+00;
	v5 =	vunpack.i.l.bf16.f32 v4;
	v12 =	vld [tilespmem:$0x17D70];
	v11 =	vadd.f32 v11, v10  }
0x5a6: {  	v7 =	vmul.f32 $1.050701020e+00, v7;
	v2 =	vmul.f32 $1.673263190e+00, v2;
	v10 =	vadd.f32 v16, v5  }
0x5a7: {  	s29 =	simm.s32 $0x15000;
	(erf) = vpow2.f32 v9;
	v5 =	vunpack.i.u.bf16.f32 v14;
	v9 =	vpop (erf);
	v14 =	vmul.f32 $1.442695020e+00, v11  }
0x5a8: {  	[tilespmem:s29+$0xFFFFFFE0] =	vst v7;
	v2 =	vsel vm12, v17, v2;
	v16 =	vmul.f32 $1.442695020e+00, v10;
	v9 =	vadd.f32 $-1.000000000e+00, v9  }
0x5a9: {  	v17 =	vld [tilespmem:$0x17D50];
	v18 =	vmul.f32 $1.050701020e+00, v2;
	v2 =	vunpack.i.u.bf16.f32 v15;
	v15 =	vpop (erf);
	(erf) = vpow2.f32 v14  }
0x5aa: {  	s3 =	simm.s32 $0x120;
	v2 =	vadd.f32 v12, v2;
	v12 =	vadd.f32 $-1.000000000e+00, v15;
	v14 =	vmul.f32 $1.673263190e+00, v9  }
0x5ab: {  	vm13 =	vgt.f32 v19, $0.0e+00;
	v7 =	vld [tilespmem:s3+$0x16DA0];
	(erf) = vpow2.f32 v16;
	v15 =	vpop (erf)  }
0x5ac: {  	[tilespmem:s17+$0xFFFFFFF0] =	vst v18;
	v14 =	vsel vm13, v19, v14;
	v15 =	vadd.f32 $-1.000000000e+00, v15;
	v19 =	vmul.f32 $1.673263190e+00, v12  }
0x5ad: {  	v9 =	vld [tilespmem:s1+$0x16DB0];
	v16 =	vmul.f32 $1.442695020e+00, v2  }
0x5ae: {  	v12 =	vadd.f32 v17, v5;
	v5 =	vmul.f32 $1.673263190e+00, v15;
	v15 =	vld [tilespmem:$0x17D60]  }
0x5af: {  	vm14 =	vgt.f32 v20, $0.0e+00;
	v17 =	vld [tilespmem:$0x17D40];
	v14 =	vmul.f32 $1.050701020e+00, v14;
	(erf) = vpow2.f32 v16  }
0x5b0: {  	vm15 =	vgt.f32 v21, $0.0e+00;
	v18 =	vunpack.i.l.bf16.f32 v7;
	v16 =	vsel vm14, v20, v19;
	v19 =	vpop (erf)  }
0x5b1: {  	v20 =	vmul.f32 $1.442695020e+00, v12;
	[tilespmem:s7+$0x0] =	vst v14;
	v5 =	vsel vm15, v21, v5;
	v19 =	vadd.f32 $-1.000000000e+00, v19  }
0x5b2: {  	s31 =	simm.s32 $0x500;
	s9 =	simm.s32 $0x15000;
	v16 =	vmul.f32 $1.050701020e+00, v16;
	v21 =	vunpack.i.l.bf16.f32 v9;
	v14 =	vld [tilespmem:$0x17D70];
	v5 =	vmul.f32 $1.050701020e+00, v5  }
.LBB2_31:
0x5b3: {  	p0 =	sne.s32 s31, $0x3E00;
	(erf) = vpow2.f32 v20;
	v19 =	vmul.f32 $1.673263190e+00, v19;
	v15 =	vadd.f32 v15, v21  }
0x5b4: {  	s29 =	sadd.s32 $0x40, s29;
	vm0 =	vgt.f32 v13, $0.0e+00;
	v21 =	vadd.f32 v17, v18;
	v18 =	vunpack.i.u.bf16.f32 v8;
	v8 =	vpop (erf);
	[tilespmem:s5+$0x10] =	vst v5;
	s5 =	smov.u32 s6;
	s6 =	smov.u32 s7  }
0x5b5: {  	s7 =	smov.u32 s8;
	s8 =	smov.u32 s17;
	s17 =	smov.u32 s18;
	v5 =	vpop (erf);
	[tilespmem:s29+$0xFFFFFFE0] =	vst v16;
	v13 =	vsel vm0, v13, v19;
	v16 =	vmul.f32 $1.442695020e+00, v15;
	v17 =	vadd.f32 $-1.000000000e+00, v8  }
0x5b6: {  	s1 =	sshra.s32 s31, $0x2;
	v22 =	vunpack.i.u.bf16.f32 v3;
	s18 =	smov.u32 s9;
	s9 =	smov.u32 s29;
	v8 =	vmovc v4;
	v4 =	vmovc v7;
	v19 =	vmul.f32 $1.442695020e+00, v21;
	v20 =	vld [tilespmem:$0x17D50];
	v23 =	vmul.f32 $1.050701020e+00, v13  }
0x5b7: {  	v3 =	vmovc v6;
	v6 =	vmovc v9;
	v7 =	vld [tilespmem:s1+$0x16DA0];
	(erf) = vpow2.f32 v16;
	v16 =	vmul.f32 $1.673263190e+00, v17;
	v14 =	vadd.f32 v14, v22  }
0x5b8: {  	vm0 =	vgt.f32 v11, $0.0e+00;
	v5 =	vadd.f32 $-1.000000000e+00, v5;
	(erf) = vpow2.f32 v19;
	[tilespmem:s17+$0xFFFFFFF0] =	vst v23;
	v13 =	vpop (erf)  }
0x5b9: {  	v9 =	vld [tilespmem:s16+$0x16DB0];
	v16 =	vsel vm0, v11, v16;
	v19 =	vmul.f32 $1.442695020e+00, v14;
	v22 =	vadd.f32 $-1.000000000e+00, v13;
	v11 =	vmovc v15;
	v13 =	vmovc v12;
	s16 =	smov.u32 s15;
	s15 =	smov.u32 s19;
	s19 =	smov.u32 s20  }
.Ltmp16:
0x5ba: {  	v5 =	vmul.f32 $1.673263190e+00, v5;
	vm0 =	vgt.f32 v10, $0.0e+00;
	s20 =	smov.u32 s3;
	s3 =	smov.u32 s1;
	v15 =	vld [tilespmem:$0x17D60];
	v16 =	vmul.f32 $1.050701020e+00, v16;
	(pc) =	sbr.rel @p0 .LBB2_31-.Ltmp16, $4  }
0x5bb: {  	v17 =	vld [tilespmem:$0x17D40];
	v12 =	vadd.f32 v20, v18;
	(erf) = vpow2.f32 v19;
	v22 =	vmul.f32 $1.673263190e+00, v22  }
0x5bc: {  	v5 =	vsel vm0, v10, v5;
	vm0 =	vgt.f32 v2, $0.0e+00;
	v18 =	vunpack.i.l.bf16.f32 v7;
	v10 =	vpop (erf)  }
0x5bd: {  	v20 =	vmul.f32 $1.442695020e+00, v12;
	v19 =	vadd.f32 $-1.000000000e+00, v10;
	[tilespmem:s7+$0x0] =	vst v16;
	v22 =	vsel vm0, v2, v22;
	v10 =	vmovc v21;
	v2 =	vmovc v14  }
0x5be: {  	s31 =	sadd.s32 $0x80, s31;
	v16 =	vmul.f32 $1.050701020e+00, v5;
	v21 =	vunpack.i.l.bf16.f32 v9;
	v14 =	vld [tilespmem:$0x17D70];
	v5 =	vmul.f32 $1.050701020e+00, v22  }
0x5bf: {  	v15 =	vadd.f32 v15, v21  }
0x5c0: {  	v17 =	vadd.f32 v17, v18  }
0x5c1: {  	(erf) = vpow2.f32 v20;
	v51 =	vmul.f32 $1.442695020e+00, v15  }
0x5c2: {  	v52 =	vmul.f32 $1.442695020e+00, v17  }
0x5c3: {  	(erf) = vpow2.f32 v51  }
0x5c4: {  	(erf) = vpow2.f32 v52;
	_ =	sdelay $0x2  }
0x5c5: {  	v53 =	vpop (erf)  }
0x5c6: {  	v19 =	vmul.f32 $1.673263190e+00, v19;
	v54 =	vpop (erf)  }
0x5c7: {  	v55 =	vunpack.i.u.bf16.f32 v8;
	vm0 =	vgt.f32 v13, $0.0e+00;
	v18 =	vadd.f32 $-1.000000000e+00, v53;
	v8 =	vpop (erf)  }
0x5c8: {  	vm6 =	vgt.f32 v11, $0.0e+00;
	vm7 =	vgt.f32 v10, $0.0e+00;
	v56 =	vadd.f32 $-1.000000000e+00, v54;
	v57 =	vpop (erf)  }
0x5c9: {  	v13 =	vsel vm0, v13, v19;
	v18 =	vmul.f32 $1.673263190e+00, v18;
	v20 =	vadd.f32 $-1.000000000e+00, v57  }
0x5ca: {  	s29 =	sadd.s32 $0x40, s29;
	vm8 =	vgt.f32 v12, $0.0e+00;
	v13 =	vmul.f32 $1.050701020e+00, v13;
	v58 =	vmul.f32 $1.673263190e+00, v56;
	v59 =	vpop (erf)  }
0x5cb: {  	[tilespmem:s29+$0xFFFFFFE0] =	vst v16;
	v11 =	vsel vm6, v11, v18;
	v61 =	vmul.f32 $1.673263190e+00, v20;
	v62 =	vpop (erf);
	v18 =	vadd.f32 $-1.000000000e+00, v59  }
0x5cc: {  	v60 =	vld [tilespmem:$0x17D50];
	[tilespmem:s18+$0xFFFFFFF0] =	vst v13;
	v11 =	vmul.f32 $1.050701020e+00, v11;
	v10 =	vsel vm7, v10, v58;
	v63 =	vadd.f32 $-1.000000000e+00, v62  }
0x5cd: {  	v22 =	vld [tilespmem:s16+$0x16DB0];
	v10 =	vmul.f32 $1.050701020e+00, v10;
	v12 =	vsel vm8, v12, v61;
	v25 =	vmul.f32 $1.673263190e+00, v18  }
0x5ce: {  	s31 =	sadd.s32 $0x40, s29;
	vm9 =	vgt.f32 v15, $0.0e+00;
	v24 =	vld [tilespmem:$0x17D60];
	[tilespmem:s8+$0x0] =	vst v11;
	v26 =	vmul.f32 $1.050701020e+00, v12;
	v27 =	vmul.f32 $1.673263190e+00, v63  }
0x5cf: {  	vm10 =	vgt.f32 v17, $0.0e+00;
	v28 =	vld [tilespmem:$0x17D70];
	[tilespmem:s31+$0xFFFFFFE0] =	vst v10;
	v29 =	vsel vm9, v15, v25  }
0x5d0: {  	v3 =	vunpack.i.u.bf16.f32 v3;
	v30 =	vld [tilespmem:$0x17D50];
	[tilespmem:s9+$0xFFFFFFF0] =	vst v26;
	v10 =	vmul.f32 $1.050701020e+00, v29;
	v31 =	vsel vm10, v17, v27  }
0x5d1: {  	v3 =	vadd.f32 v14, v3;
	v34 =	vld [tilespmem:s15+$0x16DB0];
	v11 =	vmul.f32 $1.050701020e+00, v31  }
0x5d2: {  	v6 =	vunpack.i.u.bf16.f32 v6;
	v41 =	vunpack.i.u.bf16.f32 v4;
	s1 =	sadd.s32 $0x40, s31;
	v36 =	vld [tilespmem:$0x17D60];
	[tilespmem:s17+$0x0] =	vst v10  }
0x5d3: {  	v35 =	vmul.f32 $1.442695020e+00, v3;
	v32 =	vadd.f32 v60, v55;
	v33 =	vunpack.i.l.bf16.f32 v22;
	v38 =	vld [tilespmem:$0x17D70];
	[tilespmem:s1+$0xFFFFFFE0] =	vst v11  }
0x5d4: {  	v45 =	vunpack.i.u.bf16.f32 v9;
	v7 =	vunpack.i.u.bf16.f32 v7;
	v14 =	vadd.f32 v24, v33;
	v40 =	vld [tilespmem:$0x17D50]  }
0x5d5: {  	(erf) = vpow2.f32 v35;
	v37 =	vmul.f32 $1.442695020e+00, v32;
	v4 =	vadd.f32 v28, v6  }
0x5d6: {  	v39 =	vmul.f32 $1.442695020e+00, v14;
	v10 =	vadd.f32 v30, v41;
	v42 =	vunpack.i.l.bf16.f32 v34  }
0x5d7: {  	(erf) = vpow2.f32 v37;
	v43 =	vmul.f32 $1.442695020e+00, v4;
	v44 =	vadd.f32 v36, v42  }
0x5d8: {  	(erf) = vpow2.f32 v39;
	v46 =	vmul.f32 $1.442695020e+00, v10;
	v6 =	vadd.f32 v38, v45  }
0x5d9: {  	(erf) = vpow2.f32 v43;
	v47 =	vmul.f32 $1.442695020e+00, v44;
	v7 =	vadd.f32 v40, v7  }
0x5da: {  	(erf) = vpow2.f32 v46;
	v48 =	vmul.f32 $1.442695020e+00, v6  }
0x5db: {  	(erf) = vpow2.f32 v47;
	v49 =	vmul.f32 $1.442695020e+00, v7  }
0x5dc: {  	(erf) = vpow2.f32 v48  }
0x5dd: {  	(erf) = vpow2.f32 v49;
	_ =	sdelay $0x1  }
0x5de: {  	v50 =	vpop (erf)  }
0x5df: {  	v51 =	vpop (erf)  }
0x5e0: {  	v11 =	vadd.f32 $-1.000000000e+00, v51;
	v52 =	vpop (erf)  }
0x5e1: {  	v53 =	vpop (erf)  }
0x5e2: {  	v11 =	vmul.f32 $1.673263190e+00, v11;
	v16 =	vadd.f32 $-1.000000000e+00, v52;
	v54 =	vpop (erf)  }
0x5e3: {  	vm11 =	vgt.f32 v32, $0.0e+00;
	v55 =	vadd.f32 $-1.000000000e+00, v54;
	v56 =	vpop (erf)  }
0x5e4: {  	vm12 =	vgt.f32 v14, $0.0e+00;
	v11 =	vsel vm11, v32, v11;
	v16 =	vmul.f32 $1.673263190e+00, v16;
	v57 =	vpop (erf)  }
0x5e5: {  	v11 =	vmul.f32 $1.050701020e+00, v11;
	v12 =	vmul.f32 $1.673263190e+00, v55;
	v18 =	vadd.f32 $-1.000000000e+00, v56;
	v58 =	vpop (erf)  }
0x5e6: {  	vm13 =	vgt.f32 v10, $0.0e+00;
	v14 =	vsel vm12, v14, v16;
	v59 =	vadd.f32 $-1.000000000e+00, v58  }
0x5e7: {  	[tilespmem:s29+$0xFFFFFFF0] =	vst v11;
	v60 =	vmul.f32 $1.050701020e+00, v14;
	v10 =	vsel vm13, v10, v12;
	v61 =	vmul.f32 $1.673263190e+00, v18  }
0x5e8: {  	vm14 =	vgt.f32 v44, $0.0e+00;
	v62 =	vld [tilespmem:s19+$0x16DB0];
	v10 =	vmul.f32 $1.050701020e+00, v10;
	v16 =	vmul.f32 $1.673263190e+00, v59  }
0x5e9: {  	v63 =	vld [tilespmem:$0x17D60];
	vm15 =	vgt.f32 v7, $0.0e+00;
	[tilespmem:s18+$0x0] =	vst v60;
	v24 =	vsel vm14, v44, v61  }
0x5ea: {  	v25 =	vld [tilespmem:$0x17D70];
	[tilespmem:s31+$0xFFFFFFF0] =	vst v10;
	v26 =	vmul.f32 $1.050701020e+00, v24;
	v7 =	vsel vm15, v7, v16  }
0x5eb: {  	v27 =	vld [tilespmem:s20+$0x16DB0];
	v7 =	vmul.f32 $1.050701020e+00, v7  }
0x5ec: {  	v28 =	vld [tilespmem:$0x17D60];
	[tilespmem:s9+$0x0] =	vst v26  }
0x5ed: {  	v10 =	vld [tilespmem:$0x17D70];
	[tilespmem:s1+$0xFFFFFFF0] =	vst v7  }
0x5ee: {  	v7 =	vld [tilespmem:s3+$0x16DB0]  }
0x5ef: {  	v29 =	vunpack.i.l.bf16.f32 v62;
	v30 =	vld [tilespmem:$0x17D60]  }
0x5f0: {  	v31 =	vunpack.i.u.bf16.f32 v22;
	v16 =	vadd.f32 v63, v29  }
0x5f1: {  	v12 =	vadd.f32 v25, v31;
	v32 =	vunpack.i.l.bf16.f32 v27  }
0x5f2: {  	v15 =	vunpack.i.u.bf16.f32 v34;
	v33 =	vmul.f32 $1.442695020e+00, v16;
	v13 =	vadd.f32 v28, v32  }
0x5f3: {  	v34 =	vmul.f32 $1.442695020e+00, v12;
	v10 =	vadd.f32 v10, v15;
	v35 =	vunpack.i.l.bf16.f32 v7  }
0x5f4: {  	(erf) = vpow2.f32 v33;
	v36 =	vmul.f32 $1.442695020e+00, v13;
	v15 =	vadd.f32 v30, v35  }
0x5f5: {  	(erf) = vpow2.f32 v34;
	v37 =	vmul.f32 $1.442695020e+00, v10  }
0x5f6: {  	(erf) = vpow2.f32 v36;
	v20 =	vmul.f32 $1.442695020e+00, v15  }
0x5f7: {  	(erf) = vpow2.f32 v37  }
0x5f8: {  	(erf) = vpow2.f32 v20;
	_ =	sdelay $0x4  }
0x5f9: {  	v38 =	vpop (erf)  }
0x5fa: {  	v39 =	vpop (erf)  }
0x5fb: {  	v21 =	vpop (erf)  }
0x5fc: {  	v18 =	vadd.f32 $-1.000000000e+00, v38;
	v40 =	vpop (erf)  }
0x5fd: {  	v21 =	vadd.f32 $-1.000000000e+00, v21;
	v23 =	vpop (erf)  }
0x5fe: {  	v18 =	vmul.f32 $1.673263190e+00, v18;
	v23 =	vadd.f32 $-1.000000000e+00, v23  }
0x5ff: {  	vm4 =	vgt.f32 v16, $0.0e+00;
	v21 =	vmul.f32 $1.673263190e+00, v21  }
0x600: {  	vm5 =	vgt.f32 v13, $0.0e+00;
	v16 =	vsel vm4, v16, v18;
	v41 =	vmul.f32 $1.673263190e+00, v23  }
0x601: {  	vm6 =	vgt.f32 v15, $0.0e+00;
	v16 =	vmul.f32 $1.050701020e+00, v16;
	v13 =	vsel vm5, v13, v21  }
0x602: {  	v13 =	vmul.f32 $1.050701020e+00, v13;
	v15 =	vsel vm6, v15, v41  }
0x603: {  	[tilespmem:s29+$0x0] =	vst v16;
	v15 =	vmul.f32 $1.050701020e+00, v15  }
0x604: {  	v16 =	vld [tilespmem:$0x17D70];
	[tilespmem:s31+$0x0] =	vst v13  }
0x605: {  	v13 =	vld [tilespmem:$0x17D70];
	[tilespmem:s1+$0x0] =	vst v15  }
0x606: {  	v15 =	vld [tilespmem:$0x17D70];
	_ =	sdelay $0x1  }
0x607: {  	v14 =	vunpack.i.u.bf16.f32 v62  }
0x608: {  	v11 =	vunpack.i.u.bf16.f32 v27;
	v14 =	vadd.f32 v16, v14  }
0x609: {  	v7 =	vunpack.i.u.bf16.f32 v7;
	v11 =	vadd.f32 v13, v11  }
0x60a: {  	v42 =	vmul.f32 $1.442695020e+00, v14;
	v7 =	vadd.f32 v15, v7  }
0x60b: {  	v8 =	vadd.f32 $-1.000000000e+00, v8;
	v43 =	vmul.f32 $1.442695020e+00, v11  }
0x60c: {  	(erf) = vpow2.f32 v42;
	v44 =	vmul.f32 $1.442695020e+00, v7  }
0x60d: {  	v8 =	vmul.f32 $1.673263190e+00, v8;
	(erf) = vpow2.f32 v43  }
0x60e: {  	vm7 =	vgt.f32 v2, $0.0e+00;
	v9 =	vadd.f32 $-1.000000000e+00, v50;
	(erf) = vpow2.f32 v44  }
0x60f: {  	v2 =	vsel vm7, v2, v8;
	v45 =	vadd.f32 $-1.000000000e+00, v53  }
0x610: {  	v2 =	vmul.f32 $1.050701020e+00, v2;
	v9 =	vmul.f32 $1.673263190e+00, v9;
	v46 =	vadd.f32 $-1.000000000e+00, v57  }
0x611: {  	vm8 =	vgt.f32 v3, $0.0e+00;
	vm9 =	vgt.f32 v4, $0.0e+00;
	v47 =	vmul.f32 $1.673263190e+00, v45  }
0x612: {  	v3 =	vsel vm8, v3, v9;
	v8 =	vmul.f32 $1.673263190e+00, v46;
	v48 =	vadd.f32 $-1.000000000e+00, v39  }
0x613: {  	v3 =	vmul.f32 $1.050701020e+00, v3;
	vm10 =	vgt.f32 v6, $0.0e+00;
	v4 =	vsel vm9, v4, v47  }
0x614: {  	v6 =	vsel vm10, v6, v8;
	v49 =	vmul.f32 $1.673263190e+00, v48;
	v50 =	vadd.f32 $-1.000000000e+00, v40  }
0x615: {  	v4 =	vmul.f32 $1.050701020e+00, v4;
	vm11 =	vgt.f32 v12, $0.0e+00;
	v6 =	vmul.f32 $1.050701020e+00, v6;
	v51 =	vpop (erf)  }
0x616: {  	[tilespmem:s5+$0x10] =	vst v5;
	v52 =	vsel vm11, v12, v49;
	v53 =	vmul.f32 $1.673263190e+00, v50;
	v54 =	vadd.f32 $-1.000000000e+00, v51;
	v55 =	vpop (erf)  }
0x617: {  	[tilespmem:s6+$0x10] =	vst v2;
	vm12 =	vgt.f32 v10, $0.0e+00;
	v2 =	vmul.f32 $1.050701020e+00, v52;
	v56 =	vadd.f32 $-1.000000000e+00, v55;
	v57 =	vpop (erf)  }
0x618: {  	[tilespmem:s7+$0x10] =	vst v3;
	v3 =	vsel vm12, v10, v53;
	v58 =	vmul.f32 $1.673263190e+00, v54;
	v59 =	vadd.f32 $-1.000000000e+00, v57  }
0x619: {  	[tilespmem:s8+$0x10] =	vst v4;
	v3 =	vmul.f32 $1.050701020e+00, v3;
	vm13 =	vgt.f32 v14, $0.0e+00;
	v60 =	vmul.f32 $1.673263190e+00, v56  }
0x61a: {  	[tilespmem:s17+$0x10] =	vst v6;
	vm14 =	vgt.f32 v11, $0.0e+00;
	v61 =	vsel vm13, v14, v58;
	v62 =	vmul.f32 $1.673263190e+00, v59  }
0x61b: {  	[tilespmem:s18+$0x10] =	vst v2;
	vm15 =	vgt.f32 v7, $0.0e+00;
	v2 =	vmul.f32 $1.050701020e+00, v61;
	v4 =	vsel vm14, v11, v60  }
0x61c: {  	[tilespmem:s9+$0x10] =	vst v3;
	v3 =	vmul.f32 $1.050701020e+00, v4;
	v63 =	vsel vm15, v7, v62  }
0x61d: {  	[tilespmem:s29+$0x10] =	vst v2;
	v2 =	vmul.f32 $1.050701020e+00, v63  }
0x61e: {  	[tilespmem:s31+$0x10] =	vst v3  }
0x61f: {  	s19 =	simm.s32 $0x80;
	[tilespmem:s1+$0x10] =	vst v2  }
0x620: {  	s20 =	simm.s32 $0x14E60;
	s18 =	simm.s32 $0x40;
	s1 =	rddreg [dreg:$0x14]  }
0x621: {  	[hbm4b:s1+s18] =	stream.strided.scatter [tilespmem:s20], [sflag:$0xB], $0x1F40, s19, s18, $0x38;
	[tilespmem:$0x1CBA0] =	vst v63  }
0x622: {  	_ =	swait.ge [sflag:s21], $0x1F40  }
0x623: {  	s29 =	rddreg [dreg:$0x6]  }
0x624: {  	s31 =	rddreg [dreg:$0x15];
	s16 =	sadd.s32 $0x1, s29  }
0x625: {  	p0 =	sne.s32 s16, s31  }
.Ltmp17:
0x626: {  	_ = 	snop;
	(pc) =	sbr.rel @p0 .LBB2_1-.Ltmp17, $3  }
0x627: {  	_ =	sdelay $0x1  }
0x628: {  	[sflag:s21] =	ssyncset.done $0x0  }
0x629: {  	[sflag:s21] =	ssyncadd.s32 $0xFFFFE0C0  }
0x62a: {  	_ =	sfence.sel $0x180000  }
0x62b: {  	[bflag:$0x0] =	sbarrier.arrive $0xFFFF  }
0x62c: {  	_ =	strace $0x90000047  }
0x62d: {  	s0 =	stileid.u32;
	[bflag:$0x2] =	sbarrier.arrive $0xFFFF  }
0x62e: {  	p0 =	sne.s32 s0, $0x0;
	s0 =	rddreg [dreg:$0x5]  }
0x62f: {  	s0 =	sadd.s32 @!p0 $0x100000, s0  }
0x630: {  	[sflag:s0] =	ssyncadd.tile.s32 @!p0 $0x1;
	_ =	shalt  }
.Lfunc_end2:
_tile_overlayer_lowered:
.L_overlay_start_2:
0x631: {  	(tag) =	ssettag $0x2  }
0x632: {  	s0 =	rddreg [dreg:$0x0];
	s2 =	stileid.u32  }
0x633: {  	s1 =	rddreg [dreg:$0x1];
	p0 =	sne.s32 s2, $0x0  }
0x634: {  	s3 =	rddreg [dreg:$0x2];
	[bflag:$0x3] =	sbarrier.arrive $0xFFFF;
	s2 =	simm.s32 @!p0 $0x1C0B  }
0x635: {  	[timem:s3], [sflag:s2] =	dma.local @!p0 [hbm:s0], s1  }
0x636: {  	s0 =	simm.s32 @!p0 $0xB  }
0x637: {  	_ =	swait.ge @!p0 [sflag:s0], s1  }
0x638: {  	s1 =	ssub.s32 @!p0 $0x0, s1;
	[sflag:s0] =	ssyncset.done @!p0 $0x0  }
0x639: {  	[sflag:s0] =	ssyncadd.s32 @!p0 s1  }
0x63a: {  	[bflag:$0x3] =	sbarrier.arrive $0xFFFF  }
0x63b: {  	_ =	shalt  }

</sc_bundles>
